<compile_context>
chip_gen: v7x
topology: tpu7x:2x2x1
jax: 0.10.2.dev20260603
libtpu: 0.0.44.dev20260713+nightly
codegen_flags: <defaults>
</compile_context>

<pallas_src>
import functools

import jax
import jax.numpy as jnp
from jax import lax
from jax.experimental import pallas as pl
from jax.experimental.pallas import tpu as pltpu
from jax.experimental.pallas import tpu_sc as plsc

DIM = 2048
NUM_EXPERTS = 64
NUM_GROUPS = 8
GROUP_SIZE = 8
NUM_LIMITED_GROUPS = 4
TOP_K = 8
ROUTE_SCALE = 2.5
NEG_INF = float("-inf")

T = 16384
NW = 32
TPW = T // NW
L = 16
CH = 128
NCH = TPW // CH
CSTEPS = CH // L


def _gate_body(x_ref, w_ref, b_ref, sb_ref):
    logits = jax.lax.dot_general(
        w_ref[...], x_ref[...], (((1,), (1,)), ((), ())),
        preferred_element_type=jnp.float32)
    biased = jax.nn.sigmoid(logits) + b_ref[...]
    for k in range(sb_ref.shape[0]):
        sb_ref[k, :, :] = biased[:, k * TPW:(k + 1) * TPW]


def _gate_scores(x, gate_w, expert_bias):
    wpb = 2
    return pl.pallas_call(
        _gate_body,
        grid=(NW // wpb,),
        in_specs=[
            pl.BlockSpec((wpb * TPW, DIM), lambda i: (i, 0)),
            pl.BlockSpec((NUM_EXPERTS, DIM), lambda i: (0, 0)),
            pl.BlockSpec((NUM_EXPERTS, 1), lambda i: (0, 0)),
        ],
        out_specs=pl.BlockSpec((wpb, NUM_EXPERTS, TPW), lambda i: (i, 0, 0)),
        out_shape=jax.ShapeDtypeStruct((NW, NUM_EXPERTS, TPW), jnp.float32),
    )(x, gate_w, expert_bias.reshape(NUM_EXPERTS, 1))


def _tourney(pairs):
    while len(pairs) > 1:
        nxt = []
        for i in range(0, len(pairs) - 1, 2):
            (vl, il), (vr, ir) = pairs[i], pairs[i + 1]
            cond = vl >= vr
            nxt.append((jnp.where(cond, vl, vr), jnp.where(cond, il, ir)))
        if len(pairs) % 2:
            nxt.append(pairs[-1])
        pairs = nxt
    return pairs[0]


def _sc_router_body(biased_hbm, bias_hbm, outv_hbm, outi_hbm, hist_hbm,
                    bblk, bias_v, outv, outi, cnts, cloc):
    wid = lax.axis_index("s") * 2 + lax.axis_index("c")

    lanes = lax.iota(jnp.int32, L)
    zeros = jnp.zeros((L,), jnp.float32)
    ones = jnp.ones((L,), jnp.float32)
    izeros = jnp.zeros((L,), jnp.int32)
    ninf = jnp.full((L,), NEG_INF, jnp.float32)
    sixteen = jnp.full((L,), L, jnp.int32)
    lanes64 = lanes * jnp.full((L,), NUM_EXPERTS, jnp.int32)
    for c in range(L * NUM_EXPERTS // L):
        cnts[pl.ds(c * L, L)] = zeros

    pltpu.sync_copy(bias_hbm, bias_v)

    def step(i, cols):
        sl = pl.ds(i * L, L)

        gsum = []
        for g in range(NUM_GROUPS):
            a = b = None
            for j in range(GROUP_SIZE):
                v = bblk[g * GROUP_SIZE + j, sl]
                if a is None:
                    a, b = v, ninf
                else:
                    b = jnp.maximum(b, jnp.minimum(a, v))
                    a = jnp.maximum(a, v)
            gsum.append(a + b)

        keep = []
        for g in range(NUM_GROUPS):
            rank = None
            for h in range(NUM_GROUPS):
                if h == g:
                    continue
                beats = (gsum[h] >= gsum[g]) if h < g else (gsum[h] > gsum[g])
                r = beats.astype(jnp.int32)
                rank = r if rank is None else rank + r
            keep.append(rank < NUM_LIMITED_GROUPS)

        keepi = [jnp.where(k, jnp.full((L,), 1, jnp.int32), izeros)
                 for k in keep]
        pos = [izeros]
        for g in range(1, NUM_GROUPS):
            pos.append(pos[g - 1] + keepi[g - 1])
        gbase = []
        for s in range(NUM_LIMITED_GROUPS):
            s_const = jnp.full((L,), s, jnp.int32)
            acc = izeros
            for g in range(NUM_GROUPS):
                hit = keep[g] & (pos[g] == s_const)
                acc = acc + jnp.where(hit,
                                      jnp.full((L,), g * GROUP_SIZE, jnp.int32),
                                      izeros)
            gbase.append(acc)

        cand = []
        for s in range(NUM_LIMITED_GROUPS):
            for j in range(GROUP_SIZE):
                cidx = gbase[s] + jnp.full((L,), j, jnp.int32)
                cval = plsc.load_gather(bblk, [cidx, cols])
                cand.append((cval, cidx))

        svals, sidxs = [], []
        for _r in range(TOP_K):
            win_v, win_i = _tourney(list(cand))
            sval = win_v - plsc.load_gather(bias_v, [win_i])
            plsc.addupdate_scatter(cnts, [lanes64 + win_i], ones)
            svals.append(sval)
            sidxs.append(win_i)
            cand = [(jnp.where(ci == win_i, ninf, cv), ci)
                    for (cv, ci) in cand]

        ssum = svals[0]
        for r in range(1, TOP_K):
            ssum = ssum + svals[r]
        scale = ROUTE_SCALE / (ssum + 1e-20)
        for r in range(TOP_K):
            rcol = jnp.full((L,), r, jnp.int32)
            plsc.store_scatter(outv, [cols, rcol], svals[r] * scale)
            plsc.store_scatter(outi, [cols, rcol], sidxs[r])
        return cols + sixteen

    base = wid * TPW

    def chunk(c, carry):
        pltpu.sync_copy(biased_hbm.at[wid, :, pl.ds(c * CH, CH)], bblk)
        lax.fori_loop(0, CSTEPS, step, lanes)
        pltpu.sync_copy(outv, outv_hbm.at[pl.ds(base + c * CH, CH)])
        pltpu.sync_copy(outi, outi_hbm.at[pl.ds(base + c * CH, CH)])
        return carry

    lax.fori_loop(0, NCH, chunk, 0)

    for c in range(NUM_EXPERTS // L):
        acc = cnts[pl.ds(c * L, L)]
        for l in range(1, L):
            acc = acc + cnts[pl.ds(l * NUM_EXPERTS + c * L, L)]
        cloc[pl.ds(c * L, L)] = acc

    pltpu.sync_copy(cloc, hist_hbm.at[wid])


@functools.partial(
    pl.kernel,
    mesh=plsc.VectorSubcoreMesh(core_axis_name="c", subcore_axis_name="s"),
    compiler_params=pltpu.CompilerParams(needs_layout_passes=False),
    out_type=[
        jax.ShapeDtypeStruct((T, TOP_K), jnp.float32),
        jax.ShapeDtypeStruct((T, TOP_K), jnp.int32),
        jax.ShapeDtypeStruct((NW, NUM_EXPERTS), jnp.float32),
    ],
    scratch_types=[
        pltpu.VMEM((NUM_EXPERTS, CH), jnp.float32),
        pltpu.VMEM((NUM_EXPERTS,), jnp.float32),
        pltpu.VMEM((CH, TOP_K), jnp.float32),
        pltpu.VMEM((CH, TOP_K), jnp.int32),
        pltpu.VMEM((L * NUM_EXPERTS,), jnp.float32),
        pltpu.VMEM((NUM_EXPERTS,), jnp.float32),
    ],
)
def _sc_router(biased_hbm, bias_hbm, outv_hbm, outi_hbm, hist_hbm,
               bblk, bias_v, outv, outi, cnts, cloc):
    _sc_router_body(biased_hbm, bias_hbm, outv_hbm, outi_hbm, hist_hbm,
                    bblk, bias_v, outv, outi, cnts, cloc)


def kernel(x, expert_bias, gate_w):
    biased3 = _gate_scores(x, gate_w, expert_bias)
    tv, ti, histp = _sc_router(biased3, expert_bias)
    return tv, ti, histp.sum(axis=0)

# --- scband reference (transcript-rebuilt; emitter-appended) ---
"""Pipeline reference for scband-token-choice-top-krouter-34127810134129 (READ-ONLY COPY).

The authoritative reference and input builder live on the scoring server;
editing this copy changes nothing except your own understanding.
"""

import jax, jax.numpy as jnp
import numpy as np

DIM = 2048
NUM_EXPERTS = 64
NUM_EXPERT_GROUPS = 8
NUM_LIMITED_GROUPS = 4
TOP_K = 8
ROUTE_SCALE = 2.5
T = 16384


def setup_inputs(seed: int = 0) -> dict:
    key = jax.random.key(seed)
    k_x, k_w, k_b = jax.random.split(key, 3)
    x = jax.random.normal(k_x, (T, DIM), dtype=jnp.float32)
    expert_bias = jax.random.normal(k_b, (NUM_EXPERTS,), dtype=jnp.float32)
    # gate: nn.Linear(dim, num_experts, bias=False) -> weight shape (num_experts, dim)
    bound = 1.0 / np.sqrt(DIM)
    gate_w = jax.random.uniform(k_w, (NUM_EXPERTS, DIM), minval=-bound, maxval=bound, dtype=jnp.float32)
    return {"x": x, "expert_bias": expert_bias, "gate_w": gate_w}


def reference(x, expert_bias, gate_w):
    # gate linear
    logits = x @ gate_w.T
    # score_func == 'sigmoid'
    scores = jax.nn.sigmoid(logits.astype(jnp.float32))
    scores_for_choice = scores + expert_bias
    # node-limited (group-limited) routing
    experts_per_group = NUM_EXPERTS // NUM_EXPERT_GROUPS
    t = scores_for_choice.shape[0]
    scores_grouped = scores_for_choice.reshape(t, NUM_EXPERT_GROUPS, experts_per_group)
    top2_scores_in_group, _ = jax.lax.top_k(scores_grouped, 2)
    group_scores = top2_scores_in_group.sum(axis=-1)
    _, group_idx = jax.lax.top_k(group_scores, NUM_LIMITED_GROUPS)
    group_mask = jnp.ones((t, NUM_EXPERT_GROUPS), dtype=bool)
    group_mask = group_mask.at[jnp.arange(t)[:, None], group_idx].set(False)
    scores_for_choice = jnp.where(group_mask[:, :, None], -jnp.inf, scores_grouped).reshape(t, NUM_EXPERTS)
    # top-k expert selection
    _, selected_experts_indices = jax.lax.top_k(scores_for_choice, TOP_K)
    top_scores = jnp.take_along_axis(scores, selected_experts_indices, axis=1)
    # route_norm
    denominator = top_scores.sum(axis=-1, keepdims=True) + 1e-20
    top_scores = top_scores / denominator
    top_scores = top_scores * ROUTE_SCALE
    # histogram of token counts per expert
    num_tokens_per_expert = jnp.bincount(selected_experts_indices.reshape(-1), length=NUM_EXPERTS).astype(jnp.float32)
    return (top_scores, selected_experts_indices, num_tokens_per_expert)

if __name__ == "__main__":
    import jax
    _d = setup_inputs()
    print(jax.jit(kernel)(*tuple(_d.values())))

</pallas_src>

<mosaic_0001>
#map = affine_map<(d0, d1) -> (0, 0, 0)>
#map1 = affine_map<(d0, d1) -> (0)>
#map2 = affine_map<(d0, d1) -> (0, 0)>
module attributes {stable_mosaic.version = 14 : i64} {
  func.func @_sc_router(%arg0: i32, %arg1: i32, %arg2: memref<32x64x512xf32, #tpu.memory_space<hbm>>, %arg3: memref<64xf32, #tpu.memory_space<hbm>>, %arg4: memref<16384x8xf32, #tpu.memory_space<hbm>>, %arg5: memref<16384x8xi32, #tpu.memory_space<hbm>>, %arg6: memref<32x64xf32, #tpu.memory_space<hbm>>, %arg7: memref<64x128xf32, #tpu.memory_space<vmem>>, %arg8: memref<64xf32, #tpu.memory_space<vmem>>, %arg9: memref<128x8xf32, #tpu.memory_space<vmem>>, %arg10: memref<128x8xi32, #tpu.memory_space<vmem>>, %arg11: memref<1024xf32, #tpu.memory_space<vmem>>, %arg12: memref<64xf32, #tpu.memory_space<vmem>>) attributes {dimension_semantics = [#tpu.dimension_semantics<core_parallel>, #tpu.dimension_semantics<subcore_parallel>], iteration_bounds = array<i64: 2, 16>, scalar_prefetch = 0 : i64, scratch_operands = 6 : i64, tpu.core_type = #tpu.core_type<sc_vector_subcore>, window_params = [{transform_indices = #map}, {transform_indices = #map1}, {transform_indices = #map2}, {transform_indices = #map2}, {transform_indices = #map2}]} {
    %mul3A = arith.constant 2 : i32
    %mul3A_0 = arith.muli %arg1, %mul3A : i32
    %add3A = arith.addi %mul3A_0, %arg0 : i32
    %iota3A = tpu.iota {dimensions = array<i32: 0>} : vector<16xi32>
    %broadcast_in_dim3A = arith.constant 0.000000e+00 : f32
    %broadcast_in_dim3A_1 = vector.broadcast %broadcast_in_dim3A : f32 to vector<16xf32>
    %broadcast_in_dim3A_2 = arith.constant 1.000000e+00 : f32
    %broadcast_in_dim3A_3 = vector.broadcast %broadcast_in_dim3A_2 : f32 to vector<16xf32>
    %broadcast_in_dim3A_4 = arith.constant 0 : i32
    %broadcast_in_dim3A_5 = vector.broadcast %broadcast_in_dim3A_4 : i32 to vector<16xi32>
    %broadcast_in_dim3A_6 = arith.constant 0xFF800000 : f32
    %broadcast_in_dim3A_7 = vector.broadcast %broadcast_in_dim3A_6 : f32 to vector<16xf32>
    %broadcast_in_dim3A_8 = arith.constant 16 : i32
    %broadcast_in_dim3A_9 = vector.broadcast %broadcast_in_dim3A_8 : i32 to vector<16xi32>
    %broadcast_in_dim3A_10 = arith.constant 64 : i32
    %broadcast_in_dim3A_11 = vector.broadcast %broadcast_in_dim3A_10 : i32 to vector<16xi32>
    %mul3A_12 = arith.muli %iota3A, %broadcast_in_dim3A_11 : vector<16xi32>
    %swap3A = arith.constant 0 : index
    %swap3A_13 = tpu.vector_load %arg11[%swap3A] {strides = array<i32>} : memref<1024xf32, #tpu.memory_space<vmem>>, vector<16xf32>,
    tpu.vector_store %arg11[%swap3A], %broadcast_in_dim3A_1 {strides = array<i32>} : memref<1024xf32, #tpu.memory_space<vmem>>, vector<16xf32>,
    %swap3A_14 = arith.constant 16 : index
    %swap3A_15 = tpu.vector_load %arg11[%swap3A_14] {strides = array<i32>} : memref<1024xf32, #tpu.memory_space<vmem>>, vector<16xf32>,
    tpu.vector_store %arg11[%swap3A_14], %broadcast_in_dim3A_1 {strides = array<i32>} : memref<1024xf32, #tpu.memory_space<vmem>>, vector<16xf32>,
    %swap3A_16 = arith.constant 32 : index
    %swap3A_17 = tpu.vector_load %arg11[%swap3A_16] {strides = array<i32>} : memref<1024xf32, #tpu.memory_space<vmem>>, vector<16xf32>,
    tpu.vector_store %arg11[%swap3A_16], %broadcast_in_dim3A_1 {strides = array<i32>} : memref<1024xf32, #tpu.memory_space<vmem>>, vector<16xf32>,
    %swap3A_18 = arith.constant 48 : index
    %swap3A_19 = tpu.vector_load %arg11[%swap3A_18] {strides = array<i32>} : memref<1024xf32, #tpu.memory_space<vmem>>, vector<16xf32>,
    tpu.vector_store %arg11[%swap3A_18], %broadcast_in_dim3A_1 {strides = array<i32>} : memref<1024xf32, #tpu.memory_space<vmem>>, vector<16xf32>,
    %swap3A_20 = arith.constant 64 : index
    %swap3A_21 = tpu.vector_load %arg11[%swap3A_20] {strides = array<i32>} : memref<1024xf32, #tpu.memory_space<vmem>>, vector<16xf32>,
    tpu.vector_store %arg11[%swap3A_20], %broadcast_in_dim3A_1 {strides = array<i32>} : memref<1024xf32, #tpu.memory_space<vmem>>, vector<16xf32>,
    %swap3A_22 = arith.constant 80 : index
    %swap3A_23 = tpu.vector_load %arg11[%swap3A_22] {strides = array<i32>} : memref<1024xf32, #tpu.memory_space<vmem>>, vector<16xf32>,
    tpu.vector_store %arg11[%swap3A_22], %broadcast_in_dim3A_1 {strides = array<i32>} : memref<1024xf32, #tpu.memory_space<vmem>>, vector<16xf32>,
    %swap3A_24 = arith.constant 96 : index
    %swap3A_25 = tpu.vector_load %arg11[%swap3A_24] {strides = array<i32>} : memref<1024xf32, #tpu.memory_space<vmem>>, vector<16xf32>,
    tpu.vector_store %arg11[%swap3A_24], %broadcast_in_dim3A_1 {strides = array<i32>} : memref<1024xf32, #tpu.memory_space<vmem>>, vector<16xf32>,
    %swap3A_26 = arith.constant 112 : index
    %swap3A_27 = tpu.vector_load %arg11[%swap3A_26] {strides = array<i32>} : memref<1024xf32, #tpu.memory_space<vmem>>, vector<16xf32>,
    tpu.vector_store %arg11[%swap3A_26], %broadcast_in_dim3A_1 {strides = array<i32>} : memref<1024xf32, #tpu.memory_space<vmem>>, vector<16xf32>,
    %swap3A_28 = arith.constant 128 : index
    %swap3A_29 = tpu.vector_load %arg11[%swap3A_28] {strides = array<i32>} : memref<1024xf32, #tpu.memory_space<vmem>>, vector<16xf32>,
    tpu.vector_store %arg11[%swap3A_28], %broadcast_in_dim3A_1 {strides = array<i32>} : memref<1024xf32, #tpu.memory_space<vmem>>, vector<16xf32>,
    %swap3A_30 = arith.constant 144 : index
    %swap3A_31 = tpu.vector_load %arg11[%swap3A_30] {strides = array<i32>} : memref<1024xf32, #tpu.memory_space<vmem>>, vector<16xf32>,
    tpu.vector_store %arg11[%swap3A_30], %broadcast_in_dim3A_1 {strides = array<i32>} : memref<1024xf32, #tpu.memory_space<vmem>>, vector<16xf32>,
    %swap3A_32 = arith.constant 160 : index
    %swap3A_33 = tpu.vector_load %arg11[%swap3A_32] {strides = array<i32>} : memref<1024xf32, #tpu.memory_space<vmem>>, vector<16xf32>,
    tpu.vector_store %arg11[%swap3A_32], %broadcast_in_dim3A_1 {strides = array<i32>} : memref<1024xf32, #tpu.memory_space<vmem>>, vector<16xf32>,
    %swap3A_34 = arith.constant 176 : index
    %swap3A_35 = tpu.vector_load %arg11[%swap3A_34] {strides = array<i32>} : memref<1024xf32, #tpu.memory_space<vmem>>, vector<16xf32>,
    tpu.vector_store %arg11[%swap3A_34], %broadcast_in_dim3A_1 {strides = array<i32>} : memref<1024xf32, #tpu.memory_space<vmem>>, vector<16xf32>,
    %swap3A_36 = arith.constant 192 : index
    %swap3A_37 = tpu.vector_load %arg11[%swap3A_36] {strides = array<i32>} : memref<1024xf32, #tpu.memory_space<vmem>>, vector<16xf32>,
    tpu.vector_store %arg11[%swap3A_36], %broadcast_in_dim3A_1 {strides = array<i32>} : memref<1024xf32, #tpu.memory_space<vmem>>, vector<16xf32>,
    %swap3A_38 = arith.constant 208 : index
    %swap3A_39 = tpu.vector_load %arg11[%swap3A_38] {strides = array<i32>} : memref<1024xf32, #tpu.memory_space<vmem>>, vector<16xf32>,
    tpu.vector_store %arg11[%swap3A_38], %broadcast_in_dim3A_1 {strides = array<i32>} : memref<1024xf32, #tpu.memory_space<vmem>>, vector<16xf32>,
    %swap3A_40 = arith.constant 224 : index
    %swap3A_41 = tpu.vector_load %arg11[%swap3A_40] {strides = array<i32>} : memref<1024xf32, #tpu.memory_space<vmem>>, vector<16xf32>,
    tpu.vector_store %arg11[%swap3A_40], %broadcast_in_dim3A_1 {strides = array<i32>} : memref<1024xf32, #tpu.memory_space<vmem>>, vector<16xf32>,
    %swap3A_42 = arith.constant 240 : index
    %swap3A_43 = tpu.vector_load %arg11[%swap3A_42] {strides = array<i32>} : memref<1024xf32, #tpu.memory_space<vmem>>, vector<16xf32>,
    tpu.vector_store %arg11[%swap3A_42], %broadcast_in_dim3A_1 {strides = array<i32>} : memref<1024xf32, #tpu.memory_space<vmem>>, vector<16xf32>,
    %swap3A_44 = arith.constant 256 : index
    %swap3A_45 = tpu.vector_load %arg11[%swap3A_44] {strides = array<i32>} : memref<1024xf32, #tpu.memory_space<vmem>>, vector<16xf32>,
    tpu.vector_store %arg11[%swap3A_44], %broadcast_in_dim3A_1 {strides = array<i32>} : memref<1024xf32, #tpu.memory_space<vmem>>, vector<16xf32>,
    %swap3A_46 = arith.constant 272 : index
    %swap3A_47 = tpu.vector_load %arg11[%swap3A_46] {strides = array<i32>} : memref<1024xf32, #tpu.memory_space<vmem>>, vector<16xf32>,
    tpu.vector_store %arg11[%swap3A_46], %broadcast_in_dim3A_1 {strides = array<i32>} : memref<1024xf32, #tpu.memory_space<vmem>>, vector<16xf32>,
    %swap3A_48 = arith.constant 288 : index
    %swap3A_49 = tpu.vector_load %arg11[%swap3A_48] {strides = array<i32>} : memref<1024xf32, #tpu.memory_space<vmem>>, vector<16xf32>,
    tpu.vector_store %arg11[%swap3A_48], %broadcast_in_dim3A_1 {strides = array<i32>} : memref<1024xf32, #tpu.memory_space<vmem>>, vector<16xf32>,
    %swap3A_50 = arith.constant 304 : index
    %swap3A_51 = tpu.vector_load %arg11[%swap3A_50] {strides = array<i32>} : memref<1024xf32, #tpu.memory_space<vmem>>, vector<16xf32>,
    tpu.vector_store %arg11[%swap3A_50], %broadcast_in_dim3A_1 {strides = array<i32>} : memref<1024xf32, #tpu.memory_space<vmem>>, vector<16xf32>,
    %swap3A_52 = arith.constant 320 : index
    %swap3A_53 = tpu.vector_load %arg11[%swap3A_52] {strides = array<i32>} : memref<1024xf32, #tpu.memory_space<vmem>>, vector<16xf32>,
    tpu.vector_store %arg11[%swap3A_52], %broadcast_in_dim3A_1 {strides = array<i32>} : memref<1024xf32, #tpu.memory_space<vmem>>, vector<16xf32>,
    %swap3A_54 = arith.constant 336 : index
    %swap3A_55 = tpu.vector_load %arg11[%swap3A_54] {strides = array<i32>} : memref<1024xf32, #tpu.memory_space<vmem>>, vector<16xf32>,
    tpu.vector_store %arg11[%swap3A_54], %broadcast_in_dim3A_1 {strides = array<i32>} : memref<1024xf32, #tpu.memory_space<vmem>>, vector<16xf32>,
    %swap3A_56 = arith.constant 352 : index
    %swap3A_57 = tpu.vector_load %arg11[%swap3A_56] {strides = array<i32>} : memref<1024xf32, #tpu.memory_space<vmem>>, vector<16xf32>,
    tpu.vector_store %arg11[%swap3A_56], %broadcast_in_dim3A_1 {strides = array<i32>} : memref<1024xf32, #tpu.memory_space<vmem>>, vector<16xf32>,
    %swap3A_58 = arith.constant 368 : index
    %swap3A_59 = tpu.vector_load %arg11[%swap3A_58] {strides = array<i32>} : memref<1024xf32, #tpu.memory_space<vmem>>, vector<16xf32>,
    tpu.vector_store %arg11[%swap3A_58], %broadcast_in_dim3A_1 {strides = array<i32>} : memref<1024xf32, #tpu.memory_space<vmem>>, vector<16xf32>,
    %swap3A_60 = arith.constant 384 : index
    %swap3A_61 = tpu.vector_load %arg11[%swap3A_60] {strides = array<i32>} : memref<1024xf32, #tpu.memory_space<vmem>>, vector<16xf32>,
    tpu.vector_store %arg11[%swap3A_60], %broadcast_in_dim3A_1 {strides = array<i32>} : memref<1024xf32, #tpu.memory_space<vmem>>, vector<16xf32>,
    %swap3A_62 = arith.constant 400 : index
    %swap3A_63 = tpu.vector_load %arg11[%swap3A_62] {strides = array<i32>} : memref<1024xf32, #tpu.memory_space<vmem>>, vector<16xf32>,
    tpu.vector_store %arg11[%swap3A_62], %broadcast_in_dim3A_1 {strides = array<i32>} : memref<1024xf32, #tpu.memory_space<vmem>>, vector<16xf32>,
    %swap3A_64 = arith.constant 416 : index
    %swap3A_65 = tpu.vector_load %arg11[%swap3A_64] {strides = array<i32>} : memref<1024xf32, #tpu.memory_space<vmem>>, vector<16xf32>,
    tpu.vector_store %arg11[%swap3A_64], %broadcast_in_dim3A_1 {strides = array<i32>} : memref<1024xf32, #tpu.memory_space<vmem>>, vector<16xf32>,
    %swap3A_66 = arith.constant 432 : index
    %swap3A_67 = tpu.vector_load %arg11[%swap3A_66] {strides = array<i32>} : memref<1024xf32, #tpu.memory_space<vmem>>, vector<16xf32>,
    tpu.vector_store %arg11[%swap3A_66], %broadcast_in_dim3A_1 {strides = array<i32>} : memref<1024xf32, #tpu.memory_space<vmem>>, vector<16xf32>,
    %swap3A_68 = arith.constant 448 : index
    %swap3A_69 = tpu.vector_load %arg11[%swap3A_68] {strides = array<i32>} : memref<1024xf32, #tpu.memory_space<vmem>>, vector<16xf32>,
    tpu.vector_store %arg11[%swap3A_68], %broadcast_in_dim3A_1 {strides = array<i32>} : memref<1024xf32, #tpu.memory_space<vmem>>, vector<16xf32>,
    %swap3A_70 = arith.constant 464 : index
    %swap3A_71 = tpu.vector_load %arg11[%swap3A_70] {strides = array<i32>} : memref<1024xf32, #tpu.memory_space<vmem>>, vector<16xf32>,
    tpu.vector_store %arg11[%swap3A_70], %broadcast_in_dim3A_1 {strides = array<i32>} : memref<1024xf32, #tpu.memory_space<vmem>>, vector<16xf32>,
    %swap3A_72 = arith.constant 480 : index
    %swap3A_73 = tpu.vector_load %arg11[%swap3A_72] {strides = array<i32>} : memref<1024xf32, #tpu.memory_space<vmem>>, vector<16xf32>,
    tpu.vector_store %arg11[%swap3A_72], %broadcast_in_dim3A_1 {strides = array<i32>} : memref<1024xf32, #tpu.memory_space<vmem>>, vector<16xf32>,
    %swap3A_74 = arith.constant 496 : index
    %swap3A_75 = tpu.vector_load %arg11[%swap3A_74] {strides = array<i32>} : memref<1024xf32, #tpu.memory_space<vmem>>, vector<16xf32>,
    tpu.vector_store %arg11[%swap3A_74], %broadcast_in_dim3A_1 {strides = array<i32>} : memref<1024xf32, #tpu.memory_space<vmem>>, vector<16xf32>,
    %swap3A_76 = arith.constant 512 : index
    %swap3A_77 = tpu.vector_load %arg11[%swap3A_76] {strides = array<i32>} : memref<1024xf32, #tpu.memory_space<vmem>>, vector<16xf32>,
    tpu.vector_store %arg11[%swap3A_76], %broadcast_in_dim3A_1 {strides = array<i32>} : memref<1024xf32, #tpu.memory_space<vmem>>, vector<16xf32>,
    %swap3A_78 = arith.constant 528 : index
    %swap3A_79 = tpu.vector_load %arg11[%swap3A_78] {strides = array<i32>} : memref<1024xf32, #tpu.memory_space<vmem>>, vector<16xf32>,
    tpu.vector_store %arg11[%swap3A_78], %broadcast_in_dim3A_1 {strides = array<i32>} : memref<1024xf32, #tpu.memory_space<vmem>>, vector<16xf32>,
    %swap3A_80 = arith.constant 544 : index
    %swap3A_81 = tpu.vector_load %arg11[%swap3A_80] {strides = array<i32>} : memref<1024xf32, #tpu.memory_space<vmem>>, vector<16xf32>,
    tpu.vector_store %arg11[%swap3A_80], %broadcast_in_dim3A_1 {strides = array<i32>} : memref<1024xf32, #tpu.memory_space<vmem>>, vector<16xf32>,
    %swap3A_82 = arith.constant 560 : index
    %swap3A_83 = tpu.vector_load %arg11[%swap3A_82] {strides = array<i32>} : memref<1024xf32, #tpu.memory_space<vmem>>, vector<16xf32>,
    tpu.vector_store %arg11[%swap3A_82], %broadcast_in_dim3A_1 {strides = array<i32>} : memref<1024xf32, #tpu.memory_space<vmem>>, vector<16xf32>,
    %swap3A_84 = arith.constant 576 : index
    %swap3A_85 = tpu.vector_load %arg11[%swap3A_84] {strides = array<i32>} : memref<1024xf32, #tpu.memory_space<vmem>>, vector<16xf32>,
    tpu.vector_store %arg11[%swap3A_84], %broadcast_in_dim3A_1 {strides = array<i32>} : memref<1024xf32, #tpu.memory_space<vmem>>, vector<16xf32>,
    %swap3A_86 = arith.constant 592 : index
    %swap3A_87 = tpu.vector_load %arg11[%swap3A_86] {strides = array<i32>} : memref<1024xf32, #tpu.memory_space<vmem>>, vector<16xf32>,
    tpu.vector_store %arg11[%swap3A_86], %broadcast_in_dim3A_1 {strides = array<i32>} : memref<1024xf32, #tpu.memory_space<vmem>>, vector<16xf32>,
    %swap3A_88 = arith.constant 608 : index
    %swap3A_89 = tpu.vector_load %arg11[%swap3A_88] {strides = array<i32>} : memref<1024xf32, #tpu.memory_space<vmem>>, vector<16xf32>,
    tpu.vector_store %arg11[%swap3A_88], %broadcast_in_dim3A_1 {strides = array<i32>} : memref<1024xf32, #tpu.memory_space<vmem>>, vector<16xf32>,
    %swap3A_90 = arith.constant 624 : index
    %swap3A_91 = tpu.vector_load %arg11[%swap3A_90] {strides = array<i32>} : memref<1024xf32, #tpu.memory_space<vmem>>, vector<16xf32>,
    tpu.vector_store %arg11[%swap3A_90], %broadcast_in_dim3A_1 {strides = array<i32>} : memref<1024xf32, #tpu.memory_space<vmem>>, vector<16xf32>,
    %swap3A_92 = arith.constant 640 : index
    %swap3A_93 = tpu.vector_load %arg11[%swap3A_92] {strides = array<i32>} : memref<1024xf32, #tpu.memory_space<vmem>>, vector<16xf32>,
    tpu.vector_store %arg11[%swap3A_92], %broadcast_in_dim3A_1 {strides = array<i32>} : memref<1024xf32, #tpu.memory_space<vmem>>, vector<16xf32>,
    %swap3A_94 = arith.constant 656 : index
    %swap3A_95 = tpu.vector_load %arg11[%swap3A_94] {strides = array<i32>} : memref<1024xf32, #tpu.memory_space<vmem>>, vector<16xf32>,
    tpu.vector_store %arg11[%swap3A_94], %broadcast_in_dim3A_1 {strides = array<i32>} : memref<1024xf32, #tpu.memory_space<vmem>>, vector<16xf32>,
    %swap3A_96 = arith.constant 672 : index
    %swap3A_97 = tpu.vector_load %arg11[%swap3A_96] {strides = array<i32>} : memref<1024xf32, #tpu.memory_space<vmem>>, vector<16xf32>,
    tpu.vector_store %arg11[%swap3A_96], %broadcast_in_dim3A_1 {strides = array<i32>} : memref<1024xf32, #tpu.memory_space<vmem>>, vector<16xf32>,
    %swap3A_98 = arith.constant 688 : index
    %swap3A_99 = tpu.vector_load %arg11[%swap3A_98] {strides = array<i32>} : memref<1024xf32, #tpu.memory_space<vmem>>, vector<16xf32>,
    tpu.vector_store %arg11[%swap3A_98], %broadcast_in_dim3A_1 {strides = array<i32>} : memref<1024xf32, #tpu.memory_space<vmem>>, vector<16xf32>,
    %swap3A_100 = arith.constant 704 : index
    %swap3A_101 = tpu.vector_load %arg11[%swap3A_100] {strides = array<i32>} : memref<1024xf32, #tpu.memory_space<vmem>>, vector<16xf32>,
    tpu.vector_store %arg11[%swap3A_100], %broadcast_in_dim3A_1 {strides = array<i32>} : memref<1024xf32, #tpu.memory_space<vmem>>, vector<16xf32>,
    %swap3A_102 = arith.constant 720 : index
    %swap3A_103 = tpu.vector_load %arg11[%swap3A_102] {strides = array<i32>} : memref<1024xf32, #tpu.memory_space<vmem>>, vector<16xf32>,
    tpu.vector_store %arg11[%swap3A_102], %broadcast_in_dim3A_1 {strides = array<i32>} : memref<1024xf32, #tpu.memory_space<vmem>>, vector<16xf32>,
    %swap3A_104 = arith.constant 736 : index
    %swap3A_105 = tpu.vector_load %arg11[%swap3A_104] {strides = array<i32>} : memref<1024xf32, #tpu.memory_space<vmem>>, vector<16xf32>,
    tpu.vector_store %arg11[%swap3A_104], %broadcast_in_dim3A_1 {strides = array<i32>} : memref<1024xf32, #tpu.memory_space<vmem>>, vector<16xf32>,
    %swap3A_106 = arith.constant 752 : index
    %swap3A_107 = tpu.vector_load %arg11[%swap3A_106] {strides = array<i32>} : memref<1024xf32, #tpu.memory_space<vmem>>, vector<16xf32>,
    tpu.vector_store %arg11[%swap3A_106], %broadcast_in_dim3A_1 {strides = array<i32>} : memref<1024xf32, #tpu.memory_space<vmem>>, vector<16xf32>,
    %swap3A_108 = arith.constant 768 : index
    %swap3A_109 = tpu.vector_load %arg11[%swap3A_108] {strides = array<i32>} : memref<1024xf32, #tpu.memory_space<vmem>>, vector<16xf32>,
    tpu.vector_store %arg11[%swap3A_108], %broadcast_in_dim3A_1 {strides = array<i32>} : memref<1024xf32, #tpu.memory_space<vmem>>, vector<16xf32>,
    %swap3A_110 = arith.constant 784 : index
    %swap3A_111 = tpu.vector_load %arg11[%swap3A_110] {strides = array<i32>} : memref<1024xf32, #tpu.memory_space<vmem>>, vector<16xf32>,
    tpu.vector_store %arg11[%swap3A_110], %broadcast_in_dim3A_1 {strides = array<i32>} : memref<1024xf32, #tpu.memory_space<vmem>>, vector<16xf32>,
    %swap3A_112 = arith.constant 800 : index
    %swap3A_113 = tpu.vector_load %arg11[%swap3A_112] {strides = array<i32>} : memref<1024xf32, #tpu.memory_space<vmem>>, vector<16xf32>,
    tpu.vector_store %arg11[%swap3A_112], %broadcast_in_dim3A_1 {strides = array<i32>} : memref<1024xf32, #tpu.memory_space<vmem>>, vector<16xf32>,
    %swap3A_114 = arith.constant 816 : index
    %swap3A_115 = tpu.vector_load %arg11[%swap3A_114] {strides = array<i32>} : memref<1024xf32, #tpu.memory_space<vmem>>, vector<16xf32>,
    tpu.vector_store %arg11[%swap3A_114], %broadcast_in_dim3A_1 {strides = array<i32>} : memref<1024xf32, #tpu.memory_space<vmem>>, vector<16xf32>,
    %swap3A_116 = arith.constant 832 : index
    %swap3A_117 = tpu.vector_load %arg11[%swap3A_116] {strides = array<i32>} : memref<1024xf32, #tpu.memory_space<vmem>>, vector<16xf32>,
    tpu.vector_store %arg11[%swap3A_116], %broadcast_in_dim3A_1 {strides = array<i32>} : memref<1024xf32, #tpu.memory_space<vmem>>, vector<16xf32>,
    %swap3A_118 = arith.constant 848 : index
    %swap3A_119 = tpu.vector_load %arg11[%swap3A_118] {strides = array<i32>} : memref<1024xf32, #tpu.memory_space<vmem>>, vector<16xf32>,
    tpu.vector_store %arg11[%swap3A_118], %broadcast_in_dim3A_1 {strides = array<i32>} : memref<1024xf32, #tpu.memory_space<vmem>>, vector<16xf32>,
    %swap3A_120 = arith.constant 864 : index
    %swap3A_121 = tpu.vector_load %arg11[%swap3A_120] {strides = array<i32>} : memref<1024xf32, #tpu.memory_space<vmem>>, vector<16xf32>,
    tpu.vector_store %arg11[%swap3A_120], %broadcast_in_dim3A_1 {strides = array<i32>} : memref<1024xf32, #tpu.memory_space<vmem>>, vector<16xf32>,
    %swap3A_122 = arith.constant 880 : index
    %swap3A_123 = tpu.vector_load %arg11[%swap3A_122] {strides = array<i32>} : memref<1024xf32, #tpu.memory_space<vmem>>, vector<16xf32>,
    tpu.vector_store %arg11[%swap3A_122], %broadcast_in_dim3A_1 {strides = array<i32>} : memref<1024xf32, #tpu.memory_space<vmem>>, vector<16xf32>,
    %swap3A_124 = arith.constant 896 : index
    %swap3A_125 = tpu.vector_load %arg11[%swap3A_124] {strides = array<i32>} : memref<1024xf32, #tpu.memory_space<vmem>>, vector<16xf32>,
    tpu.vector_store %arg11[%swap3A_124], %broadcast_in_dim3A_1 {strides = array<i32>} : memref<1024xf32, #tpu.memory_space<vmem>>, vector<16xf32>,
    %swap3A_126 = arith.constant 912 : index
    %swap3A_127 = tpu.vector_load %arg11[%swap3A_126] {strides = array<i32>} : memref<1024xf32, #tpu.memory_space<vmem>>, vector<16xf32>,
    tpu.vector_store %arg11[%swap3A_126], %broadcast_in_dim3A_1 {strides = array<i32>} : memref<1024xf32, #tpu.memory_space<vmem>>, vector<16xf32>,
    %swap3A_128 = arith.constant 928 : index
    %swap3A_129 = tpu.vector_load %arg11[%swap3A_128] {strides = array<i32>} : memref<1024xf32, #tpu.memory_space<vmem>>, vector<16xf32>,
    tpu.vector_store %arg11[%swap3A_128], %broadcast_in_dim3A_1 {strides = array<i32>} : memref<1024xf32, #tpu.memory_space<vmem>>, vector<16xf32>,
    %swap3A_130 = arith.constant 944 : index
    %swap3A_131 = tpu.vector_load %arg11[%swap3A_130] {strides = array<i32>} : memref<1024xf32, #tpu.memory_space<vmem>>, vector<16xf32>,
    tpu.vector_store %arg11[%swap3A_130], %broadcast_in_dim3A_1 {strides = array<i32>} : memref<1024xf32, #tpu.memory_space<vmem>>, vector<16xf32>,
    %swap3A_132 = arith.constant 960 : index
    %swap3A_133 = tpu.vector_load %arg11[%swap3A_132] {strides = array<i32>} : memref<1024xf32, #tpu.memory_space<vmem>>, vector<16xf32>,
    tpu.vector_store %arg11[%swap3A_132], %broadcast_in_dim3A_1 {strides = array<i32>} : memref<1024xf32, #tpu.memory_space<vmem>>, vector<16xf32>,
    %swap3A_134 = arith.constant 976 : index
    %swap3A_135 = tpu.vector_load %arg11[%swap3A_134] {strides = array<i32>} : memref<1024xf32, #tpu.memory_space<vmem>>, vector<16xf32>,
    tpu.vector_store %arg11[%swap3A_134], %broadcast_in_dim3A_1 {strides = array<i32>} : memref<1024xf32, #tpu.memory_space<vmem>>, vector<16xf32>,
    %swap3A_136 = arith.constant 992 : index
    %swap3A_137 = tpu.vector_load %arg11[%swap3A_136] {strides = array<i32>} : memref<1024xf32, #tpu.memory_space<vmem>>, vector<16xf32>,
    tpu.vector_store %arg11[%swap3A_136], %broadcast_in_dim3A_1 {strides = array<i32>} : memref<1024xf32, #tpu.memory_space<vmem>>, vector<16xf32>,
    %swap3A_138 = arith.constant 1008 : index
    %swap3A_139 = tpu.vector_load %arg11[%swap3A_138] {strides = array<i32>} : memref<1024xf32, #tpu.memory_space<vmem>>, vector<16xf32>,
    tpu.vector_store %arg11[%swap3A_138], %broadcast_in_dim3A_1 {strides = array<i32>} : memref<1024xf32, #tpu.memory_space<vmem>>, vector<16xf32>,
    "tpu.region"() ({
      %run_scoped3A = tpu.sem_alloc : memref<!tpu.dma_semaphore, #tpu.memory_space<semaphore_mem>>
      tpu.enqueue_dma source(%arg3 : memref<64xf32, #tpu.memory_space<hbm>>) target(%arg8 : memref<64xf32, #tpu.memory_space<vmem>>) target_semaphore(%run_scoped3A : memref<!tpu.dma_semaphore, #tpu.memory_space<semaphore_mem>>)
      tpu.wait_dma2 semaphore(%run_scoped3A : memref<!tpu.dma_semaphore, #tpu.memory_space<semaphore_mem>>) src(%arg3 : memref<64xf32, #tpu.memory_space<hbm>>) dst(%arg8 : memref<64xf32, #tpu.memory_space<vmem>>)
      tpu.yield
    }) : () -> ()
    %mul3A_140 = arith.constant 512 : i32
    %mul3A_141 = arith.muli %add3A, %mul3A_140 : i32
    %scan3A = arith.constant 0 : i32
    %scan3A_142 = arith.constant 0 : i32
    %scan3A_143 = arith.constant 4 : i32
    %scan3A_144 = arith.addi %scan3A_142, %scan3A_143 : i32
    %scan3A_145 = arith.constant 1 : i32
    scf.for %scan3A_342 = %scan3A_142 to %scan3A_144 step %scan3A_145  : i32 {
      %mul3A_343 = arith.constant 128 : i32
      %mul3A_344 = arith.muli %scan3A_342, %mul3A_343 : i32
      "tpu.region"() ({
        %run_scoped3A = tpu.sem_alloc : memref<!tpu.dma_semaphore, #tpu.memory_space<semaphore_mem>>
        %dma_start3A = arith.constant 0 : i32
        %dma_start3A_357 = tpu.memref_slice %arg2[%add3A, %dma_start3A, %mul3A_344] : memref<32x64x512xf32, #tpu.memory_space<hbm>> -> memref<1x64x128xf32, #tpu.memory_space<hbm>>
        %dma_start3A_358 = tpu.memref_squeeze %dma_start3A_357 : memref<1x64x128xf32, #tpu.memory_space<hbm>> -> memref<64x128xf32, #tpu.memory_space<hbm>>
        %dma_start3A_359 = arith.constant 0 : i32
        %dma_start3A_360 = tpu.memref_slice %arg2[%add3A, %dma_start3A_359, %mul3A_344] : memref<32x64x512xf32, #tpu.memory_space<hbm>> -> memref<1x64x128xf32, #tpu.memory_space<hbm>>
        %dma_start3A_361 = tpu.memref_squeeze %dma_start3A_360 : memref<1x64x128xf32, #tpu.memory_space<hbm>> -> memref<64x128xf32, #tpu.memory_space<hbm>>
        tpu.enqueue_dma source(%dma_start3A_361 : memref<64x128xf32, #tpu.memory_space<hbm>>) target(%arg7 : memref<64x128xf32, #tpu.memory_space<vmem>>) target_semaphore(%run_scoped3A : memref<!tpu.dma_semaphore, #tpu.memory_space<semaphore_mem>>)
        %dma_wait3A = arith.constant 0 : i32
        %dma_wait3A_362 = tpu.memref_slice %arg2[%add3A, %dma_wait3A, %mul3A_344] : memref<32x64x512xf32, #tpu.memory_space<hbm>> -> memref<1x64x128xf32, #tpu.memory_space<hbm>>
        %dma_wait3A_363 = tpu.memref_squeeze %dma_wait3A_362 : memref<1x64x128xf32, #tpu.memory_space<hbm>> -> memref<64x128xf32, #tpu.memory_space<hbm>>
        %dma_wait3A_364 = arith.constant 0 : i32
        %dma_wait3A_365 = tpu.memref_slice %arg2[%add3A, %dma_wait3A_364, %mul3A_344] : memref<32x64x512xf32, #tpu.memory_space<hbm>> -> memref<1x64x128xf32, #tpu.memory_space<hbm>>
        %dma_wait3A_366 = tpu.memref_squeeze %dma_wait3A_365 : memref<1x64x128xf32, #tpu.memory_space<hbm>> -> memref<64x128xf32, #tpu.memory_space<hbm>>
        tpu.wait_dma2 semaphore(%run_scoped3A : memref<!tpu.dma_semaphore, #tpu.memory_space<semaphore_mem>>) src(%dma_wait3A_366 : memref<64x128xf32, #tpu.memory_space<hbm>>) dst(%arg7 : memref<64x128xf32, #tpu.memory_space<vmem>>)
        tpu.yield
      }) : () -> ()
      %scan3A_345 = arith.constant 0 : i32
      %scan3A_346 = arith.constant 8 : i32
      %scan3A_347 = arith.addi %scan3A_345, %scan3A_346 : i32
      %scan3A_348 = arith.constant 1 : i32
      %scan3A_349 = scf.for %scan3A_357 = %scan3A_345 to %scan3A_347 step %scan3A_348 iter_args(%scan3A_358 = %iota3A) -> (vector<16xi32>)  : i32 {
        %mul3A_359 = arith.constant 16 : i32
        %mul3A_360 = arith.muli %scan3A_357, %mul3A_359 : i32
        %get3A_361 = arith.constant 0 : i32
        %get3A_362 = arith.index_cast %get3A_361 : i32 to index
        %get3A_363 = arith.index_cast %mul3A_360 : i32 to index
        %get3A_364 = tpu.vector_load %arg7[%get3A_362, %get3A_363] {strides = array<i32>} : memref<64x128xf32, #tpu.memory_space<vmem>>, vector<16xf32>,
        %get3A_365 = arith.constant 1 : i32
        %get3A_366 = arith.index_cast %get3A_365 : i32 to index
        %get3A_367 = arith.index_cast %mul3A_360 : i32 to index
        %get3A_368 = tpu.vector_load %arg7[%get3A_366, %get3A_367] {strides = array<i32>} : memref<64x128xf32, #tpu.memory_space<vmem>>, vector<16xf32>,
        %min3A = arith.minimumf %get3A_364, %get3A_368 : vector<16xf32>
        %max3A = arith.maximumf %broadcast_in_dim3A_7, %min3A : vector<16xf32>
        %max3A_369 = arith.maximumf %get3A_364, %get3A_368 : vector<16xf32>
        %get3A_370 = arith.constant 2 : i32
        %get3A_371 = arith.index_cast %get3A_370 : i32 to index
        %get3A_372 = arith.index_cast %mul3A_360 : i32 to index
        %get3A_373 = tpu.vector_load %arg7[%get3A_371, %get3A_372] {strides = array<i32>} : memref<64x128xf32, #tpu.memory_space<vmem>>, vector<16xf32>,
        %min3A_374 = arith.minimumf %max3A_369, %get3A_373 : vector<16xf32>
        %max3A_375 = arith.maximumf %max3A, %min3A_374 : vector<16xf32>
        %max3A_376 = arith.maximumf %max3A_369, %get3A_373 : vector<16xf32>
        %get3A_377 = arith.constant 3 : i32
        %get3A_378 = arith.index_cast %get3A_377 : i32 to index
        %get3A_379 = arith.index_cast %mul3A_360 : i32 to index
        %get3A_380 = tpu.vector_load %arg7[%get3A_378, %get3A_379] {strides = array<i32>} : memref<64x128xf32, #tpu.memory_space<vmem>>, vector<16xf32>,
        %min3A_381 = arith.minimumf %max3A_376, %get3A_380 : vector<16xf32>
        %max3A_382 = arith.maximumf %max3A_375, %min3A_381 : vector<16xf32>
        %max3A_383 = arith.maximumf %max3A_376, %get3A_380 : vector<16xf32>
        %get3A_384 = arith.constant 4 : i32
        %get3A_385 = arith.index_cast %get3A_384 : i32 to index
        %get3A_386 = arith.index_cast %mul3A_360 : i32 to index
        %get3A_387 = tpu.vector_load %arg7[%get3A_385, %get3A_386] {strides = array<i32>} : memref<64x128xf32, #tpu.memory_space<vmem>>, vector<16xf32>,
        %min3A_388 = arith.minimumf %max3A_383, %get3A_387 : vector<16xf32>
        %max3A_389 = arith.maximumf %max3A_382, %min3A_388 : vector<16xf32>
        %max3A_390 = arith.maximumf %max3A_383, %get3A_387 : vector<16xf32>
        %get3A_391 = arith.constant 5 : i32
        %get3A_392 = arith.index_cast %get3A_391 : i32 to index
        %get3A_393 = arith.index_cast %mul3A_360 : i32 to index
        %get3A_394 = tpu.vector_load %arg7[%get3A_392, %get3A_393] {strides = array<i32>} : memref<64x128xf32, #tpu.memory_space<vmem>>, vector<16xf32>,
        %min3A_395 = arith.minimumf %max3A_390, %get3A_394 : vector<16xf32>
        %max3A_396 = arith.maximumf %max3A_389, %min3A_395 : vector<16xf32>
        %max3A_397 = arith.maximumf %max3A_390, %get3A_394 : vector<16xf32>
        %get3A_398 = arith.constant 6 : i32
        %get3A_399 = arith.index_cast %get3A_398 : i32 to index
        %get3A_400 = arith.index_cast %mul3A_360 : i32 to index
        %get3A_401 = tpu.vector_load %arg7[%get3A_399, %get3A_400] {strides = array<i32>} : memref<64x128xf32, #tpu.memory_space<vmem>>, vector<16xf32>,
        %min3A_402 = arith.minimumf %max3A_397, %get3A_401 : vector<16xf32>
        %max3A_403 = arith.maximumf %max3A_396, %min3A_402 : vector<16xf32>
        %max3A_404 = arith.maximumf %max3A_397, %get3A_401 : vector<16xf32>
        %get3A_405 = arith.constant 7 : i32
        %get3A_406 = arith.index_cast %get3A_405 : i32 to index
        %get3A_407 = arith.index_cast %mul3A_360 : i32 to index
        %get3A_408 = tpu.vector_load %arg7[%get3A_406, %get3A_407] {strides = array<i32>} : memref<64x128xf32, #tpu.memory_space<vmem>>, vector<16xf32>,
        %min3A_409 = arith.minimumf %max3A_404, %get3A_408 : vector<16xf32>
        %max3A_410 = arith.maximumf %max3A_403, %min3A_409 : vector<16xf32>
        %max3A_411 = arith.maximumf %max3A_404, %get3A_408 : vector<16xf32>
        %add3A_412 = arith.addf %max3A_411, %max3A_410 : vector<16xf32>
        %get3A_413 = arith.constant 8 : i32
        %get3A_414 = arith.index_cast %get3A_413 : i32 to index
        %get3A_415 = arith.index_cast %mul3A_360 : i32 to index
        %get3A_416 = tpu.vector_load %arg7[%get3A_414, %get3A_415] {strides = array<i32>} : memref<64x128xf32, #tpu.memory_space<vmem>>, vector<16xf32>,
        %get3A_417 = arith.constant 9 : i32
        %get3A_418 = arith.index_cast %get3A_417 : i32 to index
        %get3A_419 = arith.index_cast %mul3A_360 : i32 to index
        %get3A_420 = tpu.vector_load %arg7[%get3A_418, %get3A_419] {strides = array<i32>} : memref<64x128xf32, #tpu.memory_space<vmem>>, vector<16xf32>,
        %min3A_421 = arith.minimumf %get3A_416, %get3A_420 : vector<16xf32>
        %max3A_422 = arith.maximumf %broadcast_in_dim3A_7, %min3A_421 : vector<16xf32>
        %max3A_423 = arith.maximumf %get3A_416, %get3A_420 : vector<16xf32>
        %get3A_424 = arith.constant 10 : i32
        %get3A_425 = arith.index_cast %get3A_424 : i32 to index
        %get3A_426 = arith.index_cast %mul3A_360 : i32 to index
        %get3A_427 = tpu.vector_load %arg7[%get3A_425, %get3A_426] {strides = array<i32>} : memref<64x128xf32, #tpu.memory_space<vmem>>, vector<16xf32>,
        %min3A_428 = arith.minimumf %max3A_423, %get3A_427 : vector<16xf32>
        %max3A_429 = arith.maximumf %max3A_422, %min3A_428 : vector<16xf32>
        %max3A_430 = arith.maximumf %max3A_423, %get3A_427 : vector<16xf32>
        %get3A_431 = arith.constant 11 : i32
        %get3A_432 = arith.index_cast %get3A_431 : i32 to index
        %get3A_433 = arith.index_cast %mul3A_360 : i32 to index
        %get3A_434 = tpu.vector_load %arg7[%get3A_432, %get3A_433] {strides = array<i32>} : memref<64x128xf32, #tpu.memory_space<vmem>>, vector<16xf32>,
        %min3A_435 = arith.minimumf %max3A_430, %get3A_434 : vector<16xf32>
        %max3A_436 = arith.maximumf %max3A_429, %min3A_435 : vector<16xf32>
        %max3A_437 = arith.maximumf %max3A_430, %get3A_434 : vector<16xf32>
        %get3A_438 = arith.constant 12 : i32
        %get3A_439 = arith.index_cast %get3A_438 : i32 to index
        %get3A_440 = arith.index_cast %mul3A_360 : i32 to index
        %get3A_441 = tpu.vector_load %arg7[%get3A_439, %get3A_440] {strides = array<i32>} : memref<64x128xf32, #tpu.memory_space<vmem>>, vector<16xf32>,
        %min3A_442 = arith.minimumf %max3A_437, %get3A_441 : vector<16xf32>
        %max3A_443 = arith.maximumf %max3A_436, %min3A_442 : vector<16xf32>
        %max3A_444 = arith.maximumf %max3A_437, %get3A_441 : vector<16xf32>
        %get3A_445 = arith.constant 13 : i32
        %get3A_446 = arith.index_cast %get3A_445 : i32 to index
        %get3A_447 = arith.index_cast %mul3A_360 : i32 to index
        %get3A_448 = tpu.vector_load %arg7[%get3A_446, %get3A_447] {strides = array<i32>} : memref<64x128xf32, #tpu.memory_space<vmem>>, vector<16xf32>,
        %min3A_449 = arith.minimumf %max3A_444, %get3A_448 : vector<16xf32>
        %max3A_450 = arith.maximumf %max3A_443, %min3A_449 : vector<16xf32>
        %max3A_451 = arith.maximumf %max3A_444, %get3A_448 : vector<16xf32>
        %get3A_452 = arith.constant 14 : i32
        %get3A_453 = arith.index_cast %get3A_452 : i32 to index
        %get3A_454 = arith.index_cast %mul3A_360 : i32 to index
        %get3A_455 = tpu.vector_load %arg7[%get3A_453, %get3A_454] {strides = array<i32>} : memref<64x128xf32, #tpu.memory_space<vmem>>, vector<16xf32>,
        %min3A_456 = arith.minimumf %max3A_451, %get3A_455 : vector<16xf32>
        %max3A_457 = arith.maximumf %max3A_450, %min3A_456 : vector<16xf32>
        %max3A_458 = arith.maximumf %max3A_451, %get3A_455 : vector<16xf32>
        %get3A_459 = arith.constant 15 : i32
        %get3A_460 = arith.index_cast %get3A_459 : i32 to index
        %get3A_461 = arith.index_cast %mul3A_360 : i32 to index
        %get3A_462 = tpu.vector_load %arg7[%get3A_460, %get3A_461] {strides = array<i32>} : memref<64x128xf32, #tpu.memory_space<vmem>>, vector<16xf32>,
        %min3A_463 = arith.minimumf %max3A_458, %get3A_462 : vector<16xf32>
        %max3A_464 = arith.maximumf %max3A_457, %min3A_463 : vector<16xf32>
        %max3A_465 = arith.maximumf %max3A_458, %get3A_462 : vector<16xf32>
        %add3A_466 = arith.addf %max3A_465, %max3A_464 : vector<16xf32>
        %get3A_467 = arith.constant 16 : i32
        %get3A_468 = arith.index_cast %get3A_467 : i32 to index
        %get3A_469 = arith.index_cast %mul3A_360 : i32 to index
        %get3A_470 = tpu.vector_load %arg7[%get3A_468, %get3A_469] {strides = array<i32>} : memref<64x128xf32, #tpu.memory_space<vmem>>, vector<16xf32>,
        %get3A_471 = arith.constant 17 : i32
        %get3A_472 = arith.index_cast %get3A_471 : i32 to index
        %get3A_473 = arith.index_cast %mul3A_360 : i32 to index
        %get3A_474 = tpu.vector_load %arg7[%get3A_472, %get3A_473] {strides = array<i32>} : memref<64x128xf32, #tpu.memory_space<vmem>>, vector<16xf32>,
        %min3A_475 = arith.minimumf %get3A_470, %get3A_474 : vector<16xf32>
        %max3A_476 = arith.maximumf %broadcast_in_dim3A_7, %min3A_475 : vector<16xf32>
        %max3A_477 = arith.maximumf %get3A_470, %get3A_474 : vector<16xf32>
        %get3A_478 = arith.constant 18 : i32
        %get3A_479 = arith.index_cast %get3A_478 : i32 to index
        %get3A_480 = arith.index_cast %mul3A_360 : i32 to index
        %get3A_481 = tpu.vector_load %arg7[%get3A_479, %get3A_480] {strides = array<i32>} : memref<64x128xf32, #tpu.memory_space<vmem>>, vector<16xf32>,
        %min3A_482 = arith.minimumf %max3A_477, %get3A_481 : vector<16xf32>
        %max3A_483 = arith.maximumf %max3A_476, %min3A_482 : vector<16xf32>
        %max3A_484 = arith.maximumf %max3A_477, %get3A_481 : vector<16xf32>
        %get3A_485 = arith.constant 19 : i32
        %get3A_486 = arith.index_cast %get3A_485 : i32 to index
        %get3A_487 = arith.index_cast %mul3A_360 : i32 to index
        %get3A_488 = tpu.vector_load %arg7[%get3A_486, %get3A_487] {strides = array<i32>} : memref<64x128xf32, #tpu.memory_space<vmem>>, vector<16xf32>,
        %min3A_489 = arith.minimumf %max3A_484, %get3A_488 : vector<16xf32>
        %max3A_490 = arith.maximumf %max3A_483, %min3A_489 : vector<16xf32>
        %max3A_491 = arith.maximumf %max3A_484, %get3A_488 : vector<16xf32>
        %get3A_492 = arith.constant 20 : i32
        %get3A_493 = arith.index_cast %get3A_492 : i32 to index
        %get3A_494 = arith.index_cast %mul3A_360 : i32 to index
        %get3A_495 = tpu.vector_load %arg7[%get3A_493, %get3A_494] {strides = array<i32>} : memref<64x128xf32, #tpu.memory_space<vmem>>, vector<16xf32>,
        %min3A_496 = arith.minimumf %max3A_491, %get3A_495 : vector<16xf32>
        %max3A_497 = arith.maximumf %max3A_490, %min3A_496 : vector<16xf32>
        %max3A_498 = arith.maximumf %max3A_491, %get3A_495 : vector<16xf32>
        %get3A_499 = arith.constant 21 : i32
        %get3A_500 = arith.index_cast %get3A_499 : i32 to index
        %get3A_501 = arith.index_cast %mul3A_360 : i32 to index
        %get3A_502 = tpu.vector_load %arg7[%get3A_500, %get3A_501] {strides = array<i32>} : memref<64x128xf32, #tpu.memory_space<vmem>>, vector<16xf32>,
        %min3A_503 = arith.minimumf %max3A_498, %get3A_502 : vector<16xf32>
        %max3A_504 = arith.maximumf %max3A_497, %min3A_503 : vector<16xf32>
        %max3A_505 = arith.maximumf %max3A_498, %get3A_502 : vector<16xf32>
        %get3A_506 = arith.constant 22 : i32
        %get3A_507 = arith.index_cast %get3A_506 : i32 to index
        %get3A_508 = arith.index_cast %mul3A_360 : i32 to index
        %get3A_509 = tpu.vector_load %arg7[%get3A_507, %get3A_508] {strides = array<i32>} : memref<64x128xf32, #tpu.memory_space<vmem>>, vector<16xf32>,
        %min3A_510 = arith.minimumf %max3A_505, %get3A_509 : vector<16xf32>
        %max3A_511 = arith.maximumf %max3A_504, %min3A_510 : vector<16xf32>
        %max3A_512 = arith.maximumf %max3A_505, %get3A_509 : vector<16xf32>
        %get3A_513 = arith.constant 23 : i32
        %get3A_514 = arith.index_cast %get3A_513 : i32 to index
        %get3A_515 = arith.index_cast %mul3A_360 : i32 to index
        %get3A_516 = tpu.vector_load %arg7[%get3A_514, %get3A_515] {strides = array<i32>} : memref<64x128xf32, #tpu.memory_space<vmem>>, vector<16xf32>,
        %min3A_517 = arith.minimumf %max3A_512, %get3A_516 : vector<16xf32>
        %max3A_518 = arith.maximumf %max3A_511, %min3A_517 : vector<16xf32>
        %max3A_519 = arith.maximumf %max3A_512, %get3A_516 : vector<16xf32>
        %add3A_520 = arith.addf %max3A_519, %max3A_518 : vector<16xf32>
        %get3A_521 = arith.constant 24 : i32
        %get3A_522 = arith.index_cast %get3A_521 : i32 to index
        %get3A_523 = arith.index_cast %mul3A_360 : i32 to index
        %get3A_524 = tpu.vector_load %arg7[%get3A_522, %get3A_523] {strides = array<i32>} : memref<64x128xf32, #tpu.memory_space<vmem>>, vector<16xf32>,
        %get3A_525 = arith.constant 25 : i32
        %get3A_526 = arith.index_cast %get3A_525 : i32 to index
        %get3A_527 = arith.index_cast %mul3A_360 : i32 to index
        %get3A_528 = tpu.vector_load %arg7[%get3A_526, %get3A_527] {strides = array<i32>} : memref<64x128xf32, #tpu.memory_space<vmem>>, vector<16xf32>,
        %min3A_529 = arith.minimumf %get3A_524, %get3A_528 : vector<16xf32>
        %max3A_530 = arith.maximumf %broadcast_in_dim3A_7, %min3A_529 : vector<16xf32>
        %max3A_531 = arith.maximumf %get3A_524, %get3A_528 : vector<16xf32>
        %get3A_532 = arith.constant 26 : i32
        %get3A_533 = arith.index_cast %get3A_532 : i32 to index
        %get3A_534 = arith.index_cast %mul3A_360 : i32 to index
        %get3A_535 = tpu.vector_load %arg7[%get3A_533, %get3A_534] {strides = array<i32>} : memref<64x128xf32, #tpu.memory_space<vmem>>, vector<16xf32>,
        %min3A_536 = arith.minimumf %max3A_531, %get3A_535 : vector<16xf32>
        %max3A_537 = arith.maximumf %max3A_530, %min3A_536 : vector<16xf32>
        %max3A_538 = arith.maximumf %max3A_531, %get3A_535 : vector<16xf32>
        %get3A_539 = arith.constant 27 : i32
        %get3A_540 = arith.index_cast %get3A_539 : i32 to index
        %get3A_541 = arith.index_cast %mul3A_360 : i32 to index
        %get3A_542 = tpu.vector_load %arg7[%get3A_540, %get3A_541] {strides = array<i32>} : memref<64x128xf32, #tpu.memory_space<vmem>>, vector<16xf32>,
        %min3A_543 = arith.minimumf %max3A_538, %get3A_542 : vector<16xf32>
        %max3A_544 = arith.maximumf %max3A_537, %min3A_543 : vector<16xf32>
        %max3A_545 = arith.maximumf %max3A_538, %get3A_542 : vector<16xf32>
        %get3A_546 = arith.constant 28 : i32
        %get3A_547 = arith.index_cast %get3A_546 : i32 to index
        %get3A_548 = arith.index_cast %mul3A_360 : i32 to index
        %get3A_549 = tpu.vector_load %arg7[%get3A_547, %get3A_548] {strides = array<i32>} : memref<64x128xf32, #tpu.memory_space<vmem>>, vector<16xf32>,
        %min3A_550 = arith.minimumf %max3A_545, %get3A_549 : vector<16xf32>
        %max3A_551 = arith.maximumf %max3A_544, %min3A_550 : vector<16xf32>
        %max3A_552 = arith.maximumf %max3A_545, %get3A_549 : vector<16xf32>
        %get3A_553 = arith.constant 29 : i32
        %get3A_554 = arith.index_cast %get3A_553 : i32 to index
        %get3A_555 = arith.index_cast %mul3A_360 : i32 to index
        %get3A_556 = tpu.vector_load %arg7[%get3A_554, %get3A_555] {strides = array<i32>} : memref<64x128xf32, #tpu.memory_space<vmem>>, vector<16xf32>,
        %min3A_557 = arith.minimumf %max3A_552, %get3A_556 : vector<16xf32>
        %max3A_558 = arith.maximumf %max3A_551, %min3A_557 : vector<16xf32>
        %max3A_559 = arith.maximumf %max3A_552, %get3A_556 : vector<16xf32>
        %get3A_560 = arith.constant 30 : i32
        %get3A_561 = arith.index_cast %get3A_560 : i32 to index
        %get3A_562 = arith.index_cast %mul3A_360 : i32 to index
        %get3A_563 = tpu.vector_load %arg7[%get3A_561, %get3A_562] {strides = array<i32>} : memref<64x128xf32, #tpu.memory_space<vmem>>, vector<16xf32>,
        %min3A_564 = arith.minimumf %max3A_559, %get3A_563 : vector<16xf32>
        %max3A_565 = arith.maximumf %max3A_558, %min3A_564 : vector<16xf32>
        %max3A_566 = arith.maximumf %max3A_559, %get3A_563 : vector<16xf32>
        %get3A_567 = arith.constant 31 : i32
        %get3A_568 = arith.index_cast %get3A_567 : i32 to index
        %get3A_569 = arith.index_cast %mul3A_360 : i32 to index
        %get3A_570 = tpu.vector_load %arg7[%get3A_568, %get3A_569] {strides = array<i32>} : memref<64x128xf32, #tpu.memory_space<vmem>>, vector<16xf32>,
        %min3A_571 = arith.minimumf %max3A_566, %get3A_570 : vector<16xf32>
        %max3A_572 = arith.maximumf %max3A_565, %min3A_571 : vector<16xf32>
        %max3A_573 = arith.maximumf %max3A_566, %get3A_570 : vector<16xf32>
        %add3A_574 = arith.addf %max3A_573, %max3A_572 : vector<16xf32>
        %get3A_575 = arith.constant 32 : i32
        %get3A_576 = arith.index_cast %get3A_575 : i32 to index
        %get3A_577 = arith.index_cast %mul3A_360 : i32 to index
        %get3A_578 = tpu.vector_load %arg7[%get3A_576, %get3A_577] {strides = array<i32>} : memref<64x128xf32, #tpu.memory_space<vmem>>, vector<16xf32>,
        %get3A_579 = arith.constant 33 : i32
        %get3A_580 = arith.index_cast %get3A_579 : i32 to index
        %get3A_581 = arith.index_cast %mul3A_360 : i32 to index
        %get3A_582 = tpu.vector_load %arg7[%get3A_580, %get3A_581] {strides = array<i32>} : memref<64x128xf32, #tpu.memory_space<vmem>>, vector<16xf32>,
        %min3A_583 = arith.minimumf %get3A_578, %get3A_582 : vector<16xf32>
        %max3A_584 = arith.maximumf %broadcast_in_dim3A_7, %min3A_583 : vector<16xf32>
        %max3A_585 = arith.maximumf %get3A_578, %get3A_582 : vector<16xf32>
        %get3A_586 = arith.constant 34 : i32
        %get3A_587 = arith.index_cast %get3A_586 : i32 to index
        %get3A_588 = arith.index_cast %mul3A_360 : i32 to index
        %get3A_589 = tpu.vector_load %arg7[%get3A_587, %get3A_588] {strides = array<i32>} : memref<64x128xf32, #tpu.memory_space<vmem>>, vector<16xf32>,
        %min3A_590 = arith.minimumf %max3A_585, %get3A_589 : vector<16xf32>
        %max3A_591 = arith.maximumf %max3A_584, %min3A_590 : vector<16xf32>
        %max3A_592 = arith.maximumf %max3A_585, %get3A_589 : vector<16xf32>
        %get3A_593 = arith.constant 35 : i32
        %get3A_594 = arith.index_cast %get3A_593 : i32 to index
        %get3A_595 = arith.index_cast %mul3A_360 : i32 to index
        %get3A_596 = tpu.vector_load %arg7[%get3A_594, %get3A_595] {strides = array<i32>} : memref<64x128xf32, #tpu.memory_space<vmem>>, vector<16xf32>,
        %min3A_597 = arith.minimumf %max3A_592, %get3A_596 : vector<16xf32>
        %max3A_598 = arith.maximumf %max3A_591, %min3A_597 : vector<16xf32>
        %max3A_599 = arith.maximumf %max3A_592, %get3A_596 : vector<16xf32>
        %get3A_600 = arith.constant 36 : i32
        %get3A_601 = arith.index_cast %get3A_600 : i32 to index
        %get3A_602 = arith.index_cast %mul3A_360 : i32 to index
        %get3A_603 = tpu.vector_load %arg7[%get3A_601, %get3A_602] {strides = array<i32>} : memref<64x128xf32, #tpu.memory_space<vmem>>, vector<16xf32>,
        %min3A_604 = arith.minimumf %max3A_599, %get3A_603 : vector<16xf32>
        %max3A_605 = arith.maximumf %max3A_598, %min3A_604 : vector<16xf32>
        %max3A_606 = arith.maximumf %max3A_599, %get3A_603 : vector<16xf32>
        %get3A_607 = arith.constant 37 : i32
        %get3A_608 = arith.index_cast %get3A_607 : i32 to index
        %get3A_609 = arith.index_cast %mul3A_360 : i32 to index
        %get3A_610 = tpu.vector_load %arg7[%get3A_608, %get3A_609] {strides = array<i32>} : memref<64x128xf32, #tpu.memory_space<vmem>>, vector<16xf32>,
        %min3A_611 = arith.minimumf %max3A_606, %get3A_610 : vector<16xf32>
        %max3A_612 = arith.maximumf %max3A_605, %min3A_611 : vector<16xf32>
        %max3A_613 = arith.maximumf %max3A_606, %get3A_610 : vector<16xf32>
        %get3A_614 = arith.constant 38 : i32
        %get3A_615 = arith.index_cast %get3A_614 : i32 to index
        %get3A_616 = arith.index_cast %mul3A_360 : i32 to index
        %get3A_617 = tpu.vector_load %arg7[%get3A_615, %get3A_616] {strides = array<i32>} : memref<64x128xf32, #tpu.memory_space<vmem>>, vector<16xf32>,
        %min3A_618 = arith.minimumf %max3A_613, %get3A_617 : vector<16xf32>
        %max3A_619 = arith.maximumf %max3A_612, %min3A_618 : vector<16xf32>
        %max3A_620 = arith.maximumf %max3A_613, %get3A_617 : vector<16xf32>
        %get3A_621 = arith.constant 39 : i32
        %get3A_622 = arith.index_cast %get3A_621 : i32 to index
        %get3A_623 = arith.index_cast %mul3A_360 : i32 to index
        %get3A_624 = tpu.vector_load %arg7[%get3A_622, %get3A_623] {strides = array<i32>} : memref<64x128xf32, #tpu.memory_space<vmem>>, vector<16xf32>,
        %min3A_625 = arith.minimumf %max3A_620, %get3A_624 : vector<16xf32>
        %max3A_626 = arith.maximumf %max3A_619, %min3A_625 : vector<16xf32>
        %max3A_627 = arith.maximumf %max3A_620, %get3A_624 : vector<16xf32>
        %add3A_628 = arith.addf %max3A_627, %max3A_626 : vector<16xf32>
        %get3A_629 = arith.constant 40 : i32
        %get3A_630 = arith.index_cast %get3A_629 : i32 to index
        %get3A_631 = arith.index_cast %mul3A_360 : i32 to index
        %get3A_632 = tpu.vector_load %arg7[%get3A_630, %get3A_631] {strides = array<i32>} : memref<64x128xf32, #tpu.memory_space<vmem>>, vector<16xf32>,
        %get3A_633 = arith.constant 41 : i32
        %get3A_634 = arith.index_cast %get3A_633 : i32 to index
        %get3A_635 = arith.index_cast %mul3A_360 : i32 to index
        %get3A_636 = tpu.vector_load %arg7[%get3A_634, %get3A_635] {strides = array<i32>} : memref<64x128xf32, #tpu.memory_space<vmem>>, vector<16xf32>,
        %min3A_637 = arith.minimumf %get3A_632, %get3A_636 : vector<16xf32>
        %max3A_638 = arith.maximumf %broadcast_in_dim3A_7, %min3A_637 : vector<16xf32>
        %max3A_639 = arith.maximumf %get3A_632, %get3A_636 : vector<16xf32>
        %get3A_640 = arith.constant 42 : i32
        %get3A_641 = arith.index_cast %get3A_640 : i32 to index
        %get3A_642 = arith.index_cast %mul3A_360 : i32 to index
        %get3A_643 = tpu.vector_load %arg7[%get3A_641, %get3A_642] {strides = array<i32>} : memref<64x128xf32, #tpu.memory_space<vmem>>, vector<16xf32>,
        %min3A_644 = arith.minimumf %max3A_639, %get3A_643 : vector<16xf32>
        %max3A_645 = arith.maximumf %max3A_638, %min3A_644 : vector<16xf32>
        %max3A_646 = arith.maximumf %max3A_639, %get3A_643 : vector<16xf32>
        %get3A_647 = arith.constant 43 : i32
        %get3A_648 = arith.index_cast %get3A_647 : i32 to index
        %get3A_649 = arith.index_cast %mul3A_360 : i32 to index
        %get3A_650 = tpu.vector_load %arg7[%get3A_648, %get3A_649] {strides = array<i32>} : memref<64x128xf32, #tpu.memory_space<vmem>>, vector<16xf32>,
        %min3A_651 = arith.minimumf %max3A_646, %get3A_650 : vector<16xf32>
        %max3A_652 = arith.maximumf %max3A_645, %min3A_651 : vector<16xf32>
        %max3A_653 = arith.maximumf %max3A_646, %get3A_650 : vector<16xf32>
        %get3A_654 = arith.constant 44 : i32
        %get3A_655 = arith.index_cast %get3A_654 : i32 to index
        %get3A_656 = arith.index_cast %mul3A_360 : i32 to index
        %get3A_657 = tpu.vector_load %arg7[%get3A_655, %get3A_656] {strides = array<i32>} : memref<64x128xf32, #tpu.memory_space<vmem>>, vector<16xf32>,
        %min3A_658 = arith.minimumf %max3A_653, %get3A_657 : vector<16xf32>
        %max3A_659 = arith.maximumf %max3A_652, %min3A_658 : vector<16xf32>
        %max3A_660 = arith.maximumf %max3A_653, %get3A_657 : vector<16xf32>
        %get3A_661 = arith.constant 45 : i32
        %get3A_662 = arith.index_cast %get3A_661 : i32 to index
        %get3A_663 = arith.index_cast %mul3A_360 : i32 to index
        %get3A_664 = tpu.vector_load %arg7[%get3A_662, %get3A_663] {strides = array<i32>} : memref<64x128xf32, #tpu.memory_space<vmem>>, vector<16xf32>,
        %min3A_665 = arith.minimumf %max3A_660, %get3A_664 : vector<16xf32>
        %max3A_666 = arith.maximumf %max3A_659, %min3A_665 : vector<16xf32>
        %max3A_667 = arith.maximumf %max3A_660, %get3A_664 : vector<16xf32>
        %get3A_668 = arith.constant 46 : i32
        %get3A_669 = arith.index_cast %get3A_668 : i32 to index
        %get3A_670 = arith.index_cast %mul3A_360 : i32 to index
        %get3A_671 = tpu.vector_load %arg7[%get3A_669, %get3A_670] {strides = array<i32>} : memref<64x128xf32, #tpu.memory_space<vmem>>, vector<16xf32>,
        %min3A_672 = arith.minimumf %max3A_667, %get3A_671 : vector<16xf32>
        %max3A_673 = arith.maximumf %max3A_666, %min3A_672 : vector<16xf32>
        %max3A_674 = arith.maximumf %max3A_667, %get3A_671 : vector<16xf32>
        %get3A_675 = arith.constant 47 : i32
        %get3A_676 = arith.index_cast %get3A_675 : i32 to index
        %get3A_677 = arith.index_cast %mul3A_360 : i32 to index
        %get3A_678 = tpu.vector_load %arg7[%get3A_676, %get3A_677] {strides = array<i32>} : memref<64x128xf32, #tpu.memory_space<vmem>>, vector<16xf32>,
        %min3A_679 = arith.minimumf %max3A_674, %get3A_678 : vector<16xf32>
        %max3A_680 = arith.maximumf %max3A_673, %min3A_679 : vector<16xf32>
        %max3A_681 = arith.maximumf %max3A_674, %get3A_678 : vector<16xf32>
        %add3A_682 = arith.addf %max3A_681, %max3A_680 : vector<16xf32>
        %get3A_683 = arith.constant 48 : i32
        %get3A_684 = arith.index_cast %get3A_683 : i32 to index
        %get3A_685 = arith.index_cast %mul3A_360 : i32 to index
        %get3A_686 = tpu.vector_load %arg7[%get3A_684, %get3A_685] {strides = array<i32>} : memref<64x128xf32, #tpu.memory_space<vmem>>, vector<16xf32>,
        %get3A_687 = arith.constant 49 : i32
        %get3A_688 = arith.index_cast %get3A_687 : i32 to index
        %get3A_689 = arith.index_cast %mul3A_360 : i32 to index
        %get3A_690 = tpu.vector_load %arg7[%get3A_688, %get3A_689] {strides = array<i32>} : memref<64x128xf32, #tpu.memory_space<vmem>>, vector<16xf32>,
        %min3A_691 = arith.minimumf %get3A_686, %get3A_690 : vector<16xf32>
        %max3A_692 = arith.maximumf %broadcast_in_dim3A_7, %min3A_691 : vector<16xf32>
        %max3A_693 = arith.maximumf %get3A_686, %get3A_690 : vector<16xf32>
        %get3A_694 = arith.constant 50 : i32
        %get3A_695 = arith.index_cast %get3A_694 : i32 to index
        %get3A_696 = arith.index_cast %mul3A_360 : i32 to index
        %get3A_697 = tpu.vector_load %arg7[%get3A_695, %get3A_696] {strides = array<i32>} : memref<64x128xf32, #tpu.memory_space<vmem>>, vector<16xf32>,
        %min3A_698 = arith.minimumf %max3A_693, %get3A_697 : vector<16xf32>
        %max3A_699 = arith.maximumf %max3A_692, %min3A_698 : vector<16xf32>
        %max3A_700 = arith.maximumf %max3A_693, %get3A_697 : vector<16xf32>
        %get3A_701 = arith.constant 51 : i32
        %get3A_702 = arith.index_cast %get3A_701 : i32 to index
        %get3A_703 = arith.index_cast %mul3A_360 : i32 to index
        %get3A_704 = tpu.vector_load %arg7[%get3A_702, %get3A_703] {strides = array<i32>} : memref<64x128xf32, #tpu.memory_space<vmem>>, vector<16xf32>,
        %min3A_705 = arith.minimumf %max3A_700, %get3A_704 : vector<16xf32>
        %max3A_706 = arith.maximumf %max3A_699, %min3A_705 : vector<16xf32>
        %max3A_707 = arith.maximumf %max3A_700, %get3A_704 : vector<16xf32>
        %get3A_708 = arith.constant 52 : i32
        %get3A_709 = arith.index_cast %get3A_708 : i32 to index
        %get3A_710 = arith.index_cast %mul3A_360 : i32 to index
        %get3A_711 = tpu.vector_load %arg7[%get3A_709, %get3A_710] {strides = array<i32>} : memref<64x128xf32, #tpu.memory_space<vmem>>, vector<16xf32>,
        %min3A_712 = arith.minimumf %max3A_707, %get3A_711 : vector<16xf32>
        %max3A_713 = arith.maximumf %max3A_706, %min3A_712 : vector<16xf32>
        %max3A_714 = arith.maximumf %max3A_707, %get3A_711 : vector<16xf32>
        %get3A_715 = arith.constant 53 : i32
        %get3A_716 = arith.index_cast %get3A_715 : i32 to index
        %get3A_717 = arith.index_cast %mul3A_360 : i32 to index
        %get3A_718 = tpu.vector_load %arg7[%get3A_716, %get3A_717] {strides = array<i32>} : memref<64x128xf32, #tpu.memory_space<vmem>>, vector<16xf32>,
        %min3A_719 = arith.minimumf %max3A_714, %get3A_718 : vector<16xf32>
        %max3A_720 = arith.maximumf %max3A_713, %min3A_719 : vector<16xf32>
        %max3A_721 = arith.maximumf %max3A_714, %get3A_718 : vector<16xf32>
        %get3A_722 = arith.constant 54 : i32
        %get3A_723 = arith.index_cast %get3A_722 : i32 to index
        %get3A_724 = arith.index_cast %mul3A_360 : i32 to index
        %get3A_725 = tpu.vector_load %arg7[%get3A_723, %get3A_724] {strides = array<i32>} : memref<64x128xf32, #tpu.memory_space<vmem>>, vector<16xf32>,
        %min3A_726 = arith.minimumf %max3A_721, %get3A_725 : vector<16xf32>
        %max3A_727 = arith.maximumf %max3A_720, %min3A_726 : vector<16xf32>
        %max3A_728 = arith.maximumf %max3A_721, %get3A_725 : vector<16xf32>
        %get3A_729 = arith.constant 55 : i32
        %get3A_730 = arith.index_cast %get3A_729 : i32 to index
        %get3A_731 = arith.index_cast %mul3A_360 : i32 to index
        %get3A_732 = tpu.vector_load %arg7[%get3A_730, %get3A_731] {strides = array<i32>} : memref<64x128xf32, #tpu.memory_space<vmem>>, vector<16xf32>,
        %min3A_733 = arith.minimumf %max3A_728, %get3A_732 : vector<16xf32>
        %max3A_734 = arith.maximumf %max3A_727, %min3A_733 : vector<16xf32>
        %max3A_735 = arith.maximumf %max3A_728, %get3A_732 : vector<16xf32>
        %add3A_736 = arith.addf %max3A_735, %max3A_734 : vector<16xf32>
        %get3A_737 = arith.constant 56 : i32
        %get3A_738 = arith.index_cast %get3A_737 : i32 to index
        %get3A_739 = arith.index_cast %mul3A_360 : i32 to index
        %get3A_740 = tpu.vector_load %arg7[%get3A_738, %get3A_739] {strides = array<i32>} : memref<64x128xf32, #tpu.memory_space<vmem>>, vector<16xf32>,
        %get3A_741 = arith.constant 57 : i32
        %get3A_742 = arith.index_cast %get3A_741 : i32 to index
        %get3A_743 = arith.index_cast %mul3A_360 : i32 to index
        %get3A_744 = tpu.vector_load %arg7[%get3A_742, %get3A_743] {strides = array<i32>} : memref<64x128xf32, #tpu.memory_space<vmem>>, vector<16xf32>,
        %min3A_745 = arith.minimumf %get3A_740, %get3A_744 : vector<16xf32>
        %max3A_746 = arith.maximumf %broadcast_in_dim3A_7, %min3A_745 : vector<16xf32>
        %max3A_747 = arith.maximumf %get3A_740, %get3A_744 : vector<16xf32>
        %get3A_748 = arith.constant 58 : i32
        %get3A_749 = arith.index_cast %get3A_748 : i32 to index
        %get3A_750 = arith.index_cast %mul3A_360 : i32 to index
        %get3A_751 = tpu.vector_load %arg7[%get3A_749, %get3A_750] {strides = array<i32>} : memref<64x128xf32, #tpu.memory_space<vmem>>, vector<16xf32>,
        %min3A_752 = arith.minimumf %max3A_747, %get3A_751 : vector<16xf32>
        %max3A_753 = arith.maximumf %max3A_746, %min3A_752 : vector<16xf32>
        %max3A_754 = arith.maximumf %max3A_747, %get3A_751 : vector<16xf32>
        %get3A_755 = arith.constant 59 : i32
        %get3A_756 = arith.index_cast %get3A_755 : i32 to index
        %get3A_757 = arith.index_cast %mul3A_360 : i32 to index
        %get3A_758 = tpu.vector_load %arg7[%get3A_756, %get3A_757] {strides = array<i32>} : memref<64x128xf32, #tpu.memory_space<vmem>>, vector<16xf32>,
        %min3A_759 = arith.minimumf %max3A_754, %get3A_758 : vector<16xf32>
        %max3A_760 = arith.maximumf %max3A_753, %min3A_759 : vector<16xf32>
        %max3A_761 = arith.maximumf %max3A_754, %get3A_758 : vector<16xf32>
        %get3A_762 = arith.constant 60 : i32
        %get3A_763 = arith.index_cast %get3A_762 : i32 to index
        %get3A_764 = arith.index_cast %mul3A_360 : i32 to index
        %get3A_765 = tpu.vector_load %arg7[%get3A_763, %get3A_764] {strides = array<i32>} : memref<64x128xf32, #tpu.memory_space<vmem>>, vector<16xf32>,
        %min3A_766 = arith.minimumf %max3A_761, %get3A_765 : vector<16xf32>
        %max3A_767 = arith.maximumf %max3A_760, %min3A_766 : vector<16xf32>
        %max3A_768 = arith.maximumf %max3A_761, %get3A_765 : vector<16xf32>
        %get3A_769 = arith.constant 61 : i32
        %get3A_770 = arith.index_cast %get3A_769 : i32 to index
        %get3A_771 = arith.index_cast %mul3A_360 : i32 to index
        %get3A_772 = tpu.vector_load %arg7[%get3A_770, %get3A_771] {strides = array<i32>} : memref<64x128xf32, #tpu.memory_space<vmem>>, vector<16xf32>,
        %min3A_773 = arith.minimumf %max3A_768, %get3A_772 : vector<16xf32>
        %max3A_774 = arith.maximumf %max3A_767, %min3A_773 : vector<16xf32>
        %max3A_775 = arith.maximumf %max3A_768, %get3A_772 : vector<16xf32>
        %get3A_776 = arith.constant 62 : i32
        %get3A_777 = arith.index_cast %get3A_776 : i32 to index
        %get3A_778 = arith.index_cast %mul3A_360 : i32 to index
        %get3A_779 = tpu.vector_load %arg7[%get3A_777, %get3A_778] {strides = array<i32>} : memref<64x128xf32, #tpu.memory_space<vmem>>, vector<16xf32>,
        %min3A_780 = arith.minimumf %max3A_775, %get3A_779 : vector<16xf32>
        %max3A_781 = arith.maximumf %max3A_774, %min3A_780 : vector<16xf32>
        %max3A_782 = arith.maximumf %max3A_775, %get3A_779 : vector<16xf32>
        %get3A_783 = arith.constant 63 : i32
        %get3A_784 = arith.index_cast %get3A_783 : i32 to index
        %get3A_785 = arith.index_cast %mul3A_360 : i32 to index
        %get3A_786 = tpu.vector_load %arg7[%get3A_784, %get3A_785] {strides = array<i32>} : memref<64x128xf32, #tpu.memory_space<vmem>>, vector<16xf32>,
        %min3A_787 = arith.minimumf %max3A_782, %get3A_786 : vector<16xf32>
        %max3A_788 = arith.maximumf %max3A_781, %min3A_787 : vector<16xf32>
        %max3A_789 = arith.maximumf %max3A_782, %get3A_786 : vector<16xf32>
        %add3A_790 = arith.addf %max3A_789, %max3A_788 : vector<16xf32>
        %gt3A = arith.cmpf ogt, %add3A_466, %add3A_412 : vector<16xf32>
        %convert_element_type3A = arith.extui %gt3A : vector<16xi1> to vector<16xi32>
        %gt3A_791 = arith.cmpf ogt, %add3A_520, %add3A_412 : vector<16xf32>
        %convert_element_type3A_792 = arith.extui %gt3A_791 : vector<16xi1> to vector<16xi32>
        %add3A_793 = arith.addi %convert_element_type3A, %convert_element_type3A_792 : vector<16xi32>
        %gt3A_794 = arith.cmpf ogt, %add3A_574, %add3A_412 : vector<16xf32>
        %convert_element_type3A_795 = arith.extui %gt3A_794 : vector<16xi1> to vector<16xi32>
        %add3A_796 = arith.addi %add3A_793, %convert_element_type3A_795 : vector<16xi32>
        %gt3A_797 = arith.cmpf ogt, %add3A_628, %add3A_412 : vector<16xf32>
        %convert_element_type3A_798 = arith.extui %gt3A_797 : vector<16xi1> to vector<16xi32>
        %add3A_799 = arith.addi %add3A_796, %convert_element_type3A_798 : vector<16xi32>
        %gt3A_800 = arith.cmpf ogt, %add3A_682, %add3A_412 : vector<16xf32>
        %convert_element_type3A_801 = arith.extui %gt3A_800 : vector<16xi1> to vector<16xi32>
        %add3A_802 = arith.addi %add3A_799, %convert_element_type3A_801 : vector<16xi32>
        %gt3A_803 = arith.cmpf ogt, %add3A_736, %add3A_412 : vector<16xf32>
        %convert_element_type3A_804 = arith.extui %gt3A_803 : vector<16xi1> to vector<16xi32>
        %add3A_805 = arith.addi %add3A_802, %convert_element_type3A_804 : vector<16xi32>
        %gt3A_806 = arith.cmpf ogt, %add3A_790, %add3A_412 : vector<16xf32>
        %convert_element_type3A_807 = arith.extui %gt3A_806 : vector<16xi1> to vector<16xi32>
        %add3A_808 = arith.addi %add3A_805, %convert_element_type3A_807 : vector<16xi32>
        %lt3A = arith.constant 4 : i32
        %lt3A_809 = vector.broadcast %lt3A : i32 to vector<16xi32>
        %lt3A_810 = arith.cmpi slt, %add3A_808, %lt3A_809 : vector<16xi32>
        %ge3A = arith.cmpf oge, %add3A_412, %add3A_466 : vector<16xf32>
        %convert_element_type3A_811 = arith.extui %ge3A : vector<16xi1> to vector<16xi32>
        %gt3A_812 = arith.cmpf ogt, %add3A_520, %add3A_466 : vector<16xf32>
        %convert_element_type3A_813 = arith.extui %gt3A_812 : vector<16xi1> to vector<16xi32>
        %add3A_814 = arith.addi %convert_element_type3A_811, %convert_element_type3A_813 : vector<16xi32>
        %gt3A_815 = arith.cmpf ogt, %add3A_574, %add3A_466 : vector<16xf32>
        %convert_element_type3A_816 = arith.extui %gt3A_815 : vector<16xi1> to vector<16xi32>
        %add3A_817 = arith.addi %add3A_814, %convert_element_type3A_816 : vector<16xi32>
        %gt3A_818 = arith.cmpf ogt, %add3A_628, %add3A_466 : vector<16xf32>
        %convert_element_type3A_819 = arith.extui %gt3A_818 : vector<16xi1> to vector<16xi32>
        %add3A_820 = arith.addi %add3A_817, %convert_element_type3A_819 : vector<16xi32>
        %gt3A_821 = arith.cmpf ogt, %add3A_682, %add3A_466 : vector<16xf32>
        %convert_element_type3A_822 = arith.extui %gt3A_821 : vector<16xi1> to vector<16xi32>
        %add3A_823 = arith.addi %add3A_820, %convert_element_type3A_822 : vector<16xi32>
        %gt3A_824 = arith.cmpf ogt, %add3A_736, %add3A_466 : vector<16xf32>
        %convert_element_type3A_825 = arith.extui %gt3A_824 : vector<16xi1> to vector<16xi32>
        %add3A_826 = arith.addi %add3A_823, %convert_element_type3A_825 : vector<16xi32>
        %gt3A_827 = arith.cmpf ogt, %add3A_790, %add3A_466 : vector<16xf32>
        %convert_element_type3A_828 = arith.extui %gt3A_827 : vector<16xi1> to vector<16xi32>
        %add3A_829 = arith.addi %add3A_826, %convert_element_type3A_828 : vector<16xi32>
        %lt3A_830 = arith.constant 4 : i32
        %lt3A_831 = vector.broadcast %lt3A_830 : i32 to vector<16xi32>
        %lt3A_832 = arith.cmpi slt, %add3A_829, %lt3A_831 : vector<16xi32>
        %ge3A_833 = arith.cmpf oge, %add3A_412, %add3A_520 : vector<16xf32>
        %convert_element_type3A_834 = arith.extui %ge3A_833 : vector<16xi1> to vector<16xi32>
        %ge3A_835 = arith.cmpf oge, %add3A_466, %add3A_520 : vector<16xf32>
        %convert_element_type3A_836 = arith.extui %ge3A_835 : vector<16xi1> to vector<16xi32>
        %add3A_837 = arith.addi %convert_element_type3A_834, %convert_element_type3A_836 : vector<16xi32>
        %gt3A_838 = arith.cmpf ogt, %add3A_574, %add3A_520 : vector<16xf32>
        %convert_element_type3A_839 = arith.extui %gt3A_838 : vector<16xi1> to vector<16xi32>
        %add3A_840 = arith.addi %add3A_837, %convert_element_type3A_839 : vector<16xi32>
        %gt3A_841 = arith.cmpf ogt, %add3A_628, %add3A_520 : vector<16xf32>
        %convert_element_type3A_842 = arith.extui %gt3A_841 : vector<16xi1> to vector<16xi32>
        %add3A_843 = arith.addi %add3A_840, %convert_element_type3A_842 : vector<16xi32>
        %gt3A_844 = arith.cmpf ogt, %add3A_682, %add3A_520 : vector<16xf32>
        %convert_element_type3A_845 = arith.extui %gt3A_844 : vector<16xi1> to vector<16xi32>
        %add3A_846 = arith.addi %add3A_843, %convert_element_type3A_845 : vector<16xi32>
        %gt3A_847 = arith.cmpf ogt, %add3A_736, %add3A_520 : vector<16xf32>
        %convert_element_type3A_848 = arith.extui %gt3A_847 : vector<16xi1> to vector<16xi32>
        %add3A_849 = arith.addi %add3A_846, %convert_element_type3A_848 : vector<16xi32>
        %gt3A_850 = arith.cmpf ogt, %add3A_790, %add3A_520 : vector<16xf32>
        %convert_element_type3A_851 = arith.extui %gt3A_850 : vector<16xi1> to vector<16xi32>
        %add3A_852 = arith.addi %add3A_849, %convert_element_type3A_851 : vector<16xi32>
        %lt3A_853 = arith.constant 4 : i32
        %lt3A_854 = vector.broadcast %lt3A_853 : i32 to vector<16xi32>
        %lt3A_855 = arith.cmpi slt, %add3A_852, %lt3A_854 : vector<16xi32>
        %ge3A_856 = arith.cmpf oge, %add3A_412, %add3A_574 : vector<16xf32>
        %convert_element_type3A_857 = arith.extui %ge3A_856 : vector<16xi1> to vector<16xi32>
        %ge3A_858 = arith.cmpf oge, %add3A_466, %add3A_574 : vector<16xf32>
        %convert_element_type3A_859 = arith.extui %ge3A_858 : vector<16xi1> to vector<16xi32>
        %add3A_860 = arith.addi %convert_element_type3A_857, %convert_element_type3A_859 : vector<16xi32>
        %ge3A_861 = arith.cmpf oge, %add3A_520, %add3A_574 : vector<16xf32>
        %convert_element_type3A_862 = arith.extui %ge3A_861 : vector<16xi1> to vector<16xi32>
        %add3A_863 = arith.addi %add3A_860, %convert_element_type3A_862 : vector<16xi32>
        %gt3A_864 = arith.cmpf ogt, %add3A_628, %add3A_574 : vector<16xf32>
        %convert_element_type3A_865 = arith.extui %gt3A_864 : vector<16xi1> to vector<16xi32>
        %add3A_866 = arith.addi %add3A_863, %convert_element_type3A_865 : vector<16xi32>
        %gt3A_867 = arith.cmpf ogt, %add3A_682, %add3A_574 : vector<16xf32>
        %convert_element_type3A_868 = arith.extui %gt3A_867 : vector<16xi1> to vector<16xi32>
        %add3A_869 = arith.addi %add3A_866, %convert_element_type3A_868 : vector<16xi32>
        %gt3A_870 = arith.cmpf ogt, %add3A_736, %add3A_574 : vector<16xf32>
        %convert_element_type3A_871 = arith.extui %gt3A_870 : vector<16xi1> to vector<16xi32>
        %add3A_872 = arith.addi %add3A_869, %convert_element_type3A_871 : vector<16xi32>
        %gt3A_873 = arith.cmpf ogt, %add3A_790, %add3A_574 : vector<16xf32>
        %convert_element_type3A_874 = arith.extui %gt3A_873 : vector<16xi1> to vector<16xi32>
        %add3A_875 = arith.addi %add3A_872, %convert_element_type3A_874 : vector<16xi32>
        %lt3A_876 = arith.constant 4 : i32
        %lt3A_877 = vector.broadcast %lt3A_876 : i32 to vector<16xi32>
        %lt3A_878 = arith.cmpi slt, %add3A_875, %lt3A_877 : vector<16xi32>
        %ge3A_879 = arith.cmpf oge, %add3A_412, %add3A_628 : vector<16xf32>
        %convert_element_type3A_880 = arith.extui %ge3A_879 : vector<16xi1> to vector<16xi32>
        %ge3A_881 = arith.cmpf oge, %add3A_466, %add3A_628 : vector<16xf32>
        %convert_element_type3A_882 = arith.extui %ge3A_881 : vector<16xi1> to vector<16xi32>
        %add3A_883 = arith.addi %convert_element_type3A_880, %convert_element_type3A_882 : vector<16xi32>
        %ge3A_884 = arith.cmpf oge, %add3A_520, %add3A_628 : vector<16xf32>
        %convert_element_type3A_885 = arith.extui %ge3A_884 : vector<16xi1> to vector<16xi32>
        %add3A_886 = arith.addi %add3A_883, %convert_element_type3A_885 : vector<16xi32>
        %ge3A_887 = arith.cmpf oge, %add3A_574, %add3A_628 : vector<16xf32>
        %convert_element_type3A_888 = arith.extui %ge3A_887 : vector<16xi1> to vector<16xi32>
        %add3A_889 = arith.addi %add3A_886, %convert_element_type3A_888 : vector<16xi32>
        %gt3A_890 = arith.cmpf ogt, %add3A_682, %add3A_628 : vector<16xf32>
        %convert_element_type3A_891 = arith.extui %gt3A_890 : vector<16xi1> to vector<16xi32>
        %add3A_892 = arith.addi %add3A_889, %convert_element_type3A_891 : vector<16xi32>
        %gt3A_893 = arith.cmpf ogt, %add3A_736, %add3A_628 : vector<16xf32>
        %convert_element_type3A_894 = arith.extui %gt3A_893 : vector<16xi1> to vector<16xi32>
        %add3A_895 = arith.addi %add3A_892, %convert_element_type3A_894 : vector<16xi32>
        %gt3A_896 = arith.cmpf ogt, %add3A_790, %add3A_628 : vector<16xf32>
        %convert_element_type3A_897 = arith.extui %gt3A_896 : vector<16xi1> to vector<16xi32>
        %add3A_898 = arith.addi %add3A_895, %convert_element_type3A_897 : vector<16xi32>
        %lt3A_899 = arith.constant 4 : i32
        %lt3A_900 = vector.broadcast %lt3A_899 : i32 to vector<16xi32>
        %lt3A_901 = arith.cmpi slt, %add3A_898, %lt3A_900 : vector<16xi32>
        %ge3A_902 = arith.cmpf oge, %add3A_412, %add3A_682 : vector<16xf32>
        %convert_element_type3A_903 = arith.extui %ge3A_902 : vector<16xi1> to vector<16xi32>
        %ge3A_904 = arith.cmpf oge, %add3A_466, %add3A_682 : vector<16xf32>
        %convert_element_type3A_905 = arith.extui %ge3A_904 : vector<16xi1> to vector<16xi32>
        %add3A_906 = arith.addi %convert_element_type3A_903, %convert_element_type3A_905 : vector<16xi32>
        %ge3A_907 = arith.cmpf oge, %add3A_520, %add3A_682 : vector<16xf32>
        %convert_element_type3A_908 = arith.extui %ge3A_907 : vector<16xi1> to vector<16xi32>
        %add3A_909 = arith.addi %add3A_906, %convert_element_type3A_908 : vector<16xi32>
        %ge3A_910 = arith.cmpf oge, %add3A_574, %add3A_682 : vector<16xf32>
        %convert_element_type3A_911 = arith.extui %ge3A_910 : vector<16xi1> to vector<16xi32>
        %add3A_912 = arith.addi %add3A_909, %convert_element_type3A_911 : vector<16xi32>
        %ge3A_913 = arith.cmpf oge, %add3A_628, %add3A_682 : vector<16xf32>
        %convert_element_type3A_914 = arith.extui %ge3A_913 : vector<16xi1> to vector<16xi32>
        %add3A_915 = arith.addi %add3A_912, %convert_element_type3A_914 : vector<16xi32>
        %gt3A_916 = arith.cmpf ogt, %add3A_736, %add3A_682 : vector<16xf32>
        %convert_element_type3A_917 = arith.extui %gt3A_916 : vector<16xi1> to vector<16xi32>
        %add3A_918 = arith.addi %add3A_915, %convert_element_type3A_917 : vector<16xi32>
        %gt3A_919 = arith.cmpf ogt, %add3A_790, %add3A_682 : vector<16xf32>
        %convert_element_type3A_920 = arith.extui %gt3A_919 : vector<16xi1> to vector<16xi32>
        %add3A_921 = arith.addi %add3A_918, %convert_element_type3A_920 : vector<16xi32>
        %lt3A_922 = arith.constant 4 : i32
        %lt3A_923 = vector.broadcast %lt3A_922 : i32 to vector<16xi32>
        %lt3A_924 = arith.cmpi slt, %add3A_921, %lt3A_923 : vector<16xi32>
        %ge3A_925 = arith.cmpf oge, %add3A_412, %add3A_736 : vector<16xf32>
        %convert_element_type3A_926 = arith.extui %ge3A_925 : vector<16xi1> to vector<16xi32>
        %ge3A_927 = arith.cmpf oge, %add3A_466, %add3A_736 : vector<16xf32>
        %convert_element_type3A_928 = arith.extui %ge3A_927 : vector<16xi1> to vector<16xi32>
        %add3A_929 = arith.addi %convert_element_type3A_926, %convert_element_type3A_928 : vector<16xi32>
        %ge3A_930 = arith.cmpf oge, %add3A_520, %add3A_736 : vector<16xf32>
        %convert_element_type3A_931 = arith.extui %ge3A_930 : vector<16xi1> to vector<16xi32>
        %add3A_932 = arith.addi %add3A_929, %convert_element_type3A_931 : vector<16xi32>
        %ge3A_933 = arith.cmpf oge, %add3A_574, %add3A_736 : vector<16xf32>
        %convert_element_type3A_934 = arith.extui %ge3A_933 : vector<16xi1> to vector<16xi32>
        %add3A_935 = arith.addi %add3A_932, %convert_element_type3A_934 : vector<16xi32>
        %ge3A_936 = arith.cmpf oge, %add3A_628, %add3A_736 : vector<16xf32>
        %convert_element_type3A_937 = arith.extui %ge3A_936 : vector<16xi1> to vector<16xi32>
        %add3A_938 = arith.addi %add3A_935, %convert_element_type3A_937 : vector<16xi32>
        %ge3A_939 = arith.cmpf oge, %add3A_682, %add3A_736 : vector<16xf32>
        %convert_element_type3A_940 = arith.extui %ge3A_939 : vector<16xi1> to vector<16xi32>
        %add3A_941 = arith.addi %add3A_938, %convert_element_type3A_940 : vector<16xi32>
        %gt3A_942 = arith.cmpf ogt, %add3A_790, %add3A_736 : vector<16xf32>
        %convert_element_type3A_943 = arith.extui %gt3A_942 : vector<16xi1> to vector<16xi32>
        %add3A_944 = arith.addi %add3A_941, %convert_element_type3A_943 : vector<16xi32>
        %lt3A_945 = arith.constant 4 : i32
        %lt3A_946 = vector.broadcast %lt3A_945 : i32 to vector<16xi32>
        %lt3A_947 = arith.cmpi slt, %add3A_944, %lt3A_946 : vector<16xi32>
        %ge3A_948 = arith.cmpf oge, %add3A_412, %add3A_790 : vector<16xf32>
        %convert_element_type3A_949 = arith.extui %ge3A_948 : vector<16xi1> to vector<16xi32>
        %ge3A_950 = arith.cmpf oge, %add3A_466, %add3A_790 : vector<16xf32>
        %convert_element_type3A_951 = arith.extui %ge3A_950 : vector<16xi1> to vector<16xi32>
        %add3A_952 = arith.addi %convert_element_type3A_949, %convert_element_type3A_951 : vector<16xi32>
        %ge3A_953 = arith.cmpf oge, %add3A_520, %add3A_790 : vector<16xf32>
        %convert_element_type3A_954 = arith.extui %ge3A_953 : vector<16xi1> to vector<16xi32>
        %add3A_955 = arith.addi %add3A_952, %convert_element_type3A_954 : vector<16xi32>
        %ge3A_956 = arith.cmpf oge, %add3A_574, %add3A_790 : vector<16xf32>
        %convert_element_type3A_957 = arith.extui %ge3A_956 : vector<16xi1> to vector<16xi32>
        %add3A_958 = arith.addi %add3A_955, %convert_element_type3A_957 : vector<16xi32>
        %ge3A_959 = arith.cmpf oge, %add3A_628, %add3A_790 : vector<16xf32>
        %convert_element_type3A_960 = arith.extui %ge3A_959 : vector<16xi1> to vector<16xi32>
        %add3A_961 = arith.addi %add3A_958, %convert_element_type3A_960 : vector<16xi32>
        %ge3A_962 = arith.cmpf oge, %add3A_682, %add3A_790 : vector<16xf32>
        %convert_element_type3A_963 = arith.extui %ge3A_962 : vector<16xi1> to vector<16xi32>
        %add3A_964 = arith.addi %add3A_961, %convert_element_type3A_963 : vector<16xi32>
        %ge3A_965 = arith.cmpf oge, %add3A_736, %add3A_790 : vector<16xf32>
        %convert_element_type3A_966 = arith.extui %ge3A_965 : vector<16xi1> to vector<16xi32>
        %add3A_967 = arith.addi %add3A_964, %convert_element_type3A_966 : vector<16xi32>
        %lt3A_968 = arith.constant 4 : i32
        %lt3A_969 = vector.broadcast %lt3A_968 : i32 to vector<16xi32>
        %lt3A_970 = arith.cmpi slt, %add3A_967, %lt3A_969 : vector<16xi32>
        %broadcast_in_dim3A_971 = arith.constant 1 : i32
        %broadcast_in_dim3A_972 = vector.broadcast %broadcast_in_dim3A_971 : i32 to vector<16xi32>
        %select_n3A = arith.select %lt3A_810, %broadcast_in_dim3A_972, %broadcast_in_dim3A_5 : vector<16xi1>, vector<16xi32>
        %broadcast_in_dim3A_973 = arith.constant 1 : i32
        %broadcast_in_dim3A_974 = vector.broadcast %broadcast_in_dim3A_973 : i32 to vector<16xi32>
        %select_n3A_975 = arith.select %lt3A_832, %broadcast_in_dim3A_974, %broadcast_in_dim3A_5 : vector<16xi1>, vector<16xi32>
        %broadcast_in_dim3A_976 = arith.constant 1 : i32
        %broadcast_in_dim3A_977 = vector.broadcast %broadcast_in_dim3A_976 : i32 to vector<16xi32>
        %select_n3A_978 = arith.select %lt3A_855, %broadcast_in_dim3A_977, %broadcast_in_dim3A_5 : vector<16xi1>, vector<16xi32>
        %broadcast_in_dim3A_979 = arith.constant 1 : i32
        %broadcast_in_dim3A_980 = vector.broadcast %broadcast_in_dim3A_979 : i32 to vector<16xi32>
        %select_n3A_981 = arith.select %lt3A_878, %broadcast_in_dim3A_980, %broadcast_in_dim3A_5 : vector<16xi1>, vector<16xi32>
        %broadcast_in_dim3A_982 = arith.constant 1 : i32
        %broadcast_in_dim3A_983 = vector.broadcast %broadcast_in_dim3A_982 : i32 to vector<16xi32>
        %select_n3A_984 = arith.select %lt3A_901, %broadcast_in_dim3A_983, %broadcast_in_dim3A_5 : vector<16xi1>, vector<16xi32>
        %broadcast_in_dim3A_985 = arith.constant 1 : i32
        %broadcast_in_dim3A_986 = vector.broadcast %broadcast_in_dim3A_985 : i32 to vector<16xi32>
        %select_n3A_987 = arith.select %lt3A_924, %broadcast_in_dim3A_986, %broadcast_in_dim3A_5 : vector<16xi1>, vector<16xi32>
        %broadcast_in_dim3A_988 = arith.constant 1 : i32
        %broadcast_in_dim3A_989 = vector.broadcast %broadcast_in_dim3A_988 : i32 to vector<16xi32>
        %select_n3A_990 = arith.select %lt3A_947, %broadcast_in_dim3A_989, %broadcast_in_dim3A_5 : vector<16xi1>, vector<16xi32>
        %broadcast_in_dim3A_991 = arith.constant 1 : i32
        %broadcast_in_dim3A_992 = vector.broadcast %broadcast_in_dim3A_991 : i32 to vector<16xi32>
        %select_n3A_993 = arith.select %lt3A_970, %broadcast_in_dim3A_992, %broadcast_in_dim3A_5 : vector<16xi1>, vector<16xi32>
        %add3A_994 = arith.addi %broadcast_in_dim3A_5, %select_n3A : vector<16xi32>
        %add3A_995 = arith.addi %add3A_994, %select_n3A_975 : vector<16xi32>
        %add3A_996 = arith.addi %add3A_995, %select_n3A_978 : vector<16xi32>
        %add3A_997 = arith.addi %add3A_996, %select_n3A_981 : vector<16xi32>
        %add3A_998 = arith.addi %add3A_997, %select_n3A_984 : vector<16xi32>
        %add3A_999 = arith.addi %add3A_998, %select_n3A_987 : vector<16xi32>
        %add3A_1000 = arith.addi %add3A_999, %select_n3A_990 : vector<16xi32>
        %broadcast_in_dim3A_1001 = arith.constant 0 : i32
        %broadcast_in_dim3A_1002 = vector.broadcast %broadcast_in_dim3A_1001 : i32 to vector<16xi32>
        %eq3A = arith.cmpi eq, %broadcast_in_dim3A_5, %broadcast_in_dim3A_1002 : vector<16xi32>
        %and3A = arith.andi %lt3A_810, %eq3A : vector<16xi1>
        %broadcast_in_dim3A_1003 = arith.constant 0 : i32
        %broadcast_in_dim3A_1004 = vector.broadcast %broadcast_in_dim3A_1003 : i32 to vector<16xi32>
        %select_n3A_1005 = arith.select %and3A, %broadcast_in_dim3A_1004, %broadcast_in_dim3A_5 : vector<16xi1>, vector<16xi32>
        %add3A_1006 = arith.addi %broadcast_in_dim3A_5, %select_n3A_1005 : vector<16xi32>
        %eq3A_1007 = arith.cmpi eq, %add3A_994, %broadcast_in_dim3A_1002 : vector<16xi32>
        %and3A_1008 = arith.andi %lt3A_832, %eq3A_1007 : vector<16xi1>
        %broadcast_in_dim3A_1009 = arith.constant 8 : i32
        %broadcast_in_dim3A_1010 = vector.broadcast %broadcast_in_dim3A_1009 : i32 to vector<16xi32>
        %select_n3A_1011 = arith.select %and3A_1008, %broadcast_in_dim3A_1010, %broadcast_in_dim3A_5 : vector<16xi1>, vector<16xi32>
        %add3A_1012 = arith.addi %add3A_1006, %select_n3A_1011 : vector<16xi32>
        %eq3A_1013 = arith.cmpi eq, %add3A_995, %broadcast_in_dim3A_1002 : vector<16xi32>
        %and3A_1014 = arith.andi %lt3A_855, %eq3A_1013 : vector<16xi1>
        %broadcast_in_dim3A_1015 = arith.constant 16 : i32
        %broadcast_in_dim3A_1016 = vector.broadcast %broadcast_in_dim3A_1015 : i32 to vector<16xi32>
        %select_n3A_1017 = arith.select %and3A_1014, %broadcast_in_dim3A_1016, %broadcast_in_dim3A_5 : vector<16xi1>, vector<16xi32>
        %add3A_1018 = arith.addi %add3A_1012, %select_n3A_1017 : vector<16xi32>
        %eq3A_1019 = arith.cmpi eq, %add3A_996, %broadcast_in_dim3A_1002 : vector<16xi32>
        %and3A_1020 = arith.andi %lt3A_878, %eq3A_1019 : vector<16xi1>
        %broadcast_in_dim3A_1021 = arith.constant 24 : i32
        %broadcast_in_dim3A_1022 = vector.broadcast %broadcast_in_dim3A_1021 : i32 to vector<16xi32>
        %select_n3A_1023 = arith.select %and3A_1020, %broadcast_in_dim3A_1022, %broadcast_in_dim3A_5 : vector<16xi1>, vector<16xi32>
        %add3A_1024 = arith.addi %add3A_1018, %select_n3A_1023 : vector<16xi32>
        %eq3A_1025 = arith.cmpi eq, %add3A_997, %broadcast_in_dim3A_1002 : vector<16xi32>
        %and3A_1026 = arith.andi %lt3A_901, %eq3A_1025 : vector<16xi1>
        %broadcast_in_dim3A_1027 = arith.constant 32 : i32
        %broadcast_in_dim3A_1028 = vector.broadcast %broadcast_in_dim3A_1027 : i32 to vector<16xi32>
        %select_n3A_1029 = arith.select %and3A_1026, %broadcast_in_dim3A_1028, %broadcast_in_dim3A_5 : vector<16xi1>, vector<16xi32>
        %add3A_1030 = arith.addi %add3A_1024, %select_n3A_1029 : vector<16xi32>
        %eq3A_1031 = arith.cmpi eq, %add3A_998, %broadcast_in_dim3A_1002 : vector<16xi32>
        %and3A_1032 = arith.andi %lt3A_924, %eq3A_1031 : vector<16xi1>
        %broadcast_in_dim3A_1033 = arith.constant 40 : i32
        %broadcast_in_dim3A_1034 = vector.broadcast %broadcast_in_dim3A_1033 : i32 to vector<16xi32>
        %select_n3A_1035 = arith.select %and3A_1032, %broadcast_in_dim3A_1034, %broadcast_in_dim3A_5 : vector<16xi1>, vector<16xi32>
        %add3A_1036 = arith.addi %add3A_1030, %select_n3A_1035 : vector<16xi32>
        %eq3A_1037 = arith.cmpi eq, %add3A_999, %broadcast_in_dim3A_1002 : vector<16xi32>
        %and3A_1038 = arith.andi %lt3A_947, %eq3A_1037 : vector<16xi1>
        %broadcast_in_dim3A_1039 = arith.constant 48 : i32
        %broadcast_in_dim3A_1040 = vector.broadcast %broadcast_in_dim3A_1039 : i32 to vector<16xi32>
        %select_n3A_1041 = arith.select %and3A_1038, %broadcast_in_dim3A_1040, %broadcast_in_dim3A_5 : vector<16xi1>, vector<16xi32>
        %add3A_1042 = arith.addi %add3A_1036, %select_n3A_1041 : vector<16xi32>
        %eq3A_1043 = arith.cmpi eq, %add3A_1000, %broadcast_in_dim3A_1002 : vector<16xi32>
        %and3A_1044 = arith.andi %lt3A_970, %eq3A_1043 : vector<16xi1>
        %broadcast_in_dim3A_1045 = arith.constant 56 : i32
        %broadcast_in_dim3A_1046 = vector.broadcast %broadcast_in_dim3A_1045 : i32 to vector<16xi32>
        %select_n3A_1047 = arith.select %and3A_1044, %broadcast_in_dim3A_1046, %broadcast_in_dim3A_5 : vector<16xi1>, vector<16xi32>
        %add3A_1048 = arith.addi %add3A_1042, %select_n3A_1047 : vector<16xi32>
        %broadcast_in_dim3A_1049 = arith.constant 1 : i32
        %broadcast_in_dim3A_1050 = vector.broadcast %broadcast_in_dim3A_1049 : i32 to vector<16xi32>
        %eq3A_1051 = arith.cmpi eq, %broadcast_in_dim3A_5, %broadcast_in_dim3A_1050 : vector<16xi32>
        %and3A_1052 = arith.andi %lt3A_810, %eq3A_1051 : vector<16xi1>
        %broadcast_in_dim3A_1053 = arith.constant 0 : i32
        %broadcast_in_dim3A_1054 = vector.broadcast %broadcast_in_dim3A_1053 : i32 to vector<16xi32>
        %select_n3A_1055 = arith.select %and3A_1052, %broadcast_in_dim3A_1054, %broadcast_in_dim3A_5 : vector<16xi1>, vector<16xi32>
        %add3A_1056 = arith.addi %broadcast_in_dim3A_5, %select_n3A_1055 : vector<16xi32>
        %eq3A_1057 = arith.cmpi eq, %add3A_994, %broadcast_in_dim3A_1050 : vector<16xi32>
        %and3A_1058 = arith.andi %lt3A_832, %eq3A_1057 : vector<16xi1>
        %broadcast_in_dim3A_1059 = arith.constant 8 : i32
        %broadcast_in_dim3A_1060 = vector.broadcast %broadcast_in_dim3A_1059 : i32 to vector<16xi32>
        %select_n3A_1061 = arith.select %and3A_1058, %broadcast_in_dim3A_1060, %broadcast_in_dim3A_5 : vector<16xi1>, vector<16xi32>
        %add3A_1062 = arith.addi %add3A_1056, %select_n3A_1061 : vector<16xi32>
        %eq3A_1063 = arith.cmpi eq, %add3A_995, %broadcast_in_dim3A_1050 : vector<16xi32>
        %and3A_1064 = arith.andi %lt3A_855, %eq3A_1063 : vector<16xi1>
        %broadcast_in_dim3A_1065 = arith.constant 16 : i32
        %broadcast_in_dim3A_1066 = vector.broadcast %broadcast_in_dim3A_1065 : i32 to vector<16xi32>
        %select_n3A_1067 = arith.select %and3A_1064, %broadcast_in_dim3A_1066, %broadcast_in_dim3A_5 : vector<16xi1>, vector<16xi32>
        %add3A_1068 = arith.addi %add3A_1062, %select_n3A_1067 : vector<16xi32>
        %eq3A_1069 = arith.cmpi eq, %add3A_996, %broadcast_in_dim3A_1050 : vector<16xi32>
        %and3A_1070 = arith.andi %lt3A_878, %eq3A_1069 : vector<16xi1>
        %broadcast_in_dim3A_1071 = arith.constant 24 : i32
        %broadcast_in_dim3A_1072 = vector.broadcast %broadcast_in_dim3A_1071 : i32 to vector<16xi32>
        %select_n3A_1073 = arith.select %and3A_1070, %broadcast_in_dim3A_1072, %broadcast_in_dim3A_5 : vector<16xi1>, vector<16xi32>
        %add3A_1074 = arith.addi %add3A_1068, %select_n3A_1073 : vector<16xi32>
        %eq3A_1075 = arith.cmpi eq, %add3A_997, %broadcast_in_dim3A_1050 : vector<16xi32>
        %and3A_1076 = arith.andi %lt3A_901, %eq3A_1075 : vector<16xi1>
        %broadcast_in_dim3A_1077 = arith.constant 32 : i32
        %broadcast_in_dim3A_1078 = vector.broadcast %broadcast_in_dim3A_1077 : i32 to vector<16xi32>
        %select_n3A_1079 = arith.select %and3A_1076, %broadcast_in_dim3A_1078, %broadcast_in_dim3A_5 : vector<16xi1>, vector<16xi32>
        %add3A_1080 = arith.addi %add3A_1074, %select_n3A_1079 : vector<16xi32>
        %eq3A_1081 = arith.cmpi eq, %add3A_998, %broadcast_in_dim3A_1050 : vector<16xi32>
        %and3A_1082 = arith.andi %lt3A_924, %eq3A_1081 : vector<16xi1>
        %broadcast_in_dim3A_1083 = arith.constant 40 : i32
        %broadcast_in_dim3A_1084 = vector.broadcast %broadcast_in_dim3A_1083 : i32 to vector<16xi32>
        %select_n3A_1085 = arith.select %and3A_1082, %broadcast_in_dim3A_1084, %broadcast_in_dim3A_5 : vector<16xi1>, vector<16xi32>
        %add3A_1086 = arith.addi %add3A_1080, %select_n3A_1085 : vector<16xi32>
        %eq3A_1087 = arith.cmpi eq, %add3A_999, %broadcast_in_dim3A_1050 : vector<16xi32>
        %and3A_1088 = arith.andi %lt3A_947, %eq3A_1087 : vector<16xi1>
        %broadcast_in_dim3A_1089 = arith.constant 48 : i32
        %broadcast_in_dim3A_1090 = vector.broadcast %broadcast_in_dim3A_1089 : i32 to vector<16xi32>
        %select_n3A_1091 = arith.select %and3A_1088, %broadcast_in_dim3A_1090, %broadcast_in_dim3A_5 : vector<16xi1>, vector<16xi32>
        %add3A_1092 = arith.addi %add3A_1086, %select_n3A_1091 : vector<16xi32>
        %eq3A_1093 = arith.cmpi eq, %add3A_1000, %broadcast_in_dim3A_1050 : vector<16xi32>
        %and3A_1094 = arith.andi %lt3A_970, %eq3A_1093 : vector<16xi1>
        %broadcast_in_dim3A_1095 = arith.constant 56 : i32
        %broadcast_in_dim3A_1096 = vector.broadcast %broadcast_in_dim3A_1095 : i32 to vector<16xi32>
        %select_n3A_1097 = arith.select %and3A_1094, %broadcast_in_dim3A_1096, %broadcast_in_dim3A_5 : vector<16xi1>, vector<16xi32>
        %add3A_1098 = arith.addi %add3A_1092, %select_n3A_1097 : vector<16xi32>
        %broadcast_in_dim3A_1099 = arith.constant 2 : i32
        %broadcast_in_dim3A_1100 = vector.broadcast %broadcast_in_dim3A_1099 : i32 to vector<16xi32>
        %eq3A_1101 = arith.cmpi eq, %broadcast_in_dim3A_5, %broadcast_in_dim3A_1100 : vector<16xi32>
        %and3A_1102 = arith.andi %lt3A_810, %eq3A_1101 : vector<16xi1>
        %broadcast_in_dim3A_1103 = arith.constant 0 : i32
        %broadcast_in_dim3A_1104 = vector.broadcast %broadcast_in_dim3A_1103 : i32 to vector<16xi32>
        %select_n3A_1105 = arith.select %and3A_1102, %broadcast_in_dim3A_1104, %broadcast_in_dim3A_5 : vector<16xi1>, vector<16xi32>
        %add3A_1106 = arith.addi %broadcast_in_dim3A_5, %select_n3A_1105 : vector<16xi32>
        %eq3A_1107 = arith.cmpi eq, %add3A_994, %broadcast_in_dim3A_1100 : vector<16xi32>
        %and3A_1108 = arith.andi %lt3A_832, %eq3A_1107 : vector<16xi1>
        %broadcast_in_dim3A_1109 = arith.constant 8 : i32
        %broadcast_in_dim3A_1110 = vector.broadcast %broadcast_in_dim3A_1109 : i32 to vector<16xi32>
        %select_n3A_1111 = arith.select %and3A_1108, %broadcast_in_dim3A_1110, %broadcast_in_dim3A_5 : vector<16xi1>, vector<16xi32>
        %add3A_1112 = arith.addi %add3A_1106, %select_n3A_1111 : vector<16xi32>
        %eq3A_1113 = arith.cmpi eq, %add3A_995, %broadcast_in_dim3A_1100 : vector<16xi32>
        %and3A_1114 = arith.andi %lt3A_855, %eq3A_1113 : vector<16xi1>
        %broadcast_in_dim3A_1115 = arith.constant 16 : i32
        %broadcast_in_dim3A_1116 = vector.broadcast %broadcast_in_dim3A_1115 : i32 to vector<16xi32>
        %select_n3A_1117 = arith.select %and3A_1114, %broadcast_in_dim3A_1116, %broadcast_in_dim3A_5 : vector<16xi1>, vector<16xi32>
        %add3A_1118 = arith.addi %add3A_1112, %select_n3A_1117 : vector<16xi32>
        %eq3A_1119 = arith.cmpi eq, %add3A_996, %broadcast_in_dim3A_1100 : vector<16xi32>
        %and3A_1120 = arith.andi %lt3A_878, %eq3A_1119 : vector<16xi1>
        %broadcast_in_dim3A_1121 = arith.constant 24 : i32
        %broadcast_in_dim3A_1122 = vector.broadcast %broadcast_in_dim3A_1121 : i32 to vector<16xi32>
        %select_n3A_1123 = arith.select %and3A_1120, %broadcast_in_dim3A_1122, %broadcast_in_dim3A_5 : vector<16xi1>, vector<16xi32>
        %add3A_1124 = arith.addi %add3A_1118, %select_n3A_1123 : vector<16xi32>
        %eq3A_1125 = arith.cmpi eq, %add3A_997, %broadcast_in_dim3A_1100 : vector<16xi32>
        %and3A_1126 = arith.andi %lt3A_901, %eq3A_1125 : vector<16xi1>
        %broadcast_in_dim3A_1127 = arith.constant 32 : i32
        %broadcast_in_dim3A_1128 = vector.broadcast %broadcast_in_dim3A_1127 : i32 to vector<16xi32>
        %select_n3A_1129 = arith.select %and3A_1126, %broadcast_in_dim3A_1128, %broadcast_in_dim3A_5 : vector<16xi1>, vector<16xi32>
        %add3A_1130 = arith.addi %add3A_1124, %select_n3A_1129 : vector<16xi32>
        %eq3A_1131 = arith.cmpi eq, %add3A_998, %broadcast_in_dim3A_1100 : vector<16xi32>
        %and3A_1132 = arith.andi %lt3A_924, %eq3A_1131 : vector<16xi1>
        %broadcast_in_dim3A_1133 = arith.constant 40 : i32
        %broadcast_in_dim3A_1134 = vector.broadcast %broadcast_in_dim3A_1133 : i32 to vector<16xi32>
        %select_n3A_1135 = arith.select %and3A_1132, %broadcast_in_dim3A_1134, %broadcast_in_dim3A_5 : vector<16xi1>, vector<16xi32>
        %add3A_1136 = arith.addi %add3A_1130, %select_n3A_1135 : vector<16xi32>
        %eq3A_1137 = arith.cmpi eq, %add3A_999, %broadcast_in_dim3A_1100 : vector<16xi32>
        %and3A_1138 = arith.andi %lt3A_947, %eq3A_1137 : vector<16xi1>
        %broadcast_in_dim3A_1139 = arith.constant 48 : i32
        %broadcast_in_dim3A_1140 = vector.broadcast %broadcast_in_dim3A_1139 : i32 to vector<16xi32>
        %select_n3A_1141 = arith.select %and3A_1138, %broadcast_in_dim3A_1140, %broadcast_in_dim3A_5 : vector<16xi1>, vector<16xi32>
        %add3A_1142 = arith.addi %add3A_1136, %select_n3A_1141 : vector<16xi32>
        %eq3A_1143 = arith.cmpi eq, %add3A_1000, %broadcast_in_dim3A_1100 : vector<16xi32>
        %and3A_1144 = arith.andi %lt3A_970, %eq3A_1143 : vector<16xi1>
        %broadcast_in_dim3A_1145 = arith.constant 56 : i32
        %broadcast_in_dim3A_1146 = vector.broadcast %broadcast_in_dim3A_1145 : i32 to vector<16xi32>
        %select_n3A_1147 = arith.select %and3A_1144, %broadcast_in_dim3A_1146, %broadcast_in_dim3A_5 : vector<16xi1>, vector<16xi32>
        %add3A_1148 = arith.addi %add3A_1142, %select_n3A_1147 : vector<16xi32>
        %broadcast_in_dim3A_1149 = arith.constant 3 : i32
        %broadcast_in_dim3A_1150 = vector.broadcast %broadcast_in_dim3A_1149 : i32 to vector<16xi32>
        %eq3A_1151 = arith.cmpi eq, %broadcast_in_dim3A_5, %broadcast_in_dim3A_1150 : vector<16xi32>
        %and3A_1152 = arith.andi %lt3A_810, %eq3A_1151 : vector<16xi1>
        %broadcast_in_dim3A_1153 = arith.constant 0 : i32
        %broadcast_in_dim3A_1154 = vector.broadcast %broadcast_in_dim3A_1153 : i32 to vector<16xi32>
        %select_n3A_1155 = arith.select %and3A_1152, %broadcast_in_dim3A_1154, %broadcast_in_dim3A_5 : vector<16xi1>, vector<16xi32>
        %add3A_1156 = arith.addi %broadcast_in_dim3A_5, %select_n3A_1155 : vector<16xi32>
        %eq3A_1157 = arith.cmpi eq, %add3A_994, %broadcast_in_dim3A_1150 : vector<16xi32>
        %and3A_1158 = arith.andi %lt3A_832, %eq3A_1157 : vector<16xi1>
        %broadcast_in_dim3A_1159 = arith.constant 8 : i32
        %broadcast_in_dim3A_1160 = vector.broadcast %broadcast_in_dim3A_1159 : i32 to vector<16xi32>
        %select_n3A_1161 = arith.select %and3A_1158, %broadcast_in_dim3A_1160, %broadcast_in_dim3A_5 : vector<16xi1>, vector<16xi32>
        %add3A_1162 = arith.addi %add3A_1156, %select_n3A_1161 : vector<16xi32>
        %eq3A_1163 = arith.cmpi eq, %add3A_995, %broadcast_in_dim3A_1150 : vector<16xi32>
        %and3A_1164 = arith.andi %lt3A_855, %eq3A_1163 : vector<16xi1>
        %broadcast_in_dim3A_1165 = arith.constant 16 : i32
        %broadcast_in_dim3A_1166 = vector.broadcast %broadcast_in_dim3A_1165 : i32 to vector<16xi32>
        %select_n3A_1167 = arith.select %and3A_1164, %broadcast_in_dim3A_1166, %broadcast_in_dim3A_5 : vector<16xi1>, vector<16xi32>
        %add3A_1168 = arith.addi %add3A_1162, %select_n3A_1167 : vector<16xi32>
        %eq3A_1169 = arith.cmpi eq, %add3A_996, %broadcast_in_dim3A_1150 : vector<16xi32>
        %and3A_1170 = arith.andi %lt3A_878, %eq3A_1169 : vector<16xi1>
        %broadcast_in_dim3A_1171 = arith.constant 24 : i32
        %broadcast_in_dim3A_1172 = vector.broadcast %broadcast_in_dim3A_1171 : i32 to vector<16xi32>
        %select_n3A_1173 = arith.select %and3A_1170, %broadcast_in_dim3A_1172, %broadcast_in_dim3A_5 : vector<16xi1>, vector<16xi32>
        %add3A_1174 = arith.addi %add3A_1168, %select_n3A_1173 : vector<16xi32>
        %eq3A_1175 = arith.cmpi eq, %add3A_997, %broadcast_in_dim3A_1150 : vector<16xi32>
        %and3A_1176 = arith.andi %lt3A_901, %eq3A_1175 : vector<16xi1>
        %broadcast_in_dim3A_1177 = arith.constant 32 : i32
        %broadcast_in_dim3A_1178 = vector.broadcast %broadcast_in_dim3A_1177 : i32 to vector<16xi32>
        %select_n3A_1179 = arith.select %and3A_1176, %broadcast_in_dim3A_1178, %broadcast_in_dim3A_5 : vector<16xi1>, vector<16xi32>
        %add3A_1180 = arith.addi %add3A_1174, %select_n3A_1179 : vector<16xi32>
        %eq3A_1181 = arith.cmpi eq, %add3A_998, %broadcast_in_dim3A_1150 : vector<16xi32>
        %and3A_1182 = arith.andi %lt3A_924, %eq3A_1181 : vector<16xi1>
        %broadcast_in_dim3A_1183 = arith.constant 40 : i32
        %broadcast_in_dim3A_1184 = vector.broadcast %broadcast_in_dim3A_1183 : i32 to vector<16xi32>
        %select_n3A_1185 = arith.select %and3A_1182, %broadcast_in_dim3A_1184, %broadcast_in_dim3A_5 : vector<16xi1>, vector<16xi32>
        %add3A_1186 = arith.addi %add3A_1180, %select_n3A_1185 : vector<16xi32>
        %eq3A_1187 = arith.cmpi eq, %add3A_999, %broadcast_in_dim3A_1150 : vector<16xi32>
        %and3A_1188 = arith.andi %lt3A_947, %eq3A_1187 : vector<16xi1>
        %broadcast_in_dim3A_1189 = arith.constant 48 : i32
        %broadcast_in_dim3A_1190 = vector.broadcast %broadcast_in_dim3A_1189 : i32 to vector<16xi32>
        %select_n3A_1191 = arith.select %and3A_1188, %broadcast_in_dim3A_1190, %broadcast_in_dim3A_5 : vector<16xi1>, vector<16xi32>
        %add3A_1192 = arith.addi %add3A_1186, %select_n3A_1191 : vector<16xi32>
        %eq3A_1193 = arith.cmpi eq, %add3A_1000, %broadcast_in_dim3A_1150 : vector<16xi32>
        %and3A_1194 = arith.andi %lt3A_970, %eq3A_1193 : vector<16xi1>
        %broadcast_in_dim3A_1195 = arith.constant 56 : i32
        %broadcast_in_dim3A_1196 = vector.broadcast %broadcast_in_dim3A_1195 : i32 to vector<16xi32>
        %select_n3A_1197 = arith.select %and3A_1194, %broadcast_in_dim3A_1196, %broadcast_in_dim3A_5 : vector<16xi1>, vector<16xi32>
        %add3A_1198 = arith.addi %add3A_1192, %select_n3A_1197 : vector<16xi32>
        %broadcast_in_dim3A_1199 = arith.constant 0 : i32
        %broadcast_in_dim3A_1200 = vector.broadcast %broadcast_in_dim3A_1199 : i32 to vector<16xi32>
        %add3A_1201 = arith.addi %add3A_1048, %broadcast_in_dim3A_1200 : vector<16xi32>
        %gather3A = tpu.vector_load_idx %arg7[%add3A_1201, %scan3A_358] : memref<64x128xf32, #tpu.memory_space<vmem>>[vector<16xi32>, vector<16xi32>], vector<16xf32>,
        %broadcast_in_dim3A_1202 = arith.constant 1 : i32
        %broadcast_in_dim3A_1203 = vector.broadcast %broadcast_in_dim3A_1202 : i32 to vector<16xi32>
        %add3A_1204 = arith.addi %add3A_1048, %broadcast_in_dim3A_1203 : vector<16xi32>
        %gather3A_1205 = tpu.vector_load_idx %arg7[%add3A_1204, %scan3A_358] : memref<64x128xf32, #tpu.memory_space<vmem>>[vector<16xi32>, vector<16xi32>], vector<16xf32>,
        %broadcast_in_dim3A_1206 = arith.constant 2 : i32
        %broadcast_in_dim3A_1207 = vector.broadcast %broadcast_in_dim3A_1206 : i32 to vector<16xi32>
        %add3A_1208 = arith.addi %add3A_1048, %broadcast_in_dim3A_1207 : vector<16xi32>
        %gather3A_1209 = tpu.vector_load_idx %arg7[%add3A_1208, %scan3A_358] : memref<64x128xf32, #tpu.memory_space<vmem>>[vector<16xi32>, vector<16xi32>], vector<16xf32>,
        %broadcast_in_dim3A_1210 = arith.constant 3 : i32
        %broadcast_in_dim3A_1211 = vector.broadcast %broadcast_in_dim3A_1210 : i32 to vector<16xi32>
        %add3A_1212 = arith.addi %add3A_1048, %broadcast_in_dim3A_1211 : vector<16xi32>
        %gather3A_1213 = tpu.vector_load_idx %arg7[%add3A_1212, %scan3A_358] : memref<64x128xf32, #tpu.memory_space<vmem>>[vector<16xi32>, vector<16xi32>], vector<16xf32>,
        %broadcast_in_dim3A_1214 = arith.constant 4 : i32
        %broadcast_in_dim3A_1215 = vector.broadcast %broadcast_in_dim3A_1214 : i32 to vector<16xi32>
        %add3A_1216 = arith.addi %add3A_1048, %broadcast_in_dim3A_1215 : vector<16xi32>
        %gather3A_1217 = tpu.vector_load_idx %arg7[%add3A_1216, %scan3A_358] : memref<64x128xf32, #tpu.memory_space<vmem>>[vector<16xi32>, vector<16xi32>], vector<16xf32>,
        %broadcast_in_dim3A_1218 = arith.constant 5 : i32
        %broadcast_in_dim3A_1219 = vector.broadcast %broadcast_in_dim3A_1218 : i32 to vector<16xi32>
        %add3A_1220 = arith.addi %add3A_1048, %broadcast_in_dim3A_1219 : vector<16xi32>
        %gather3A_1221 = tpu.vector_load_idx %arg7[%add3A_1220, %scan3A_358] : memref<64x128xf32, #tpu.memory_space<vmem>>[vector<16xi32>, vector<16xi32>], vector<16xf32>,
        %broadcast_in_dim3A_1222 = arith.constant 6 : i32
        %broadcast_in_dim3A_1223 = vector.broadcast %broadcast_in_dim3A_1222 : i32 to vector<16xi32>
        %add3A_1224 = arith.addi %add3A_1048, %broadcast_in_dim3A_1223 : vector<16xi32>
        %gather3A_1225 = tpu.vector_load_idx %arg7[%add3A_1224, %scan3A_358] : memref<64x128xf32, #tpu.memory_space<vmem>>[vector<16xi32>, vector<16xi32>], vector<16xf32>,
        %broadcast_in_dim3A_1226 = arith.constant 7 : i32
        %broadcast_in_dim3A_1227 = vector.broadcast %broadcast_in_dim3A_1226 : i32 to vector<16xi32>
        %add3A_1228 = arith.addi %add3A_1048, %broadcast_in_dim3A_1227 : vector<16xi32>
        %gather3A_1229 = tpu.vector_load_idx %arg7[%add3A_1228, %scan3A_358] : memref<64x128xf32, #tpu.memory_space<vmem>>[vector<16xi32>, vector<16xi32>], vector<16xf32>,
        %broadcast_in_dim3A_1230 = arith.constant 0 : i32
        %broadcast_in_dim3A_1231 = vector.broadcast %broadcast_in_dim3A_1230 : i32 to vector<16xi32>
        %add3A_1232 = arith.addi %add3A_1098, %broadcast_in_dim3A_1231 : vector<16xi32>
        %gather3A_1233 = tpu.vector_load_idx %arg7[%add3A_1232, %scan3A_358] : memref<64x128xf32, #tpu.memory_space<vmem>>[vector<16xi32>, vector<16xi32>], vector<16xf32>,
        %broadcast_in_dim3A_1234 = arith.constant 1 : i32
        %broadcast_in_dim3A_1235 = vector.broadcast %broadcast_in_dim3A_1234 : i32 to vector<16xi32>
        %add3A_1236 = arith.addi %add3A_1098, %broadcast_in_dim3A_1235 : vector<16xi32>
        %gather3A_1237 = tpu.vector_load_idx %arg7[%add3A_1236, %scan3A_358] : memref<64x128xf32, #tpu.memory_space<vmem>>[vector<16xi32>, vector<16xi32>], vector<16xf32>,
        %broadcast_in_dim3A_1238 = arith.constant 2 : i32
        %broadcast_in_dim3A_1239 = vector.broadcast %broadcast_in_dim3A_1238 : i32 to vector<16xi32>
        %add3A_1240 = arith.addi %add3A_1098, %broadcast_in_dim3A_1239 : vector<16xi32>
        %gather3A_1241 = tpu.vector_load_idx %arg7[%add3A_1240, %scan3A_358] : memref<64x128xf32, #tpu.memory_space<vmem>>[vector<16xi32>, vector<16xi32>], vector<16xf32>,
        %broadcast_in_dim3A_1242 = arith.constant 3 : i32
        %broadcast_in_dim3A_1243 = vector.broadcast %broadcast_in_dim3A_1242 : i32 to vector<16xi32>
        %add3A_1244 = arith.addi %add3A_1098, %broadcast_in_dim3A_1243 : vector<16xi32>
        %gather3A_1245 = tpu.vector_load_idx %arg7[%add3A_1244, %scan3A_358] : memref<64x128xf32, #tpu.memory_space<vmem>>[vector<16xi32>, vector<16xi32>], vector<16xf32>,
        %broadcast_in_dim3A_1246 = arith.constant 4 : i32
        %broadcast_in_dim3A_1247 = vector.broadcast %broadcast_in_dim3A_1246 : i32 to vector<16xi32>
        %add3A_1248 = arith.addi %add3A_1098, %broadcast_in_dim3A_1247 : vector<16xi32>
        %gather3A_1249 = tpu.vector_load_idx %arg7[%add3A_1248, %scan3A_358] : memref<64x128xf32, #tpu.memory_space<vmem>>[vector<16xi32>, vector<16xi32>], vector<16xf32>,
        %broadcast_in_dim3A_1250 = arith.constant 5 : i32
        %broadcast_in_dim3A_1251 = vector.broadcast %broadcast_in_dim3A_1250 : i32 to vector<16xi32>
        %add3A_1252 = arith.addi %add3A_1098, %broadcast_in_dim3A_1251 : vector<16xi32>
        %gather3A_1253 = tpu.vector_load_idx %arg7[%add3A_1252, %scan3A_358] : memref<64x128xf32, #tpu.memory_space<vmem>>[vector<16xi32>, vector<16xi32>], vector<16xf32>,
        %broadcast_in_dim3A_1254 = arith.constant 6 : i32
        %broadcast_in_dim3A_1255 = vector.broadcast %broadcast_in_dim3A_1254 : i32 to vector<16xi32>
        %add3A_1256 = arith.addi %add3A_1098, %broadcast_in_dim3A_1255 : vector<16xi32>
        %gather3A_1257 = tpu.vector_load_idx %arg7[%add3A_1256, %scan3A_358] : memref<64x128xf32, #tpu.memory_space<vmem>>[vector<16xi32>, vector<16xi32>], vector<16xf32>,
        %broadcast_in_dim3A_1258 = arith.constant 7 : i32
        %broadcast_in_dim3A_1259 = vector.broadcast %broadcast_in_dim3A_1258 : i32 to vector<16xi32>
        %add3A_1260 = arith.addi %add3A_1098, %broadcast_in_dim3A_1259 : vector<16xi32>
        %gather3A_1261 = tpu.vector_load_idx %arg7[%add3A_1260, %scan3A_358] : memref<64x128xf32, #tpu.memory_space<vmem>>[vector<16xi32>, vector<16xi32>], vector<16xf32>,
        %broadcast_in_dim3A_1262 = arith.constant 0 : i32
        %broadcast_in_dim3A_1263 = vector.broadcast %broadcast_in_dim3A_1262 : i32 to vector<16xi32>
        %add3A_1264 = arith.addi %add3A_1148, %broadcast_in_dim3A_1263 : vector<16xi32>
        %gather3A_1265 = tpu.vector_load_idx %arg7[%add3A_1264, %scan3A_358] : memref<64x128xf32, #tpu.memory_space<vmem>>[vector<16xi32>, vector<16xi32>], vector<16xf32>,
        %broadcast_in_dim3A_1266 = arith.constant 1 : i32
        %broadcast_in_dim3A_1267 = vector.broadcast %broadcast_in_dim3A_1266 : i32 to vector<16xi32>
        %add3A_1268 = arith.addi %add3A_1148, %broadcast_in_dim3A_1267 : vector<16xi32>
        %gather3A_1269 = tpu.vector_load_idx %arg7[%add3A_1268, %scan3A_358] : memref<64x128xf32, #tpu.memory_space<vmem>>[vector<16xi32>, vector<16xi32>], vector<16xf32>,
        %broadcast_in_dim3A_1270 = arith.constant 2 : i32
        %broadcast_in_dim3A_1271 = vector.broadcast %broadcast_in_dim3A_1270 : i32 to vector<16xi32>
        %add3A_1272 = arith.addi %add3A_1148, %broadcast_in_dim3A_1271 : vector<16xi32>
        %gather3A_1273 = tpu.vector_load_idx %arg7[%add3A_1272, %scan3A_358] : memref<64x128xf32, #tpu.memory_space<vmem>>[vector<16xi32>, vector<16xi32>], vector<16xf32>,
        %broadcast_in_dim3A_1274 = arith.constant 3 : i32
        %broadcast_in_dim3A_1275 = vector.broadcast %broadcast_in_dim3A_1274 : i32 to vector<16xi32>
        %add3A_1276 = arith.addi %add3A_1148, %broadcast_in_dim3A_1275 : vector<16xi32>
        %gather3A_1277 = tpu.vector_load_idx %arg7[%add3A_1276, %scan3A_358] : memref<64x128xf32, #tpu.memory_space<vmem>>[vector<16xi32>, vector<16xi32>], vector<16xf32>,
        %broadcast_in_dim3A_1278 = arith.constant 4 : i32
        %broadcast_in_dim3A_1279 = vector.broadcast %broadcast_in_dim3A_1278 : i32 to vector<16xi32>
        %add3A_1280 = arith.addi %add3A_1148, %broadcast_in_dim3A_1279 : vector<16xi32>
        %gather3A_1281 = tpu.vector_load_idx %arg7[%add3A_1280, %scan3A_358] : memref<64x128xf32, #tpu.memory_space<vmem>>[vector<16xi32>, vector<16xi32>], vector<16xf32>,
        %broadcast_in_dim3A_1282 = arith.constant 5 : i32
        %broadcast_in_dim3A_1283 = vector.broadcast %broadcast_in_dim3A_1282 : i32 to vector<16xi32>
        %add3A_1284 = arith.addi %add3A_1148, %broadcast_in_dim3A_1283 : vector<16xi32>
        %gather3A_1285 = tpu.vector_load_idx %arg7[%add3A_1284, %scan3A_358] : memref<64x128xf32, #tpu.memory_space<vmem>>[vector<16xi32>, vector<16xi32>], vector<16xf32>,
        %broadcast_in_dim3A_1286 = arith.constant 6 : i32
        %broadcast_in_dim3A_1287 = vector.broadcast %broadcast_in_dim3A_1286 : i32 to vector<16xi32>
        %add3A_1288 = arith.addi %add3A_1148, %broadcast_in_dim3A_1287 : vector<16xi32>
        %gather3A_1289 = tpu.vector_load_idx %arg7[%add3A_1288, %scan3A_358] : memref<64x128xf32, #tpu.memory_space<vmem>>[vector<16xi32>, vector<16xi32>], vector<16xf32>,
        %broadcast_in_dim3A_1290 = arith.constant 7 : i32
        %broadcast_in_dim3A_1291 = vector.broadcast %broadcast_in_dim3A_1290 : i32 to vector<16xi32>
        %add3A_1292 = arith.addi %add3A_1148, %broadcast_in_dim3A_1291 : vector<16xi32>
        %gather3A_1293 = tpu.vector_load_idx %arg7[%add3A_1292, %scan3A_358] : memref<64x128xf32, #tpu.memory_space<vmem>>[vector<16xi32>, vector<16xi32>], vector<16xf32>,
        %broadcast_in_dim3A_1294 = arith.constant 0 : i32
        %broadcast_in_dim3A_1295 = vector.broadcast %broadcast_in_dim3A_1294 : i32 to vector<16xi32>
        %add3A_1296 = arith.addi %add3A_1198, %broadcast_in_dim3A_1295 : vector<16xi32>
        %gather3A_1297 = tpu.vector_load_idx %arg7[%add3A_1296, %scan3A_358] : memref<64x128xf32, #tpu.memory_space<vmem>>[vector<16xi32>, vector<16xi32>], vector<16xf32>,
        %broadcast_in_dim3A_1298 = arith.constant 1 : i32
        %broadcast_in_dim3A_1299 = vector.broadcast %broadcast_in_dim3A_1298 : i32 to vector<16xi32>
        %add3A_1300 = arith.addi %add3A_1198, %broadcast_in_dim3A_1299 : vector<16xi32>
        %gather3A_1301 = tpu.vector_load_idx %arg7[%add3A_1300, %scan3A_358] : memref<64x128xf32, #tpu.memory_space<vmem>>[vector<16xi32>, vector<16xi32>], vector<16xf32>,
        %broadcast_in_dim3A_1302 = arith.constant 2 : i32
        %broadcast_in_dim3A_1303 = vector.broadcast %broadcast_in_dim3A_1302 : i32 to vector<16xi32>
        %add3A_1304 = arith.addi %add3A_1198, %broadcast_in_dim3A_1303 : vector<16xi32>
        %gather3A_1305 = tpu.vector_load_idx %arg7[%add3A_1304, %scan3A_358] : memref<64x128xf32, #tpu.memory_space<vmem>>[vector<16xi32>, vector<16xi32>], vector<16xf32>,
        %broadcast_in_dim3A_1306 = arith.constant 3 : i32
        %broadcast_in_dim3A_1307 = vector.broadcast %broadcast_in_dim3A_1306 : i32 to vector<16xi32>
        %add3A_1308 = arith.addi %add3A_1198, %broadcast_in_dim3A_1307 : vector<16xi32>
        %gather3A_1309 = tpu.vector_load_idx %arg7[%add3A_1308, %scan3A_358] : memref<64x128xf32, #tpu.memory_space<vmem>>[vector<16xi32>, vector<16xi32>], vector<16xf32>,
        %broadcast_in_dim3A_1310 = arith.constant 4 : i32
        %broadcast_in_dim3A_1311 = vector.broadcast %broadcast_in_dim3A_1310 : i32 to vector<16xi32>
        %add3A_1312 = arith.addi %add3A_1198, %broadcast_in_dim3A_1311 : vector<16xi32>
        %gather3A_1313 = tpu.vector_load_idx %arg7[%add3A_1312, %scan3A_358] : memref<64x128xf32, #tpu.memory_space<vmem>>[vector<16xi32>, vector<16xi32>], vector<16xf32>,
        %broadcast_in_dim3A_1314 = arith.constant 5 : i32
        %broadcast_in_dim3A_1315 = vector.broadcast %broadcast_in_dim3A_1314 : i32 to vector<16xi32>
        %add3A_1316 = arith.addi %add3A_1198, %broadcast_in_dim3A_1315 : vector<16xi32>
        %gather3A_1317 = tpu.vector_load_idx %arg7[%add3A_1316, %scan3A_358] : memref<64x128xf32, #tpu.memory_space<vmem>>[vector<16xi32>, vector<16xi32>], vector<16xf32>,
        %broadcast_in_dim3A_1318 = arith.constant 6 : i32
        %broadcast_in_dim3A_1319 = vector.broadcast %broadcast_in_dim3A_1318 : i32 to vector<16xi32>
        %add3A_1320 = arith.addi %add3A_1198, %broadcast_in_dim3A_1319 : vector<16xi32>
        %gather3A_1321 = tpu.vector_load_idx %arg7[%add3A_1320, %scan3A_358] : memref<64x128xf32, #tpu.memory_space<vmem>>[vector<16xi32>, vector<16xi32>], vector<16xf32>,
        %broadcast_in_dim3A_1322 = arith.constant 7 : i32
        %broadcast_in_dim3A_1323 = vector.broadcast %broadcast_in_dim3A_1322 : i32 to vector<16xi32>
        %add3A_1324 = arith.addi %add3A_1198, %broadcast_in_dim3A_1323 : vector<16xi32>
        %gather3A_1325 = tpu.vector_load_idx %arg7[%add3A_1324, %scan3A_358] : memref<64x128xf32, #tpu.memory_space<vmem>>[vector<16xi32>, vector<16xi32>], vector<16xf32>,
        %ge3A_1326 = arith.cmpf oge, %gather3A, %gather3A_1205 : vector<16xf32>
        %select_n3A_1327 = arith.select %ge3A_1326, %gather3A, %gather3A_1205 : vector<16xi1>, vector<16xf32>
        %select_n3A_1328 = arith.select %ge3A_1326, %add3A_1201, %add3A_1204 : vector<16xi1>, vector<16xi32>
        %ge3A_1329 = arith.cmpf oge, %gather3A_1209, %gather3A_1213 : vector<16xf32>
        %select_n3A_1330 = arith.select %ge3A_1329, %gather3A_1209, %gather3A_1213 : vector<16xi1>, vector<16xf32>
        %select_n3A_1331 = arith.select %ge3A_1329, %add3A_1208, %add3A_1212 : vector<16xi1>, vector<16xi32>
        %ge3A_1332 = arith.cmpf oge, %gather3A_1217, %gather3A_1221 : vector<16xf32>
        %select_n3A_1333 = arith.select %ge3A_1332, %gather3A_1217, %gather3A_1221 : vector<16xi1>, vector<16xf32>
        %select_n3A_1334 = arith.select %ge3A_1332, %add3A_1216, %add3A_1220 : vector<16xi1>, vector<16xi32>
        %ge3A_1335 = arith.cmpf oge, %gather3A_1225, %gather3A_1229 : vector<16xf32>
        %select_n3A_1336 = arith.select %ge3A_1335, %gather3A_1225, %gather3A_1229 : vector<16xi1>, vector<16xf32>
        %select_n3A_1337 = arith.select %ge3A_1335, %add3A_1224, %add3A_1228 : vector<16xi1>, vector<16xi32>
        %ge3A_1338 = arith.cmpf oge, %gather3A_1233, %gather3A_1237 : vector<16xf32>
        %select_n3A_1339 = arith.select %ge3A_1338, %gather3A_1233, %gather3A_1237 : vector<16xi1>, vector<16xf32>
        %select_n3A_1340 = arith.select %ge3A_1338, %add3A_1232, %add3A_1236 : vector<16xi1>, vector<16xi32>
        %ge3A_1341 = arith.cmpf oge, %gather3A_1241, %gather3A_1245 : vector<16xf32>
        %select_n3A_1342 = arith.select %ge3A_1341, %gather3A_1241, %gather3A_1245 : vector<16xi1>, vector<16xf32>
        %select_n3A_1343 = arith.select %ge3A_1341, %add3A_1240, %add3A_1244 : vector<16xi1>, vector<16xi32>
        %ge3A_1344 = arith.cmpf oge, %gather3A_1249, %gather3A_1253 : vector<16xf32>
        %select_n3A_1345 = arith.select %ge3A_1344, %gather3A_1249, %gather3A_1253 : vector<16xi1>, vector<16xf32>
        %select_n3A_1346 = arith.select %ge3A_1344, %add3A_1248, %add3A_1252 : vector<16xi1>, vector<16xi32>
        %ge3A_1347 = arith.cmpf oge, %gather3A_1257, %gather3A_1261 : vector<16xf32>
        %select_n3A_1348 = arith.select %ge3A_1347, %gather3A_1257, %gather3A_1261 : vector<16xi1>, vector<16xf32>
        %select_n3A_1349 = arith.select %ge3A_1347, %add3A_1256, %add3A_1260 : vector<16xi1>, vector<16xi32>
        %ge3A_1350 = arith.cmpf oge, %gather3A_1265, %gather3A_1269 : vector<16xf32>
        %select_n3A_1351 = arith.select %ge3A_1350, %gather3A_1265, %gather3A_1269 : vector<16xi1>, vector<16xf32>
        %select_n3A_1352 = arith.select %ge3A_1350, %add3A_1264, %add3A_1268 : vector<16xi1>, vector<16xi32>
        %ge3A_1353 = arith.cmpf oge, %gather3A_1273, %gather3A_1277 : vector<16xf32>
        %select_n3A_1354 = arith.select %ge3A_1353, %gather3A_1273, %gather3A_1277 : vector<16xi1>, vector<16xf32>
        %select_n3A_1355 = arith.select %ge3A_1353, %add3A_1272, %add3A_1276 : vector<16xi1>, vector<16xi32>
        %ge3A_1356 = arith.cmpf oge, %gather3A_1281, %gather3A_1285 : vector<16xf32>
        %select_n3A_1357 = arith.select %ge3A_1356, %gather3A_1281, %gather3A_1285 : vector<16xi1>, vector<16xf32>
        %select_n3A_1358 = arith.select %ge3A_1356, %add3A_1280, %add3A_1284 : vector<16xi1>, vector<16xi32>
        %ge3A_1359 = arith.cmpf oge, %gather3A_1289, %gather3A_1293 : vector<16xf32>
        %select_n3A_1360 = arith.select %ge3A_1359, %gather3A_1289, %gather3A_1293 : vector<16xi1>, vector<16xf32>
        %select_n3A_1361 = arith.select %ge3A_1359, %add3A_1288, %add3A_1292 : vector<16xi1>, vector<16xi32>
        %ge3A_1362 = arith.cmpf oge, %gather3A_1297, %gather3A_1301 : vector<16xf32>
        %select_n3A_1363 = arith.select %ge3A_1362, %gather3A_1297, %gather3A_1301 : vector<16xi1>, vector<16xf32>
        %select_n3A_1364 = arith.select %ge3A_1362, %add3A_1296, %add3A_1300 : vector<16xi1>, vector<16xi32>
        %ge3A_1365 = arith.cmpf oge, %gather3A_1305, %gather3A_1309 : vector<16xf32>
        %select_n3A_1366 = arith.select %ge3A_1365, %gather3A_1305, %gather3A_1309 : vector<16xi1>, vector<16xf32>
        %select_n3A_1367 = arith.select %ge3A_1365, %add3A_1304, %add3A_1308 : vector<16xi1>, vector<16xi32>
        %ge3A_1368 = arith.cmpf oge, %gather3A_1313, %gather3A_1317 : vector<16xf32>
        %select_n3A_1369 = arith.select %ge3A_1368, %gather3A_1313, %gather3A_1317 : vector<16xi1>, vector<16xf32>
        %select_n3A_1370 = arith.select %ge3A_1368, %add3A_1312, %add3A_1316 : vector<16xi1>, vector<16xi32>
        %ge3A_1371 = arith.cmpf oge, %gather3A_1321, %gather3A_1325 : vector<16xf32>
        %select_n3A_1372 = arith.select %ge3A_1371, %gather3A_1321, %gather3A_1325 : vector<16xi1>, vector<16xf32>
        %select_n3A_1373 = arith.select %ge3A_1371, %add3A_1320, %add3A_1324 : vector<16xi1>, vector<16xi32>
        %ge3A_1374 = arith.cmpf oge, %select_n3A_1327, %select_n3A_1330 : vector<16xf32>
        %select_n3A_1375 = arith.select %ge3A_1374, %select_n3A_1327, %select_n3A_1330 : vector<16xi1>, vector<16xf32>
        %select_n3A_1376 = arith.select %ge3A_1374, %select_n3A_1328, %select_n3A_1331 : vector<16xi1>, vector<16xi32>
        %ge3A_1377 = arith.cmpf oge, %select_n3A_1333, %select_n3A_1336 : vector<16xf32>
        %select_n3A_1378 = arith.select %ge3A_1377, %select_n3A_1333, %select_n3A_1336 : vector<16xi1>, vector<16xf32>
        %select_n3A_1379 = arith.select %ge3A_1377, %select_n3A_1334, %select_n3A_1337 : vector<16xi1>, vector<16xi32>
        %ge3A_1380 = arith.cmpf oge, %select_n3A_1339, %select_n3A_1342 : vector<16xf32>
        %select_n3A_1381 = arith.select %ge3A_1380, %select_n3A_1339, %select_n3A_1342 : vector<16xi1>, vector<16xf32>
        %select_n3A_1382 = arith.select %ge3A_1380, %select_n3A_1340, %select_n3A_1343 : vector<16xi1>, vector<16xi32>
        %ge3A_1383 = arith.cmpf oge, %select_n3A_1345, %select_n3A_1348 : vector<16xf32>
        %select_n3A_1384 = arith.select %ge3A_1383, %select_n3A_1345, %select_n3A_1348 : vector<16xi1>, vector<16xf32>
        %select_n3A_1385 = arith.select %ge3A_1383, %select_n3A_1346, %select_n3A_1349 : vector<16xi1>, vector<16xi32>
        %ge3A_1386 = arith.cmpf oge, %select_n3A_1351, %select_n3A_1354 : vector<16xf32>
        %select_n3A_1387 = arith.select %ge3A_1386, %select_n3A_1351, %select_n3A_1354 : vector<16xi1>, vector<16xf32>
        %select_n3A_1388 = arith.select %ge3A_1386, %select_n3A_1352, %select_n3A_1355 : vector<16xi1>, vector<16xi32>
        %ge3A_1389 = arith.cmpf oge, %select_n3A_1357, %select_n3A_1360 : vector<16xf32>
        %select_n3A_1390 = arith.select %ge3A_1389, %select_n3A_1357, %select_n3A_1360 : vector<16xi1>, vector<16xf32>
        %select_n3A_1391 = arith.select %ge3A_1389, %select_n3A_1358, %select_n3A_1361 : vector<16xi1>, vector<16xi32>
        %ge3A_1392 = arith.cmpf oge, %select_n3A_1363, %select_n3A_1366 : vector<16xf32>
        %select_n3A_1393 = arith.select %ge3A_1392, %select_n3A_1363, %select_n3A_1366 : vector<16xi1>, vector<16xf32>
        %select_n3A_1394 = arith.select %ge3A_1392, %select_n3A_1364, %select_n3A_1367 : vector<16xi1>, vector<16xi32>
        %ge3A_1395 = arith.cmpf oge, %select_n3A_1369, %select_n3A_1372 : vector<16xf32>
        %select_n3A_1396 = arith.select %ge3A_1395, %select_n3A_1369, %select_n3A_1372 : vector<16xi1>, vector<16xf32>
        %select_n3A_1397 = arith.select %ge3A_1395, %select_n3A_1370, %select_n3A_1373 : vector<16xi1>, vector<16xi32>
        %ge3A_1398 = arith.cmpf oge, %select_n3A_1375, %select_n3A_1378 : vector<16xf32>
        %select_n3A_1399 = arith.select %ge3A_1398, %select_n3A_1375, %select_n3A_1378 : vector<16xi1>, vector<16xf32>
        %select_n3A_1400 = arith.select %ge3A_1398, %select_n3A_1376, %select_n3A_1379 : vector<16xi1>, vector<16xi32>
        %ge3A_1401 = arith.cmpf oge, %select_n3A_1381, %select_n3A_1384 : vector<16xf32>
        %select_n3A_1402 = arith.select %ge3A_1401, %select_n3A_1381, %select_n3A_1384 : vector<16xi1>, vector<16xf32>
        %select_n3A_1403 = arith.select %ge3A_1401, %select_n3A_1382, %select_n3A_1385 : vector<16xi1>, vector<16xi32>
        %ge3A_1404 = arith.cmpf oge, %select_n3A_1387, %select_n3A_1390 : vector<16xf32>
        %select_n3A_1405 = arith.select %ge3A_1404, %select_n3A_1387, %select_n3A_1390 : vector<16xi1>, vector<16xf32>
        %select_n3A_1406 = arith.select %ge3A_1404, %select_n3A_1388, %select_n3A_1391 : vector<16xi1>, vector<16xi32>
        %ge3A_1407 = arith.cmpf oge, %select_n3A_1393, %select_n3A_1396 : vector<16xf32>
        %select_n3A_1408 = arith.select %ge3A_1407, %select_n3A_1393, %select_n3A_1396 : vector<16xi1>, vector<16xf32>
        %select_n3A_1409 = arith.select %ge3A_1407, %select_n3A_1394, %select_n3A_1397 : vector<16xi1>, vector<16xi32>
        %ge3A_1410 = arith.cmpf oge, %select_n3A_1399, %select_n3A_1402 : vector<16xf32>
        %select_n3A_1411 = arith.select %ge3A_1410, %select_n3A_1399, %select_n3A_1402 : vector<16xi1>, vector<16xf32>
        %select_n3A_1412 = arith.select %ge3A_1410, %select_n3A_1400, %select_n3A_1403 : vector<16xi1>, vector<16xi32>
        %ge3A_1413 = arith.cmpf oge, %select_n3A_1405, %select_n3A_1408 : vector<16xf32>
        %select_n3A_1414 = arith.select %ge3A_1413, %select_n3A_1405, %select_n3A_1408 : vector<16xi1>, vector<16xf32>
        %select_n3A_1415 = arith.select %ge3A_1413, %select_n3A_1406, %select_n3A_1409 : vector<16xi1>, vector<16xi32>
        %ge3A_1416 = arith.cmpf oge, %select_n3A_1411, %select_n3A_1414 : vector<16xf32>
        %select_n3A_1417 = arith.select %ge3A_1416, %select_n3A_1411, %select_n3A_1414 : vector<16xi1>, vector<16xf32>
        %select_n3A_1418 = arith.select %ge3A_1416, %select_n3A_1412, %select_n3A_1415 : vector<16xi1>, vector<16xi32>
        %gather3A_1419 = tpu.vector_load_idx %arg8[%select_n3A_1418] : memref<64xf32, #tpu.memory_space<vmem>>[vector<16xi32>], vector<16xf32>,
        %sub3A = arith.subf %select_n3A_1417, %gather3A_1419 : vector<16xf32>
        %add3A_1420 = arith.addi %mul3A_12, %select_n3A_1418 : vector<16xi32>
        tpu.vector_store_idx %arg11[%add3A_1420], %broadcast_in_dim3A_3 {add = true} : memref<1024xf32, #tpu.memory_space<vmem>>[vector<16xi32>], vector<16xf32>,
        %eq3A_1421 = arith.cmpi eq, %add3A_1201, %select_n3A_1418 : vector<16xi32>
        %select_n3A_1422 = arith.select %eq3A_1421, %broadcast_in_dim3A_7, %gather3A : vector<16xi1>, vector<16xf32>
        %eq3A_1423 = arith.cmpi eq, %add3A_1204, %select_n3A_1418 : vector<16xi32>
        %select_n3A_1424 = arith.select %eq3A_1423, %broadcast_in_dim3A_7, %gather3A_1205 : vector<16xi1>, vector<16xf32>
        %eq3A_1425 = arith.cmpi eq, %add3A_1208, %select_n3A_1418 : vector<16xi32>
        %select_n3A_1426 = arith.select %eq3A_1425, %broadcast_in_dim3A_7, %gather3A_1209 : vector<16xi1>, vector<16xf32>
        %eq3A_1427 = arith.cmpi eq, %add3A_1212, %select_n3A_1418 : vector<16xi32>
        %select_n3A_1428 = arith.select %eq3A_1427, %broadcast_in_dim3A_7, %gather3A_1213 : vector<16xi1>, vector<16xf32>
        %eq3A_1429 = arith.cmpi eq, %add3A_1216, %select_n3A_1418 : vector<16xi32>
        %select_n3A_1430 = arith.select %eq3A_1429, %broadcast_in_dim3A_7, %gather3A_1217 : vector<16xi1>, vector<16xf32>
        %eq3A_1431 = arith.cmpi eq, %add3A_1220, %select_n3A_1418 : vector<16xi32>
        %select_n3A_1432 = arith.select %eq3A_1431, %broadcast_in_dim3A_7, %gather3A_1221 : vector<16xi1>, vector<16xf32>
        %eq3A_1433 = arith.cmpi eq, %add3A_1224, %select_n3A_1418 : vector<16xi32>
        %select_n3A_1434 = arith.select %eq3A_1433, %broadcast_in_dim3A_7, %gather3A_1225 : vector<16xi1>, vector<16xf32>
        %eq3A_1435 = arith.cmpi eq, %add3A_1228, %select_n3A_1418 : vector<16xi32>
        %select_n3A_1436 = arith.select %eq3A_1435, %broadcast_in_dim3A_7, %gather3A_1229 : vector<16xi1>, vector<16xf32>
        %eq3A_1437 = arith.cmpi eq, %add3A_1232, %select_n3A_1418 : vector<16xi32>
        %select_n3A_1438 = arith.select %eq3A_1437, %broadcast_in_dim3A_7, %gather3A_1233 : vector<16xi1>, vector<16xf32>
        %eq3A_1439 = arith.cmpi eq, %add3A_1236, %select_n3A_1418 : vector<16xi32>
        %select_n3A_1440 = arith.select %eq3A_1439, %broadcast_in_dim3A_7, %gather3A_1237 : vector<16xi1>, vector<16xf32>
        %eq3A_1441 = arith.cmpi eq, %add3A_1240, %select_n3A_1418 : vector<16xi32>
        %select_n3A_1442 = arith.select %eq3A_1441, %broadcast_in_dim3A_7, %gather3A_1241 : vector<16xi1>, vector<16xf32>
        %eq3A_1443 = arith.cmpi eq, %add3A_1244, %select_n3A_1418 : vector<16xi32>
        %select_n3A_1444 = arith.select %eq3A_1443, %broadcast_in_dim3A_7, %gather3A_1245 : vector<16xi1>, vector<16xf32>
        %eq3A_1445 = arith.cmpi eq, %add3A_1248, %select_n3A_1418 : vector<16xi32>
        %select_n3A_1446 = arith.select %eq3A_1445, %broadcast_in_dim3A_7, %gather3A_1249 : vector<16xi1>, vector<16xf32>
        %eq3A_1447 = arith.cmpi eq, %add3A_1252, %select_n3A_1418 : vector<16xi32>
        %select_n3A_1448 = arith.select %eq3A_1447, %broadcast_in_dim3A_7, %gather3A_1253 : vector<16xi1>, vector<16xf32>
        %eq3A_1449 = arith.cmpi eq, %add3A_1256, %select_n3A_1418 : vector<16xi32>
        %select_n3A_1450 = arith.select %eq3A_1449, %broadcast_in_dim3A_7, %gather3A_1257 : vector<16xi1>, vector<16xf32>
        %eq3A_1451 = arith.cmpi eq, %add3A_1260, %select_n3A_1418 : vector<16xi32>
        %select_n3A_1452 = arith.select %eq3A_1451, %broadcast_in_dim3A_7, %gather3A_1261 : vector<16xi1>, vector<16xf32>
        %eq3A_1453 = arith.cmpi eq, %add3A_1264, %select_n3A_1418 : vector<16xi32>
        %select_n3A_1454 = arith.select %eq3A_1453, %broadcast_in_dim3A_7, %gather3A_1265 : vector<16xi1>, vector<16xf32>
        %eq3A_1455 = arith.cmpi eq, %add3A_1268, %select_n3A_1418 : vector<16xi32>
        %select_n3A_1456 = arith.select %eq3A_1455, %broadcast_in_dim3A_7, %gather3A_1269 : vector<16xi1>, vector<16xf32>
        %eq3A_1457 = arith.cmpi eq, %add3A_1272, %select_n3A_1418 : vector<16xi32>
        %select_n3A_1458 = arith.select %eq3A_1457, %broadcast_in_dim3A_7, %gather3A_1273 : vector<16xi1>, vector<16xf32>
        %eq3A_1459 = arith.cmpi eq, %add3A_1276, %select_n3A_1418 : vector<16xi32>
        %select_n3A_1460 = arith.select %eq3A_1459, %broadcast_in_dim3A_7, %gather3A_1277 : vector<16xi1>, vector<16xf32>
        %eq3A_1461 = arith.cmpi eq, %add3A_1280, %select_n3A_1418 : vector<16xi32>
        %select_n3A_1462 = arith.select %eq3A_1461, %broadcast_in_dim3A_7, %gather3A_1281 : vector<16xi1>, vector<16xf32>
        %eq3A_1463 = arith.cmpi eq, %add3A_1284, %select_n3A_1418 : vector<16xi32>
        %select_n3A_1464 = arith.select %eq3A_1463, %broadcast_in_dim3A_7, %gather3A_1285 : vector<16xi1>, vector<16xf32>
        %eq3A_1465 = arith.cmpi eq, %add3A_1288, %select_n3A_1418 : vector<16xi32>
        %select_n3A_1466 = arith.select %eq3A_1465, %broadcast_in_dim3A_7, %gather3A_1289 : vector<16xi1>, vector<16xf32>
        %eq3A_1467 = arith.cmpi eq, %add3A_1292, %select_n3A_1418 : vector<16xi32>
        %select_n3A_1468 = arith.select %eq3A_1467, %broadcast_in_dim3A_7, %gather3A_1293 : vector<16xi1>, vector<16xf32>
        %eq3A_1469 = arith.cmpi eq, %add3A_1296, %select_n3A_1418 : vector<16xi32>
        %select_n3A_1470 = arith.select %eq3A_1469, %broadcast_in_dim3A_7, %gather3A_1297 : vector<16xi1>, vector<16xf32>
        %eq3A_1471 = arith.cmpi eq, %add3A_1300, %select_n3A_1418 : vector<16xi32>
        %select_n3A_1472 = arith.select %eq3A_1471, %broadcast_in_dim3A_7, %gather3A_1301 : vector<16xi1>, vector<16xf32>
        %eq3A_1473 = arith.cmpi eq, %add3A_1304, %select_n3A_1418 : vector<16xi32>
        %select_n3A_1474 = arith.select %eq3A_1473, %broadcast_in_dim3A_7, %gather3A_1305 : vector<16xi1>, vector<16xf32>
        %eq3A_1475 = arith.cmpi eq, %add3A_1308, %select_n3A_1418 : vector<16xi32>
        %select_n3A_1476 = arith.select %eq3A_1475, %broadcast_in_dim3A_7, %gather3A_1309 : vector<16xi1>, vector<16xf32>
        %eq3A_1477 = arith.cmpi eq, %add3A_1312, %select_n3A_1418 : vector<16xi32>
        %select_n3A_1478 = arith.select %eq3A_1477, %broadcast_in_dim3A_7, %gather3A_1313 : vector<16xi1>, vector<16xf32>
        %eq3A_1479 = arith.cmpi eq, %add3A_1316, %select_n3A_1418 : vector<16xi32>
        %select_n3A_1480 = arith.select %eq3A_1479, %broadcast_in_dim3A_7, %gather3A_1317 : vector<16xi1>, vector<16xf32>
        %eq3A_1481 = arith.cmpi eq, %add3A_1320, %select_n3A_1418 : vector<16xi32>
        %select_n3A_1482 = arith.select %eq3A_1481, %broadcast_in_dim3A_7, %gather3A_1321 : vector<16xi1>, vector<16xf32>
        %eq3A_1483 = arith.cmpi eq, %add3A_1324, %select_n3A_1418 : vector<16xi32>
        %select_n3A_1484 = arith.select %eq3A_1483, %broadcast_in_dim3A_7, %gather3A_1325 : vector<16xi1>, vector<16xf32>
        %ge3A_1485 = arith.cmpf oge, %select_n3A_1422, %select_n3A_1424 : vector<16xf32>
        %select_n3A_1486 = arith.select %ge3A_1485, %select_n3A_1422, %select_n3A_1424 : vector<16xi1>, vector<16xf32>
        %select_n3A_1487 = arith.select %ge3A_1485, %add3A_1201, %add3A_1204 : vector<16xi1>, vector<16xi32>
        %ge3A_1488 = arith.cmpf oge, %select_n3A_1426, %select_n3A_1428 : vector<16xf32>
        %select_n3A_1489 = arith.select %ge3A_1488, %select_n3A_1426, %select_n3A_1428 : vector<16xi1>, vector<16xf32>
        %select_n3A_1490 = arith.select %ge3A_1488, %add3A_1208, %add3A_1212 : vector<16xi1>, vector<16xi32>
        %ge3A_1491 = arith.cmpf oge, %select_n3A_1430, %select_n3A_1432 : vector<16xf32>
        %select_n3A_1492 = arith.select %ge3A_1491, %select_n3A_1430, %select_n3A_1432 : vector<16xi1>, vector<16xf32>
        %select_n3A_1493 = arith.select %ge3A_1491, %add3A_1216, %add3A_1220 : vector<16xi1>, vector<16xi32>
        %ge3A_1494 = arith.cmpf oge, %select_n3A_1434, %select_n3A_1436 : vector<16xf32>
        %select_n3A_1495 = arith.select %ge3A_1494, %select_n3A_1434, %select_n3A_1436 : vector<16xi1>, vector<16xf32>
        %select_n3A_1496 = arith.select %ge3A_1494, %add3A_1224, %add3A_1228 : vector<16xi1>, vector<16xi32>
        %ge3A_1497 = arith.cmpf oge, %select_n3A_1438, %select_n3A_1440 : vector<16xf32>
        %select_n3A_1498 = arith.select %ge3A_1497, %select_n3A_1438, %select_n3A_1440 : vector<16xi1>, vector<16xf32>
        %select_n3A_1499 = arith.select %ge3A_1497, %add3A_1232, %add3A_1236 : vector<16xi1>, vector<16xi32>
        %ge3A_1500 = arith.cmpf oge, %select_n3A_1442, %select_n3A_1444 : vector<16xf32>
        %select_n3A_1501 = arith.select %ge3A_1500, %select_n3A_1442, %select_n3A_1444 : vector<16xi1>, vector<16xf32>
        %select_n3A_1502 = arith.select %ge3A_1500, %add3A_1240, %add3A_1244 : vector<16xi1>, vector<16xi32>
        %ge3A_1503 = arith.cmpf oge, %select_n3A_1446, %select_n3A_1448 : vector<16xf32>
        %select_n3A_1504 = arith.select %ge3A_1503, %select_n3A_1446, %select_n3A_1448 : vector<16xi1>, vector<16xf32>
        %select_n3A_1505 = arith.select %ge3A_1503, %add3A_1248, %add3A_1252 : vector<16xi1>, vector<16xi32>
        %ge3A_1506 = arith.cmpf oge, %select_n3A_1450, %select_n3A_1452 : vector<16xf32>
        %select_n3A_1507 = arith.select %ge3A_1506, %select_n3A_1450, %select_n3A_1452 : vector<16xi1>, vector<16xf32>
        %select_n3A_1508 = arith.select %ge3A_1506, %add3A_1256, %add3A_1260 : vector<16xi1>, vector<16xi32>
        %ge3A_1509 = arith.cmpf oge, %select_n3A_1454, %select_n3A_1456 : vector<16xf32>
        %select_n3A_1510 = arith.select %ge3A_1509, %select_n3A_1454, %select_n3A_1456 : vector<16xi1>, vector<16xf32>
        %select_n3A_1511 = arith.select %ge3A_1509, %add3A_1264, %add3A_1268 : vector<16xi1>, vector<16xi32>
        %ge3A_1512 = arith.cmpf oge, %select_n3A_1458, %select_n3A_1460 : vector<16xf32>
        %select_n3A_1513 = arith.select %ge3A_1512, %select_n3A_1458, %select_n3A_1460 : vector<16xi1>, vector<16xf32>
        %select_n3A_1514 = arith.select %ge3A_1512, %add3A_1272, %add3A_1276 : vector<16xi1>, vector<16xi32>
        %ge3A_1515 = arith.cmpf oge, %select_n3A_1462, %select_n3A_1464 : vector<16xf32>
        %select_n3A_1516 = arith.select %ge3A_1515, %select_n3A_1462, %select_n3A_1464 : vector<16xi1>, vector<16xf32>
        %select_n3A_1517 = arith.select %ge3A_1515, %add3A_1280, %add3A_1284 : vector<16xi1>, vector<16xi32>
        %ge3A_1518 = arith.cmpf oge, %select_n3A_1466, %select_n3A_1468 : vector<16xf32>
        %select_n3A_1519 = arith.select %ge3A_1518, %select_n3A_1466, %select_n3A_1468 : vector<16xi1>, vector<16xf32>
        %select_n3A_1520 = arith.select %ge3A_1518, %add3A_1288, %add3A_1292 : vector<16xi1>, vector<16xi32>
        %ge3A_1521 = arith.cmpf oge, %select_n3A_1470, %select_n3A_1472 : vector<16xf32>
        %select_n3A_1522 = arith.select %ge3A_1521, %select_n3A_1470, %select_n3A_1472 : vector<16xi1>, vector<16xf32>
        %select_n3A_1523 = arith.select %ge3A_1521, %add3A_1296, %add3A_1300 : vector<16xi1>, vector<16xi32>
        %ge3A_1524 = arith.cmpf oge, %select_n3A_1474, %select_n3A_1476 : vector<16xf32>
        %select_n3A_1525 = arith.select %ge3A_1524, %select_n3A_1474, %select_n3A_1476 : vector<16xi1>, vector<16xf32>
        %select_n3A_1526 = arith.select %ge3A_1524, %add3A_1304, %add3A_1308 : vector<16xi1>, vector<16xi32>
        %ge3A_1527 = arith.cmpf oge, %select_n3A_1478, %select_n3A_1480 : vector<16xf32>
        %select_n3A_1528 = arith.select %ge3A_1527, %select_n3A_1478, %select_n3A_1480 : vector<16xi1>, vector<16xf32>
        %select_n3A_1529 = arith.select %ge3A_1527, %add3A_1312, %add3A_1316 : vector<16xi1>, vector<16xi32>
        %ge3A_1530 = arith.cmpf oge, %select_n3A_1482, %select_n3A_1484 : vector<16xf32>
        %select_n3A_1531 = arith.select %ge3A_1530, %select_n3A_1482, %select_n3A_1484 : vector<16xi1>, vector<16xf32>
        %select_n3A_1532 = arith.select %ge3A_1530, %add3A_1320, %add3A_1324 : vector<16xi1>, vector<16xi32>
        %ge3A_1533 = arith.cmpf oge, %select_n3A_1486, %select_n3A_1489 : vector<16xf32>
        %select_n3A_1534 = arith.select %ge3A_1533, %select_n3A_1486, %select_n3A_1489 : vector<16xi1>, vector<16xf32>
        %select_n3A_1535 = arith.select %ge3A_1533, %select_n3A_1487, %select_n3A_1490 : vector<16xi1>, vector<16xi32>
        %ge3A_1536 = arith.cmpf oge, %select_n3A_1492, %select_n3A_1495 : vector<16xf32>
        %select_n3A_1537 = arith.select %ge3A_1536, %select_n3A_1492, %select_n3A_1495 : vector<16xi1>, vector<16xf32>
        %select_n3A_1538 = arith.select %ge3A_1536, %select_n3A_1493, %select_n3A_1496 : vector<16xi1>, vector<16xi32>
        %ge3A_1539 = arith.cmpf oge, %select_n3A_1498, %select_n3A_1501 : vector<16xf32>
        %select_n3A_1540 = arith.select %ge3A_1539, %select_n3A_1498, %select_n3A_1501 : vector<16xi1>, vector<16xf32>
        %select_n3A_1541 = arith.select %ge3A_1539, %select_n3A_1499, %select_n3A_1502 : vector<16xi1>, vector<16xi32>
        %ge3A_1542 = arith.cmpf oge, %select_n3A_1504, %select_n3A_1507 : vector<16xf32>
        %select_n3A_1543 = arith.select %ge3A_1542, %select_n3A_1504, %select_n3A_1507 : vector<16xi1>, vector<16xf32>
        %select_n3A_1544 = arith.select %ge3A_1542, %select_n3A_1505, %select_n3A_1508 : vector<16xi1>, vector<16xi32>
        %ge3A_1545 = arith.cmpf oge, %select_n3A_1510, %select_n3A_1513 : vector<16xf32>
        %select_n3A_1546 = arith.select %ge3A_1545, %select_n3A_1510, %select_n3A_1513 : vector<16xi1>, vector<16xf32>
        %select_n3A_1547 = arith.select %ge3A_1545, %select_n3A_1511, %select_n3A_1514 : vector<16xi1>, vector<16xi32>
        %ge3A_1548 = arith.cmpf oge, %select_n3A_1516, %select_n3A_1519 : vector<16xf32>
        %select_n3A_1549 = arith.select %ge3A_1548, %select_n3A_1516, %select_n3A_1519 : vector<16xi1>, vector<16xf32>
        %select_n3A_1550 = arith.select %ge3A_1548, %select_n3A_1517, %select_n3A_1520 : vector<16xi1>, vector<16xi32>
        %ge3A_1551 = arith.cmpf oge, %select_n3A_1522, %select_n3A_1525 : vector<16xf32>
        %select_n3A_1552 = arith.select %ge3A_1551, %select_n3A_1522, %select_n3A_1525 : vector<16xi1>, vector<16xf32>
        %select_n3A_1553 = arith.select %ge3A_1551, %select_n3A_1523, %select_n3A_1526 : vector<16xi1>, vector<16xi32>
        %ge3A_1554 = arith.cmpf oge, %select_n3A_1528, %select_n3A_1531 : vector<16xf32>
        %select_n3A_1555 = arith.select %ge3A_1554, %select_n3A_1528, %select_n3A_1531 : vector<16xi1>, vector<16xf32>
        %select_n3A_1556 = arith.select %ge3A_1554, %select_n3A_1529, %select_n3A_1532 : vector<16xi1>, vector<16xi32>
        %ge3A_1557 = arith.cmpf oge, %select_n3A_1534, %select_n3A_1537 : vector<16xf32>
        %select_n3A_1558 = arith.select %ge3A_1557, %select_n3A_1534, %select_n3A_1537 : vector<16xi1>, vector<16xf32>
        %select_n3A_1559 = arith.select %ge3A_1557, %select_n3A_1535, %select_n3A_1538 : vector<16xi1>, vector<16xi32>
        %ge3A_1560 = arith.cmpf oge, %select_n3A_1540, %select_n3A_1543 : vector<16xf32>
        %select_n3A_1561 = arith.select %ge3A_1560, %select_n3A_1540, %select_n3A_1543 : vector<16xi1>, vector<16xf32>
        %select_n3A_1562 = arith.select %ge3A_1560, %select_n3A_1541, %select_n3A_1544 : vector<16xi1>, vector<16xi32>
        %ge3A_1563 = arith.cmpf oge, %select_n3A_1546, %select_n3A_1549 : vector<16xf32>
        %select_n3A_1564 = arith.select %ge3A_1563, %select_n3A_1546, %select_n3A_1549 : vector<16xi1>, vector<16xf32>
        %select_n3A_1565 = arith.select %ge3A_1563, %select_n3A_1547, %select_n3A_1550 : vector<16xi1>, vector<16xi32>
        %ge3A_1566 = arith.cmpf oge, %select_n3A_1552, %select_n3A_1555 : vector<16xf32>
        %select_n3A_1567 = arith.select %ge3A_1566, %select_n3A_1552, %select_n3A_1555 : vector<16xi1>, vector<16xf32>
        %select_n3A_1568 = arith.select %ge3A_1566, %select_n3A_1553, %select_n3A_1556 : vector<16xi1>, vector<16xi32>
        %ge3A_1569 = arith.cmpf oge, %select_n3A_1558, %select_n3A_1561 : vector<16xf32>
        %select_n3A_1570 = arith.select %ge3A_1569, %select_n3A_1558, %select_n3A_1561 : vector<16xi1>, vector<16xf32>
        %select_n3A_1571 = arith.select %ge3A_1569, %select_n3A_1559, %select_n3A_1562 : vector<16xi1>, vector<16xi32>
        %ge3A_1572 = arith.cmpf oge, %select_n3A_1564, %select_n3A_1567 : vector<16xf32>
        %select_n3A_1573 = arith.select %ge3A_1572, %select_n3A_1564, %select_n3A_1567 : vector<16xi1>, vector<16xf32>
        %select_n3A_1574 = arith.select %ge3A_1572, %select_n3A_1565, %select_n3A_1568 : vector<16xi1>, vector<16xi32>
        %ge3A_1575 = arith.cmpf oge, %select_n3A_1570, %select_n3A_1573 : vector<16xf32>
        %select_n3A_1576 = arith.select %ge3A_1575, %select_n3A_1570, %select_n3A_1573 : vector<16xi1>, vector<16xf32>
        %select_n3A_1577 = arith.select %ge3A_1575, %select_n3A_1571, %select_n3A_1574 : vector<16xi1>, vector<16xi32>
        %gather3A_1578 = tpu.vector_load_idx %arg8[%select_n3A_1577] : memref<64xf32, #tpu.memory_space<vmem>>[vector<16xi32>], vector<16xf32>,
        %sub3A_1579 = arith.subf %select_n3A_1576, %gather3A_1578 : vector<16xf32>
        %add3A_1580 = arith.addi %mul3A_12, %select_n3A_1577 : vector<16xi32>
        tpu.vector_store_idx %arg11[%add3A_1580], %broadcast_in_dim3A_3 {add = true} : memref<1024xf32, #tpu.memory_space<vmem>>[vector<16xi32>], vector<16xf32>,
        %eq3A_1581 = arith.cmpi eq, %add3A_1201, %select_n3A_1577 : vector<16xi32>
        %select_n3A_1582 = arith.select %eq3A_1581, %broadcast_in_dim3A_7, %select_n3A_1422 : vector<16xi1>, vector<16xf32>
        %eq3A_1583 = arith.cmpi eq, %add3A_1204, %select_n3A_1577 : vector<16xi32>
        %select_n3A_1584 = arith.select %eq3A_1583, %broadcast_in_dim3A_7, %select_n3A_1424 : vector<16xi1>, vector<16xf32>
        %eq3A_1585 = arith.cmpi eq, %add3A_1208, %select_n3A_1577 : vector<16xi32>
        %select_n3A_1586 = arith.select %eq3A_1585, %broadcast_in_dim3A_7, %select_n3A_1426 : vector<16xi1>, vector<16xf32>
        %eq3A_1587 = arith.cmpi eq, %add3A_1212, %select_n3A_1577 : vector<16xi32>
        %select_n3A_1588 = arith.select %eq3A_1587, %broadcast_in_dim3A_7, %select_n3A_1428 : vector<16xi1>, vector<16xf32>
        %eq3A_1589 = arith.cmpi eq, %add3A_1216, %select_n3A_1577 : vector<16xi32>
        %select_n3A_1590 = arith.select %eq3A_1589, %broadcast_in_dim3A_7, %select_n3A_1430 : vector<16xi1>, vector<16xf32>
        %eq3A_1591 = arith.cmpi eq, %add3A_1220, %select_n3A_1577 : vector<16xi32>
        %select_n3A_1592 = arith.select %eq3A_1591, %broadcast_in_dim3A_7, %select_n3A_1432 : vector<16xi1>, vector<16xf32>
        %eq3A_1593 = arith.cmpi eq, %add3A_1224, %select_n3A_1577 : vector<16xi32>
        %select_n3A_1594 = arith.select %eq3A_1593, %broadcast_in_dim3A_7, %select_n3A_1434 : vector<16xi1>, vector<16xf32>
        %eq3A_1595 = arith.cmpi eq, %add3A_1228, %select_n3A_1577 : vector<16xi32>
        %select_n3A_1596 = arith.select %eq3A_1595, %broadcast_in_dim3A_7, %select_n3A_1436 : vector<16xi1>, vector<16xf32>
        %eq3A_1597 = arith.cmpi eq, %add3A_1232, %select_n3A_1577 : vector<16xi32>
        %select_n3A_1598 = arith.select %eq3A_1597, %broadcast_in_dim3A_7, %select_n3A_1438 : vector<16xi1>, vector<16xf32>
        %eq3A_1599 = arith.cmpi eq, %add3A_1236, %select_n3A_1577 : vector<16xi32>
        %select_n3A_1600 = arith.select %eq3A_1599, %broadcast_in_dim3A_7, %select_n3A_1440 : vector<16xi1>, vector<16xf32>
        %eq3A_1601 = arith.cmpi eq, %add3A_1240, %select_n3A_1577 : vector<16xi32>
        %select_n3A_1602 = arith.select %eq3A_1601, %broadcast_in_dim3A_7, %select_n3A_1442 : vector<16xi1>, vector<16xf32>
        %eq3A_1603 = arith.cmpi eq, %add3A_1244, %select_n3A_1577 : vector<16xi32>
        %select_n3A_1604 = arith.select %eq3A_1603, %broadcast_in_dim3A_7, %select_n3A_1444 : vector<16xi1>, vector<16xf32>
        %eq3A_1605 = arith.cmpi eq, %add3A_1248, %select_n3A_1577 : vector<16xi32>
        %select_n3A_1606 = arith.select %eq3A_1605, %broadcast_in_dim3A_7, %select_n3A_1446 : vector<16xi1>, vector<16xf32>
        %eq3A_1607 = arith.cmpi eq, %add3A_1252, %select_n3A_1577 : vector<16xi32>
        %select_n3A_1608 = arith.select %eq3A_1607, %broadcast_in_dim3A_7, %select_n3A_1448 : vector<16xi1>, vector<16xf32>
        %eq3A_1609 = arith.cmpi eq, %add3A_1256, %select_n3A_1577 : vector<16xi32>
        %select_n3A_1610 = arith.select %eq3A_1609, %broadcast_in_dim3A_7, %select_n3A_1450 : vector<16xi1>, vector<16xf32>
        %eq3A_1611 = arith.cmpi eq, %add3A_1260, %select_n3A_1577 : vector<16xi32>
        %select_n3A_1612 = arith.select %eq3A_1611, %broadcast_in_dim3A_7, %select_n3A_1452 : vector<16xi1>, vector<16xf32>
        %eq3A_1613 = arith.cmpi eq, %add3A_1264, %select_n3A_1577 : vector<16xi32>
        %select_n3A_1614 = arith.select %eq3A_1613, %broadcast_in_dim3A_7, %select_n3A_1454 : vector<16xi1>, vector<16xf32>
        %eq3A_1615 = arith.cmpi eq, %add3A_1268, %select_n3A_1577 : vector<16xi32>
        %select_n3A_1616 = arith.select %eq3A_1615, %broadcast_in_dim3A_7, %select_n3A_1456 : vector<16xi1>, vector<16xf32>
        %eq3A_1617 = arith.cmpi eq, %add3A_1272, %select_n3A_1577 : vector<16xi32>
        %select_n3A_1618 = arith.select %eq3A_1617, %broadcast_in_dim3A_7, %select_n3A_1458 : vector<16xi1>, vector<16xf32>
        %eq3A_1619 = arith.cmpi eq, %add3A_1276, %select_n3A_1577 : vector<16xi32>
        %select_n3A_1620 = arith.select %eq3A_1619, %broadcast_in_dim3A_7, %select_n3A_1460 : vector<16xi1>, vector<16xf32>
        %eq3A_1621 = arith.cmpi eq, %add3A_1280, %select_n3A_1577 : vector<16xi32>
        %select_n3A_1622 = arith.select %eq3A_1621, %broadcast_in_dim3A_7, %select_n3A_1462 : vector<16xi1>, vector<16xf32>
        %eq3A_1623 = arith.cmpi eq, %add3A_1284, %select_n3A_1577 : vector<16xi32>
        %select_n3A_1624 = arith.select %eq3A_1623, %broadcast_in_dim3A_7, %select_n3A_1464 : vector<16xi1>, vector<16xf32>
        %eq3A_1625 = arith.cmpi eq, %add3A_1288, %select_n3A_1577 : vector<16xi32>
        %select_n3A_1626 = arith.select %eq3A_1625, %broadcast_in_dim3A_7, %select_n3A_1466 : vector<16xi1>, vector<16xf32>
        %eq3A_1627 = arith.cmpi eq, %add3A_1292, %select_n3A_1577 : vector<16xi32>
        %select_n3A_1628 = arith.select %eq3A_1627, %broadcast_in_dim3A_7, %select_n3A_1468 : vector<16xi1>, vector<16xf32>
        %eq3A_1629 = arith.cmpi eq, %add3A_1296, %select_n3A_1577 : vector<16xi32>
        %select_n3A_1630 = arith.select %eq3A_1629, %broadcast_in_dim3A_7, %select_n3A_1470 : vector<16xi1>, vector<16xf32>
        %eq3A_1631 = arith.cmpi eq, %add3A_1300, %select_n3A_1577 : vector<16xi32>
        %select_n3A_1632 = arith.select %eq3A_1631, %broadcast_in_dim3A_7, %select_n3A_1472 : vector<16xi1>, vector<16xf32>
        %eq3A_1633 = arith.cmpi eq, %add3A_1304, %select_n3A_1577 : vector<16xi32>
        %select_n3A_1634 = arith.select %eq3A_1633, %broadcast_in_dim3A_7, %select_n3A_1474 : vector<16xi1>, vector<16xf32>
        %eq3A_1635 = arith.cmpi eq, %add3A_1308, %select_n3A_1577 : vector<16xi32>
        %select_n3A_1636 = arith.select %eq3A_1635, %broadcast_in_dim3A_7, %select_n3A_1476 : vector<16xi1>, vector<16xf32>
        %eq3A_1637 = arith.cmpi eq, %add3A_1312, %select_n3A_1577 : vector<16xi32>
        %select_n3A_1638 = arith.select %eq3A_1637, %broadcast_in_dim3A_7, %select_n3A_1478 : vector<16xi1>, vector<16xf32>
        %eq3A_1639 = arith.cmpi eq, %add3A_1316, %select_n3A_1577 : vector<16xi32>
        %select_n3A_1640 = arith.select %eq3A_1639, %broadcast_in_dim3A_7, %select_n3A_1480 : vector<16xi1>, vector<16xf32>
        %eq3A_1641 = arith.cmpi eq, %add3A_1320, %select_n3A_1577 : vector<16xi32>
        %select_n3A_1642 = arith.select %eq3A_1641, %broadcast_in_dim3A_7, %select_n3A_1482 : vector<16xi1>, vector<16xf32>
        %eq3A_1643 = arith.cmpi eq, %add3A_1324, %select_n3A_1577 : vector<16xi32>
        %select_n3A_1644 = arith.select %eq3A_1643, %broadcast_in_dim3A_7, %select_n3A_1484 : vector<16xi1>, vector<16xf32>
        %ge3A_1645 = arith.cmpf oge, %select_n3A_1582, %select_n3A_1584 : vector<16xf32>
        %select_n3A_1646 = arith.select %ge3A_1645, %select_n3A_1582, %select_n3A_1584 : vector<16xi1>, vector<16xf32>
        %select_n3A_1647 = arith.select %ge3A_1645, %add3A_1201, %add3A_1204 : vector<16xi1>, vector<16xi32>
        %ge3A_1648 = arith.cmpf oge, %select_n3A_1586, %select_n3A_1588 : vector<16xf32>
        %select_n3A_1649 = arith.select %ge3A_1648, %select_n3A_1586, %select_n3A_1588 : vector<16xi1>, vector<16xf32>
        %select_n3A_1650 = arith.select %ge3A_1648, %add3A_1208, %add3A_1212 : vector<16xi1>, vector<16xi32>
        %ge3A_1651 = arith.cmpf oge, %select_n3A_1590, %select_n3A_1592 : vector<16xf32>
        %select_n3A_1652 = arith.select %ge3A_1651, %select_n3A_1590, %select_n3A_1592 : vector<16xi1>, vector<16xf32>
        %select_n3A_1653 = arith.select %ge3A_1651, %add3A_1216, %add3A_1220 : vector<16xi1>, vector<16xi32>
        %ge3A_1654 = arith.cmpf oge, %select_n3A_1594, %select_n3A_1596 : vector<16xf32>
        %select_n3A_1655 = arith.select %ge3A_1654, %select_n3A_1594, %select_n3A_1596 : vector<16xi1>, vector<16xf32>
        %select_n3A_1656 = arith.select %ge3A_1654, %add3A_1224, %add3A_1228 : vector<16xi1>, vector<16xi32>
        %ge3A_1657 = arith.cmpf oge, %select_n3A_1598, %select_n3A_1600 : vector<16xf32>
        %select_n3A_1658 = arith.select %ge3A_1657, %select_n3A_1598, %select_n3A_1600 : vector<16xi1>, vector<16xf32>
        %select_n3A_1659 = arith.select %ge3A_1657, %add3A_1232, %add3A_1236 : vector<16xi1>, vector<16xi32>
        %ge3A_1660 = arith.cmpf oge, %select_n3A_1602, %select_n3A_1604 : vector<16xf32>
        %select_n3A_1661 = arith.select %ge3A_1660, %select_n3A_1602, %select_n3A_1604 : vector<16xi1>, vector<16xf32>
        %select_n3A_1662 = arith.select %ge3A_1660, %add3A_1240, %add3A_1244 : vector<16xi1>, vector<16xi32>
        %ge3A_1663 = arith.cmpf oge, %select_n3A_1606, %select_n3A_1608 : vector<16xf32>
        %select_n3A_1664 = arith.select %ge3A_1663, %select_n3A_1606, %select_n3A_1608 : vector<16xi1>, vector<16xf32>
        %select_n3A_1665 = arith.select %ge3A_1663, %add3A_1248, %add3A_1252 : vector<16xi1>, vector<16xi32>
        %ge3A_1666 = arith.cmpf oge, %select_n3A_1610, %select_n3A_1612 : vector<16xf32>
        %select_n3A_1667 = arith.select %ge3A_1666, %select_n3A_1610, %select_n3A_1612 : vector<16xi1>, vector<16xf32>
        %select_n3A_1668 = arith.select %ge3A_1666, %add3A_1256, %add3A_1260 : vector<16xi1>, vector<16xi32>
        %ge3A_1669 = arith.cmpf oge, %select_n3A_1614, %select_n3A_1616 : vector<16xf32>
        %select_n3A_1670 = arith.select %ge3A_1669, %select_n3A_1614, %select_n3A_1616 : vector<16xi1>, vector<16xf32>
        %select_n3A_1671 = arith.select %ge3A_1669, %add3A_1264, %add3A_1268 : vector<16xi1>, vector<16xi32>
        %ge3A_1672 = arith.cmpf oge, %select_n3A_1618, %select_n3A_1620 : vector<16xf32>
        %select_n3A_1673 = arith.select %ge3A_1672, %select_n3A_1618, %select_n3A_1620 : vector<16xi1>, vector<16xf32>
        %select_n3A_1674 = arith.select %ge3A_1672, %add3A_1272, %add3A_1276 : vector<16xi1>, vector<16xi32>
        %ge3A_1675 = arith.cmpf oge, %select_n3A_1622, %select_n3A_1624 : vector<16xf32>
        %select_n3A_1676 = arith.select %ge3A_1675, %select_n3A_1622, %select_n3A_1624 : vector<16xi1>, vector<16xf32>
        %select_n3A_1677 = arith.select %ge3A_1675, %add3A_1280, %add3A_1284 : vector<16xi1>, vector<16xi32>
        %ge3A_1678 = arith.cmpf oge, %select_n3A_1626, %select_n3A_1628 : vector<16xf32>
        %select_n3A_1679 = arith.select %ge3A_1678, %select_n3A_1626, %select_n3A_1628 : vector<16xi1>, vector<16xf32>
        %select_n3A_1680 = arith.select %ge3A_1678, %add3A_1288, %add3A_1292 : vector<16xi1>, vector<16xi32>
        %ge3A_1681 = arith.cmpf oge, %select_n3A_1630, %select_n3A_1632 : vector<16xf32>
        %select_n3A_1682 = arith.select %ge3A_1681, %select_n3A_1630, %select_n3A_1632 : vector<16xi1>, vector<16xf32>
        %select_n3A_1683 = arith.select %ge3A_1681, %add3A_1296, %add3A_1300 : vector<16xi1>, vector<16xi32>
        %ge3A_1684 = arith.cmpf oge, %select_n3A_1634, %select_n3A_1636 : vector<16xf32>
        %select_n3A_1685 = arith.select %ge3A_1684, %select_n3A_1634, %select_n3A_1636 : vector<16xi1>, vector<16xf32>
        %select_n3A_1686 = arith.select %ge3A_1684, %add3A_1304, %add3A_1308 : vector<16xi1>, vector<16xi32>
        %ge3A_1687 = arith.cmpf oge, %select_n3A_1638, %select_n3A_1640 : vector<16xf32>
        %select_n3A_1688 = arith.select %ge3A_1687, %select_n3A_1638, %select_n3A_1640 : vector<16xi1>, vector<16xf32>
        %select_n3A_1689 = arith.select %ge3A_1687, %add3A_1312, %add3A_1316 : vector<16xi1>, vector<16xi32>
        %ge3A_1690 = arith.cmpf oge, %select_n3A_1642, %select_n3A_1644 : vector<16xf32>
        %select_n3A_1691 = arith.select %ge3A_1690, %select_n3A_1642, %select_n3A_1644 : vector<16xi1>, vector<16xf32>
        %select_n3A_1692 = arith.select %ge3A_1690, %add3A_1320, %add3A_1324 : vector<16xi1>, vector<16xi32>
        %ge3A_1693 = arith.cmpf oge, %select_n3A_1646, %select_n3A_1649 : vector<16xf32>
        %select_n3A_1694 = arith.select %ge3A_1693, %select_n3A_1646, %select_n3A_1649 : vector<16xi1>, vector<16xf32>
        %select_n3A_1695 = arith.select %ge3A_1693, %select_n3A_1647, %select_n3A_1650 : vector<16xi1>, vector<16xi32>
        %ge3A_1696 = arith.cmpf oge, %select_n3A_1652, %select_n3A_1655 : vector<16xf32>
        %select_n3A_1697 = arith.select %ge3A_1696, %select_n3A_1652, %select_n3A_1655 : vector<16xi1>, vector<16xf32>
        %select_n3A_1698 = arith.select %ge3A_1696, %select_n3A_1653, %select_n3A_1656 : vector<16xi1>, vector<16xi32>
        %ge3A_1699 = arith.cmpf oge, %select_n3A_1658, %select_n3A_1661 : vector<16xf32>
        %select_n3A_1700 = arith.select %ge3A_1699, %select_n3A_1658, %select_n3A_1661 : vector<16xi1>, vector<16xf32>
        %select_n3A_1701 = arith.select %ge3A_1699, %select_n3A_1659, %select_n3A_1662 : vector<16xi1>, vector<16xi32>
        %ge3A_1702 = arith.cmpf oge, %select_n3A_1664, %select_n3A_1667 : vector<16xf32>
        %select_n3A_1703 = arith.select %ge3A_1702, %select_n3A_1664, %select_n3A_1667 : vector<16xi1>, vector<16xf32>
        %select_n3A_1704 = arith.select %ge3A_1702, %select_n3A_1665, %select_n3A_1668 : vector<16xi1>, vector<16xi32>
        %ge3A_1705 = arith.cmpf oge, %select_n3A_1670, %select_n3A_1673 : vector<16xf32>
        %select_n3A_1706 = arith.select %ge3A_1705, %select_n3A_1670, %select_n3A_1673 : vector<16xi1>, vector<16xf32>
        %select_n3A_1707 = arith.select %ge3A_1705, %select_n3A_1671, %select_n3A_1674 : vector<16xi1>, vector<16xi32>
        %ge3A_1708 = arith.cmpf oge, %select_n3A_1676, %select_n3A_1679 : vector<16xf32>
        %select_n3A_1709 = arith.select %ge3A_1708, %select_n3A_1676, %select_n3A_1679 : vector<16xi1>, vector<16xf32>
        %select_n3A_1710 = arith.select %ge3A_1708, %select_n3A_1677, %select_n3A_1680 : vector<16xi1>, vector<16xi32>
        %ge3A_1711 = arith.cmpf oge, %select_n3A_1682, %select_n3A_1685 : vector<16xf32>
        %select_n3A_1712 = arith.select %ge3A_1711, %select_n3A_1682, %select_n3A_1685 : vector<16xi1>, vector<16xf32>
        %select_n3A_1713 = arith.select %ge3A_1711, %select_n3A_1683, %select_n3A_1686 : vector<16xi1>, vector<16xi32>
        %ge3A_1714 = arith.cmpf oge, %select_n3A_1688, %select_n3A_1691 : vector<16xf32>
        %select_n3A_1715 = arith.select %ge3A_1714, %select_n3A_1688, %select_n3A_1691 : vector<16xi1>, vector<16xf32>
        %select_n3A_1716 = arith.select %ge3A_1714, %select_n3A_1689, %select_n3A_1692 : vector<16xi1>, vector<16xi32>
        %ge3A_1717 = arith.cmpf oge, %select_n3A_1694, %select_n3A_1697 : vector<16xf32>
        %select_n3A_1718 = arith.select %ge3A_1717, %select_n3A_1694, %select_n3A_1697 : vector<16xi1>, vector<16xf32>
        %select_n3A_1719 = arith.select %ge3A_1717, %select_n3A_1695, %select_n3A_1698 : vector<16xi1>, vector<16xi32>
        %ge3A_1720 = arith.cmpf oge, %select_n3A_1700, %select_n3A_1703 : vector<16xf32>
        %select_n3A_1721 = arith.select %ge3A_1720, %select_n3A_1700, %select_n3A_1703 : vector<16xi1>, vector<16xf32>
        %select_n3A_1722 = arith.select %ge3A_1720, %select_n3A_1701, %select_n3A_1704 : vector<16xi1>, vector<16xi32>
        %ge3A_1723 = arith.cmpf oge, %select_n3A_1706, %select_n3A_1709 : vector<16xf32>
        %select_n3A_1724 = arith.select %ge3A_1723, %select_n3A_1706, %select_n3A_1709 : vector<16xi1>, vector<16xf32>
        %select_n3A_1725 = arith.select %ge3A_1723, %select_n3A_1707, %select_n3A_1710 : vector<16xi1>, vector<16xi32>
        %ge3A_1726 = arith.cmpf oge, %select_n3A_1712, %select_n3A_1715 : vector<16xf32>
        %select_n3A_1727 = arith.select %ge3A_1726, %select_n3A_1712, %select_n3A_1715 : vector<16xi1>, vector<16xf32>
        %select_n3A_1728 = arith.select %ge3A_1726, %select_n3A_1713, %select_n3A_1716 : vector<16xi1>, vector<16xi32>
        %ge3A_1729 = arith.cmpf oge, %select_n3A_1718, %select_n3A_1721 : vector<16xf32>
        %select_n3A_1730 = arith.select %ge3A_1729, %select_n3A_1718, %select_n3A_1721 : vector<16xi1>, vector<16xf32>
        %select_n3A_1731 = arith.select %ge3A_1729, %select_n3A_1719, %select_n3A_1722 : vector<16xi1>, vector<16xi32>
        %ge3A_1732 = arith.cmpf oge, %select_n3A_1724, %select_n3A_1727 : vector<16xf32>
        %select_n3A_1733 = arith.select %ge3A_1732, %select_n3A_1724, %select_n3A_1727 : vector<16xi1>, vector<16xf32>
        %select_n3A_1734 = arith.select %ge3A_1732, %select_n3A_1725, %select_n3A_1728 : vector<16xi1>, vector<16xi32>
        %ge3A_1735 = arith.cmpf oge, %select_n3A_1730, %select_n3A_1733 : vector<16xf32>
        %select_n3A_1736 = arith.select %ge3A_1735, %select_n3A_1730, %select_n3A_1733 : vector<16xi1>, vector<16xf32>
        %select_n3A_1737 = arith.select %ge3A_1735, %select_n3A_1731, %select_n3A_1734 : vector<16xi1>, vector<16xi32>
        %gather3A_1738 = tpu.vector_load_idx %arg8[%select_n3A_1737] : memref<64xf32, #tpu.memory_space<vmem>>[vector<16xi32>], vector<16xf32>,
        %sub3A_1739 = arith.subf %select_n3A_1736, %gather3A_1738 : vector<16xf32>
        %add3A_1740 = arith.addi %mul3A_12, %select_n3A_1737 : vector<16xi32>
        tpu.vector_store_idx %arg11[%add3A_1740], %broadcast_in_dim3A_3 {add = true} : memref<1024xf32, #tpu.memory_space<vmem>>[vector<16xi32>], vector<16xf32>,
        %eq3A_1741 = arith.cmpi eq, %add3A_1201, %select_n3A_1737 : vector<16xi32>
        %select_n3A_1742 = arith.select %eq3A_1741, %broadcast_in_dim3A_7, %select_n3A_1582 : vector<16xi1>, vector<16xf32>
        %eq3A_1743 = arith.cmpi eq, %add3A_1204, %select_n3A_1737 : vector<16xi32>
        %select_n3A_1744 = arith.select %eq3A_1743, %broadcast_in_dim3A_7, %select_n3A_1584 : vector<16xi1>, vector<16xf32>
        %eq3A_1745 = arith.cmpi eq, %add3A_1208, %select_n3A_1737 : vector<16xi32>
        %select_n3A_1746 = arith.select %eq3A_1745, %broadcast_in_dim3A_7, %select_n3A_1586 : vector<16xi1>, vector<16xf32>
        %eq3A_1747 = arith.cmpi eq, %add3A_1212, %select_n3A_1737 : vector<16xi32>
        %select_n3A_1748 = arith.select %eq3A_1747, %broadcast_in_dim3A_7, %select_n3A_1588 : vector<16xi1>, vector<16xf32>
        %eq3A_1749 = arith.cmpi eq, %add3A_1216, %select_n3A_1737 : vector<16xi32>
        %select_n3A_1750 = arith.select %eq3A_1749, %broadcast_in_dim3A_7, %select_n3A_1590 : vector<16xi1>, vector<16xf32>
        %eq3A_1751 = arith.cmpi eq, %add3A_1220, %select_n3A_1737 : vector<16xi32>
        %select_n3A_1752 = arith.select %eq3A_1751, %broadcast_in_dim3A_7, %select_n3A_1592 : vector<16xi1>, vector<16xf32>
        %eq3A_1753 = arith.cmpi eq, %add3A_1224, %select_n3A_1737 : vector<16xi32>
        %select_n3A_1754 = arith.select %eq3A_1753, %broadcast_in_dim3A_7, %select_n3A_1594 : vector<16xi1>, vector<16xf32>
        %eq3A_1755 = arith.cmpi eq, %add3A_1228, %select_n3A_1737 : vector<16xi32>
        %select_n3A_1756 = arith.select %eq3A_1755, %broadcast_in_dim3A_7, %select_n3A_1596 : vector<16xi1>, vector<16xf32>
        %eq3A_1757 = arith.cmpi eq, %add3A_1232, %select_n3A_1737 : vector<16xi32>
        %select_n3A_1758 = arith.select %eq3A_1757, %broadcast_in_dim3A_7, %select_n3A_1598 : vector<16xi1>, vector<16xf32>
        %eq3A_1759 = arith.cmpi eq, %add3A_1236, %select_n3A_1737 : vector<16xi32>
        %select_n3A_1760 = arith.select %eq3A_1759, %broadcast_in_dim3A_7, %select_n3A_1600 : vector<16xi1>, vector<16xf32>
        %eq3A_1761 = arith.cmpi eq, %add3A_1240, %select_n3A_1737 : vector<16xi32>
        %select_n3A_1762 = arith.select %eq3A_1761, %broadcast_in_dim3A_7, %select_n3A_1602 : vector<16xi1>, vector<16xf32>
        %eq3A_1763 = arith.cmpi eq, %add3A_1244, %select_n3A_1737 : vector<16xi32>
        %select_n3A_1764 = arith.select %eq3A_1763, %broadcast_in_dim3A_7, %select_n3A_1604 : vector<16xi1>, vector<16xf32>
        %eq3A_1765 = arith.cmpi eq, %add3A_1248, %select_n3A_1737 : vector<16xi32>
        %select_n3A_1766 = arith.select %eq3A_1765, %broadcast_in_dim3A_7, %select_n3A_1606 : vector<16xi1>, vector<16xf32>
        %eq3A_1767 = arith.cmpi eq, %add3A_1252, %select_n3A_1737 : vector<16xi32>
        %select_n3A_1768 = arith.select %eq3A_1767, %broadcast_in_dim3A_7, %select_n3A_1608 : vector<16xi1>, vector<16xf32>
        %eq3A_1769 = arith.cmpi eq, %add3A_1256, %select_n3A_1737 : vector<16xi32>
        %select_n3A_1770 = arith.select %eq3A_1769, %broadcast_in_dim3A_7, %select_n3A_1610 : vector<16xi1>, vector<16xf32>
        %eq3A_1771 = arith.cmpi eq, %add3A_1260, %select_n3A_1737 : vector<16xi32>
        %select_n3A_1772 = arith.select %eq3A_1771, %broadcast_in_dim3A_7, %select_n3A_1612 : vector<16xi1>, vector<16xf32>
        %eq3A_1773 = arith.cmpi eq, %add3A_1264, %select_n3A_1737 : vector<16xi32>
        %select_n3A_1774 = arith.select %eq3A_1773, %broadcast_in_dim3A_7, %select_n3A_1614 : vector<16xi1>, vector<16xf32>
        %eq3A_1775 = arith.cmpi eq, %add3A_1268, %select_n3A_1737 : vector<16xi32>
        %select_n3A_1776 = arith.select %eq3A_1775, %broadcast_in_dim3A_7, %select_n3A_1616 : vector<16xi1>, vector<16xf32>
        %eq3A_1777 = arith.cmpi eq, %add3A_1272, %select_n3A_1737 : vector<16xi32>
        %select_n3A_1778 = arith.select %eq3A_1777, %broadcast_in_dim3A_7, %select_n3A_1618 : vector<16xi1>, vector<16xf32>
        %eq3A_1779 = arith.cmpi eq, %add3A_1276, %select_n3A_1737 : vector<16xi32>
        %select_n3A_1780 = arith.select %eq3A_1779, %broadcast_in_dim3A_7, %select_n3A_1620 : vector<16xi1>, vector<16xf32>
        %eq3A_1781 = arith.cmpi eq, %add3A_1280, %select_n3A_1737 : vector<16xi32>
        %select_n3A_1782 = arith.select %eq3A_1781, %broadcast_in_dim3A_7, %select_n3A_1622 : vector<16xi1>, vector<16xf32>
        %eq3A_1783 = arith.cmpi eq, %add3A_1284, %select_n3A_1737 : vector<16xi32>
        %select_n3A_1784 = arith.select %eq3A_1783, %broadcast_in_dim3A_7, %select_n3A_1624 : vector<16xi1>, vector<16xf32>
        %eq3A_1785 = arith.cmpi eq, %add3A_1288, %select_n3A_1737 : vector<16xi32>
        %select_n3A_1786 = arith.select %eq3A_1785, %broadcast_in_dim3A_7, %select_n3A_1626 : vector<16xi1>, vector<16xf32>
        %eq3A_1787 = arith.cmpi eq, %add3A_1292, %select_n3A_1737 : vector<16xi32>
        %select_n3A_1788 = arith.select %eq3A_1787, %broadcast_in_dim3A_7, %select_n3A_1628 : vector<16xi1>, vector<16xf32>
        %eq3A_1789 = arith.cmpi eq, %add3A_1296, %select_n3A_1737 : vector<16xi32>
        %select_n3A_1790 = arith.select %eq3A_1789, %broadcast_in_dim3A_7, %select_n3A_1630 : vector<16xi1>, vector<16xf32>
        %eq3A_1791 = arith.cmpi eq, %add3A_1300, %select_n3A_1737 : vector<16xi32>
        %select_n3A_1792 = arith.select %eq3A_1791, %broadcast_in_dim3A_7, %select_n3A_1632 : vector<16xi1>, vector<16xf32>
        %eq3A_1793 = arith.cmpi eq, %add3A_1304, %select_n3A_1737 : vector<16xi32>
        %select_n3A_1794 = arith.select %eq3A_1793, %broadcast_in_dim3A_7, %select_n3A_1634 : vector<16xi1>, vector<16xf32>
        %eq3A_1795 = arith.cmpi eq, %add3A_1308, %select_n3A_1737 : vector<16xi32>
        %select_n3A_1796 = arith.select %eq3A_1795, %broadcast_in_dim3A_7, %select_n3A_1636 : vector<16xi1>, vector<16xf32>
        %eq3A_1797 = arith.cmpi eq, %add3A_1312, %select_n3A_1737 : vector<16xi32>
        %select_n3A_1798 = arith.select %eq3A_1797, %broadcast_in_dim3A_7, %select_n3A_1638 : vector<16xi1>, vector<16xf32>
        %eq3A_1799 = arith.cmpi eq, %add3A_1316, %select_n3A_1737 : vector<16xi32>
        %select_n3A_1800 = arith.select %eq3A_1799, %broadcast_in_dim3A_7, %select_n3A_1640 : vector<16xi1>, vector<16xf32>
        %eq3A_1801 = arith.cmpi eq, %add3A_1320, %select_n3A_1737 : vector<16xi32>
        %select_n3A_1802 = arith.select %eq3A_1801, %broadcast_in_dim3A_7, %select_n3A_1642 : vector<16xi1>, vector<16xf32>
        %eq3A_1803 = arith.cmpi eq, %add3A_1324, %select_n3A_1737 : vector<16xi32>
        %select_n3A_1804 = arith.select %eq3A_1803, %broadcast_in_dim3A_7, %select_n3A_1644 : vector<16xi1>, vector<16xf32>
        %ge3A_1805 = arith.cmpf oge, %select_n3A_1742, %select_n3A_1744 : vector<16xf32>
        %select_n3A_1806 = arith.select %ge3A_1805, %select_n3A_1742, %select_n3A_1744 : vector<16xi1>, vector<16xf32>
        %select_n3A_1807 = arith.select %ge3A_1805, %add3A_1201, %add3A_1204 : vector<16xi1>, vector<16xi32>
        %ge3A_1808 = arith.cmpf oge, %select_n3A_1746, %select_n3A_1748 : vector<16xf32>
        %select_n3A_1809 = arith.select %ge3A_1808, %select_n3A_1746, %select_n3A_1748 : vector<16xi1>, vector<16xf32>
        %select_n3A_1810 = arith.select %ge3A_1808, %add3A_1208, %add3A_1212 : vector<16xi1>, vector<16xi32>
        %ge3A_1811 = arith.cmpf oge, %select_n3A_1750, %select_n3A_1752 : vector<16xf32>
        %select_n3A_1812 = arith.select %ge3A_1811, %select_n3A_1750, %select_n3A_1752 : vector<16xi1>, vector<16xf32>
        %select_n3A_1813 = arith.select %ge3A_1811, %add3A_1216, %add3A_1220 : vector<16xi1>, vector<16xi32>
        %ge3A_1814 = arith.cmpf oge, %select_n3A_1754, %select_n3A_1756 : vector<16xf32>
        %select_n3A_1815 = arith.select %ge3A_1814, %select_n3A_1754, %select_n3A_1756 : vector<16xi1>, vector<16xf32>
        %select_n3A_1816 = arith.select %ge3A_1814, %add3A_1224, %add3A_1228 : vector<16xi1>, vector<16xi32>
        %ge3A_1817 = arith.cmpf oge, %select_n3A_1758, %select_n3A_1760 : vector<16xf32>
        %select_n3A_1818 = arith.select %ge3A_1817, %select_n3A_1758, %select_n3A_1760 : vector<16xi1>, vector<16xf32>
        %select_n3A_1819 = arith.select %ge3A_1817, %add3A_1232, %add3A_1236 : vector<16xi1>, vector<16xi32>
        %ge3A_1820 = arith.cmpf oge, %select_n3A_1762, %select_n3A_1764 : vector<16xf32>
        %select_n3A_1821 = arith.select %ge3A_1820, %select_n3A_1762, %select_n3A_1764 : vector<16xi1>, vector<16xf32>
        %select_n3A_1822 = arith.select %ge3A_1820, %add3A_1240, %add3A_1244 : vector<16xi1>, vector<16xi32>
        %ge3A_1823 = arith.cmpf oge, %select_n3A_1766, %select_n3A_1768 : vector<16xf32>
        %select_n3A_1824 = arith.select %ge3A_1823, %select_n3A_1766, %select_n3A_1768 : vector<16xi1>, vector<16xf32>
        %select_n3A_1825 = arith.select %ge3A_1823, %add3A_1248, %add3A_1252 : vector<16xi1>, vector<16xi32>
        %ge3A_1826 = arith.cmpf oge, %select_n3A_1770, %select_n3A_1772 : vector<16xf32>
        %select_n3A_1827 = arith.select %ge3A_1826, %select_n3A_1770, %select_n3A_1772 : vector<16xi1>, vector<16xf32>
        %select_n3A_1828 = arith.select %ge3A_1826, %add3A_1256, %add3A_1260 : vector<16xi1>, vector<16xi32>
        %ge3A_1829 = arith.cmpf oge, %select_n3A_1774, %select_n3A_1776 : vector<16xf32>
        %select_n3A_1830 = arith.select %ge3A_1829, %select_n3A_1774, %select_n3A_1776 : vector<16xi1>, vector<16xf32>
        %select_n3A_1831 = arith.select %ge3A_1829, %add3A_1264, %add3A_1268 : vector<16xi1>, vector<16xi32>
        %ge3A_1832 = arith.cmpf oge, %select_n3A_1778, %select_n3A_1780 : vector<16xf32>
        %select_n3A_1833 = arith.select %ge3A_1832, %select_n3A_1778, %select_n3A_1780 : vector<16xi1>, vector<16xf32>
        %select_n3A_1834 = arith.select %ge3A_1832, %add3A_1272, %add3A_1276 : vector<16xi1>, vector<16xi32>
        %ge3A_1835 = arith.cmpf oge, %select_n3A_1782, %select_n3A_1784 : vector<16xf32>
        %select_n3A_1836 = arith.select %ge3A_1835, %select_n3A_1782, %select_n3A_1784 : vector<16xi1>, vector<16xf32>
        %select_n3A_1837 = arith.select %ge3A_1835, %add3A_1280, %add3A_1284 : vector<16xi1>, vector<16xi32>
        %ge3A_1838 = arith.cmpf oge, %select_n3A_1786, %select_n3A_1788 : vector<16xf32>
        %select_n3A_1839 = arith.select %ge3A_1838, %select_n3A_1786, %select_n3A_1788 : vector<16xi1>, vector<16xf32>
        %select_n3A_1840 = arith.select %ge3A_1838, %add3A_1288, %add3A_1292 : vector<16xi1>, vector<16xi32>
        %ge3A_1841 = arith.cmpf oge, %select_n3A_1790, %select_n3A_1792 : vector<16xf32>
        %select_n3A_1842 = arith.select %ge3A_1841, %select_n3A_1790, %select_n3A_1792 : vector<16xi1>, vector<16xf32>
        %select_n3A_1843 = arith.select %ge3A_1841, %add3A_1296, %add3A_1300 : vector<16xi1>, vector<16xi32>
        %ge3A_1844 = arith.cmpf oge, %select_n3A_1794, %select_n3A_1796 : vector<16xf32>
        %select_n3A_1845 = arith.select %ge3A_1844, %select_n3A_1794, %select_n3A_1796 : vector<16xi1>, vector<16xf32>
        %select_n3A_1846 = arith.select %ge3A_1844, %add3A_1304, %add3A_1308 : vector<16xi1>, vector<16xi32>
        %ge3A_1847 = arith.cmpf oge, %select_n3A_1798, %select_n3A_1800 : vector<16xf32>
        %select_n3A_1848 = arith.select %ge3A_1847, %select_n3A_1798, %select_n3A_1800 : vector<16xi1>, vector<16xf32>
        %select_n3A_1849 = arith.select %ge3A_1847, %add3A_1312, %add3A_1316 : vector<16xi1>, vector<16xi32>
        %ge3A_1850 = arith.cmpf oge, %select_n3A_1802, %select_n3A_1804 : vector<16xf32>
        %select_n3A_1851 = arith.select %ge3A_1850, %select_n3A_1802, %select_n3A_1804 : vector<16xi1>, vector<16xf32>
        %select_n3A_1852 = arith.select %ge3A_1850, %add3A_1320, %add3A_1324 : vector<16xi1>, vector<16xi32>
        %ge3A_1853 = arith.cmpf oge, %select_n3A_1806, %select_n3A_1809 : vector<16xf32>
        %select_n3A_1854 = arith.select %ge3A_1853, %select_n3A_1806, %select_n3A_1809 : vector<16xi1>, vector<16xf32>
        %select_n3A_1855 = arith.select %ge3A_1853, %select_n3A_1807, %select_n3A_1810 : vector<16xi1>, vector<16xi32>
        %ge3A_1856 = arith.cmpf oge, %select_n3A_1812, %select_n3A_1815 : vector<16xf32>
        %select_n3A_1857 = arith.select %ge3A_1856, %select_n3A_1812, %select_n3A_1815 : vector<16xi1>, vector<16xf32>
        %select_n3A_1858 = arith.select %ge3A_1856, %select_n3A_1813, %select_n3A_1816 : vector<16xi1>, vector<16xi32>
        %ge3A_1859 = arith.cmpf oge, %select_n3A_1818, %select_n3A_1821 : vector<16xf32>
        %select_n3A_1860 = arith.select %ge3A_1859, %select_n3A_1818, %select_n3A_1821 : vector<16xi1>, vector<16xf32>
        %select_n3A_1861 = arith.select %ge3A_1859, %select_n3A_1819, %select_n3A_1822 : vector<16xi1>, vector<16xi32>
        %ge3A_1862 = arith.cmpf oge, %select_n3A_1824, %select_n3A_1827 : vector<16xf32>
        %select_n3A_1863 = arith.select %ge3A_1862, %select_n3A_1824, %select_n3A_1827 : vector<16xi1>, vector<16xf32>
        %select_n3A_1864 = arith.select %ge3A_1862, %select_n3A_1825, %select_n3A_1828 : vector<16xi1>, vector<16xi32>
        %ge3A_1865 = arith.cmpf oge, %select_n3A_1830, %select_n3A_1833 : vector<16xf32>
        %select_n3A_1866 = arith.select %ge3A_1865, %select_n3A_1830, %select_n3A_1833 : vector<16xi1>, vector<16xf32>
        %select_n3A_1867 = arith.select %ge3A_1865, %select_n3A_1831, %select_n3A_1834 : vector<16xi1>, vector<16xi32>
        %ge3A_1868 = arith.cmpf oge, %select_n3A_1836, %select_n3A_1839 : vector<16xf32>
        %select_n3A_1869 = arith.select %ge3A_1868, %select_n3A_1836, %select_n3A_1839 : vector<16xi1>, vector<16xf32>
        %select_n3A_1870 = arith.select %ge3A_1868, %select_n3A_1837, %select_n3A_1840 : vector<16xi1>, vector<16xi32>
        %ge3A_1871 = arith.cmpf oge, %select_n3A_1842, %select_n3A_1845 : vector<16xf32>
        %select_n3A_1872 = arith.select %ge3A_1871, %select_n3A_1842, %select_n3A_1845 : vector<16xi1>, vector<16xf32>
        %select_n3A_1873 = arith.select %ge3A_1871, %select_n3A_1843, %select_n3A_1846 : vector<16xi1>, vector<16xi32>
        %ge3A_1874 = arith.cmpf oge, %select_n3A_1848, %select_n3A_1851 : vector<16xf32>
        %select_n3A_1875 = arith.select %ge3A_1874, %select_n3A_1848, %select_n3A_1851 : vector<16xi1>, vector<16xf32>
        %select_n3A_1876 = arith.select %ge3A_1874, %select_n3A_1849, %select_n3A_1852 : vector<16xi1>, vector<16xi32>
        %ge3A_1877 = arith.cmpf oge, %select_n3A_1854, %select_n3A_1857 : vector<16xf32>
        %select_n3A_1878 = arith.select %ge3A_1877, %select_n3A_1854, %select_n3A_1857 : vector<16xi1>, vector<16xf32>
        %select_n3A_1879 = arith.select %ge3A_1877, %select_n3A_1855, %select_n3A_1858 : vector<16xi1>, vector<16xi32>
        %ge3A_1880 = arith.cmpf oge, %select_n3A_1860, %select_n3A_1863 : vector<16xf32>
        %select_n3A_1881 = arith.select %ge3A_1880, %select_n3A_1860, %select_n3A_1863 : vector<16xi1>, vector<16xf32>
        %select_n3A_1882 = arith.select %ge3A_1880, %select_n3A_1861, %select_n3A_1864 : vector<16xi1>, vector<16xi32>
        %ge3A_1883 = arith.cmpf oge, %select_n3A_1866, %select_n3A_1869 : vector<16xf32>
        %select_n3A_1884 = arith.select %ge3A_1883, %select_n3A_1866, %select_n3A_1869 : vector<16xi1>, vector<16xf32>
        %select_n3A_1885 = arith.select %ge3A_1883, %select_n3A_1867, %select_n3A_1870 : vector<16xi1>, vector<16xi32>
        %ge3A_1886 = arith.cmpf oge, %select_n3A_1872, %select_n3A_1875 : vector<16xf32>
        %select_n3A_1887 = arith.select %ge3A_1886, %select_n3A_1872, %select_n3A_1875 : vector<16xi1>, vector<16xf32>
        %select_n3A_1888 = arith.select %ge3A_1886, %select_n3A_1873, %select_n3A_1876 : vector<16xi1>, vector<16xi32>
        %ge3A_1889 = arith.cmpf oge, %select_n3A_1878, %select_n3A_1881 : vector<16xf32>
        %select_n3A_1890 = arith.select %ge3A_1889, %select_n3A_1878, %select_n3A_1881 : vector<16xi1>, vector<16xf32>
        %select_n3A_1891 = arith.select %ge3A_1889, %select_n3A_1879, %select_n3A_1882 : vector<16xi1>, vector<16xi32>
        %ge3A_1892 = arith.cmpf oge, %select_n3A_1884, %select_n3A_1887 : vector<16xf32>
        %select_n3A_1893 = arith.select %ge3A_1892, %select_n3A_1884, %select_n3A_1887 : vector<16xi1>, vector<16xf32>
        %select_n3A_1894 = arith.select %ge3A_1892, %select_n3A_1885, %select_n3A_1888 : vector<16xi1>, vector<16xi32>
        %ge3A_1895 = arith.cmpf oge, %select_n3A_1890, %select_n3A_1893 : vector<16xf32>
        %select_n3A_1896 = arith.select %ge3A_1895, %select_n3A_1890, %select_n3A_1893 : vector<16xi1>, vector<16xf32>
        %select_n3A_1897 = arith.select %ge3A_1895, %select_n3A_1891, %select_n3A_1894 : vector<16xi1>, vector<16xi32>
        %gather3A_1898 = tpu.vector_load_idx %arg8[%select_n3A_1897] : memref<64xf32, #tpu.memory_space<vmem>>[vector<16xi32>], vector<16xf32>,
        %sub3A_1899 = arith.subf %select_n3A_1896, %gather3A_1898 : vector<16xf32>
        %add3A_1900 = arith.addi %mul3A_12, %select_n3A_1897 : vector<16xi32>
        tpu.vector_store_idx %arg11[%add3A_1900], %broadcast_in_dim3A_3 {add = true} : memref<1024xf32, #tpu.memory_space<vmem>>[vector<16xi32>], vector<16xf32>,
        %eq3A_1901 = arith.cmpi eq, %add3A_1201, %select_n3A_1897 : vector<16xi32>
        %select_n3A_1902 = arith.select %eq3A_1901, %broadcast_in_dim3A_7, %select_n3A_1742 : vector<16xi1>, vector<16xf32>
        %eq3A_1903 = arith.cmpi eq, %add3A_1204, %select_n3A_1897 : vector<16xi32>
        %select_n3A_1904 = arith.select %eq3A_1903, %broadcast_in_dim3A_7, %select_n3A_1744 : vector<16xi1>, vector<16xf32>
        %eq3A_1905 = arith.cmpi eq, %add3A_1208, %select_n3A_1897 : vector<16xi32>
        %select_n3A_1906 = arith.select %eq3A_1905, %broadcast_in_dim3A_7, %select_n3A_1746 : vector<16xi1>, vector<16xf32>
        %eq3A_1907 = arith.cmpi eq, %add3A_1212, %select_n3A_1897 : vector<16xi32>
        %select_n3A_1908 = arith.select %eq3A_1907, %broadcast_in_dim3A_7, %select_n3A_1748 : vector<16xi1>, vector<16xf32>
        %eq3A_1909 = arith.cmpi eq, %add3A_1216, %select_n3A_1897 : vector<16xi32>
        %select_n3A_1910 = arith.select %eq3A_1909, %broadcast_in_dim3A_7, %select_n3A_1750 : vector<16xi1>, vector<16xf32>
        %eq3A_1911 = arith.cmpi eq, %add3A_1220, %select_n3A_1897 : vector<16xi32>
        %select_n3A_1912 = arith.select %eq3A_1911, %broadcast_in_dim3A_7, %select_n3A_1752 : vector<16xi1>, vector<16xf32>
        %eq3A_1913 = arith.cmpi eq, %add3A_1224, %select_n3A_1897 : vector<16xi32>
        %select_n3A_1914 = arith.select %eq3A_1913, %broadcast_in_dim3A_7, %select_n3A_1754 : vector<16xi1>, vector<16xf32>
        %eq3A_1915 = arith.cmpi eq, %add3A_1228, %select_n3A_1897 : vector<16xi32>
        %select_n3A_1916 = arith.select %eq3A_1915, %broadcast_in_dim3A_7, %select_n3A_1756 : vector<16xi1>, vector<16xf32>
        %eq3A_1917 = arith.cmpi eq, %add3A_1232, %select_n3A_1897 : vector<16xi32>
        %select_n3A_1918 = arith.select %eq3A_1917, %broadcast_in_dim3A_7, %select_n3A_1758 : vector<16xi1>, vector<16xf32>
        %eq3A_1919 = arith.cmpi eq, %add3A_1236, %select_n3A_1897 : vector<16xi32>
        %select_n3A_1920 = arith.select %eq3A_1919, %broadcast_in_dim3A_7, %select_n3A_1760 : vector<16xi1>, vector<16xf32>
        %eq3A_1921 = arith.cmpi eq, %add3A_1240, %select_n3A_1897 : vector<16xi32>
        %select_n3A_1922 = arith.select %eq3A_1921, %broadcast_in_dim3A_7, %select_n3A_1762 : vector<16xi1>, vector<16xf32>
        %eq3A_1923 = arith.cmpi eq, %add3A_1244, %select_n3A_1897 : vector<16xi32>
        %select_n3A_1924 = arith.select %eq3A_1923, %broadcast_in_dim3A_7, %select_n3A_1764 : vector<16xi1>, vector<16xf32>
        %eq3A_1925 = arith.cmpi eq, %add3A_1248, %select_n3A_1897 : vector<16xi32>
        %select_n3A_1926 = arith.select %eq3A_1925, %broadcast_in_dim3A_7, %select_n3A_1766 : vector<16xi1>, vector<16xf32>
        %eq3A_1927 = arith.cmpi eq, %add3A_1252, %select_n3A_1897 : vector<16xi32>
        %select_n3A_1928 = arith.select %eq3A_1927, %broadcast_in_dim3A_7, %select_n3A_1768 : vector<16xi1>, vector<16xf32>
        %eq3A_1929 = arith.cmpi eq, %add3A_1256, %select_n3A_1897 : vector<16xi32>
        %select_n3A_1930 = arith.select %eq3A_1929, %broadcast_in_dim3A_7, %select_n3A_1770 : vector<16xi1>, vector<16xf32>
        %eq3A_1931 = arith.cmpi eq, %add3A_1260, %select_n3A_1897 : vector<16xi32>
        %select_n3A_1932 = arith.select %eq3A_1931, %broadcast_in_dim3A_7, %select_n3A_1772 : vector<16xi1>, vector<16xf32>
        %eq3A_1933 = arith.cmpi eq, %add3A_1264, %select_n3A_1897 : vector<16xi32>
        %select_n3A_1934 = arith.select %eq3A_1933, %broadcast_in_dim3A_7, %select_n3A_1774 : vector<16xi1>, vector<16xf32>
        %eq3A_1935 = arith.cmpi eq, %add3A_1268, %select_n3A_1897 : vector<16xi32>
        %select_n3A_1936 = arith.select %eq3A_1935, %broadcast_in_dim3A_7, %select_n3A_1776 : vector<16xi1>, vector<16xf32>
        %eq3A_1937 = arith.cmpi eq, %add3A_1272, %select_n3A_1897 : vector<16xi32>
        %select_n3A_1938 = arith.select %eq3A_1937, %broadcast_in_dim3A_7, %select_n3A_1778 : vector<16xi1>, vector<16xf32>
        %eq3A_1939 = arith.cmpi eq, %add3A_1276, %select_n3A_1897 : vector<16xi32>
        %select_n3A_1940 = arith.select %eq3A_1939, %broadcast_in_dim3A_7, %select_n3A_1780 : vector<16xi1>, vector<16xf32>
        %eq3A_1941 = arith.cmpi eq, %add3A_1280, %select_n3A_1897 : vector<16xi32>
        %select_n3A_1942 = arith.select %eq3A_1941, %broadcast_in_dim3A_7, %select_n3A_1782 : vector<16xi1>, vector<16xf32>
        %eq3A_1943 = arith.cmpi eq, %add3A_1284, %select_n3A_1897 : vector<16xi32>
        %select_n3A_1944 = arith.select %eq3A_1943, %broadcast_in_dim3A_7, %select_n3A_1784 : vector<16xi1>, vector<16xf32>
        %eq3A_1945 = arith.cmpi eq, %add3A_1288, %select_n3A_1897 : vector<16xi32>
        %select_n3A_1946 = arith.select %eq3A_1945, %broadcast_in_dim3A_7, %select_n3A_1786 : vector<16xi1>, vector<16xf32>
        %eq3A_1947 = arith.cmpi eq, %add3A_1292, %select_n3A_1897 : vector<16xi32>
        %select_n3A_1948 = arith.select %eq3A_1947, %broadcast_in_dim3A_7, %select_n3A_1788 : vector<16xi1>, vector<16xf32>
        %eq3A_1949 = arith.cmpi eq, %add3A_1296, %select_n3A_1897 : vector<16xi32>
        %select_n3A_1950 = arith.select %eq3A_1949, %broadcast_in_dim3A_7, %select_n3A_1790 : vector<16xi1>, vector<16xf32>
        %eq3A_1951 = arith.cmpi eq, %add3A_1300, %select_n3A_1897 : vector<16xi32>
        %select_n3A_1952 = arith.select %eq3A_1951, %broadcast_in_dim3A_7, %select_n3A_1792 : vector<16xi1>, vector<16xf32>
        %eq3A_1953 = arith.cmpi eq, %add3A_1304, %select_n3A_1897 : vector<16xi32>
        %select_n3A_1954 = arith.select %eq3A_1953, %broadcast_in_dim3A_7, %select_n3A_1794 : vector<16xi1>, vector<16xf32>
        %eq3A_1955 = arith.cmpi eq, %add3A_1308, %select_n3A_1897 : vector<16xi32>
        %select_n3A_1956 = arith.select %eq3A_1955, %broadcast_in_dim3A_7, %select_n3A_1796 : vector<16xi1>, vector<16xf32>
        %eq3A_1957 = arith.cmpi eq, %add3A_1312, %select_n3A_1897 : vector<16xi32>
        %select_n3A_1958 = arith.select %eq3A_1957, %broadcast_in_dim3A_7, %select_n3A_1798 : vector<16xi1>, vector<16xf32>
        %eq3A_1959 = arith.cmpi eq, %add3A_1316, %select_n3A_1897 : vector<16xi32>
        %select_n3A_1960 = arith.select %eq3A_1959, %broadcast_in_dim3A_7, %select_n3A_1800 : vector<16xi1>, vector<16xf32>
        %eq3A_1961 = arith.cmpi eq, %add3A_1320, %select_n3A_1897 : vector<16xi32>
        %select_n3A_1962 = arith.select %eq3A_1961, %broadcast_in_dim3A_7, %select_n3A_1802 : vector<16xi1>, vector<16xf32>
        %eq3A_1963 = arith.cmpi eq, %add3A_1324, %select_n3A_1897 : vector<16xi32>
        %select_n3A_1964 = arith.select %eq3A_1963, %broadcast_in_dim3A_7, %select_n3A_1804 : vector<16xi1>, vector<16xf32>
        %ge3A_1965 = arith.cmpf oge, %select_n3A_1902, %select_n3A_1904 : vector<16xf32>
        %select_n3A_1966 = arith.select %ge3A_1965, %select_n3A_1902, %select_n3A_1904 : vector<16xi1>, vector<16xf32>
        %select_n3A_1967 = arith.select %ge3A_1965, %add3A_1201, %add3A_1204 : vector<16xi1>, vector<16xi32>
        %ge3A_1968 = arith.cmpf oge, %select_n3A_1906, %select_n3A_1908 : vector<16xf32>
        %select_n3A_1969 = arith.select %ge3A_1968, %select_n3A_1906, %select_n3A_1908 : vector<16xi1>, vector<16xf32>
        %select_n3A_1970 = arith.select %ge3A_1968, %add3A_1208, %add3A_1212 : vector<16xi1>, vector<16xi32>
        %ge3A_1971 = arith.cmpf oge, %select_n3A_1910, %select_n3A_1912 : vector<16xf32>
        %select_n3A_1972 = arith.select %ge3A_1971, %select_n3A_1910, %select_n3A_1912 : vector<16xi1>, vector<16xf32>
        %select_n3A_1973 = arith.select %ge3A_1971, %add3A_1216, %add3A_1220 : vector<16xi1>, vector<16xi32>
        %ge3A_1974 = arith.cmpf oge, %select_n3A_1914, %select_n3A_1916 : vector<16xf32>
        %select_n3A_1975 = arith.select %ge3A_1974, %select_n3A_1914, %select_n3A_1916 : vector<16xi1>, vector<16xf32>
        %select_n3A_1976 = arith.select %ge3A_1974, %add3A_1224, %add3A_1228 : vector<16xi1>, vector<16xi32>
        %ge3A_1977 = arith.cmpf oge, %select_n3A_1918, %select_n3A_1920 : vector<16xf32>
        %select_n3A_1978 = arith.select %ge3A_1977, %select_n3A_1918, %select_n3A_1920 : vector<16xi1>, vector<16xf32>
        %select_n3A_1979 = arith.select %ge3A_1977, %add3A_1232, %add3A_1236 : vector<16xi1>, vector<16xi32>
        %ge3A_1980 = arith.cmpf oge, %select_n3A_1922, %select_n3A_1924 : vector<16xf32>
        %select_n3A_1981 = arith.select %ge3A_1980, %select_n3A_1922, %select_n3A_1924 : vector<16xi1>, vector<16xf32>
        %select_n3A_1982 = arith.select %ge3A_1980, %add3A_1240, %add3A_1244 : vector<16xi1>, vector<16xi32>
        %ge3A_1983 = arith.cmpf oge, %select_n3A_1926, %select_n3A_1928 : vector<16xf32>
        %select_n3A_1984 = arith.select %ge3A_1983, %select_n3A_1926, %select_n3A_1928 : vector<16xi1>, vector<16xf32>
        %select_n3A_1985 = arith.select %ge3A_1983, %add3A_1248, %add3A_1252 : vector<16xi1>, vector<16xi32>
        %ge3A_1986 = arith.cmpf oge, %select_n3A_1930, %select_n3A_1932 : vector<16xf32>
        %select_n3A_1987 = arith.select %ge3A_1986, %select_n3A_1930, %select_n3A_1932 : vector<16xi1>, vector<16xf32>
        %select_n3A_1988 = arith.select %ge3A_1986, %add3A_1256, %add3A_1260 : vector<16xi1>, vector<16xi32>
        %ge3A_1989 = arith.cmpf oge, %select_n3A_1934, %select_n3A_1936 : vector<16xf32>
        %select_n3A_1990 = arith.select %ge3A_1989, %select_n3A_1934, %select_n3A_1936 : vector<16xi1>, vector<16xf32>
        %select_n3A_1991 = arith.select %ge3A_1989, %add3A_1264, %add3A_1268 : vector<16xi1>, vector<16xi32>
        %ge3A_1992 = arith.cmpf oge, %select_n3A_1938, %select_n3A_1940 : vector<16xf32>
        %select_n3A_1993 = arith.select %ge3A_1992, %select_n3A_1938, %select_n3A_1940 : vector<16xi1>, vector<16xf32>
        %select_n3A_1994 = arith.select %ge3A_1992, %add3A_1272, %add3A_1276 : vector<16xi1>, vector<16xi32>
        %ge3A_1995 = arith.cmpf oge, %select_n3A_1942, %select_n3A_1944 : vector<16xf32>
        %select_n3A_1996 = arith.select %ge3A_1995, %select_n3A_1942, %select_n3A_1944 : vector<16xi1>, vector<16xf32>
        %select_n3A_1997 = arith.select %ge3A_1995, %add3A_1280, %add3A_1284 : vector<16xi1>, vector<16xi32>
        %ge3A_1998 = arith.cmpf oge, %select_n3A_1946, %select_n3A_1948 : vector<16xf32>
        %select_n3A_1999 = arith.select %ge3A_1998, %select_n3A_1946, %select_n3A_1948 : vector<16xi1>, vector<16xf32>
        %select_n3A_2000 = arith.select %ge3A_1998, %add3A_1288, %add3A_1292 : vector<16xi1>, vector<16xi32>
        %ge3A_2001 = arith.cmpf oge, %select_n3A_1950, %select_n3A_1952 : vector<16xf32>
        %select_n3A_2002 = arith.select %ge3A_2001, %select_n3A_1950, %select_n3A_1952 : vector<16xi1>, vector<16xf32>
        %select_n3A_2003 = arith.select %ge3A_2001, %add3A_1296, %add3A_1300 : vector<16xi1>, vector<16xi32>
        %ge3A_2004 = arith.cmpf oge, %select_n3A_1954, %select_n3A_1956 : vector<16xf32>
        %select_n3A_2005 = arith.select %ge3A_2004, %select_n3A_1954, %select_n3A_1956 : vector<16xi1>, vector<16xf32>
        %select_n3A_2006 = arith.select %ge3A_2004, %add3A_1304, %add3A_1308 : vector<16xi1>, vector<16xi32>
        %ge3A_2007 = arith.cmpf oge, %select_n3A_1958, %select_n3A_1960 : vector<16xf32>
        %select_n3A_2008 = arith.select %ge3A_2007, %select_n3A_1958, %select_n3A_1960 : vector<16xi1>, vector<16xf32>
        %select_n3A_2009 = arith.select %ge3A_2007, %add3A_1312, %add3A_1316 : vector<16xi1>, vector<16xi32>
        %ge3A_2010 = arith.cmpf oge, %select_n3A_1962, %select_n3A_1964 : vector<16xf32>
        %select_n3A_2011 = arith.select %ge3A_2010, %select_n3A_1962, %select_n3A_1964 : vector<16xi1>, vector<16xf32>
        %select_n3A_2012 = arith.select %ge3A_2010, %add3A_1320, %add3A_1324 : vector<16xi1>, vector<16xi32>
        %ge3A_2013 = arith.cmpf oge, %select_n3A_1966, %select_n3A_1969 : vector<16xf32>
        %select_n3A_2014 = arith.select %ge3A_2013, %select_n3A_1966, %select_n3A_1969 : vector<16xi1>, vector<16xf32>
        %select_n3A_2015 = arith.select %ge3A_2013, %select_n3A_1967, %select_n3A_1970 : vector<16xi1>, vector<16xi32>
        %ge3A_2016 = arith.cmpf oge, %select_n3A_1972, %select_n3A_1975 : vector<16xf32>
        %select_n3A_2017 = arith.select %ge3A_2016, %select_n3A_1972, %select_n3A_1975 : vector<16xi1>, vector<16xf32>
        %select_n3A_2018 = arith.select %ge3A_2016, %select_n3A_1973, %select_n3A_1976 : vector<16xi1>, vector<16xi32>
        %ge3A_2019 = arith.cmpf oge, %select_n3A_1978, %select_n3A_1981 : vector<16xf32>
        %select_n3A_2020 = arith.select %ge3A_2019, %select_n3A_1978, %select_n3A_1981 : vector<16xi1>, vector<16xf32>
        %select_n3A_2021 = arith.select %ge3A_2019, %select_n3A_1979, %select_n3A_1982 : vector<16xi1>, vector<16xi32>
        %ge3A_2022 = arith.cmpf oge, %select_n3A_1984, %select_n3A_1987 : vector<16xf32>
        %select_n3A_2023 = arith.select %ge3A_2022, %select_n3A_1984, %select_n3A_1987 : vector<16xi1>, vector<16xf32>
        %select_n3A_2024 = arith.select %ge3A_2022, %select_n3A_1985, %select_n3A_1988 : vector<16xi1>, vector<16xi32>
        %ge3A_2025 = arith.cmpf oge, %select_n3A_1990, %select_n3A_1993 : vector<16xf32>
        %select_n3A_2026 = arith.select %ge3A_2025, %select_n3A_1990, %select_n3A_1993 : vector<16xi1>, vector<16xf32>
        %select_n3A_2027 = arith.select %ge3A_2025, %select_n3A_1991, %select_n3A_1994 : vector<16xi1>, vector<16xi32>
        %ge3A_2028 = arith.cmpf oge, %select_n3A_1996, %select_n3A_1999 : vector<16xf32>
        %select_n3A_2029 = arith.select %ge3A_2028, %select_n3A_1996, %select_n3A_1999 : vector<16xi1>, vector<16xf32>
        %select_n3A_2030 = arith.select %ge3A_2028, %select_n3A_1997, %select_n3A_2000 : vector<16xi1>, vector<16xi32>
        %ge3A_2031 = arith.cmpf oge, %select_n3A_2002, %select_n3A_2005 : vector<16xf32>
        %select_n3A_2032 = arith.select %ge3A_2031, %select_n3A_2002, %select_n3A_2005 : vector<16xi1>, vector<16xf32>
        %select_n3A_2033 = arith.select %ge3A_2031, %select_n3A_2003, %select_n3A_2006 : vector<16xi1>, vector<16xi32>
        %ge3A_2034 = arith.cmpf oge, %select_n3A_2008, %select_n3A_2011 : vector<16xf32>
        %select_n3A_2035 = arith.select %ge3A_2034, %select_n3A_2008, %select_n3A_2011 : vector<16xi1>, vector<16xf32>
        %select_n3A_2036 = arith.select %ge3A_2034, %select_n3A_2009, %select_n3A_2012 : vector<16xi1>, vector<16xi32>
        %ge3A_2037 = arith.cmpf oge, %select_n3A_2014, %select_n3A_2017 : vector<16xf32>
        %select_n3A_2038 = arith.select %ge3A_2037, %select_n3A_2014, %select_n3A_2017 : vector<16xi1>, vector<16xf32>
        %select_n3A_2039 = arith.select %ge3A_2037, %select_n3A_2015, %select_n3A_2018 : vector<16xi1>, vector<16xi32>
        %ge3A_2040 = arith.cmpf oge, %select_n3A_2020, %select_n3A_2023 : vector<16xf32>
        %select_n3A_2041 = arith.select %ge3A_2040, %select_n3A_2020, %select_n3A_2023 : vector<16xi1>, vector<16xf32>
        %select_n3A_2042 = arith.select %ge3A_2040, %select_n3A_2021, %select_n3A_2024 : vector<16xi1>, vector<16xi32>
        %ge3A_2043 = arith.cmpf oge, %select_n3A_2026, %select_n3A_2029 : vector<16xf32>
        %select_n3A_2044 = arith.select %ge3A_2043, %select_n3A_2026, %select_n3A_2029 : vector<16xi1>, vector<16xf32>
        %select_n3A_2045 = arith.select %ge3A_2043, %select_n3A_2027, %select_n3A_2030 : vector<16xi1>, vector<16xi32>
        %ge3A_2046 = arith.cmpf oge, %select_n3A_2032, %select_n3A_2035 : vector<16xf32>
        %select_n3A_2047 = arith.select %ge3A_2046, %select_n3A_2032, %select_n3A_2035 : vector<16xi1>, vector<16xf32>
        %select_n3A_2048 = arith.select %ge3A_2046, %select_n3A_2033, %select_n3A_2036 : vector<16xi1>, vector<16xi32>
        %ge3A_2049 = arith.cmpf oge, %select_n3A_2038, %select_n3A_2041 : vector<16xf32>
        %select_n3A_2050 = arith.select %ge3A_2049, %select_n3A_2038, %select_n3A_2041 : vector<16xi1>, vector<16xf32>
        %select_n3A_2051 = arith.select %ge3A_2049, %select_n3A_2039, %select_n3A_2042 : vector<16xi1>, vector<16xi32>
        %ge3A_2052 = arith.cmpf oge, %select_n3A_2044, %select_n3A_2047 : vector<16xf32>
        %select_n3A_2053 = arith.select %ge3A_2052, %select_n3A_2044, %select_n3A_2047 : vector<16xi1>, vector<16xf32>
        %select_n3A_2054 = arith.select %ge3A_2052, %select_n3A_2045, %select_n3A_2048 : vector<16xi1>, vector<16xi32>
        %ge3A_2055 = arith.cmpf oge, %select_n3A_2050, %select_n3A_2053 : vector<16xf32>
        %select_n3A_2056 = arith.select %ge3A_2055, %select_n3A_2050, %select_n3A_2053 : vector<16xi1>, vector<16xf32>
        %select_n3A_2057 = arith.select %ge3A_2055, %select_n3A_2051, %select_n3A_2054 : vector<16xi1>, vector<16xi32>
        %gather3A_2058 = tpu.vector_load_idx %arg8[%select_n3A_2057] : memref<64xf32, #tpu.memory_space<vmem>>[vector<16xi32>], vector<16xf32>,
        %sub3A_2059 = arith.subf %select_n3A_2056, %gather3A_2058 : vector<16xf32>
        %add3A_2060 = arith.addi %mul3A_12, %select_n3A_2057 : vector<16xi32>
        tpu.vector_store_idx %arg11[%add3A_2060], %broadcast_in_dim3A_3 {add = true} : memref<1024xf32, #tpu.memory_space<vmem>>[vector<16xi32>], vector<16xf32>,
        %eq3A_2061 = arith.cmpi eq, %add3A_1201, %select_n3A_2057 : vector<16xi32>
        %select_n3A_2062 = arith.select %eq3A_2061, %broadcast_in_dim3A_7, %select_n3A_1902 : vector<16xi1>, vector<16xf32>
        %eq3A_2063 = arith.cmpi eq, %add3A_1204, %select_n3A_2057 : vector<16xi32>
        %select_n3A_2064 = arith.select %eq3A_2063, %broadcast_in_dim3A_7, %select_n3A_1904 : vector<16xi1>, vector<16xf32>
        %eq3A_2065 = arith.cmpi eq, %add3A_1208, %select_n3A_2057 : vector<16xi32>
        %select_n3A_2066 = arith.select %eq3A_2065, %broadcast_in_dim3A_7, %select_n3A_1906 : vector<16xi1>, vector<16xf32>
        %eq3A_2067 = arith.cmpi eq, %add3A_1212, %select_n3A_2057 : vector<16xi32>
        %select_n3A_2068 = arith.select %eq3A_2067, %broadcast_in_dim3A_7, %select_n3A_1908 : vector<16xi1>, vector<16xf32>
        %eq3A_2069 = arith.cmpi eq, %add3A_1216, %select_n3A_2057 : vector<16xi32>
        %select_n3A_2070 = arith.select %eq3A_2069, %broadcast_in_dim3A_7, %select_n3A_1910 : vector<16xi1>, vector<16xf32>
        %eq3A_2071 = arith.cmpi eq, %add3A_1220, %select_n3A_2057 : vector<16xi32>
        %select_n3A_2072 = arith.select %eq3A_2071, %broadcast_in_dim3A_7, %select_n3A_1912 : vector<16xi1>, vector<16xf32>
        %eq3A_2073 = arith.cmpi eq, %add3A_1224, %select_n3A_2057 : vector<16xi32>
        %select_n3A_2074 = arith.select %eq3A_2073, %broadcast_in_dim3A_7, %select_n3A_1914 : vector<16xi1>, vector<16xf32>
        %eq3A_2075 = arith.cmpi eq, %add3A_1228, %select_n3A_2057 : vector<16xi32>
        %select_n3A_2076 = arith.select %eq3A_2075, %broadcast_in_dim3A_7, %select_n3A_1916 : vector<16xi1>, vector<16xf32>
        %eq3A_2077 = arith.cmpi eq, %add3A_1232, %select_n3A_2057 : vector<16xi32>
        %select_n3A_2078 = arith.select %eq3A_2077, %broadcast_in_dim3A_7, %select_n3A_1918 : vector<16xi1>, vector<16xf32>
        %eq3A_2079 = arith.cmpi eq, %add3A_1236, %select_n3A_2057 : vector<16xi32>
        %select_n3A_2080 = arith.select %eq3A_2079, %broadcast_in_dim3A_7, %select_n3A_1920 : vector<16xi1>, vector<16xf32>
        %eq3A_2081 = arith.cmpi eq, %add3A_1240, %select_n3A_2057 : vector<16xi32>
        %select_n3A_2082 = arith.select %eq3A_2081, %broadcast_in_dim3A_7, %select_n3A_1922 : vector<16xi1>, vector<16xf32>
        %eq3A_2083 = arith.cmpi eq, %add3A_1244, %select_n3A_2057 : vector<16xi32>
        %select_n3A_2084 = arith.select %eq3A_2083, %broadcast_in_dim3A_7, %select_n3A_1924 : vector<16xi1>, vector<16xf32>
        %eq3A_2085 = arith.cmpi eq, %add3A_1248, %select_n3A_2057 : vector<16xi32>
        %select_n3A_2086 = arith.select %eq3A_2085, %broadcast_in_dim3A_7, %select_n3A_1926 : vector<16xi1>, vector<16xf32>
        %eq3A_2087 = arith.cmpi eq, %add3A_1252, %select_n3A_2057 : vector<16xi32>
        %select_n3A_2088 = arith.select %eq3A_2087, %broadcast_in_dim3A_7, %select_n3A_1928 : vector<16xi1>, vector<16xf32>
        %eq3A_2089 = arith.cmpi eq, %add3A_1256, %select_n3A_2057 : vector<16xi32>
        %select_n3A_2090 = arith.select %eq3A_2089, %broadcast_in_dim3A_7, %select_n3A_1930 : vector<16xi1>, vector<16xf32>
        %eq3A_2091 = arith.cmpi eq, %add3A_1260, %select_n3A_2057 : vector<16xi32>
        %select_n3A_2092 = arith.select %eq3A_2091, %broadcast_in_dim3A_7, %select_n3A_1932 : vector<16xi1>, vector<16xf32>
        %eq3A_2093 = arith.cmpi eq, %add3A_1264, %select_n3A_2057 : vector<16xi32>
        %select_n3A_2094 = arith.select %eq3A_2093, %broadcast_in_dim3A_7, %select_n3A_1934 : vector<16xi1>, vector<16xf32>
        %eq3A_2095 = arith.cmpi eq, %add3A_1268, %select_n3A_2057 : vector<16xi32>
        %select_n3A_2096 = arith.select %eq3A_2095, %broadcast_in_dim3A_7, %select_n3A_1936 : vector<16xi1>, vector<16xf32>
        %eq3A_2097 = arith.cmpi eq, %add3A_1272, %select_n3A_2057 : vector<16xi32>
        %select_n3A_2098 = arith.select %eq3A_2097, %broadcast_in_dim3A_7, %select_n3A_1938 : vector<16xi1>, vector<16xf32>
        %eq3A_2099 = arith.cmpi eq, %add3A_1276, %select_n3A_2057 : vector<16xi32>
        %select_n3A_2100 = arith.select %eq3A_2099, %broadcast_in_dim3A_7, %select_n3A_1940 : vector<16xi1>, vector<16xf32>
        %eq3A_2101 = arith.cmpi eq, %add3A_1280, %select_n3A_2057 : vector<16xi32>
        %select_n3A_2102 = arith.select %eq3A_2101, %broadcast_in_dim3A_7, %select_n3A_1942 : vector<16xi1>, vector<16xf32>
        %eq3A_2103 = arith.cmpi eq, %add3A_1284, %select_n3A_2057 : vector<16xi32>
        %select_n3A_2104 = arith.select %eq3A_2103, %broadcast_in_dim3A_7, %select_n3A_1944 : vector<16xi1>, vector<16xf32>
        %eq3A_2105 = arith.cmpi eq, %add3A_1288, %select_n3A_2057 : vector<16xi32>
        %select_n3A_2106 = arith.select %eq3A_2105, %broadcast_in_dim3A_7, %select_n3A_1946 : vector<16xi1>, vector<16xf32>
        %eq3A_2107 = arith.cmpi eq, %add3A_1292, %select_n3A_2057 : vector<16xi32>
        %select_n3A_2108 = arith.select %eq3A_2107, %broadcast_in_dim3A_7, %select_n3A_1948 : vector<16xi1>, vector<16xf32>
        %eq3A_2109 = arith.cmpi eq, %add3A_1296, %select_n3A_2057 : vector<16xi32>
        %select_n3A_2110 = arith.select %eq3A_2109, %broadcast_in_dim3A_7, %select_n3A_1950 : vector<16xi1>, vector<16xf32>
        %eq3A_2111 = arith.cmpi eq, %add3A_1300, %select_n3A_2057 : vector<16xi32>
        %select_n3A_2112 = arith.select %eq3A_2111, %broadcast_in_dim3A_7, %select_n3A_1952 : vector<16xi1>, vector<16xf32>
        %eq3A_2113 = arith.cmpi eq, %add3A_1304, %select_n3A_2057 : vector<16xi32>
        %select_n3A_2114 = arith.select %eq3A_2113, %broadcast_in_dim3A_7, %select_n3A_1954 : vector<16xi1>, vector<16xf32>
        %eq3A_2115 = arith.cmpi eq, %add3A_1308, %select_n3A_2057 : vector<16xi32>
        %select_n3A_2116 = arith.select %eq3A_2115, %broadcast_in_dim3A_7, %select_n3A_1956 : vector<16xi1>, vector<16xf32>
        %eq3A_2117 = arith.cmpi eq, %add3A_1312, %select_n3A_2057 : vector<16xi32>
        %select_n3A_2118 = arith.select %eq3A_2117, %broadcast_in_dim3A_7, %select_n3A_1958 : vector<16xi1>, vector<16xf32>
        %eq3A_2119 = arith.cmpi eq, %add3A_1316, %select_n3A_2057 : vector<16xi32>
        %select_n3A_2120 = arith.select %eq3A_2119, %broadcast_in_dim3A_7, %select_n3A_1960 : vector<16xi1>, vector<16xf32>
        %eq3A_2121 = arith.cmpi eq, %add3A_1320, %select_n3A_2057 : vector<16xi32>
        %select_n3A_2122 = arith.select %eq3A_2121, %broadcast_in_dim3A_7, %select_n3A_1962 : vector<16xi1>, vector<16xf32>
        %eq3A_2123 = arith.cmpi eq, %add3A_1324, %select_n3A_2057 : vector<16xi32>
        %select_n3A_2124 = arith.select %eq3A_2123, %broadcast_in_dim3A_7, %select_n3A_1964 : vector<16xi1>, vector<16xf32>
        %ge3A_2125 = arith.cmpf oge, %select_n3A_2062, %select_n3A_2064 : vector<16xf32>
        %select_n3A_2126 = arith.select %ge3A_2125, %select_n3A_2062, %select_n3A_2064 : vector<16xi1>, vector<16xf32>
        %select_n3A_2127 = arith.select %ge3A_2125, %add3A_1201, %add3A_1204 : vector<16xi1>, vector<16xi32>
        %ge3A_2128 = arith.cmpf oge, %select_n3A_2066, %select_n3A_2068 : vector<16xf32>
        %select_n3A_2129 = arith.select %ge3A_2128, %select_n3A_2066, %select_n3A_2068 : vector<16xi1>, vector<16xf32>
        %select_n3A_2130 = arith.select %ge3A_2128, %add3A_1208, %add3A_1212 : vector<16xi1>, vector<16xi32>
        %ge3A_2131 = arith.cmpf oge, %select_n3A_2070, %select_n3A_2072 : vector<16xf32>
        %select_n3A_2132 = arith.select %ge3A_2131, %select_n3A_2070, %select_n3A_2072 : vector<16xi1>, vector<16xf32>
        %select_n3A_2133 = arith.select %ge3A_2131, %add3A_1216, %add3A_1220 : vector<16xi1>, vector<16xi32>
        %ge3A_2134 = arith.cmpf oge, %select_n3A_2074, %select_n3A_2076 : vector<16xf32>
        %select_n3A_2135 = arith.select %ge3A_2134, %select_n3A_2074, %select_n3A_2076 : vector<16xi1>, vector<16xf32>
        %select_n3A_2136 = arith.select %ge3A_2134, %add3A_1224, %add3A_1228 : vector<16xi1>, vector<16xi32>
        %ge3A_2137 = arith.cmpf oge, %select_n3A_2078, %select_n3A_2080 : vector<16xf32>
        %select_n3A_2138 = arith.select %ge3A_2137, %select_n3A_2078, %select_n3A_2080 : vector<16xi1>, vector<16xf32>
        %select_n3A_2139 = arith.select %ge3A_2137, %add3A_1232, %add3A_1236 : vector<16xi1>, vector<16xi32>
        %ge3A_2140 = arith.cmpf oge, %select_n3A_2082, %select_n3A_2084 : vector<16xf32>
        %select_n3A_2141 = arith.select %ge3A_2140, %select_n3A_2082, %select_n3A_2084 : vector<16xi1>, vector<16xf32>
        %select_n3A_2142 = arith.select %ge3A_2140, %add3A_1240, %add3A_1244 : vector<16xi1>, vector<16xi32>
        %ge3A_2143 = arith.cmpf oge, %select_n3A_2086, %select_n3A_2088 : vector<16xf32>
        %select_n3A_2144 = arith.select %ge3A_2143, %select_n3A_2086, %select_n3A_2088 : vector<16xi1>, vector<16xf32>
        %select_n3A_2145 = arith.select %ge3A_2143, %add3A_1248, %add3A_1252 : vector<16xi1>, vector<16xi32>
        %ge3A_2146 = arith.cmpf oge, %select_n3A_2090, %select_n3A_2092 : vector<16xf32>
        %select_n3A_2147 = arith.select %ge3A_2146, %select_n3A_2090, %select_n3A_2092 : vector<16xi1>, vector<16xf32>
        %select_n3A_2148 = arith.select %ge3A_2146, %add3A_1256, %add3A_1260 : vector<16xi1>, vector<16xi32>
        %ge3A_2149 = arith.cmpf oge, %select_n3A_2094, %select_n3A_2096 : vector<16xf32>
        %select_n3A_2150 = arith.select %ge3A_2149, %select_n3A_2094, %select_n3A_2096 : vector<16xi1>, vector<16xf32>
        %select_n3A_2151 = arith.select %ge3A_2149, %add3A_1264, %add3A_1268 : vector<16xi1>, vector<16xi32>
        %ge3A_2152 = arith.cmpf oge, %select_n3A_2098, %select_n3A_2100 : vector<16xf32>
        %select_n3A_2153 = arith.select %ge3A_2152, %select_n3A_2098, %select_n3A_2100 : vector<16xi1>, vector<16xf32>
        %select_n3A_2154 = arith.select %ge3A_2152, %add3A_1272, %add3A_1276 : vector<16xi1>, vector<16xi32>
        %ge3A_2155 = arith.cmpf oge, %select_n3A_2102, %select_n3A_2104 : vector<16xf32>
        %select_n3A_2156 = arith.select %ge3A_2155, %select_n3A_2102, %select_n3A_2104 : vector<16xi1>, vector<16xf32>
        %select_n3A_2157 = arith.select %ge3A_2155, %add3A_1280, %add3A_1284 : vector<16xi1>, vector<16xi32>
        %ge3A_2158 = arith.cmpf oge, %select_n3A_2106, %select_n3A_2108 : vector<16xf32>
        %select_n3A_2159 = arith.select %ge3A_2158, %select_n3A_2106, %select_n3A_2108 : vector<16xi1>, vector<16xf32>
        %select_n3A_2160 = arith.select %ge3A_2158, %add3A_1288, %add3A_1292 : vector<16xi1>, vector<16xi32>
        %ge3A_2161 = arith.cmpf oge, %select_n3A_2110, %select_n3A_2112 : vector<16xf32>
        %select_n3A_2162 = arith.select %ge3A_2161, %select_n3A_2110, %select_n3A_2112 : vector<16xi1>, vector<16xf32>
        %select_n3A_2163 = arith.select %ge3A_2161, %add3A_1296, %add3A_1300 : vector<16xi1>, vector<16xi32>
        %ge3A_2164 = arith.cmpf oge, %select_n3A_2114, %select_n3A_2116 : vector<16xf32>
        %select_n3A_2165 = arith.select %ge3A_2164, %select_n3A_2114, %select_n3A_2116 : vector<16xi1>, vector<16xf32>
        %select_n3A_2166 = arith.select %ge3A_2164, %add3A_1304, %add3A_1308 : vector<16xi1>, vector<16xi32>
        %ge3A_2167 = arith.cmpf oge, %select_n3A_2118, %select_n3A_2120 : vector<16xf32>
        %select_n3A_2168 = arith.select %ge3A_2167, %select_n3A_2118, %select_n3A_2120 : vector<16xi1>, vector<16xf32>
        %select_n3A_2169 = arith.select %ge3A_2167, %add3A_1312, %add3A_1316 : vector<16xi1>, vector<16xi32>
        %ge3A_2170 = arith.cmpf oge, %select_n3A_2122, %select_n3A_2124 : vector<16xf32>
        %select_n3A_2171 = arith.select %ge3A_2170, %select_n3A_2122, %select_n3A_2124 : vector<16xi1>, vector<16xf32>
        %select_n3A_2172 = arith.select %ge3A_2170, %add3A_1320, %add3A_1324 : vector<16xi1>, vector<16xi32>
        %ge3A_2173 = arith.cmpf oge, %select_n3A_2126, %select_n3A_2129 : vector<16xf32>
        %select_n3A_2174 = arith.select %ge3A_2173, %select_n3A_2126, %select_n3A_2129 : vector<16xi1>, vector<16xf32>
        %select_n3A_2175 = arith.select %ge3A_2173, %select_n3A_2127, %select_n3A_2130 : vector<16xi1>, vector<16xi32>
        %ge3A_2176 = arith.cmpf oge, %select_n3A_2132, %select_n3A_2135 : vector<16xf32>
        %select_n3A_2177 = arith.select %ge3A_2176, %select_n3A_2132, %select_n3A_2135 : vector<16xi1>, vector<16xf32>
        %select_n3A_2178 = arith.select %ge3A_2176, %select_n3A_2133, %select_n3A_2136 : vector<16xi1>, vector<16xi32>
        %ge3A_2179 = arith.cmpf oge, %select_n3A_2138, %select_n3A_2141 : vector<16xf32>
        %select_n3A_2180 = arith.select %ge3A_2179, %select_n3A_2138, %select_n3A_2141 : vector<16xi1>, vector<16xf32>
        %select_n3A_2181 = arith.select %ge3A_2179, %select_n3A_2139, %select_n3A_2142 : vector<16xi1>, vector<16xi32>
        %ge3A_2182 = arith.cmpf oge, %select_n3A_2144, %select_n3A_2147 : vector<16xf32>
        %select_n3A_2183 = arith.select %ge3A_2182, %select_n3A_2144, %select_n3A_2147 : vector<16xi1>, vector<16xf32>
        %select_n3A_2184 = arith.select %ge3A_2182, %select_n3A_2145, %select_n3A_2148 : vector<16xi1>, vector<16xi32>
        %ge3A_2185 = arith.cmpf oge, %select_n3A_2150, %select_n3A_2153 : vector<16xf32>
        %select_n3A_2186 = arith.select %ge3A_2185, %select_n3A_2150, %select_n3A_2153 : vector<16xi1>, vector<16xf32>
        %select_n3A_2187 = arith.select %ge3A_2185, %select_n3A_2151, %select_n3A_2154 : vector<16xi1>, vector<16xi32>
        %ge3A_2188 = arith.cmpf oge, %select_n3A_2156, %select_n3A_2159 : vector<16xf32>
        %select_n3A_2189 = arith.select %ge3A_2188, %select_n3A_2156, %select_n3A_2159 : vector<16xi1>, vector<16xf32>
        %select_n3A_2190 = arith.select %ge3A_2188, %select_n3A_2157, %select_n3A_2160 : vector<16xi1>, vector<16xi32>
        %ge3A_2191 = arith.cmpf oge, %select_n3A_2162, %select_n3A_2165 : vector<16xf32>
        %select_n3A_2192 = arith.select %ge3A_2191, %select_n3A_2162, %select_n3A_2165 : vector<16xi1>, vector<16xf32>
        %select_n3A_2193 = arith.select %ge3A_2191, %select_n3A_2163, %select_n3A_2166 : vector<16xi1>, vector<16xi32>
        %ge3A_2194 = arith.cmpf oge, %select_n3A_2168, %select_n3A_2171 : vector<16xf32>
        %select_n3A_2195 = arith.select %ge3A_2194, %select_n3A_2168, %select_n3A_2171 : vector<16xi1>, vector<16xf32>
        %select_n3A_2196 = arith.select %ge3A_2194, %select_n3A_2169, %select_n3A_2172 : vector<16xi1>, vector<16xi32>
        %ge3A_2197 = arith.cmpf oge, %select_n3A_2174, %select_n3A_2177 : vector<16xf32>
        %select_n3A_2198 = arith.select %ge3A_2197, %select_n3A_2174, %select_n3A_2177 : vector<16xi1>, vector<16xf32>
        %select_n3A_2199 = arith.select %ge3A_2197, %select_n3A_2175, %select_n3A_2178 : vector<16xi1>, vector<16xi32>
        %ge3A_2200 = arith.cmpf oge, %select_n3A_2180, %select_n3A_2183 : vector<16xf32>
        %select_n3A_2201 = arith.select %ge3A_2200, %select_n3A_2180, %select_n3A_2183 : vector<16xi1>, vector<16xf32>
        %select_n3A_2202 = arith.select %ge3A_2200, %select_n3A_2181, %select_n3A_2184 : vector<16xi1>, vector<16xi32>
        %ge3A_2203 = arith.cmpf oge, %select_n3A_2186, %select_n3A_2189 : vector<16xf32>
        %select_n3A_2204 = arith.select %ge3A_2203, %select_n3A_2186, %select_n3A_2189 : vector<16xi1>, vector<16xf32>
        %select_n3A_2205 = arith.select %ge3A_2203, %select_n3A_2187, %select_n3A_2190 : vector<16xi1>, vector<16xi32>
        %ge3A_2206 = arith.cmpf oge, %select_n3A_2192, %select_n3A_2195 : vector<16xf32>
        %select_n3A_2207 = arith.select %ge3A_2206, %select_n3A_2192, %select_n3A_2195 : vector<16xi1>, vector<16xf32>
        %select_n3A_2208 = arith.select %ge3A_2206, %select_n3A_2193, %select_n3A_2196 : vector<16xi1>, vector<16xi32>
        %ge3A_2209 = arith.cmpf oge, %select_n3A_2198, %select_n3A_2201 : vector<16xf32>
        %select_n3A_2210 = arith.select %ge3A_2209, %select_n3A_2198, %select_n3A_2201 : vector<16xi1>, vector<16xf32>
        %select_n3A_2211 = arith.select %ge3A_2209, %select_n3A_2199, %select_n3A_2202 : vector<16xi1>, vector<16xi32>
        %ge3A_2212 = arith.cmpf oge, %select_n3A_2204, %select_n3A_2207 : vector<16xf32>
        %select_n3A_2213 = arith.select %ge3A_2212, %select_n3A_2204, %select_n3A_2207 : vector<16xi1>, vector<16xf32>
        %select_n3A_2214 = arith.select %ge3A_2212, %select_n3A_2205, %select_n3A_2208 : vector<16xi1>, vector<16xi32>
        %ge3A_2215 = arith.cmpf oge, %select_n3A_2210, %select_n3A_2213 : vector<16xf32>
        %select_n3A_2216 = arith.select %ge3A_2215, %select_n3A_2210, %select_n3A_2213 : vector<16xi1>, vector<16xf32>
        %select_n3A_2217 = arith.select %ge3A_2215, %select_n3A_2211, %select_n3A_2214 : vector<16xi1>, vector<16xi32>
        %gather3A_2218 = tpu.vector_load_idx %arg8[%select_n3A_2217] : memref<64xf32, #tpu.memory_space<vmem>>[vector<16xi32>], vector<16xf32>,
        %sub3A_2219 = arith.subf %select_n3A_2216, %gather3A_2218 : vector<16xf32>
        %add3A_2220 = arith.addi %mul3A_12, %select_n3A_2217 : vector<16xi32>
        tpu.vector_store_idx %arg11[%add3A_2220], %broadcast_in_dim3A_3 {add = true} : memref<1024xf32, #tpu.memory_space<vmem>>[vector<16xi32>], vector<16xf32>,
        %eq3A_2221 = arith.cmpi eq, %add3A_1201, %select_n3A_2217 : vector<16xi32>
        %select_n3A_2222 = arith.select %eq3A_2221, %broadcast_in_dim3A_7, %select_n3A_2062 : vector<16xi1>, vector<16xf32>
        %eq3A_2223 = arith.cmpi eq, %add3A_1204, %select_n3A_2217 : vector<16xi32>
        %select_n3A_2224 = arith.select %eq3A_2223, %broadcast_in_dim3A_7, %select_n3A_2064 : vector<16xi1>, vector<16xf32>
        %eq3A_2225 = arith.cmpi eq, %add3A_1208, %select_n3A_2217 : vector<16xi32>
        %select_n3A_2226 = arith.select %eq3A_2225, %broadcast_in_dim3A_7, %select_n3A_2066 : vector<16xi1>, vector<16xf32>
        %eq3A_2227 = arith.cmpi eq, %add3A_1212, %select_n3A_2217 : vector<16xi32>
        %select_n3A_2228 = arith.select %eq3A_2227, %broadcast_in_dim3A_7, %select_n3A_2068 : vector<16xi1>, vector<16xf32>
        %eq3A_2229 = arith.cmpi eq, %add3A_1216, %select_n3A_2217 : vector<16xi32>
        %select_n3A_2230 = arith.select %eq3A_2229, %broadcast_in_dim3A_7, %select_n3A_2070 : vector<16xi1>, vector<16xf32>
        %eq3A_2231 = arith.cmpi eq, %add3A_1220, %select_n3A_2217 : vector<16xi32>
        %select_n3A_2232 = arith.select %eq3A_2231, %broadcast_in_dim3A_7, %select_n3A_2072 : vector<16xi1>, vector<16xf32>
        %eq3A_2233 = arith.cmpi eq, %add3A_1224, %select_n3A_2217 : vector<16xi32>
        %select_n3A_2234 = arith.select %eq3A_2233, %broadcast_in_dim3A_7, %select_n3A_2074 : vector<16xi1>, vector<16xf32>
        %eq3A_2235 = arith.cmpi eq, %add3A_1228, %select_n3A_2217 : vector<16xi32>
        %select_n3A_2236 = arith.select %eq3A_2235, %broadcast_in_dim3A_7, %select_n3A_2076 : vector<16xi1>, vector<16xf32>
        %eq3A_2237 = arith.cmpi eq, %add3A_1232, %select_n3A_2217 : vector<16xi32>
        %select_n3A_2238 = arith.select %eq3A_2237, %broadcast_in_dim3A_7, %select_n3A_2078 : vector<16xi1>, vector<16xf32>
        %eq3A_2239 = arith.cmpi eq, %add3A_1236, %select_n3A_2217 : vector<16xi32>
        %select_n3A_2240 = arith.select %eq3A_2239, %broadcast_in_dim3A_7, %select_n3A_2080 : vector<16xi1>, vector<16xf32>
        %eq3A_2241 = arith.cmpi eq, %add3A_1240, %select_n3A_2217 : vector<16xi32>
        %select_n3A_2242 = arith.select %eq3A_2241, %broadcast_in_dim3A_7, %select_n3A_2082 : vector<16xi1>, vector<16xf32>
        %eq3A_2243 = arith.cmpi eq, %add3A_1244, %select_n3A_2217 : vector<16xi32>
        %select_n3A_2244 = arith.select %eq3A_2243, %broadcast_in_dim3A_7, %select_n3A_2084 : vector<16xi1>, vector<16xf32>
        %eq3A_2245 = arith.cmpi eq, %add3A_1248, %select_n3A_2217 : vector<16xi32>
        %select_n3A_2246 = arith.select %eq3A_2245, %broadcast_in_dim3A_7, %select_n3A_2086 : vector<16xi1>, vector<16xf32>
        %eq3A_2247 = arith.cmpi eq, %add3A_1252, %select_n3A_2217 : vector<16xi32>
        %select_n3A_2248 = arith.select %eq3A_2247, %broadcast_in_dim3A_7, %select_n3A_2088 : vector<16xi1>, vector<16xf32>
        %eq3A_2249 = arith.cmpi eq, %add3A_1256, %select_n3A_2217 : vector<16xi32>
        %select_n3A_2250 = arith.select %eq3A_2249, %broadcast_in_dim3A_7, %select_n3A_2090 : vector<16xi1>, vector<16xf32>
        %eq3A_2251 = arith.cmpi eq, %add3A_1260, %select_n3A_2217 : vector<16xi32>
        %select_n3A_2252 = arith.select %eq3A_2251, %broadcast_in_dim3A_7, %select_n3A_2092 : vector<16xi1>, vector<16xf32>
        %eq3A_2253 = arith.cmpi eq, %add3A_1264, %select_n3A_2217 : vector<16xi32>
        %select_n3A_2254 = arith.select %eq3A_2253, %broadcast_in_dim3A_7, %select_n3A_2094 : vector<16xi1>, vector<16xf32>
        %eq3A_2255 = arith.cmpi eq, %add3A_1268, %select_n3A_2217 : vector<16xi32>
        %select_n3A_2256 = arith.select %eq3A_2255, %broadcast_in_dim3A_7, %select_n3A_2096 : vector<16xi1>, vector<16xf32>
        %eq3A_2257 = arith.cmpi eq, %add3A_1272, %select_n3A_2217 : vector<16xi32>
        %select_n3A_2258 = arith.select %eq3A_2257, %broadcast_in_dim3A_7, %select_n3A_2098 : vector<16xi1>, vector<16xf32>
        %eq3A_2259 = arith.cmpi eq, %add3A_1276, %select_n3A_2217 : vector<16xi32>
        %select_n3A_2260 = arith.select %eq3A_2259, %broadcast_in_dim3A_7, %select_n3A_2100 : vector<16xi1>, vector<16xf32>
        %eq3A_2261 = arith.cmpi eq, %add3A_1280, %select_n3A_2217 : vector<16xi32>
        %select_n3A_2262 = arith.select %eq3A_2261, %broadcast_in_dim3A_7, %select_n3A_2102 : vector<16xi1>, vector<16xf32>
        %eq3A_2263 = arith.cmpi eq, %add3A_1284, %select_n3A_2217 : vector<16xi32>
        %select_n3A_2264 = arith.select %eq3A_2263, %broadcast_in_dim3A_7, %select_n3A_2104 : vector<16xi1>, vector<16xf32>
        %eq3A_2265 = arith.cmpi eq, %add3A_1288, %select_n3A_2217 : vector<16xi32>
        %select_n3A_2266 = arith.select %eq3A_2265, %broadcast_in_dim3A_7, %select_n3A_2106 : vector<16xi1>, vector<16xf32>
        %eq3A_2267 = arith.cmpi eq, %add3A_1292, %select_n3A_2217 : vector<16xi32>
        %select_n3A_2268 = arith.select %eq3A_2267, %broadcast_in_dim3A_7, %select_n3A_2108 : vector<16xi1>, vector<16xf32>
        %eq3A_2269 = arith.cmpi eq, %add3A_1296, %select_n3A_2217 : vector<16xi32>
        %select_n3A_2270 = arith.select %eq3A_2269, %broadcast_in_dim3A_7, %select_n3A_2110 : vector<16xi1>, vector<16xf32>
        %eq3A_2271 = arith.cmpi eq, %add3A_1300, %select_n3A_2217 : vector<16xi32>
        %select_n3A_2272 = arith.select %eq3A_2271, %broadcast_in_dim3A_7, %select_n3A_2112 : vector<16xi1>, vector<16xf32>
        %eq3A_2273 = arith.cmpi eq, %add3A_1304, %select_n3A_2217 : vector<16xi32>
        %select_n3A_2274 = arith.select %eq3A_2273, %broadcast_in_dim3A_7, %select_n3A_2114 : vector<16xi1>, vector<16xf32>
        %eq3A_2275 = arith.cmpi eq, %add3A_1308, %select_n3A_2217 : vector<16xi32>
        %select_n3A_2276 = arith.select %eq3A_2275, %broadcast_in_dim3A_7, %select_n3A_2116 : vector<16xi1>, vector<16xf32>
        %eq3A_2277 = arith.cmpi eq, %add3A_1312, %select_n3A_2217 : vector<16xi32>
        %select_n3A_2278 = arith.select %eq3A_2277, %broadcast_in_dim3A_7, %select_n3A_2118 : vector<16xi1>, vector<16xf32>
        %eq3A_2279 = arith.cmpi eq, %add3A_1316, %select_n3A_2217 : vector<16xi32>
        %select_n3A_2280 = arith.select %eq3A_2279, %broadcast_in_dim3A_7, %select_n3A_2120 : vector<16xi1>, vector<16xf32>
        %eq3A_2281 = arith.cmpi eq, %add3A_1320, %select_n3A_2217 : vector<16xi32>
        %select_n3A_2282 = arith.select %eq3A_2281, %broadcast_in_dim3A_7, %select_n3A_2122 : vector<16xi1>, vector<16xf32>
        %eq3A_2283 = arith.cmpi eq, %add3A_1324, %select_n3A_2217 : vector<16xi32>
        %select_n3A_2284 = arith.select %eq3A_2283, %broadcast_in_dim3A_7, %select_n3A_2124 : vector<16xi1>, vector<16xf32>
        %ge3A_2285 = arith.cmpf oge, %select_n3A_2222, %select_n3A_2224 : vector<16xf32>
        %select_n3A_2286 = arith.select %ge3A_2285, %select_n3A_2222, %select_n3A_2224 : vector<16xi1>, vector<16xf32>
        %select_n3A_2287 = arith.select %ge3A_2285, %add3A_1201, %add3A_1204 : vector<16xi1>, vector<16xi32>
        %ge3A_2288 = arith.cmpf oge, %select_n3A_2226, %select_n3A_2228 : vector<16xf32>
        %select_n3A_2289 = arith.select %ge3A_2288, %select_n3A_2226, %select_n3A_2228 : vector<16xi1>, vector<16xf32>
        %select_n3A_2290 = arith.select %ge3A_2288, %add3A_1208, %add3A_1212 : vector<16xi1>, vector<16xi32>
        %ge3A_2291 = arith.cmpf oge, %select_n3A_2230, %select_n3A_2232 : vector<16xf32>
        %select_n3A_2292 = arith.select %ge3A_2291, %select_n3A_2230, %select_n3A_2232 : vector<16xi1>, vector<16xf32>
        %select_n3A_2293 = arith.select %ge3A_2291, %add3A_1216, %add3A_1220 : vector<16xi1>, vector<16xi32>
        %ge3A_2294 = arith.cmpf oge, %select_n3A_2234, %select_n3A_2236 : vector<16xf32>
        %select_n3A_2295 = arith.select %ge3A_2294, %select_n3A_2234, %select_n3A_2236 : vector<16xi1>, vector<16xf32>
        %select_n3A_2296 = arith.select %ge3A_2294, %add3A_1224, %add3A_1228 : vector<16xi1>, vector<16xi32>
        %ge3A_2297 = arith.cmpf oge, %select_n3A_2238, %select_n3A_2240 : vector<16xf32>
        %select_n3A_2298 = arith.select %ge3A_2297, %select_n3A_2238, %select_n3A_2240 : vector<16xi1>, vector<16xf32>
        %select_n3A_2299 = arith.select %ge3A_2297, %add3A_1232, %add3A_1236 : vector<16xi1>, vector<16xi32>
        %ge3A_2300 = arith.cmpf oge, %select_n3A_2242, %select_n3A_2244 : vector<16xf32>
        %select_n3A_2301 = arith.select %ge3A_2300, %select_n3A_2242, %select_n3A_2244 : vector<16xi1>, vector<16xf32>
        %select_n3A_2302 = arith.select %ge3A_2300, %add3A_1240, %add3A_1244 : vector<16xi1>, vector<16xi32>
        %ge3A_2303 = arith.cmpf oge, %select_n3A_2246, %select_n3A_2248 : vector<16xf32>
        %select_n3A_2304 = arith.select %ge3A_2303, %select_n3A_2246, %select_n3A_2248 : vector<16xi1>, vector<16xf32>
        %select_n3A_2305 = arith.select %ge3A_2303, %add3A_1248, %add3A_1252 : vector<16xi1>, vector<16xi32>
        %ge3A_2306 = arith.cmpf oge, %select_n3A_2250, %select_n3A_2252 : vector<16xf32>
        %select_n3A_2307 = arith.select %ge3A_2306, %select_n3A_2250, %select_n3A_2252 : vector<16xi1>, vector<16xf32>
        %select_n3A_2308 = arith.select %ge3A_2306, %add3A_1256, %add3A_1260 : vector<16xi1>, vector<16xi32>
        %ge3A_2309 = arith.cmpf oge, %select_n3A_2254, %select_n3A_2256 : vector<16xf32>
        %select_n3A_2310 = arith.select %ge3A_2309, %select_n3A_2254, %select_n3A_2256 : vector<16xi1>, vector<16xf32>
        %select_n3A_2311 = arith.select %ge3A_2309, %add3A_1264, %add3A_1268 : vector<16xi1>, vector<16xi32>
        %ge3A_2312 = arith.cmpf oge, %select_n3A_2258, %select_n3A_2260 : vector<16xf32>
        %select_n3A_2313 = arith.select %ge3A_2312, %select_n3A_2258, %select_n3A_2260 : vector<16xi1>, vector<16xf32>
        %select_n3A_2314 = arith.select %ge3A_2312, %add3A_1272, %add3A_1276 : vector<16xi1>, vector<16xi32>
        %ge3A_2315 = arith.cmpf oge, %select_n3A_2262, %select_n3A_2264 : vector<16xf32>
        %select_n3A_2316 = arith.select %ge3A_2315, %select_n3A_2262, %select_n3A_2264 : vector<16xi1>, vector<16xf32>
        %select_n3A_2317 = arith.select %ge3A_2315, %add3A_1280, %add3A_1284 : vector<16xi1>, vector<16xi32>
        %ge3A_2318 = arith.cmpf oge, %select_n3A_2266, %select_n3A_2268 : vector<16xf32>
        %select_n3A_2319 = arith.select %ge3A_2318, %select_n3A_2266, %select_n3A_2268 : vector<16xi1>, vector<16xf32>
        %select_n3A_2320 = arith.select %ge3A_2318, %add3A_1288, %add3A_1292 : vector<16xi1>, vector<16xi32>
        %ge3A_2321 = arith.cmpf oge, %select_n3A_2270, %select_n3A_2272 : vector<16xf32>
        %select_n3A_2322 = arith.select %ge3A_2321, %select_n3A_2270, %select_n3A_2272 : vector<16xi1>, vector<16xf32>
        %select_n3A_2323 = arith.select %ge3A_2321, %add3A_1296, %add3A_1300 : vector<16xi1>, vector<16xi32>
        %ge3A_2324 = arith.cmpf oge, %select_n3A_2274, %select_n3A_2276 : vector<16xf32>
        %select_n3A_2325 = arith.select %ge3A_2324, %select_n3A_2274, %select_n3A_2276 : vector<16xi1>, vector<16xf32>
        %select_n3A_2326 = arith.select %ge3A_2324, %add3A_1304, %add3A_1308 : vector<16xi1>, vector<16xi32>
        %ge3A_2327 = arith.cmpf oge, %select_n3A_2278, %select_n3A_2280 : vector<16xf32>
        %select_n3A_2328 = arith.select %ge3A_2327, %select_n3A_2278, %select_n3A_2280 : vector<16xi1>, vector<16xf32>
        %select_n3A_2329 = arith.select %ge3A_2327, %add3A_1312, %add3A_1316 : vector<16xi1>, vector<16xi32>
        %ge3A_2330 = arith.cmpf oge, %select_n3A_2282, %select_n3A_2284 : vector<16xf32>
        %select_n3A_2331 = arith.select %ge3A_2330, %select_n3A_2282, %select_n3A_2284 : vector<16xi1>, vector<16xf32>
        %select_n3A_2332 = arith.select %ge3A_2330, %add3A_1320, %add3A_1324 : vector<16xi1>, vector<16xi32>
        %ge3A_2333 = arith.cmpf oge, %select_n3A_2286, %select_n3A_2289 : vector<16xf32>
        %select_n3A_2334 = arith.select %ge3A_2333, %select_n3A_2286, %select_n3A_2289 : vector<16xi1>, vector<16xf32>
        %select_n3A_2335 = arith.select %ge3A_2333, %select_n3A_2287, %select_n3A_2290 : vector<16xi1>, vector<16xi32>
        %ge3A_2336 = arith.cmpf oge, %select_n3A_2292, %select_n3A_2295 : vector<16xf32>
        %select_n3A_2337 = arith.select %ge3A_2336, %select_n3A_2292, %select_n3A_2295 : vector<16xi1>, vector<16xf32>
        %select_n3A_2338 = arith.select %ge3A_2336, %select_n3A_2293, %select_n3A_2296 : vector<16xi1>, vector<16xi32>
        %ge3A_2339 = arith.cmpf oge, %select_n3A_2298, %select_n3A_2301 : vector<16xf32>
        %select_n3A_2340 = arith.select %ge3A_2339, %select_n3A_2298, %select_n3A_2301 : vector<16xi1>, vector<16xf32>
        %select_n3A_2341 = arith.select %ge3A_2339, %select_n3A_2299, %select_n3A_2302 : vector<16xi1>, vector<16xi32>
        %ge3A_2342 = arith.cmpf oge, %select_n3A_2304, %select_n3A_2307 : vector<16xf32>
        %select_n3A_2343 = arith.select %ge3A_2342, %select_n3A_2304, %select_n3A_2307 : vector<16xi1>, vector<16xf32>
        %select_n3A_2344 = arith.select %ge3A_2342, %select_n3A_2305, %select_n3A_2308 : vector<16xi1>, vector<16xi32>
        %ge3A_2345 = arith.cmpf oge, %select_n3A_2310, %select_n3A_2313 : vector<16xf32>
        %select_n3A_2346 = arith.select %ge3A_2345, %select_n3A_2310, %select_n3A_2313 : vector<16xi1>, vector<16xf32>
        %select_n3A_2347 = arith.select %ge3A_2345, %select_n3A_2311, %select_n3A_2314 : vector<16xi1>, vector<16xi32>
        %ge3A_2348 = arith.cmpf oge, %select_n3A_2316, %select_n3A_2319 : vector<16xf32>
        %select_n3A_2349 = arith.select %ge3A_2348, %select_n3A_2316, %select_n3A_2319 : vector<16xi1>, vector<16xf32>
        %select_n3A_2350 = arith.select %ge3A_2348, %select_n3A_2317, %select_n3A_2320 : vector<16xi1>, vector<16xi32>
        %ge3A_2351 = arith.cmpf oge, %select_n3A_2322, %select_n3A_2325 : vector<16xf32>
        %select_n3A_2352 = arith.select %ge3A_2351, %select_n3A_2322, %select_n3A_2325 : vector<16xi1>, vector<16xf32>
        %select_n3A_2353 = arith.select %ge3A_2351, %select_n3A_2323, %select_n3A_2326 : vector<16xi1>, vector<16xi32>
        %ge3A_2354 = arith.cmpf oge, %select_n3A_2328, %select_n3A_2331 : vector<16xf32>
        %select_n3A_2355 = arith.select %ge3A_2354, %select_n3A_2328, %select_n3A_2331 : vector<16xi1>, vector<16xf32>
        %select_n3A_2356 = arith.select %ge3A_2354, %select_n3A_2329, %select_n3A_2332 : vector<16xi1>, vector<16xi32>
        %ge3A_2357 = arith.cmpf oge, %select_n3A_2334, %select_n3A_2337 : vector<16xf32>
        %select_n3A_2358 = arith.select %ge3A_2357, %select_n3A_2334, %select_n3A_2337 : vector<16xi1>, vector<16xf32>
        %select_n3A_2359 = arith.select %ge3A_2357, %select_n3A_2335, %select_n3A_2338 : vector<16xi1>, vector<16xi32>
        %ge3A_2360 = arith.cmpf oge, %select_n3A_2340, %select_n3A_2343 : vector<16xf32>
        %select_n3A_2361 = arith.select %ge3A_2360, %select_n3A_2340, %select_n3A_2343 : vector<16xi1>, vector<16xf32>
        %select_n3A_2362 = arith.select %ge3A_2360, %select_n3A_2341, %select_n3A_2344 : vector<16xi1>, vector<16xi32>
        %ge3A_2363 = arith.cmpf oge, %select_n3A_2346, %select_n3A_2349 : vector<16xf32>
        %select_n3A_2364 = arith.select %ge3A_2363, %select_n3A_2346, %select_n3A_2349 : vector<16xi1>, vector<16xf32>
        %select_n3A_2365 = arith.select %ge3A_2363, %select_n3A_2347, %select_n3A_2350 : vector<16xi1>, vector<16xi32>
        %ge3A_2366 = arith.cmpf oge, %select_n3A_2352, %select_n3A_2355 : vector<16xf32>
        %select_n3A_2367 = arith.select %ge3A_2366, %select_n3A_2352, %select_n3A_2355 : vector<16xi1>, vector<16xf32>
        %select_n3A_2368 = arith.select %ge3A_2366, %select_n3A_2353, %select_n3A_2356 : vector<16xi1>, vector<16xi32>
        %ge3A_2369 = arith.cmpf oge, %select_n3A_2358, %select_n3A_2361 : vector<16xf32>
        %select_n3A_2370 = arith.select %ge3A_2369, %select_n3A_2358, %select_n3A_2361 : vector<16xi1>, vector<16xf32>
        %select_n3A_2371 = arith.select %ge3A_2369, %select_n3A_2359, %select_n3A_2362 : vector<16xi1>, vector<16xi32>
        %ge3A_2372 = arith.cmpf oge, %select_n3A_2364, %select_n3A_2367 : vector<16xf32>
        %select_n3A_2373 = arith.select %ge3A_2372, %select_n3A_2364, %select_n3A_2367 : vector<16xi1>, vector<16xf32>
        %select_n3A_2374 = arith.select %ge3A_2372, %select_n3A_2365, %select_n3A_2368 : vector<16xi1>, vector<16xi32>
        %ge3A_2375 = arith.cmpf oge, %select_n3A_2370, %select_n3A_2373 : vector<16xf32>
        %select_n3A_2376 = arith.select %ge3A_2375, %select_n3A_2370, %select_n3A_2373 : vector<16xi1>, vector<16xf32>
        %select_n3A_2377 = arith.select %ge3A_2375, %select_n3A_2371, %select_n3A_2374 : vector<16xi1>, vector<16xi32>
        %gather3A_2378 = tpu.vector_load_idx %arg8[%select_n3A_2377] : memref<64xf32, #tpu.memory_space<vmem>>[vector<16xi32>], vector<16xf32>,
        %sub3A_2379 = arith.subf %select_n3A_2376, %gather3A_2378 : vector<16xf32>
        %add3A_2380 = arith.addi %mul3A_12, %select_n3A_2377 : vector<16xi32>
        tpu.vector_store_idx %arg11[%add3A_2380], %broadcast_in_dim3A_3 {add = true} : memref<1024xf32, #tpu.memory_space<vmem>>[vector<16xi32>], vector<16xf32>,
        %eq3A_2381 = arith.cmpi eq, %add3A_1201, %select_n3A_2377 : vector<16xi32>
        %select_n3A_2382 = arith.select %eq3A_2381, %broadcast_in_dim3A_7, %select_n3A_2222 : vector<16xi1>, vector<16xf32>
        %eq3A_2383 = arith.cmpi eq, %add3A_1204, %select_n3A_2377 : vector<16xi32>
        %select_n3A_2384 = arith.select %eq3A_2383, %broadcast_in_dim3A_7, %select_n3A_2224 : vector<16xi1>, vector<16xf32>
        %eq3A_2385 = arith.cmpi eq, %add3A_1208, %select_n3A_2377 : vector<16xi32>
        %select_n3A_2386 = arith.select %eq3A_2385, %broadcast_in_dim3A_7, %select_n3A_2226 : vector<16xi1>, vector<16xf32>
        %eq3A_2387 = arith.cmpi eq, %add3A_1212, %select_n3A_2377 : vector<16xi32>
        %select_n3A_2388 = arith.select %eq3A_2387, %broadcast_in_dim3A_7, %select_n3A_2228 : vector<16xi1>, vector<16xf32>
        %eq3A_2389 = arith.cmpi eq, %add3A_1216, %select_n3A_2377 : vector<16xi32>
        %select_n3A_2390 = arith.select %eq3A_2389, %broadcast_in_dim3A_7, %select_n3A_2230 : vector<16xi1>, vector<16xf32>
        %eq3A_2391 = arith.cmpi eq, %add3A_1220, %select_n3A_2377 : vector<16xi32>
        %select_n3A_2392 = arith.select %eq3A_2391, %broadcast_in_dim3A_7, %select_n3A_2232 : vector<16xi1>, vector<16xf32>
        %eq3A_2393 = arith.cmpi eq, %add3A_1224, %select_n3A_2377 : vector<16xi32>
        %select_n3A_2394 = arith.select %eq3A_2393, %broadcast_in_dim3A_7, %select_n3A_2234 : vector<16xi1>, vector<16xf32>
        %eq3A_2395 = arith.cmpi eq, %add3A_1228, %select_n3A_2377 : vector<16xi32>
        %select_n3A_2396 = arith.select %eq3A_2395, %broadcast_in_dim3A_7, %select_n3A_2236 : vector<16xi1>, vector<16xf32>
        %eq3A_2397 = arith.cmpi eq, %add3A_1232, %select_n3A_2377 : vector<16xi32>
        %select_n3A_2398 = arith.select %eq3A_2397, %broadcast_in_dim3A_7, %select_n3A_2238 : vector<16xi1>, vector<16xf32>
        %eq3A_2399 = arith.cmpi eq, %add3A_1236, %select_n3A_2377 : vector<16xi32>
        %select_n3A_2400 = arith.select %eq3A_2399, %broadcast_in_dim3A_7, %select_n3A_2240 : vector<16xi1>, vector<16xf32>
        %eq3A_2401 = arith.cmpi eq, %add3A_1240, %select_n3A_2377 : vector<16xi32>
        %select_n3A_2402 = arith.select %eq3A_2401, %broadcast_in_dim3A_7, %select_n3A_2242 : vector<16xi1>, vector<16xf32>
        %eq3A_2403 = arith.cmpi eq, %add3A_1244, %select_n3A_2377 : vector<16xi32>
        %select_n3A_2404 = arith.select %eq3A_2403, %broadcast_in_dim3A_7, %select_n3A_2244 : vector<16xi1>, vector<16xf32>
        %eq3A_2405 = arith.cmpi eq, %add3A_1248, %select_n3A_2377 : vector<16xi32>
        %select_n3A_2406 = arith.select %eq3A_2405, %broadcast_in_dim3A_7, %select_n3A_2246 : vector<16xi1>, vector<16xf32>
        %eq3A_2407 = arith.cmpi eq, %add3A_1252, %select_n3A_2377 : vector<16xi32>
        %select_n3A_2408 = arith.select %eq3A_2407, %broadcast_in_dim3A_7, %select_n3A_2248 : vector<16xi1>, vector<16xf32>
        %eq3A_2409 = arith.cmpi eq, %add3A_1256, %select_n3A_2377 : vector<16xi32>
        %select_n3A_2410 = arith.select %eq3A_2409, %broadcast_in_dim3A_7, %select_n3A_2250 : vector<16xi1>, vector<16xf32>
        %eq3A_2411 = arith.cmpi eq, %add3A_1260, %select_n3A_2377 : vector<16xi32>
        %select_n3A_2412 = arith.select %eq3A_2411, %broadcast_in_dim3A_7, %select_n3A_2252 : vector<16xi1>, vector<16xf32>
        %eq3A_2413 = arith.cmpi eq, %add3A_1264, %select_n3A_2377 : vector<16xi32>
        %select_n3A_2414 = arith.select %eq3A_2413, %broadcast_in_dim3A_7, %select_n3A_2254 : vector<16xi1>, vector<16xf32>
        %eq3A_2415 = arith.cmpi eq, %add3A_1268, %select_n3A_2377 : vector<16xi32>
        %select_n3A_2416 = arith.select %eq3A_2415, %broadcast_in_dim3A_7, %select_n3A_2256 : vector<16xi1>, vector<16xf32>
        %eq3A_2417 = arith.cmpi eq, %add3A_1272, %select_n3A_2377 : vector<16xi32>
        %select_n3A_2418 = arith.select %eq3A_2417, %broadcast_in_dim3A_7, %select_n3A_2258 : vector<16xi1>, vector<16xf32>
        %eq3A_2419 = arith.cmpi eq, %add3A_1276, %select_n3A_2377 : vector<16xi32>
        %select_n3A_2420 = arith.select %eq3A_2419, %broadcast_in_dim3A_7, %select_n3A_2260 : vector<16xi1>, vector<16xf32>
        %eq3A_2421 = arith.cmpi eq, %add3A_1280, %select_n3A_2377 : vector<16xi32>
        %select_n3A_2422 = arith.select %eq3A_2421, %broadcast_in_dim3A_7, %select_n3A_2262 : vector<16xi1>, vector<16xf32>
        %eq3A_2423 = arith.cmpi eq, %add3A_1284, %select_n3A_2377 : vector<16xi32>
        %select_n3A_2424 = arith.select %eq3A_2423, %broadcast_in_dim3A_7, %select_n3A_2264 : vector<16xi1>, vector<16xf32>
        %eq3A_2425 = arith.cmpi eq, %add3A_1288, %select_n3A_2377 : vector<16xi32>
        %select_n3A_2426 = arith.select %eq3A_2425, %broadcast_in_dim3A_7, %select_n3A_2266 : vector<16xi1>, vector<16xf32>
        %eq3A_2427 = arith.cmpi eq, %add3A_1292, %select_n3A_2377 : vector<16xi32>
        %select_n3A_2428 = arith.select %eq3A_2427, %broadcast_in_dim3A_7, %select_n3A_2268 : vector<16xi1>, vector<16xf32>
        %eq3A_2429 = arith.cmpi eq, %add3A_1296, %select_n3A_2377 : vector<16xi32>
        %select_n3A_2430 = arith.select %eq3A_2429, %broadcast_in_dim3A_7, %select_n3A_2270 : vector<16xi1>, vector<16xf32>
        %eq3A_2431 = arith.cmpi eq, %add3A_1300, %select_n3A_2377 : vector<16xi32>
        %select_n3A_2432 = arith.select %eq3A_2431, %broadcast_in_dim3A_7, %select_n3A_2272 : vector<16xi1>, vector<16xf32>
        %eq3A_2433 = arith.cmpi eq, %add3A_1304, %select_n3A_2377 : vector<16xi32>
        %select_n3A_2434 = arith.select %eq3A_2433, %broadcast_in_dim3A_7, %select_n3A_2274 : vector<16xi1>, vector<16xf32>
        %eq3A_2435 = arith.cmpi eq, %add3A_1308, %select_n3A_2377 : vector<16xi32>
        %select_n3A_2436 = arith.select %eq3A_2435, %broadcast_in_dim3A_7, %select_n3A_2276 : vector<16xi1>, vector<16xf32>
        %eq3A_2437 = arith.cmpi eq, %add3A_1312, %select_n3A_2377 : vector<16xi32>
        %select_n3A_2438 = arith.select %eq3A_2437, %broadcast_in_dim3A_7, %select_n3A_2278 : vector<16xi1>, vector<16xf32>
        %eq3A_2439 = arith.cmpi eq, %add3A_1316, %select_n3A_2377 : vector<16xi32>
        %select_n3A_2440 = arith.select %eq3A_2439, %broadcast_in_dim3A_7, %select_n3A_2280 : vector<16xi1>, vector<16xf32>
        %eq3A_2441 = arith.cmpi eq, %add3A_1320, %select_n3A_2377 : vector<16xi32>
        %select_n3A_2442 = arith.select %eq3A_2441, %broadcast_in_dim3A_7, %select_n3A_2282 : vector<16xi1>, vector<16xf32>
        %eq3A_2443 = arith.cmpi eq, %add3A_1324, %select_n3A_2377 : vector<16xi32>
        %select_n3A_2444 = arith.select %eq3A_2443, %broadcast_in_dim3A_7, %select_n3A_2284 : vector<16xi1>, vector<16xf32>
        %ge3A_2445 = arith.cmpf oge, %select_n3A_2382, %select_n3A_2384 : vector<16xf32>
        %select_n3A_2446 = arith.select %ge3A_2445, %select_n3A_2382, %select_n3A_2384 : vector<16xi1>, vector<16xf32>
        %select_n3A_2447 = arith.select %ge3A_2445, %add3A_1201, %add3A_1204 : vector<16xi1>, vector<16xi32>
        %ge3A_2448 = arith.cmpf oge, %select_n3A_2386, %select_n3A_2388 : vector<16xf32>
        %select_n3A_2449 = arith.select %ge3A_2448, %select_n3A_2386, %select_n3A_2388 : vector<16xi1>, vector<16xf32>
        %select_n3A_2450 = arith.select %ge3A_2448, %add3A_1208, %add3A_1212 : vector<16xi1>, vector<16xi32>
        %ge3A_2451 = arith.cmpf oge, %select_n3A_2390, %select_n3A_2392 : vector<16xf32>
        %select_n3A_2452 = arith.select %ge3A_2451, %select_n3A_2390, %select_n3A_2392 : vector<16xi1>, vector<16xf32>
        %select_n3A_2453 = arith.select %ge3A_2451, %add3A_1216, %add3A_1220 : vector<16xi1>, vector<16xi32>
        %ge3A_2454 = arith.cmpf oge, %select_n3A_2394, %select_n3A_2396 : vector<16xf32>
        %select_n3A_2455 = arith.select %ge3A_2454, %select_n3A_2394, %select_n3A_2396 : vector<16xi1>, vector<16xf32>
        %select_n3A_2456 = arith.select %ge3A_2454, %add3A_1224, %add3A_1228 : vector<16xi1>, vector<16xi32>
        %ge3A_2457 = arith.cmpf oge, %select_n3A_2398, %select_n3A_2400 : vector<16xf32>
        %select_n3A_2458 = arith.select %ge3A_2457, %select_n3A_2398, %select_n3A_2400 : vector<16xi1>, vector<16xf32>
        %select_n3A_2459 = arith.select %ge3A_2457, %add3A_1232, %add3A_1236 : vector<16xi1>, vector<16xi32>
        %ge3A_2460 = arith.cmpf oge, %select_n3A_2402, %select_n3A_2404 : vector<16xf32>
        %select_n3A_2461 = arith.select %ge3A_2460, %select_n3A_2402, %select_n3A_2404 : vector<16xi1>, vector<16xf32>
        %select_n3A_2462 = arith.select %ge3A_2460, %add3A_1240, %add3A_1244 : vector<16xi1>, vector<16xi32>
        %ge3A_2463 = arith.cmpf oge, %select_n3A_2406, %select_n3A_2408 : vector<16xf32>
        %select_n3A_2464 = arith.select %ge3A_2463, %select_n3A_2406, %select_n3A_2408 : vector<16xi1>, vector<16xf32>
        %select_n3A_2465 = arith.select %ge3A_2463, %add3A_1248, %add3A_1252 : vector<16xi1>, vector<16xi32>
        %ge3A_2466 = arith.cmpf oge, %select_n3A_2410, %select_n3A_2412 : vector<16xf32>
        %select_n3A_2467 = arith.select %ge3A_2466, %select_n3A_2410, %select_n3A_2412 : vector<16xi1>, vector<16xf32>
        %select_n3A_2468 = arith.select %ge3A_2466, %add3A_1256, %add3A_1260 : vector<16xi1>, vector<16xi32>
        %ge3A_2469 = arith.cmpf oge, %select_n3A_2414, %select_n3A_2416 : vector<16xf32>
        %select_n3A_2470 = arith.select %ge3A_2469, %select_n3A_2414, %select_n3A_2416 : vector<16xi1>, vector<16xf32>
        %select_n3A_2471 = arith.select %ge3A_2469, %add3A_1264, %add3A_1268 : vector<16xi1>, vector<16xi32>
        %ge3A_2472 = arith.cmpf oge, %select_n3A_2418, %select_n3A_2420 : vector<16xf32>
        %select_n3A_2473 = arith.select %ge3A_2472, %select_n3A_2418, %select_n3A_2420 : vector<16xi1>, vector<16xf32>
        %select_n3A_2474 = arith.select %ge3A_2472, %add3A_1272, %add3A_1276 : vector<16xi1>, vector<16xi32>
        %ge3A_2475 = arith.cmpf oge, %select_n3A_2422, %select_n3A_2424 : vector<16xf32>
        %select_n3A_2476 = arith.select %ge3A_2475, %select_n3A_2422, %select_n3A_2424 : vector<16xi1>, vector<16xf32>
        %select_n3A_2477 = arith.select %ge3A_2475, %add3A_1280, %add3A_1284 : vector<16xi1>, vector<16xi32>
        %ge3A_2478 = arith.cmpf oge, %select_n3A_2426, %select_n3A_2428 : vector<16xf32>
        %select_n3A_2479 = arith.select %ge3A_2478, %select_n3A_2426, %select_n3A_2428 : vector<16xi1>, vector<16xf32>
        %select_n3A_2480 = arith.select %ge3A_2478, %add3A_1288, %add3A_1292 : vector<16xi1>, vector<16xi32>
        %ge3A_2481 = arith.cmpf oge, %select_n3A_2430, %select_n3A_2432 : vector<16xf32>
        %select_n3A_2482 = arith.select %ge3A_2481, %select_n3A_2430, %select_n3A_2432 : vector<16xi1>, vector<16xf32>
        %select_n3A_2483 = arith.select %ge3A_2481, %add3A_1296, %add3A_1300 : vector<16xi1>, vector<16xi32>
        %ge3A_2484 = arith.cmpf oge, %select_n3A_2434, %select_n3A_2436 : vector<16xf32>
        %select_n3A_2485 = arith.select %ge3A_2484, %select_n3A_2434, %select_n3A_2436 : vector<16xi1>, vector<16xf32>
        %select_n3A_2486 = arith.select %ge3A_2484, %add3A_1304, %add3A_1308 : vector<16xi1>, vector<16xi32>
        %ge3A_2487 = arith.cmpf oge, %select_n3A_2438, %select_n3A_2440 : vector<16xf32>
        %select_n3A_2488 = arith.select %ge3A_2487, %select_n3A_2438, %select_n3A_2440 : vector<16xi1>, vector<16xf32>
        %select_n3A_2489 = arith.select %ge3A_2487, %add3A_1312, %add3A_1316 : vector<16xi1>, vector<16xi32>
        %ge3A_2490 = arith.cmpf oge, %select_n3A_2442, %select_n3A_2444 : vector<16xf32>
        %select_n3A_2491 = arith.select %ge3A_2490, %select_n3A_2442, %select_n3A_2444 : vector<16xi1>, vector<16xf32>
        %select_n3A_2492 = arith.select %ge3A_2490, %add3A_1320, %add3A_1324 : vector<16xi1>, vector<16xi32>
        %ge3A_2493 = arith.cmpf oge, %select_n3A_2446, %select_n3A_2449 : vector<16xf32>
        %select_n3A_2494 = arith.select %ge3A_2493, %select_n3A_2446, %select_n3A_2449 : vector<16xi1>, vector<16xf32>
        %select_n3A_2495 = arith.select %ge3A_2493, %select_n3A_2447, %select_n3A_2450 : vector<16xi1>, vector<16xi32>
        %ge3A_2496 = arith.cmpf oge, %select_n3A_2452, %select_n3A_2455 : vector<16xf32>
        %select_n3A_2497 = arith.select %ge3A_2496, %select_n3A_2452, %select_n3A_2455 : vector<16xi1>, vector<16xf32>
        %select_n3A_2498 = arith.select %ge3A_2496, %select_n3A_2453, %select_n3A_2456 : vector<16xi1>, vector<16xi32>
        %ge3A_2499 = arith.cmpf oge, %select_n3A_2458, %select_n3A_2461 : vector<16xf32>
        %select_n3A_2500 = arith.select %ge3A_2499, %select_n3A_2458, %select_n3A_2461 : vector<16xi1>, vector<16xf32>
        %select_n3A_2501 = arith.select %ge3A_2499, %select_n3A_2459, %select_n3A_2462 : vector<16xi1>, vector<16xi32>
        %ge3A_2502 = arith.cmpf oge, %select_n3A_2464, %select_n3A_2467 : vector<16xf32>
        %select_n3A_2503 = arith.select %ge3A_2502, %select_n3A_2464, %select_n3A_2467 : vector<16xi1>, vector<16xf32>
        %select_n3A_2504 = arith.select %ge3A_2502, %select_n3A_2465, %select_n3A_2468 : vector<16xi1>, vector<16xi32>
        %ge3A_2505 = arith.cmpf oge, %select_n3A_2470, %select_n3A_2473 : vector<16xf32>
        %select_n3A_2506 = arith.select %ge3A_2505, %select_n3A_2470, %select_n3A_2473 : vector<16xi1>, vector<16xf32>
        %select_n3A_2507 = arith.select %ge3A_2505, %select_n3A_2471, %select_n3A_2474 : vector<16xi1>, vector<16xi32>
        %ge3A_2508 = arith.cmpf oge, %select_n3A_2476, %select_n3A_2479 : vector<16xf32>
        %select_n3A_2509 = arith.select %ge3A_2508, %select_n3A_2476, %select_n3A_2479 : vector<16xi1>, vector<16xf32>
        %select_n3A_2510 = arith.select %ge3A_2508, %select_n3A_2477, %select_n3A_2480 : vector<16xi1>, vector<16xi32>
        %ge3A_2511 = arith.cmpf oge, %select_n3A_2482, %select_n3A_2485 : vector<16xf32>
        %select_n3A_2512 = arith.select %ge3A_2511, %select_n3A_2482, %select_n3A_2485 : vector<16xi1>, vector<16xf32>
        %select_n3A_2513 = arith.select %ge3A_2511, %select_n3A_2483, %select_n3A_2486 : vector<16xi1>, vector<16xi32>
        %ge3A_2514 = arith.cmpf oge, %select_n3A_2488, %select_n3A_2491 : vector<16xf32>
        %select_n3A_2515 = arith.select %ge3A_2514, %select_n3A_2488, %select_n3A_2491 : vector<16xi1>, vector<16xf32>
        %select_n3A_2516 = arith.select %ge3A_2514, %select_n3A_2489, %select_n3A_2492 : vector<16xi1>, vector<16xi32>
        %ge3A_2517 = arith.cmpf oge, %select_n3A_2494, %select_n3A_2497 : vector<16xf32>
        %select_n3A_2518 = arith.select %ge3A_2517, %select_n3A_2494, %select_n3A_2497 : vector<16xi1>, vector<16xf32>
        %select_n3A_2519 = arith.select %ge3A_2517, %select_n3A_2495, %select_n3A_2498 : vector<16xi1>, vector<16xi32>
        %ge3A_2520 = arith.cmpf oge, %select_n3A_2500, %select_n3A_2503 : vector<16xf32>
        %select_n3A_2521 = arith.select %ge3A_2520, %select_n3A_2500, %select_n3A_2503 : vector<16xi1>, vector<16xf32>
        %select_n3A_2522 = arith.select %ge3A_2520, %select_n3A_2501, %select_n3A_2504 : vector<16xi1>, vector<16xi32>
        %ge3A_2523 = arith.cmpf oge, %select_n3A_2506, %select_n3A_2509 : vector<16xf32>
        %select_n3A_2524 = arith.select %ge3A_2523, %select_n3A_2506, %select_n3A_2509 : vector<16xi1>, vector<16xf32>
        %select_n3A_2525 = arith.select %ge3A_2523, %select_n3A_2507, %select_n3A_2510 : vector<16xi1>, vector<16xi32>
        %ge3A_2526 = arith.cmpf oge, %select_n3A_2512, %select_n3A_2515 : vector<16xf32>
        %select_n3A_2527 = arith.select %ge3A_2526, %select_n3A_2512, %select_n3A_2515 : vector<16xi1>, vector<16xf32>
        %select_n3A_2528 = arith.select %ge3A_2526, %select_n3A_2513, %select_n3A_2516 : vector<16xi1>, vector<16xi32>
        %ge3A_2529 = arith.cmpf oge, %select_n3A_2518, %select_n3A_2521 : vector<16xf32>
        %select_n3A_2530 = arith.select %ge3A_2529, %select_n3A_2518, %select_n3A_2521 : vector<16xi1>, vector<16xf32>
        %select_n3A_2531 = arith.select %ge3A_2529, %select_n3A_2519, %select_n3A_2522 : vector<16xi1>, vector<16xi32>
        %ge3A_2532 = arith.cmpf oge, %select_n3A_2524, %select_n3A_2527 : vector<16xf32>
        %select_n3A_2533 = arith.select %ge3A_2532, %select_n3A_2524, %select_n3A_2527 : vector<16xi1>, vector<16xf32>
        %select_n3A_2534 = arith.select %ge3A_2532, %select_n3A_2525, %select_n3A_2528 : vector<16xi1>, vector<16xi32>
        %ge3A_2535 = arith.cmpf oge, %select_n3A_2530, %select_n3A_2533 : vector<16xf32>
        %select_n3A_2536 = arith.select %ge3A_2535, %select_n3A_2530, %select_n3A_2533 : vector<16xi1>, vector<16xf32>
        %select_n3A_2537 = arith.select %ge3A_2535, %select_n3A_2531, %select_n3A_2534 : vector<16xi1>, vector<16xi32>
        %gather3A_2538 = tpu.vector_load_idx %arg8[%select_n3A_2537] : memref<64xf32, #tpu.memory_space<vmem>>[vector<16xi32>], vector<16xf32>,
        %sub3A_2539 = arith.subf %select_n3A_2536, %gather3A_2538 : vector<16xf32>
        %add3A_2540 = arith.addi %mul3A_12, %select_n3A_2537 : vector<16xi32>
        tpu.vector_store_idx %arg11[%add3A_2540], %broadcast_in_dim3A_3 {add = true} : memref<1024xf32, #tpu.memory_space<vmem>>[vector<16xi32>], vector<16xf32>,
        %eq3A_2541 = arith.cmpi eq, %add3A_1201, %select_n3A_2537 : vector<16xi32>
        %select_n3A_2542 = arith.select %eq3A_2541, %broadcast_in_dim3A_7, %select_n3A_2382 : vector<16xi1>, vector<16xf32>
        %eq3A_2543 = arith.cmpi eq, %add3A_1204, %select_n3A_2537 : vector<16xi32>
        %select_n3A_2544 = arith.select %eq3A_2543, %broadcast_in_dim3A_7, %select_n3A_2384 : vector<16xi1>, vector<16xf32>
        %eq3A_2545 = arith.cmpi eq, %add3A_1208, %select_n3A_2537 : vector<16xi32>
        %select_n3A_2546 = arith.select %eq3A_2545, %broadcast_in_dim3A_7, %select_n3A_2386 : vector<16xi1>, vector<16xf32>
        %eq3A_2547 = arith.cmpi eq, %add3A_1212, %select_n3A_2537 : vector<16xi32>
        %select_n3A_2548 = arith.select %eq3A_2547, %broadcast_in_dim3A_7, %select_n3A_2388 : vector<16xi1>, vector<16xf32>
        %eq3A_2549 = arith.cmpi eq, %add3A_1216, %select_n3A_2537 : vector<16xi32>
        %select_n3A_2550 = arith.select %eq3A_2549, %broadcast_in_dim3A_7, %select_n3A_2390 : vector<16xi1>, vector<16xf32>
        %eq3A_2551 = arith.cmpi eq, %add3A_1220, %select_n3A_2537 : vector<16xi32>
        %select_n3A_2552 = arith.select %eq3A_2551, %broadcast_in_dim3A_7, %select_n3A_2392 : vector<16xi1>, vector<16xf32>
        %eq3A_2553 = arith.cmpi eq, %add3A_1224, %select_n3A_2537 : vector<16xi32>
        %select_n3A_2554 = arith.select %eq3A_2553, %broadcast_in_dim3A_7, %select_n3A_2394 : vector<16xi1>, vector<16xf32>
        %eq3A_2555 = arith.cmpi eq, %add3A_1228, %select_n3A_2537 : vector<16xi32>
        %select_n3A_2556 = arith.select %eq3A_2555, %broadcast_in_dim3A_7, %select_n3A_2396 : vector<16xi1>, vector<16xf32>
        %eq3A_2557 = arith.cmpi eq, %add3A_1232, %select_n3A_2537 : vector<16xi32>
        %select_n3A_2558 = arith.select %eq3A_2557, %broadcast_in_dim3A_7, %select_n3A_2398 : vector<16xi1>, vector<16xf32>
        %eq3A_2559 = arith.cmpi eq, %add3A_1236, %select_n3A_2537 : vector<16xi32>
        %select_n3A_2560 = arith.select %eq3A_2559, %broadcast_in_dim3A_7, %select_n3A_2400 : vector<16xi1>, vector<16xf32>
        %eq3A_2561 = arith.cmpi eq, %add3A_1240, %select_n3A_2537 : vector<16xi32>
        %select_n3A_2562 = arith.select %eq3A_2561, %broadcast_in_dim3A_7, %select_n3A_2402 : vector<16xi1>, vector<16xf32>
        %eq3A_2563 = arith.cmpi eq, %add3A_1244, %select_n3A_2537 : vector<16xi32>
        %select_n3A_2564 = arith.select %eq3A_2563, %broadcast_in_dim3A_7, %select_n3A_2404 : vector<16xi1>, vector<16xf32>
        %eq3A_2565 = arith.cmpi eq, %add3A_1248, %select_n3A_2537 : vector<16xi32>
        %select_n3A_2566 = arith.select %eq3A_2565, %broadcast_in_dim3A_7, %select_n3A_2406 : vector<16xi1>, vector<16xf32>
        %eq3A_2567 = arith.cmpi eq, %add3A_1252, %select_n3A_2537 : vector<16xi32>
        %select_n3A_2568 = arith.select %eq3A_2567, %broadcast_in_dim3A_7, %select_n3A_2408 : vector<16xi1>, vector<16xf32>
        %eq3A_2569 = arith.cmpi eq, %add3A_1256, %select_n3A_2537 : vector<16xi32>
        %select_n3A_2570 = arith.select %eq3A_2569, %broadcast_in_dim3A_7, %select_n3A_2410 : vector<16xi1>, vector<16xf32>
        %eq3A_2571 = arith.cmpi eq, %add3A_1260, %select_n3A_2537 : vector<16xi32>
        %select_n3A_2572 = arith.select %eq3A_2571, %broadcast_in_dim3A_7, %select_n3A_2412 : vector<16xi1>, vector<16xf32>
        %eq3A_2573 = arith.cmpi eq, %add3A_1264, %select_n3A_2537 : vector<16xi32>
        %select_n3A_2574 = arith.select %eq3A_2573, %broadcast_in_dim3A_7, %select_n3A_2414 : vector<16xi1>, vector<16xf32>
        %eq3A_2575 = arith.cmpi eq, %add3A_1268, %select_n3A_2537 : vector<16xi32>
        %select_n3A_2576 = arith.select %eq3A_2575, %broadcast_in_dim3A_7, %select_n3A_2416 : vector<16xi1>, vector<16xf32>
        %eq3A_2577 = arith.cmpi eq, %add3A_1272, %select_n3A_2537 : vector<16xi32>
        %select_n3A_2578 = arith.select %eq3A_2577, %broadcast_in_dim3A_7, %select_n3A_2418 : vector<16xi1>, vector<16xf32>
        %eq3A_2579 = arith.cmpi eq, %add3A_1276, %select_n3A_2537 : vector<16xi32>
        %select_n3A_2580 = arith.select %eq3A_2579, %broadcast_in_dim3A_7, %select_n3A_2420 : vector<16xi1>, vector<16xf32>
        %eq3A_2581 = arith.cmpi eq, %add3A_1280, %select_n3A_2537 : vector<16xi32>
        %select_n3A_2582 = arith.select %eq3A_2581, %broadcast_in_dim3A_7, %select_n3A_2422 : vector<16xi1>, vector<16xf32>
        %eq3A_2583 = arith.cmpi eq, %add3A_1284, %select_n3A_2537 : vector<16xi32>
        %select_n3A_2584 = arith.select %eq3A_2583, %broadcast_in_dim3A_7, %select_n3A_2424 : vector<16xi1>, vector<16xf32>
        %eq3A_2585 = arith.cmpi eq, %add3A_1288, %select_n3A_2537 : vector<16xi32>
        %select_n3A_2586 = arith.select %eq3A_2585, %broadcast_in_dim3A_7, %select_n3A_2426 : vector<16xi1>, vector<16xf32>
        %eq3A_2587 = arith.cmpi eq, %add3A_1292, %select_n3A_2537 : vector<16xi32>
        %select_n3A_2588 = arith.select %eq3A_2587, %broadcast_in_dim3A_7, %select_n3A_2428 : vector<16xi1>, vector<16xf32>
        %eq3A_2589 = arith.cmpi eq, %add3A_1296, %select_n3A_2537 : vector<16xi32>
        %select_n3A_2590 = arith.select %eq3A_2589, %broadcast_in_dim3A_7, %select_n3A_2430 : vector<16xi1>, vector<16xf32>
        %eq3A_2591 = arith.cmpi eq, %add3A_1300, %select_n3A_2537 : vector<16xi32>
        %select_n3A_2592 = arith.select %eq3A_2591, %broadcast_in_dim3A_7, %select_n3A_2432 : vector<16xi1>, vector<16xf32>
        %eq3A_2593 = arith.cmpi eq, %add3A_1304, %select_n3A_2537 : vector<16xi32>
        %select_n3A_2594 = arith.select %eq3A_2593, %broadcast_in_dim3A_7, %select_n3A_2434 : vector<16xi1>, vector<16xf32>
        %eq3A_2595 = arith.cmpi eq, %add3A_1308, %select_n3A_2537 : vector<16xi32>
        %select_n3A_2596 = arith.select %eq3A_2595, %broadcast_in_dim3A_7, %select_n3A_2436 : vector<16xi1>, vector<16xf32>
        %eq3A_2597 = arith.cmpi eq, %add3A_1312, %select_n3A_2537 : vector<16xi32>
        %select_n3A_2598 = arith.select %eq3A_2597, %broadcast_in_dim3A_7, %select_n3A_2438 : vector<16xi1>, vector<16xf32>
        %eq3A_2599 = arith.cmpi eq, %add3A_1316, %select_n3A_2537 : vector<16xi32>
        %select_n3A_2600 = arith.select %eq3A_2599, %broadcast_in_dim3A_7, %select_n3A_2440 : vector<16xi1>, vector<16xf32>
        %eq3A_2601 = arith.cmpi eq, %add3A_1320, %select_n3A_2537 : vector<16xi32>
        %select_n3A_2602 = arith.select %eq3A_2601, %broadcast_in_dim3A_7, %select_n3A_2442 : vector<16xi1>, vector<16xf32>
        %eq3A_2603 = arith.cmpi eq, %add3A_1324, %select_n3A_2537 : vector<16xi32>
        %select_n3A_2604 = arith.select %eq3A_2603, %broadcast_in_dim3A_7, %select_n3A_2444 : vector<16xi1>, vector<16xf32>
        %add3A_2605 = arith.addf %sub3A, %sub3A_1579 : vector<16xf32>
        %add3A_2606 = arith.addf %add3A_2605, %sub3A_1739 : vector<16xf32>
        %add3A_2607 = arith.addf %add3A_2606, %sub3A_1899 : vector<16xf32>
        %add3A_2608 = arith.addf %add3A_2607, %sub3A_2059 : vector<16xf32>
        %add3A_2609 = arith.addf %add3A_2608, %sub3A_2219 : vector<16xf32>
        %add3A_2610 = arith.addf %add3A_2609, %sub3A_2379 : vector<16xf32>
        %add3A_2611 = arith.addf %add3A_2610, %sub3A_2539 : vector<16xf32>
        %add3A_2612 = arith.constant 9.99999968E-21 : f32
        %add3A_2613 = vector.broadcast %add3A_2612 : f32 to vector<16xf32>
        %add3A_2614 = arith.addf %add3A_2611, %add3A_2613 : vector<16xf32>
        %div3A = arith.constant 2.500000e+00 : f32
        %div3A_2615 = vector.broadcast %div3A : f32 to vector<16xf32>
        %div3A_2616 = arith.divf %div3A_2615, %add3A_2614 : vector<16xf32>
        %broadcast_in_dim3A_2617 = arith.constant 0 : i32
        %broadcast_in_dim3A_2618 = vector.broadcast %broadcast_in_dim3A_2617 : i32 to vector<16xi32>
        %mul3A_2619 = arith.mulf %sub3A, %div3A_2616 : vector<16xf32>
        tpu.vector_store_idx %arg9[%scan3A_358, %broadcast_in_dim3A_2618], %mul3A_2619 : memref<128x8xf32, #tpu.memory_space<vmem>>[vector<16xi32>, vector<16xi32>], vector<16xf32>,
        tpu.vector_store_idx %arg10[%scan3A_358, %broadcast_in_dim3A_2618], %select_n3A_1418 : memref<128x8xi32, #tpu.memory_space<vmem>>[vector<16xi32>, vector<16xi32>], vector<16xi32>,
        %broadcast_in_dim3A_2620 = arith.constant 1 : i32
        %broadcast_in_dim3A_2621 = vector.broadcast %broadcast_in_dim3A_2620 : i32 to vector<16xi32>
        %mul3A_2622 = arith.mulf %sub3A_1579, %div3A_2616 : vector<16xf32>
        tpu.vector_store_idx %arg9[%scan3A_358, %broadcast_in_dim3A_2621], %mul3A_2622 : memref<128x8xf32, #tpu.memory_space<vmem>>[vector<16xi32>, vector<16xi32>], vector<16xf32>,
        tpu.vector_store_idx %arg10[%scan3A_358, %broadcast_in_dim3A_2621], %select_n3A_1577 : memref<128x8xi32, #tpu.memory_space<vmem>>[vector<16xi32>, vector<16xi32>], vector<16xi32>,
        %broadcast_in_dim3A_2623 = arith.constant 2 : i32
        %broadcast_in_dim3A_2624 = vector.broadcast %broadcast_in_dim3A_2623 : i32 to vector<16xi32>
        %mul3A_2625 = arith.mulf %sub3A_1739, %div3A_2616 : vector<16xf32>
        tpu.vector_store_idx %arg9[%scan3A_358, %broadcast_in_dim3A_2624], %mul3A_2625 : memref<128x8xf32, #tpu.memory_space<vmem>>[vector<16xi32>, vector<16xi32>], vector<16xf32>,
        tpu.vector_store_idx %arg10[%scan3A_358, %broadcast_in_dim3A_2624], %select_n3A_1737 : memref<128x8xi32, #tpu.memory_space<vmem>>[vector<16xi32>, vector<16xi32>], vector<16xi32>,
        %broadcast_in_dim3A_2626 = arith.constant 3 : i32
        %broadcast_in_dim3A_2627 = vector.broadcast %broadcast_in_dim3A_2626 : i32 to vector<16xi32>
        %mul3A_2628 = arith.mulf %sub3A_1899, %div3A_2616 : vector<16xf32>
        tpu.vector_store_idx %arg9[%scan3A_358, %broadcast_in_dim3A_2627], %mul3A_2628 : memref<128x8xf32, #tpu.memory_space<vmem>>[vector<16xi32>, vector<16xi32>], vector<16xf32>,
        tpu.vector_store_idx %arg10[%scan3A_358, %broadcast_in_dim3A_2627], %select_n3A_1897 : memref<128x8xi32, #tpu.memory_space<vmem>>[vector<16xi32>, vector<16xi32>], vector<16xi32>,
        %broadcast_in_dim3A_2629 = arith.constant 4 : i32
        %broadcast_in_dim3A_2630 = vector.broadcast %broadcast_in_dim3A_2629 : i32 to vector<16xi32>
        %mul3A_2631 = arith.mulf %sub3A_2059, %div3A_2616 : vector<16xf32>
        tpu.vector_store_idx %arg9[%scan3A_358, %broadcast_in_dim3A_2630], %mul3A_2631 : memref<128x8xf32, #tpu.memory_space<vmem>>[vector<16xi32>, vector<16xi32>], vector<16xf32>,
        tpu.vector_store_idx %arg10[%scan3A_358, %broadcast_in_dim3A_2630], %select_n3A_2057 : memref<128x8xi32, #tpu.memory_space<vmem>>[vector<16xi32>, vector<16xi32>], vector<16xi32>,
        %broadcast_in_dim3A_2632 = arith.constant 5 : i32
        %broadcast_in_dim3A_2633 = vector.broadcast %broadcast_in_dim3A_2632 : i32 to vector<16xi32>
        %mul3A_2634 = arith.mulf %sub3A_2219, %div3A_2616 : vector<16xf32>
        tpu.vector_store_idx %arg9[%scan3A_358, %broadcast_in_dim3A_2633], %mul3A_2634 : memref<128x8xf32, #tpu.memory_space<vmem>>[vector<16xi32>, vector<16xi32>], vector<16xf32>,
        tpu.vector_store_idx %arg10[%scan3A_358, %broadcast_in_dim3A_2633], %select_n3A_2217 : memref<128x8xi32, #tpu.memory_space<vmem>>[vector<16xi32>, vector<16xi32>], vector<16xi32>,
        %broadcast_in_dim3A_2635 = arith.constant 6 : i32
        %broadcast_in_dim3A_2636 = vector.broadcast %broadcast_in_dim3A_2635 : i32 to vector<16xi32>
        %mul3A_2637 = arith.mulf %sub3A_2379, %div3A_2616 : vector<16xf32>
        tpu.vector_store_idx %arg9[%scan3A_358, %broadcast_in_dim3A_2636], %mul3A_2637 : memref<128x8xf32, #tpu.memory_space<vmem>>[vector<16xi32>, vector<16xi32>], vector<16xf32>,
        tpu.vector_store_idx %arg10[%scan3A_358, %broadcast_in_dim3A_2636], %select_n3A_2377 : memref<128x8xi32, #tpu.memory_space<vmem>>[vector<16xi32>, vector<16xi32>], vector<16xi32>,
        %broadcast_in_dim3A_2638 = arith.constant 7 : i32
        %broadcast_in_dim3A_2639 = vector.broadcast %broadcast_in_dim3A_2638 : i32 to vector<16xi32>
        %mul3A_2640 = arith.mulf %sub3A_2539, %div3A_2616 : vector<16xf32>
        tpu.vector_store_idx %arg9[%scan3A_358, %broadcast_in_dim3A_2639], %mul3A_2640 : memref<128x8xf32, #tpu.memory_space<vmem>>[vector<16xi32>, vector<16xi32>], vector<16xf32>,
        tpu.vector_store_idx %arg10[%scan3A_358, %broadcast_in_dim3A_2639], %select_n3A_2537 : memref<128x8xi32, #tpu.memory_space<vmem>>[vector<16xi32>, vector<16xi32>], vector<16xi32>,
        %add3A_2641 = arith.addi %scan3A_358, %broadcast_in_dim3A_9 : vector<16xi32>
        scf.yield %add3A_2641 : vector<16xi32>
      }
      %scan3A_350 = arith.constant 8 : i32
      %mul3A_351 = arith.constant 128 : i32
      %mul3A_352 = arith.muli %scan3A_342, %mul3A_351 : i32
      %add3A_353 = arith.addi %mul3A_141, %mul3A_352 : i32
      "tpu.region"() ({
        %run_scoped3A = tpu.sem_alloc : memref<!tpu.dma_semaphore, #tpu.memory_space<semaphore_mem>>
        %dma_start3A = arith.constant 0 : i32
        %dma_start3A_357 = tpu.memref_slice %arg4[%add3A_353, %dma_start3A] : memref<16384x8xf32, #tpu.memory_space<hbm>> -> memref<128x8xf32, #tpu.memory_space<hbm>>
        %dma_start3A_358 = arith.constant 0 : i32
        %dma_start3A_359 = tpu.memref_slice %arg4[%add3A_353, %dma_start3A_358] : memref<16384x8xf32, #tpu.memory_space<hbm>> -> memref<128x8xf32, #tpu.memory_space<hbm>>
        tpu.enqueue_dma source(%arg9 : memref<128x8xf32, #tpu.memory_space<vmem>>) target(%dma_start3A_359 : memref<128x8xf32, #tpu.memory_space<hbm>>) target_semaphore(%run_scoped3A : memref<!tpu.dma_semaphore, #tpu.memory_space<semaphore_mem>>)
        %dma_wait3A = arith.constant 0 : i32
        %dma_wait3A_360 = tpu.memref_slice %arg4[%add3A_353, %dma_wait3A] : memref<16384x8xf32, #tpu.memory_space<hbm>> -> memref<128x8xf32, #tpu.memory_space<hbm>>
        %dma_wait3A_361 = arith.constant 0 : i32
        %dma_wait3A_362 = tpu.memref_slice %arg4[%add3A_353, %dma_wait3A_361] : memref<16384x8xf32, #tpu.memory_space<hbm>> -> memref<128x8xf32, #tpu.memory_space<hbm>>
        tpu.wait_dma2 semaphore(%run_scoped3A : memref<!tpu.dma_semaphore, #tpu.memory_space<semaphore_mem>>) src(%arg9 : memref<128x8xf32, #tpu.memory_space<vmem>>) dst(%dma_wait3A_362 : memref<128x8xf32, #tpu.memory_space<hbm>>)
        tpu.yield
      }) : () -> ()
      %mul3A_354 = arith.constant 128 : i32
      %mul3A_355 = arith.muli %scan3A_342, %mul3A_354 : i32
      %add3A_356 = arith.addi %mul3A_141, %mul3A_355 : i32
      "tpu.region"() ({
        %run_scoped3A = tpu.sem_alloc : memref<!tpu.dma_semaphore, #tpu.memory_space<semaphore_mem>>
        %dma_start3A = arith.constant 0 : i32
        %dma_start3A_357 = tpu.memref_slice %arg5[%add3A_356, %dma_start3A] : memref<16384x8xi32, #tpu.memory_space<hbm>> -> memref<128x8xi32, #tpu.memory_space<hbm>>
        %dma_start3A_358 = arith.constant 0 : i32
        %dma_start3A_359 = tpu.memref_slice %arg5[%add3A_356, %dma_start3A_358] : memref<16384x8xi32, #tpu.memory_space<hbm>> -> memref<128x8xi32, #tpu.memory_space<hbm>>
        tpu.enqueue_dma source(%arg10 : memref<128x8xi32, #tpu.memory_space<vmem>>) target(%dma_start3A_359 : memref<128x8xi32, #tpu.memory_space<hbm>>) target_semaphore(%run_scoped3A : memref<!tpu.dma_semaphore, #tpu.memory_space<semaphore_mem>>)
        %dma_wait3A = arith.constant 0 : i32
        %dma_wait3A_360 = tpu.memref_slice %arg5[%add3A_356, %dma_wait3A] : memref<16384x8xi32, #tpu.memory_space<hbm>> -> memref<128x8xi32, #tpu.memory_space<hbm>>
        %dma_wait3A_361 = arith.constant 0 : i32
        %dma_wait3A_362 = tpu.memref_slice %arg5[%add3A_356, %dma_wait3A_361] : memref<16384x8xi32, #tpu.memory_space<hbm>> -> memref<128x8xi32, #tpu.memory_space<hbm>>
        tpu.wait_dma2 semaphore(%run_scoped3A : memref<!tpu.dma_semaphore, #tpu.memory_space<semaphore_mem>>) src(%arg10 : memref<128x8xi32, #tpu.memory_space<vmem>>) dst(%dma_wait3A_362 : memref<128x8xi32, #tpu.memory_space<hbm>>)
        tpu.yield
      }) : () -> ()
    }
    %scan3A_146 = arith.constant 4 : i32
    %get3A = arith.constant 0 : index
    %get3A_147 = tpu.vector_load %arg11[%get3A] {strides = array<i32>} : memref<1024xf32, #tpu.memory_space<vmem>>, vector<16xf32>,
    %get3A_148 = arith.constant 64 : index
    %get3A_149 = tpu.vector_load %arg11[%get3A_148] {strides = array<i32>} : memref<1024xf32, #tpu.memory_space<vmem>>, vector<16xf32>,
    %add3A_150 = arith.addf %get3A_147, %get3A_149 : vector<16xf32>
    %get3A_151 = arith.constant 128 : index
    %get3A_152 = tpu.vector_load %arg11[%get3A_151] {strides = array<i32>} : memref<1024xf32, #tpu.memory_space<vmem>>, vector<16xf32>,
    %add3A_153 = arith.addf %add3A_150, %get3A_152 : vector<16xf32>
    %get3A_154 = arith.constant 192 : index
    %get3A_155 = tpu.vector_load %arg11[%get3A_154] {strides = array<i32>} : memref<1024xf32, #tpu.memory_space<vmem>>, vector<16xf32>,
    %add3A_156 = arith.addf %add3A_153, %get3A_155 : vector<16xf32>
    %get3A_157 = arith.constant 256 : index
    %get3A_158 = tpu.vector_load %arg11[%get3A_157] {strides = array<i32>} : memref<1024xf32, #tpu.memory_space<vmem>>, vector<16xf32>,
    %add3A_159 = arith.addf %add3A_156, %get3A_158 : vector<16xf32>
    %get3A_160 = arith.constant 320 : index
    %get3A_161 = tpu.vector_load %arg11[%get3A_160] {strides = array<i32>} : memref<1024xf32, #tpu.memory_space<vmem>>, vector<16xf32>,
    %add3A_162 = arith.addf %add3A_159, %get3A_161 : vector<16xf32>
    %get3A_163 = arith.constant 384 : index
    %get3A_164 = tpu.vector_load %arg11[%get3A_163] {strides = array<i32>} : memref<1024xf32, #tpu.memory_space<vmem>>, vector<16xf32>,
    %add3A_165 = arith.addf %add3A_162, %get3A_164 : vector<16xf32>
    %get3A_166 = arith.constant 448 : index
    %get3A_167 = tpu.vector_load %arg11[%get3A_166] {strides = array<i32>} : memref<1024xf32, #tpu.memory_space<vmem>>, vector<16xf32>,
    %add3A_168 = arith.addf %add3A_165, %get3A_167 : vector<16xf32>
    %get3A_169 = arith.constant 512 : index
    %get3A_170 = tpu.vector_load %arg11[%get3A_169] {strides = array<i32>} : memref<1024xf32, #tpu.memory_space<vmem>>, vector<16xf32>,
    %add3A_171 = arith.addf %add3A_168, %get3A_170 : vector<16xf32>
    %get3A_172 = arith.constant 576 : index
    %get3A_173 = tpu.vector_load %arg11[%get3A_172] {strides = array<i32>} : memref<1024xf32, #tpu.memory_space<vmem>>, vector<16xf32>,
    %add3A_174 = arith.addf %add3A_171, %get3A_173 : vector<16xf32>
    %get3A_175 = arith.constant 640 : index
    %get3A_176 = tpu.vector_load %arg11[%get3A_175] {strides = array<i32>} : memref<1024xf32, #tpu.memory_space<vmem>>, vector<16xf32>,
    %add3A_177 = arith.addf %add3A_174, %get3A_176 : vector<16xf32>
    %get3A_178 = arith.constant 704 : index
    %get3A_179 = tpu.vector_load %arg11[%get3A_178] {strides = array<i32>} : memref<1024xf32, #tpu.memory_space<vmem>>, vector<16xf32>,
    %add3A_180 = arith.addf %add3A_177, %get3A_179 : vector<16xf32>
    %get3A_181 = arith.constant 768 : index
    %get3A_182 = tpu.vector_load %arg11[%get3A_181] {strides = array<i32>} : memref<1024xf32, #tpu.memory_space<vmem>>, vector<16xf32>,
    %add3A_183 = arith.addf %add3A_180, %get3A_182 : vector<16xf32>
    %get3A_184 = arith.constant 832 : index
    %get3A_185 = tpu.vector_load %arg11[%get3A_184] {strides = array<i32>} : memref<1024xf32, #tpu.memory_space<vmem>>, vector<16xf32>,
    %add3A_186 = arith.addf %add3A_183, %get3A_185 : vector<16xf32>
    %get3A_187 = arith.constant 896 : index
    %get3A_188 = tpu.vector_load %arg11[%get3A_187] {strides = array<i32>} : memref<1024xf32, #tpu.memory_space<vmem>>, vector<16xf32>,
    %add3A_189 = arith.addf %add3A_186, %get3A_188 : vector<16xf32>
    %get3A_190 = arith.constant 960 : index
    %get3A_191 = tpu.vector_load %arg11[%get3A_190] {strides = array<i32>} : memref<1024xf32, #tpu.memory_space<vmem>>, vector<16xf32>,
    %add3A_192 = arith.addf %add3A_189, %get3A_191 : vector<16xf32>
    %swap3A_193 = arith.constant 0 : index
    %swap3A_194 = tpu.vector_load %arg12[%swap3A_193] {strides = array<i32>} : memref<64xf32, #tpu.memory_space<vmem>>, vector<16xf32>,
    tpu.vector_store %arg12[%swap3A_193], %add3A_192 {strides = array<i32>} : memref<64xf32, #tpu.memory_space<vmem>>, vector<16xf32>,
    %get3A_195 = arith.constant 16 : index
    %get3A_196 = tpu.vector_load %arg11[%get3A_195] {strides = array<i32>} : memref<1024xf32, #tpu.memory_space<vmem>>, vector<16xf32>,
    %get3A_197 = arith.constant 80 : index
    %get3A_198 = tpu.vector_load %arg11[%get3A_197] {strides = array<i32>} : memref<1024xf32, #tpu.memory_space<vmem>>, vector<16xf32>,
    %add3A_199 = arith.addf %get3A_196, %get3A_198 : vector<16xf32>
    %get3A_200 = arith.constant 144 : index
    %get3A_201 = tpu.vector_load %arg11[%get3A_200] {strides = array<i32>} : memref<1024xf32, #tpu.memory_space<vmem>>, vector<16xf32>,
    %add3A_202 = arith.addf %add3A_199, %get3A_201 : vector<16xf32>
    %get3A_203 = arith.constant 208 : index
    %get3A_204 = tpu.vector_load %arg11[%get3A_203] {strides = array<i32>} : memref<1024xf32, #tpu.memory_space<vmem>>, vector<16xf32>,
    %add3A_205 = arith.addf %add3A_202, %get3A_204 : vector<16xf32>
    %get3A_206 = arith.constant 272 : index
    %get3A_207 = tpu.vector_load %arg11[%get3A_206] {strides = array<i32>} : memref<1024xf32, #tpu.memory_space<vmem>>, vector<16xf32>,
    %add3A_208 = arith.addf %add3A_205, %get3A_207 : vector<16xf32>
    %get3A_209 = arith.constant 336 : index
    %get3A_210 = tpu.vector_load %arg11[%get3A_209] {strides = array<i32>} : memref<1024xf32, #tpu.memory_space<vmem>>, vector<16xf32>,
    %add3A_211 = arith.addf %add3A_208, %get3A_210 : vector<16xf32>
    %get3A_212 = arith.constant 400 : index
    %get3A_213 = tpu.vector_load %arg11[%get3A_212] {strides = array<i32>} : memref<1024xf32, #tpu.memory_space<vmem>>, vector<16xf32>,
    %add3A_214 = arith.addf %add3A_211, %get3A_213 : vector<16xf32>
    %get3A_215 = arith.constant 464 : index
    %get3A_216 = tpu.vector_load %arg11[%get3A_215] {strides = array<i32>} : memref<1024xf32, #tpu.memory_space<vmem>>, vector<16xf32>,
    %add3A_217 = arith.addf %add3A_214, %get3A_216 : vector<16xf32>
    %get3A_218 = arith.constant 528 : index
    %get3A_219 = tpu.vector_load %arg11[%get3A_218] {strides = array<i32>} : memref<1024xf32, #tpu.memory_space<vmem>>, vector<16xf32>,
    %add3A_220 = arith.addf %add3A_217, %get3A_219 : vector<16xf32>
    %get3A_221 = arith.constant 592 : index
    %get3A_222 = tpu.vector_load %arg11[%get3A_221] {strides = array<i32>} : memref<1024xf32, #tpu.memory_space<vmem>>, vector<16xf32>,
    %add3A_223 = arith.addf %add3A_220, %get3A_222 : vector<16xf32>
    %get3A_224 = arith.constant 656 : index
    %get3A_225 = tpu.vector_load %arg11[%get3A_224] {strides = array<i32>} : memref<1024xf32, #tpu.memory_space<vmem>>, vector<16xf32>,
    %add3A_226 = arith.addf %add3A_223, %get3A_225 : vector<16xf32>
    %get3A_227 = arith.constant 720 : index
    %get3A_228 = tpu.vector_load %arg11[%get3A_227] {strides = array<i32>} : memref<1024xf32, #tpu.memory_space<vmem>>, vector<16xf32>,
    %add3A_229 = arith.addf %add3A_226, %get3A_228 : vector<16xf32>
    %get3A_230 = arith.constant 784 : index
    %get3A_231 = tpu.vector_load %arg11[%get3A_230] {strides = array<i32>} : memref<1024xf32, #tpu.memory_space<vmem>>, vector<16xf32>,
    %add3A_232 = arith.addf %add3A_229, %get3A_231 : vector<16xf32>
    %get3A_233 = arith.constant 848 : index
    %get3A_234 = tpu.vector_load %arg11[%get3A_233] {strides = array<i32>} : memref<1024xf32, #tpu.memory_space<vmem>>, vector<16xf32>,
    %add3A_235 = arith.addf %add3A_232, %get3A_234 : vector<16xf32>
    %get3A_236 = arith.constant 912 : index
    %get3A_237 = tpu.vector_load %arg11[%get3A_236] {strides = array<i32>} : memref<1024xf32, #tpu.memory_space<vmem>>, vector<16xf32>,
    %add3A_238 = arith.addf %add3A_235, %get3A_237 : vector<16xf32>
    %get3A_239 = arith.constant 976 : index
    %get3A_240 = tpu.vector_load %arg11[%get3A_239] {strides = array<i32>} : memref<1024xf32, #tpu.memory_space<vmem>>, vector<16xf32>,
    %add3A_241 = arith.addf %add3A_238, %get3A_240 : vector<16xf32>
    %swap3A_242 = arith.constant 16 : index
    %swap3A_243 = tpu.vector_load %arg12[%swap3A_242] {strides = array<i32>} : memref<64xf32, #tpu.memory_space<vmem>>, vector<16xf32>,
    tpu.vector_store %arg12[%swap3A_242], %add3A_241 {strides = array<i32>} : memref<64xf32, #tpu.memory_space<vmem>>, vector<16xf32>,
    %get3A_244 = arith.constant 32 : index
    %get3A_245 = tpu.vector_load %arg11[%get3A_244] {strides = array<i32>} : memref<1024xf32, #tpu.memory_space<vmem>>, vector<16xf32>,
    %get3A_246 = arith.constant 96 : index
    %get3A_247 = tpu.vector_load %arg11[%get3A_246] {strides = array<i32>} : memref<1024xf32, #tpu.memory_space<vmem>>, vector<16xf32>,
    %add3A_248 = arith.addf %get3A_245, %get3A_247 : vector<16xf32>
    %get3A_249 = arith.constant 160 : index
    %get3A_250 = tpu.vector_load %arg11[%get3A_249] {strides = array<i32>} : memref<1024xf32, #tpu.memory_space<vmem>>, vector<16xf32>,
    %add3A_251 = arith.addf %add3A_248, %get3A_250 : vector<16xf32>
    %get3A_252 = arith.constant 224 : index
    %get3A_253 = tpu.vector_load %arg11[%get3A_252] {strides = array<i32>} : memref<1024xf32, #tpu.memory_space<vmem>>, vector<16xf32>,
    %add3A_254 = arith.addf %add3A_251, %get3A_253 : vector<16xf32>
    %get3A_255 = arith.constant 288 : index
    %get3A_256 = tpu.vector_load %arg11[%get3A_255] {strides = array<i32>} : memref<1024xf32, #tpu.memory_space<vmem>>, vector<16xf32>,
    %add3A_257 = arith.addf %add3A_254, %get3A_256 : vector<16xf32>
    %get3A_258 = arith.constant 352 : index
    %get3A_259 = tpu.vector_load %arg11[%get3A_258] {strides = array<i32>} : memref<1024xf32, #tpu.memory_space<vmem>>, vector<16xf32>,
    %add3A_260 = arith.addf %add3A_257, %get3A_259 : vector<16xf32>
    %get3A_261 = arith.constant 416 : index
    %get3A_262 = tpu.vector_load %arg11[%get3A_261] {strides = array<i32>} : memref<1024xf32, #tpu.memory_space<vmem>>, vector<16xf32>,
    %add3A_263 = arith.addf %add3A_260, %get3A_262 : vector<16xf32>
    %get3A_264 = arith.constant 480 : index
    %get3A_265 = tpu.vector_load %arg11[%get3A_264] {strides = array<i32>} : memref<1024xf32, #tpu.memory_space<vmem>>, vector<16xf32>,
    %add3A_266 = arith.addf %add3A_263, %get3A_265 : vector<16xf32>
    %get3A_267 = arith.constant 544 : index
    %get3A_268 = tpu.vector_load %arg11[%get3A_267] {strides = array<i32>} : memref<1024xf32, #tpu.memory_space<vmem>>, vector<16xf32>,
    %add3A_269 = arith.addf %add3A_266, %get3A_268 : vector<16xf32>
    %get3A_270 = arith.constant 608 : index
    %get3A_271 = tpu.vector_load %arg11[%get3A_270] {strides = array<i32>} : memref<1024xf32, #tpu.memory_space<vmem>>, vector<16xf32>,
    %add3A_272 = arith.addf %add3A_269, %get3A_271 : vector<16xf32>
    %get3A_273 = arith.constant 672 : index
    %get3A_274 = tpu.vector_load %arg11[%get3A_273] {strides = array<i32>} : memref<1024xf32, #tpu.memory_space<vmem>>, vector<16xf32>,
    %add3A_275 = arith.addf %add3A_272, %get3A_274 : vector<16xf32>
    %get3A_276 = arith.constant 736 : index
    %get3A_277 = tpu.vector_load %arg11[%get3A_276] {strides = array<i32>} : memref<1024xf32, #tpu.memory_space<vmem>>, vector<16xf32>,
    %add3A_278 = arith.addf %add3A_275, %get3A_277 : vector<16xf32>
    %get3A_279 = arith.constant 800 : index
    %get3A_280 = tpu.vector_load %arg11[%get3A_279] {strides = array<i32>} : memref<1024xf32, #tpu.memory_space<vmem>>, vector<16xf32>,
    %add3A_281 = arith.addf %add3A_278, %get3A_280 : vector<16xf32>
    %get3A_282 = arith.constant 864 : index
    %get3A_283 = tpu.vector_load %arg11[%get3A_282] {strides = array<i32>} : memref<1024xf32, #tpu.memory_space<vmem>>, vector<16xf32>,
    %add3A_284 = arith.addf %add3A_281, %get3A_283 : vector<16xf32>
    %get3A_285 = arith.constant 928 : index
    %get3A_286 = tpu.vector_load %arg11[%get3A_285] {strides = array<i32>} : memref<1024xf32, #tpu.memory_space<vmem>>, vector<16xf32>,
    %add3A_287 = arith.addf %add3A_284, %get3A_286 : vector<16xf32>
    %get3A_288 = arith.constant 992 : index
    %get3A_289 = tpu.vector_load %arg11[%get3A_288] {strides = array<i32>} : memref<1024xf32, #tpu.memory_space<vmem>>, vector<16xf32>,
    %add3A_290 = arith.addf %add3A_287, %get3A_289 : vector<16xf32>
    %swap3A_291 = arith.constant 32 : index
    %swap3A_292 = tpu.vector_load %arg12[%swap3A_291] {strides = array<i32>} : memref<64xf32, #tpu.memory_space<vmem>>, vector<16xf32>,
    tpu.vector_store %arg12[%swap3A_291], %add3A_290 {strides = array<i32>} : memref<64xf32, #tpu.memory_space<vmem>>, vector<16xf32>,
    %get3A_293 = arith.constant 48 : index
    %get3A_294 = tpu.vector_load %arg11[%get3A_293] {strides = array<i32>} : memref<1024xf32, #tpu.memory_space<vmem>>, vector<16xf32>,
    %get3A_295 = arith.constant 112 : index
    %get3A_296 = tpu.vector_load %arg11[%get3A_295] {strides = array<i32>} : memref<1024xf32, #tpu.memory_space<vmem>>, vector<16xf32>,
    %add3A_297 = arith.addf %get3A_294, %get3A_296 : vector<16xf32>
    %get3A_298 = arith.constant 176 : index
    %get3A_299 = tpu.vector_load %arg11[%get3A_298] {strides = array<i32>} : memref<1024xf32, #tpu.memory_space<vmem>>, vector<16xf32>,
    %add3A_300 = arith.addf %add3A_297, %get3A_299 : vector<16xf32>
    %get3A_301 = arith.constant 240 : index
    %get3A_302 = tpu.vector_load %arg11[%get3A_301] {strides = array<i32>} : memref<1024xf32, #tpu.memory_space<vmem>>, vector<16xf32>,
    %add3A_303 = arith.addf %add3A_300, %get3A_302 : vector<16xf32>
    %get3A_304 = arith.constant 304 : index
    %get3A_305 = tpu.vector_load %arg11[%get3A_304] {strides = array<i32>} : memref<1024xf32, #tpu.memory_space<vmem>>, vector<16xf32>,
    %add3A_306 = arith.addf %add3A_303, %get3A_305 : vector<16xf32>
    %get3A_307 = arith.constant 368 : index
    %get3A_308 = tpu.vector_load %arg11[%get3A_307] {strides = array<i32>} : memref<1024xf32, #tpu.memory_space<vmem>>, vector<16xf32>,
    %add3A_309 = arith.addf %add3A_306, %get3A_308 : vector<16xf32>
    %get3A_310 = arith.constant 432 : index
    %get3A_311 = tpu.vector_load %arg11[%get3A_310] {strides = array<i32>} : memref<1024xf32, #tpu.memory_space<vmem>>, vector<16xf32>,
    %add3A_312 = arith.addf %add3A_309, %get3A_311 : vector<16xf32>
    %get3A_313 = arith.constant 496 : index
    %get3A_314 = tpu.vector_load %arg11[%get3A_313] {strides = array<i32>} : memref<1024xf32, #tpu.memory_space<vmem>>, vector<16xf32>,
    %add3A_315 = arith.addf %add3A_312, %get3A_314 : vector<16xf32>
    %get3A_316 = arith.constant 560 : index
    %get3A_317 = tpu.vector_load %arg11[%get3A_316] {strides = array<i32>} : memref<1024xf32, #tpu.memory_space<vmem>>, vector<16xf32>,
    %add3A_318 = arith.addf %add3A_315, %get3A_317 : vector<16xf32>
    %get3A_319 = arith.constant 624 : index
    %get3A_320 = tpu.vector_load %arg11[%get3A_319] {strides = array<i32>} : memref<1024xf32, #tpu.memory_space<vmem>>, vector<16xf32>,
    %add3A_321 = arith.addf %add3A_318, %get3A_320 : vector<16xf32>
    %get3A_322 = arith.constant 688 : index
    %get3A_323 = tpu.vector_load %arg11[%get3A_322] {strides = array<i32>} : memref<1024xf32, #tpu.memory_space<vmem>>, vector<16xf32>,
    %add3A_324 = arith.addf %add3A_321, %get3A_323 : vector<16xf32>
    %get3A_325 = arith.constant 752 : index
    %get3A_326 = tpu.vector_load %arg11[%get3A_325] {strides = array<i32>} : memref<1024xf32, #tpu.memory_space<vmem>>, vector<16xf32>,
    %add3A_327 = arith.addf %add3A_324, %get3A_326 : vector<16xf32>
    %get3A_328 = arith.constant 816 : index
    %get3A_329 = tpu.vector_load %arg11[%get3A_328] {strides = array<i32>} : memref<1024xf32, #tpu.memory_space<vmem>>, vector<16xf32>,
    %add3A_330 = arith.addf %add3A_327, %get3A_329 : vector<16xf32>
    %get3A_331 = arith.constant 880 : index
    %get3A_332 = tpu.vector_load %arg11[%get3A_331] {strides = array<i32>} : memref<1024xf32, #tpu.memory_space<vmem>>, vector<16xf32>,
    %add3A_333 = arith.addf %add3A_330, %get3A_332 : vector<16xf32>
    %get3A_334 = arith.constant 944 : index
    %get3A_335 = tpu.vector_load %arg11[%get3A_334] {strides = array<i32>} : memref<1024xf32, #tpu.memory_space<vmem>>, vector<16xf32>,
    %add3A_336 = arith.addf %add3A_333, %get3A_335 : vector<16xf32>
    %get3A_337 = arith.constant 1008 : index
    %get3A_338 = tpu.vector_load %arg11[%get3A_337] {strides = array<i32>} : memref<1024xf32, #tpu.memory_space<vmem>>, vector<16xf32>,
    %add3A_339 = arith.addf %add3A_336, %get3A_338 : vector<16xf32>
    %swap3A_340 = arith.constant 48 : index
    %swap3A_341 = tpu.vector_load %arg12[%swap3A_340] {strides = array<i32>} : memref<64xf32, #tpu.memory_space<vmem>>, vector<16xf32>,
    tpu.vector_store %arg12[%swap3A_340], %add3A_339 {strides = array<i32>} : memref<64xf32, #tpu.memory_space<vmem>>, vector<16xf32>,
    "tpu.region"() ({
      %run_scoped3A = tpu.sem_alloc : memref<!tpu.dma_semaphore, #tpu.memory_space<semaphore_mem>>
      %dma_start3A = arith.constant 0 : i32
      %dma_start3A_342 = tpu.memref_slice %arg6[%add3A, %dma_start3A] : memref<32x64xf32, #tpu.memory_space<hbm>> -> memref<1x64xf32, #tpu.memory_space<hbm>>
      %dma_start3A_343 = tpu.memref_squeeze %dma_start3A_342 : memref<1x64xf32, #tpu.memory_space<hbm>> -> memref<64xf32, #tpu.memory_space<hbm>>
      %dma_start3A_344 = arith.constant 0 : i32
      %dma_start3A_345 = tpu.memref_slice %arg6[%add3A, %dma_start3A_344] : memref<32x64xf32, #tpu.memory_space<hbm>> -> memref<1x64xf32, #tpu.memory_space<hbm>>
      %dma_start3A_346 = tpu.memref_squeeze %dma_start3A_345 : memref<1x64xf32, #tpu.memory_space<hbm>> -> memref<64xf32, #tpu.memory_space<hbm>>
      tpu.enqueue_dma source(%arg12 : memref<64xf32, #tpu.memory_space<vmem>>) target(%dma_start3A_346 : memref<64xf32, #tpu.memory_space<hbm>>) target_semaphore(%run_scoped3A : memref<!tpu.dma_semaphore, #tpu.memory_space<semaphore_mem>>)
      %dma_wait3A = arith.constant 0 : i32
      %dma_wait3A_347 = tpu.memref_slice %arg6[%add3A, %dma_wait3A] : memref<32x64xf32, #tpu.memory_space<hbm>> -> memref<1x64xf32, #tpu.memory_space<hbm>>
      %dma_wait3A_348 = tpu.memref_squeeze %dma_wait3A_347 : memref<1x64xf32, #tpu.memory_space<hbm>> -> memref<64xf32, #tpu.memory_space<hbm>>
      %dma_wait3A_349 = arith.constant 0 : i32
      %dma_wait3A_350 = tpu.memref_slice %arg6[%add3A, %dma_wait3A_349] : memref<32x64xf32, #tpu.memory_space<hbm>> -> memref<1x64xf32, #tpu.memory_space<hbm>>
      %dma_wait3A_351 = tpu.memref_squeeze %dma_wait3A_350 : memref<1x64xf32, #tpu.memory_space<hbm>> -> memref<64xf32, #tpu.memory_space<hbm>>
      tpu.wait_dma2 semaphore(%run_scoped3A : memref<!tpu.dma_semaphore, #tpu.memory_space<semaphore_mem>>) src(%arg12 : memref<64xf32, #tpu.memory_space<vmem>>) dst(%dma_wait3A_351 : memref<64xf32, #tpu.memory_space<hbm>>)
      tpu.yield
    }) : () -> ()
    return
  }
}

module attributes {stable_mosaic.version = 14 : i64} {
  func.func @_gate_body(%arg0: i32, %arg1: memref<1024x2048xf32, #tpu.memory_space<vmem>>, %arg2: memref<64x2048xf32, #tpu.memory_space<vmem>>, %arg3: memref<64x1xf32, #tpu.memory_space<vmem>>, %arg4: memref<2x64x512xf32, #tpu.memory_space<vmem>>) attributes {dimension_semantics = [#tpu.dimension_semantics<arbitrary>], iteration_bounds = array<i64: 16>, scalar_prefetch = 0 : i64, scratch_operands = 0 : i64, tpu.core_type = #tpu.core_type<tc>, window_params = [{transform_indices = @transform_0, window_bounds = array<i64: 1024, 2048>}, {pipeline_mode = #tpu.pipeline_mode<synchronous>, transform_indices = @transform_1, window_bounds = array<i64: 64, 2048>}, {pipeline_mode = #tpu.pipeline_mode<synchronous>, transform_indices = @transform_2, window_bounds = array<i64: 64, 1>}, {transform_indices = @transform_3, window_bounds = array<i64: 2, 64, 512>}]} {
    %get3A = arith.constant 0 : index
    %get3A_0 = arith.constant 0 : index
    %get3A_1 = vector.load %arg2[%get3A, %get3A_0] : memref<64x2048xf32, #tpu.memory_space<vmem>>, vector<64x2048xf32>
    %get3A_2 = arith.constant 0 : index
    %get3A_3 = arith.constant 0 : index
    %get3A_4 = vector.load %arg1[%get3A_2, %get3A_3] : memref<1024x2048xf32, #tpu.memory_space<vmem>>, vector<1024x2048xf32>
    %dot_general3A = arith.constant dense<0.000000e+00> : vector<64x1024xf32>
    %dot_general3A_5 = tpu.matmul %get3A_1, %get3A_4, %dot_general3A {dimension_numbers = #tpu.dot_dimension_numbers<[1], [1], [0], [0], [0, 0, 1, 0], [], []>, transpose_lhs_hint = false} : vector<64x2048xf32>, vector<1024x2048xf32>, vector<64x1024xf32> -> vector<64x1024xf32>
    %logistic3A = arith.negf %dot_general3A_5 : vector<64x1024xf32>
    %logistic3A_6 = math.exp %logistic3A : vector<64x1024xf32>
    %logistic3A_7 = arith.constant 1.000000e+00 : f32
    %logistic3A_8 = vector.broadcast %logistic3A_7 : f32 to vector<64x1024xf32>
    %logistic3A_9 = arith.addf %logistic3A_8, %logistic3A_6 : vector<64x1024xf32>
    %logistic3A_10 = arith.divf %logistic3A_8, %logistic3A_9 : vector<64x1024xf32>
    %get3A_11 = arith.constant 0 : index
    %get3A_12 = arith.constant 0 : index
    %get3A_13 = vector.load %arg3[%get3A_11, %get3A_12] : memref<64x1xf32, #tpu.memory_space<vmem>>, vector<64x1xf32>
    %add3A = vector.broadcast %get3A_13 : vector<64x1xf32> to vector<64x1024xf32>
    %add3A_14 = arith.addf %logistic3A_10, %add3A : vector<64x1024xf32>
    %slice3A = vector.extract_strided_slice %add3A_14 {offsets = [0, 0], sizes = [64, 512], strides = [1, 1]} : vector<64x1024xf32> to vector<64x512xf32>
    %swap3A = arith.constant 0 : index
    %swap3A_15 = arith.constant 0 : index
    %swap3A_16 = arith.constant 0 : index
    %swap3A_17 = vector.load %arg4[%swap3A, %swap3A_15, %swap3A_16] : memref<2x64x512xf32, #tpu.memory_space<vmem>>, vector<1x64x512xf32>
    %swap3A_18 = vector.shape_cast %swap3A_17 : vector<1x64x512xf32> to vector<64x512xf32>
    %swap3A_19 = vector.shape_cast %slice3A : vector<64x512xf32> to vector<1x64x512xf32>
    tpu.vector_store %arg4[%swap3A, %swap3A_15, %swap3A_16], %swap3A_19 {strides = array<i32>} : memref<2x64x512xf32, #tpu.memory_space<vmem>>, vector<1x64x512xf32>,
    %slice3A_20 = vector.extract_strided_slice %add3A_14 {offsets = [0, 512], sizes = [64, 512], strides = [1, 1]} : vector<64x1024xf32> to vector<64x512xf32>
    %swap3A_21 = arith.constant 1 : index
    %swap3A_22 = arith.constant 0 : index
    %swap3A_23 = arith.constant 0 : index
    %swap3A_24 = vector.load %arg4[%swap3A_21, %swap3A_22, %swap3A_23] : memref<2x64x512xf32, #tpu.memory_space<vmem>>, vector<1x64x512xf32>
    %swap3A_25 = vector.shape_cast %swap3A_24 : vector<1x64x512xf32> to vector<64x512xf32>
    %swap3A_26 = vector.shape_cast %slice3A_20 : vector<64x512xf32> to vector<1x64x512xf32>
    tpu.vector_store %arg4[%swap3A_21, %swap3A_22, %swap3A_23], %swap3A_26 {strides = array<i32>} : memref<2x64x512xf32, #tpu.memory_space<vmem>>, vector<1x64x512xf32>,
    return
  }
  func.func @transform_0(%arg0: i32) -> (i32, i32) {
    %c0_i32 = arith.constant 0 : i32
    %c0_i32_0 = arith.constant 0 : i32
    return %arg0, %c0_i32 : i32, i32
  }
  func.func @transform_1(%arg0: i32) -> (i32, i32) {
    %c0_i32 = arith.constant 0 : i32
    %c0_i32_0 = arith.constant 0 : i32
    %c0_i32_1 = arith.constant 0 : i32
    return %c0_i32, %c0_i32_0 : i32, i32
  }
  func.func @transform_2(%arg0: i32) -> (i32, i32) {
    %c0_i32 = arith.constant 0 : i32
    %c0_i32_0 = arith.constant 0 : i32
    %c0_i32_1 = arith.constant 0 : i32
    return %c0_i32, %c0_i32_0 : i32, i32
  }
  func.func @transform_3(%arg0: i32) -> (i32, i32, i32) {
    %c0_i32 = arith.constant 0 : i32
    %c0_i32_0 = arith.constant 0 : i32
    %c0_i32_1 = arith.constant 0 : i32
    return %arg0, %c0_i32, %c0_i32_0 : i32, i32, i32
  }
}

</mosaic_0001>

<sc_bundles>
// kernel: kernel.4.cloned.1.call-start
scs
__scs_entry_jumppad:
0x0: {  	(pc) =	sbr.rel $0x88, $3  }
0x1: {  	(tag) =	ssettag $0x0;
	lr =	simm.s32 $0x1  }
0x2: {  	[smem:$0x3F9E] =	sst lr;
	_ =	strace $0xD0000000  }
0x3: {  	_ = 	snop  }
0x4: {  	_ = 	snop  }
0x5: {  	_ = 	snop  }
0x6: {  	_ = 	snop  }
0x7: {  	_ = 	snop  }
__scs_overlays_trampoline_lowered:
0x8: {  	[smem:$0x3FAD] =	sst s0  }
0x9: {  	[smem:$0x3FAE] =	sst s1  }
0xa: {  	[smem:$0x3FAF] =	sst s2  }
0xb: {  	[smem:$0x3FB0] =	sst s3  }
0xc: {  	[smem:$0x3FB1] =	sst s4  }
0xd: {  	[smem:$0x3FB2] =	sst s5  }
0xe: {  	[smem:$0x3FB3] =	sst s6  }
0xf: {  	[smem:$0x3FB4] =	sst s7  }
0x10: {  	[smem:$0x3FB5] =	sst s8  }
0x11: {  	[smem:$0x3FB6] =	sst s9;
	s0 =	simm.s32 @!p0 $0x0  }
0x12: {  	s1 =	sld [smem:$0x3F9C];
	s0 =	simm.s32 @p0 $0x1  }
0x13: {  	[smem:$0x3FB7] =	sst s0;
	s0 =	simm.s32 @!p1 $0x0  }
0x14: {  	s2 =	sld [smem:$0x3F9B];
	s0 =	simm.s32 @p1 $0x1  }
0x15: {  	[smem:$0x3FB8] =	sst s0;
	s0 =	simm.s32 @!p2 $0x0  }
0x16: {  	s3 =	sld [smem:$0x3FDB];
	s0 =	simm.s32 @p2 $0x1  }
0x17: {  	s4 =	simm.s32 $0x1BF5;
	[smem:$0x3FBA] =	sst s0  }
0x18: {  	s0 =	sld [smem:$0x3F9D];
	_ =	swait.ge [sflag:s4], $0x0  }
0x19: {  	s7 =	sld [smem:$0x3F9E]  }
0x1a: {  	s8 =	sadd.s32 $0xFFFFE003, lr  }
0x1b: {  	s9 =	sadd.s32 $0xFFFFFEF7, lr;
	s5 =	simm.s32 $0xFFFFFFFF;
	p2 =	slt.u32 s8, $0xFFFFF086  }
0x1c: {  	p1 =	slt.u32 s9, $0xF7A;
	s5 =	simm.s32 @!p2 $0x0  }
0x1d: {  	s5 =	simm.s32 @p1 $0x1;
	p0 =	seq.s32 s7, s2  }
0x1e: {  	s7 =	smul.u32 @!p0 $0xF7A, s2;
	p2 =	seq.s32 @!p0 s5, $0x0  }
0x1f: {  	s9 =	smul.u32 $0xF7A, s1;
	s8 =	simm.s32 @!p0 $0x1BF5;
	p2 =	por !p2, p0  }
0x20: {  	[sflag:s8] =	ssyncset.s32 @!p0 $0xFFFFF086;
	s6 =	sadd.s32 @!p0 s3, s7;
	s7 =	simm.s32 @!p0 $0x108  }
0x21: {  	s3 =	sadd.s32 s3, s9;
	s6 =	sadd.s32 @!p0 $0x88, s6;
	s7 =	simm.s32 @p2 $0x1082  }
0x22: {  	[simem:s7], [sflag:s8] =	dma.local @!p0 [hbm:s6], $0xF7A  }
0x23: {  	s9 =	sor.u32 $0xD0000000, s2;
	s6 =	simm.s32 $0x108;
	_ =	swait.ge @!p0 [sflag:s8], $0x0  }
0x24: {  	s3 =	sadd.s32 $0x88, s3;
	s6 =	simm.s32 @!p1 $0x1082;
	[sflag:s4] =	ssyncset.s32 $0xFFFFF086  }
0x25: {  	[simem:s6], [sflag:s4] =	dma.local [hbm:s3], $0xF7A  }
0x26: {  	[smem:$0x3F9E] =	sst s1;
	(tag) =	ssettag s2;
	_ =	strace s9  }
0x27: {  	s1 =	sld [smem:$0x3FAE]  }
0x28: {  	s2 =	sld [smem:$0x3FAF]  }
0x29: {  	s4 =	sld [smem:$0x3FB1]  }
0x2a: {  	p0 =	seq.s32 s5, $0x0;
	s5 =	sld [smem:$0x3FB2]  }
0x2b: {  	s6 =	sld [smem:$0x3FB3]  }
0x2c: {  	s7 =	sld [smem:$0x3FB4]  }
0x2d: {  	s3 =	simm.s32 $0x108;
	s8 =	sld [smem:$0x3FB5]  }
0x2e: {  	s3 =	simm.s32 @!p0 $0x1082;
	s9 =	sld [smem:$0x3FB6]  }
0x2f: {  	lr =	sadd.s32 s0, s3;
	s0 =	sld [smem:$0x3FAD]  }
0x30: {  	s3 =	sld [smem:$0x3FB0]  }
0x31: {  	[smem:$0x3FB9] =	sst s10  }
0x32: {  	s10 =	sld [smem:$0x3FB7];
	_ =	sdelay $0x3  }
0x33: {  	p0 =	seq.s32 s10, $0x1;
	s10 =	sld [smem:$0x3FB9];
	_ =	sdelay $0x3  }
0x34: {  	[smem:$0x3FB9] =	sst s10  }
0x35: {  	s10 =	sld [smem:$0x3FB8];
	_ =	sdelay $0x3  }
0x36: {  	p1 =	seq.s32 s10, $0x1;
	s10 =	sld [smem:$0x3FB9];
	_ =	sdelay $0x3  }
0x37: {  	[smem:$0x3FB9] =	sst s10  }
0x38: {  	s10 =	sld [smem:$0x3FBA]  }
0x39: {  	_ = 	snop;
	(pc) =	sbr.ind lr, $3  }
0x3a: {  	_ = 	snop  }
0x3b: {  	_ = 	snop  }
0x3c: {  	p2 =	seq.s32 s10, $0x1;
	s10 =	sld [smem:$0x3FB9]  }
0x3d: {  	_ =	shalt  }
0x3e: {  	_ =	shalt  }
0x3f: {  	_ =	shalt  }
0x40: {  	_ =	shalt  }
0x41: {  	_ =	shalt  }
0x42: {  	_ =	shalt  }
0x43: {  	_ =	shalt  }
0x44: {  	_ =	shalt  }
0x45: {  	_ =	shalt  }
0x46: {  	_ =	shalt  }
0x47: {  	_ =	shalt  }
0x48: {  	_ =	shalt  }
0x49: {  	_ =	shalt  }
0x4a: {  	_ =	shalt  }
0x4b: {  	_ =	shalt  }
0x4c: {  	_ =	shalt  }
0x4d: {  	_ =	shalt  }
0x4e: {  	_ =	shalt  }
0x4f: {  	_ =	shalt  }
0x50: {  	_ =	shalt  }
0x51: {  	_ =	shalt  }
0x52: {  	_ =	shalt  }
0x53: {  	_ =	shalt  }
0x54: {  	_ =	shalt  }
0x55: {  	_ =	shalt  }
0x56: {  	_ =	shalt  }
0x57: {  	_ =	shalt  }
0x58: {  	_ =	shalt  }
0x59: {  	_ =	shalt  }
0x5a: {  	_ =	shalt  }
0x5b: {  	_ =	shalt  }
0x5c: {  	_ =	shalt  }
0x5d: {  	_ =	shalt  }
0x5e: {  	_ =	shalt  }
0x5f: {  	_ =	shalt  }
0x60: {  	_ =	shalt  }
0x61: {  	_ =	shalt  }
0x62: {  	_ =	shalt  }
0x63: {  	_ =	shalt  }
0x64: {  	_ =	shalt  }
0x65: {  	_ =	shalt  }
0x66: {  	_ =	shalt  }
0x67: {  	_ =	shalt  }
0x68: {  	_ =	shalt  }
0x69: {  	_ =	shalt  }
0x6a: {  	_ =	shalt  }
0x6b: {  	_ =	shalt  }
0x6c: {  	_ =	shalt  }
0x6d: {  	_ =	shalt  }
0x6e: {  	_ =	shalt  }
0x6f: {  	_ =	shalt  }
0x70: {  	_ =	shalt  }
0x71: {  	_ =	shalt  }
0x72: {  	_ =	shalt  }
0x73: {  	_ =	shalt  }
0x74: {  	_ =	shalt  }
0x75: {  	_ =	shalt  }
0x76: {  	_ =	shalt  }
0x77: {  	_ =	shalt  }
0x78: {  	_ =	shalt  }
0x79: {  	_ =	shalt  }
0x7a: {  	_ =	shalt  }
0x7b: {  	_ =	shalt  }
0x7c: {  	_ =	shalt  }
0x7d: {  	_ =	shalt  }
0x7e: {  	_ =	shalt  }
0x7f: {  	_ =	shalt  }
0x80: {  	_ =	shalt  }
0x81: {  	_ =	shalt  }
0x82: {  	_ =	shalt  }
0x83: {  	_ =	shalt  }
0x84: {  	_ =	shalt  }
0x85: {  	_ =	shalt  }
0x86: {  	_ =	shalt  }
0x87: {  	_ =	shalt  }
.Lfunc_end0:
.L_simem_size_0:
called_computation_lowered:
.L_overlay_start_0:
0x88: {  	s2 =	sld [smem:$0x3FD9]  }
0x89: {  	s3 =	sld [smem:$0x3FFE];
	_ =	sdelay $0x1  }
0x8a: {  	s1 =	srdreg.scid  }
0x8b: {  	s0 =	sand.u32 $0x1, s1  }
0x8c: {  	s17 =	sshll.u32 s0, $0xA;
	s2 =	sadd.s32 s3, s2  }
0x8d: {  	s2 =	sadd.s32 s2, s17  }
0x8e: {  	[smem:$0x3FC5] =	sst s2  }
0x8f: {  	_ = 	snop  }
0x90: {  	s2 =	sld [smem:$0x3FC8];
	(tm) =	ssettm $0x1  }
0x91: {  	s18 =	sld [smem:$0x3FFB];
	_ =	sdelay $0x3  }
0x92: {  	_ =	strace s18  }
0x93: {  	s3 =	sld [smem:$0x3FFC];
	_ =	sdelay $0x3  }
0x94: {  	_ =	strace s3  }
0x95: {  	s3 =	sld [smem:$0x3FFD];
	_ =	sdelay $0x3  }
0x96: {  	_ =	strace s3  }
0x97: {  	_ =	strace $0x8FFFFFFF  }
0x98: {  	s19 =	sld [smem:$0x3FDB];
	_ =	sdelay $0x1  }
0x99: {  	s4 =	simm.s32 $_scs_section_size  }
0x9a: {  	s5 =	simm.s32 $_size__tile_overlayer_lowered;
	s6 =	simm.s32 $_tile_overlayer_lowered  }
0x9b: {  	s22 =	simm.s32 $0x1BFF;
	s21 =	sshll.u32 s6, $0x1;
	s3 =	sadd.s32 s4, s19  }
0x9c: {  	s7 =	simm.s32 $0x0;
	s20 =	sshll.u32 s5, $0x1;
	s5 =	sadd.s32 s21, s3  }
0x9d: {  	[timem:s7], [sflag:s22] =	dma.local [hbm:s5], s20  }
0x9e: {  	_ =	swait.ge [sflag:s22], s20  }
0x9f: {  	s4 =	ssub.s32 $0x0, s20;
	[sflag:s22] =	ssyncset.done $0x0  }
0xa0: {  	[sflag:s22] =	ssyncadd.s32 s4;
	_ =	sdelay $0x1  }
0xa1: {  	s23 =	simm.s32 $0x1B8B  }
0xa2: {  	_ =	swait.ge [sflag:s23], $0x1  }
0xa3: {  	[sflag:s23] =	ssyncset.done $0x0  }
0xa4: {  	s25 =	simm.s32 $0x1B8E;
	s24 =	sld [smem:$0x3FFE];
	[sflag:s23] =	ssyncadd.s32 $0xFFFFFFFF  }
0xa5: {  	s26 =	simm.s32 $execute0_lowered;
	[smem:$0x3FD2] =	sst s25  }
0xa6: {  	s5 =	sshll.u32 s26, $0x1;
	_ =	strace $0x80000046;
	[dreg:$0x1] =	wrdreg $0xFFFFFFFF  }
0xa7: {  	s28 =	simm.s32 $_size_execute0_lowered;
	s3 =	sadd.s32 s3, s5;
	[dreg:$0x0] =	wrdreg $0x0  }
0xa8: {  	s5 =	sshll.u32 s28, $0x1;
	[dreg:$0x2] =	wrdreg s3  }
0xa9: {  	[dreg:$0x3] =	wrdreg s5  }
0xaa: {  	[dreg:$0x4] =	wrdreg $0xC0  }
0xab: {  	_ =	task [dreg:s7], $0x5FFFF  }
0xac: {  	[dreg:$0x1] =	wrdreg $0xFFFFFFFF  }
0xad: {  	[dreg:$0x0] =	wrdreg $0x60  }
0xae: {  	[dreg:$0x2] =	wrdreg s24  }
0xaf: {  	[dreg:$0x3] =	wrdreg s2  }
0xb0: {  	[dreg:$0x4] =	wrdreg $0x9  }
0xb1: {  	_ =	task.clear_ibuf [dreg:s7], $0x5FFFF;
	_ =	strace $0x90000046  }
0xb2: {  	s29 =	simm.s32 $0x9;
	_ =	strace $0x80000048  }
0xb3: {  	_ =	swait.ge [sflag:s29], $0x1  }
0xb4: {  	[sflag:s29] =	ssyncadd.s32 $0xFFFFFFFF  }
0xb5: {  	_ =	strace $0x90000048  }
0xb6: {  	_ =	sfence  }
0xb7: {  	s30 =	sld [smem:$0x0];
	_ =	sdelay $0x2  }
0xb8: {  	s31 =	sshll.u32 s1, $0xD;
	s1 =	sshrl.u32 s1, $0x2  }
0xb9: {  	s3 =	sand.u32 $0x4000, s31;
	s1 =	sadd.s32 s1, s30  }
0xba: {  	s0 =	sor.u32 s3, s0;
	s1 =	sshll.u32 s1, $0x11  }
0xbb: {  	s0 =	sor.u32 s1, s0  }
0xbc: {  	s0 =	sadd.s32 $0x8F2B, s0  }
0xbd: {  	[sflag:s0] =	ssyncadd.remote.s32 $0x1  }
0xbe: {  	_ =	sfence.sel $0xFFFF  }
0xbf: {  	[dreg:$0x0] =	wrdreg $0xFFFFFFFF;
	(pc) =	sbr.abs _section_cstart, $3  }
0xc0: {  	[dreg:$0x1] =	wrdreg $0xFFFFFFFF  }
0xc1: {  	_ =	task.clear_ibuf [dreg:s7], $0x2FFFF;
	_ =	strace $0x9FFFFFFF  }
0xc2: {  	(tm) =	ssettm $0x7FFFFFFF  }
0xc3: {  	_ =	shalt  }
tec
execute0_lowered:
.L_overlay_start_1:
0x0: {  	(tag) =	ssettag $0x1  }
0x1: {  	s6 =	rddreg [dreg:$0x0]  }
0x2: {  	s2 =	rddreg [dreg:$0x1]  }
0x3: {  	s0 =	rddreg [dreg:$0x2]  }
0x4: {  	s4 =	srdreg.scid;
	s1 =	stileid.u32;
	s3 =	simm.s32 $0x0  }
0x5: {  	s12 =	simm.s32 $0x400;
	s13 =	simm.s32 $0x1000;
	s14 =	simm.s32 $0xA080  }
0x6: {  	s15 =	simm.s32 $0x2080;
	s16 =	simm.s32 $0x6080;
	s17 =	simm.s32 $0xA480  }
0x7: {  	s5 =	sand.u32 $0x1, s4;
	s31 =	sshll.u32 s1, $0x1;
	[smem:$0x7FF] =	sst s3  }
0x8: {  	s18 =	simm.s32 $0x0;
	s7 =	sor.u32 s5, s31;
	_ =	strace $0x80000047  }
0x9: {  	s9 =	ssub.s32 $0x2, s5;
	s5 =	sadd.s32 $0x60C00, s6;
	s4 =	sshll.u32 s7, $0xC  }
0xa: {  	v0 =	vlaneseq.u32;
	s10 =	sshll.u32 s7, $0x4;
	s11 =	sshrl.u32 s9, $0x1;
	s8 =	sadd.s32 s4, s6  }
0xb: {  	v40 =	vmul.u32 $0x40, v0;
	s4 =	sadd.s32 $0x20C00, s6;
	s10 =	sadd.s32 s10, s6;
	s9 =	ssub.s32 s9, s11  }
0xc: {  	s6 =	sshll.u32 s7, $0xD;
	s11 =	simm.s32 $0x1;
	s7 =	sadd.s32 $0xC00, s8  }
0xd: {  	v37 =	vimm.s32 $0x0;
	[tilespmem:$0x1FFF0] =	vst v40;
	s8 =	sadd.s32 $0xA0C00, s10;
	s9 =	smax.u32 s9, $0x1;
	s10 =	simm.s32 $0x2000  }
.LBB2_1:
0xe: {  	v0 =	vimm.f32 $0.0e+00  }
0xf: {  	[tilespmem:$0xA080] =	vst v0  }
0x10: {  	[tilespmem:$0xA090] =	vst v0  }
0x11: {  	[tilespmem:$0xA0A0] =	vst v0  }
0x12: {  	[tilespmem:$0xA0B0] =	vst v0  }
0x13: {  	[tilespmem:$0xA0C0] =	vst v0  }
0x14: {  	[tilespmem:$0xA0D0] =	vst v0  }
0x15: {  	[tilespmem:$0xA0E0] =	vst v0  }
0x16: {  	[tilespmem:$0xA0F0] =	vst v0  }
0x17: {  	[tilespmem:$0xA100] =	vst v0  }
0x18: {  	[tilespmem:$0xA110] =	vst v0  }
0x19: {  	[tilespmem:$0xA120] =	vst v0  }
0x1a: {  	[tilespmem:$0xA130] =	vst v0  }
0x1b: {  	[tilespmem:$0xA140] =	vst v0  }
0x1c: {  	[tilespmem:$0xA150] =	vst v0  }
0x1d: {  	[tilespmem:$0xA160] =	vst v0  }
0x1e: {  	[tilespmem:$0xA170] =	vst v0  }
0x1f: {  	[tilespmem:$0xA180] =	vst v0  }
0x20: {  	[tilespmem:$0xA190] =	vst v0  }
0x21: {  	[tilespmem:$0xA1A0] =	vst v0  }
0x22: {  	[tilespmem:$0xA1B0] =	vst v0  }
0x23: {  	[tilespmem:$0xA1C0] =	vst v0  }
0x24: {  	[tilespmem:$0xA1D0] =	vst v0  }
0x25: {  	[tilespmem:$0xA1E0] =	vst v0  }
0x26: {  	[tilespmem:$0xA1F0] =	vst v0  }
0x27: {  	[tilespmem:$0xA200] =	vst v0  }
0x28: {  	[tilespmem:$0xA210] =	vst v0  }
0x29: {  	[tilespmem:$0xA220] =	vst v0  }
0x2a: {  	[tilespmem:$0xA230] =	vst v0  }
0x2b: {  	[tilespmem:$0xA240] =	vst v0  }
0x2c: {  	[tilespmem:$0xA250] =	vst v0  }
0x2d: {  	[tilespmem:$0xA260] =	vst v0  }
0x2e: {  	[tilespmem:$0xA270] =	vst v0  }
0x2f: {  	[tilespmem:$0xA280] =	vst v0  }
0x30: {  	[tilespmem:$0xA290] =	vst v0  }
0x31: {  	[tilespmem:$0xA2A0] =	vst v0  }
0x32: {  	[tilespmem:$0xA2B0] =	vst v0  }
0x33: {  	[tilespmem:$0xA2C0] =	vst v0  }
0x34: {  	[tilespmem:$0xA2D0] =	vst v0  }
0x35: {  	[tilespmem:$0xA2E0] =	vst v0  }
0x36: {  	[tilespmem:$0xA2F0] =	vst v0  }
0x37: {  	[tilespmem:$0xA300] =	vst v0  }
0x38: {  	[tilespmem:$0xA310] =	vst v0  }
0x39: {  	[tilespmem:$0xA320] =	vst v0  }
0x3a: {  	[tilespmem:$0xA330] =	vst v0  }
0x3b: {  	[tilespmem:$0xA340] =	vst v0  }
0x3c: {  	[tilespmem:$0xA350] =	vst v0  }
0x3d: {  	[tilespmem:$0xA360] =	vst v0  }
0x3e: {  	[tilespmem:$0xA370] =	vst v0  }
0x3f: {  	[tilespmem:$0xA380] =	vst v0  }
0x40: {  	[tilespmem:$0xA390] =	vst v0  }
0x41: {  	[tilespmem:$0xA3A0] =	vst v0  }
0x42: {  	[tilespmem:$0xA3B0] =	vst v0  }
0x43: {  	[tilespmem:$0xA3C0] =	vst v0  }
0x44: {  	[tilespmem:$0xA3D0] =	vst v0  }
0x45: {  	[tilespmem:$0xA3E0] =	vst v0  }
0x46: {  	[tilespmem:$0xA3F0] =	vst v0  }
0x47: {  	[tilespmem:$0xA400] =	vst v0  }
0x48: {  	[tilespmem:$0xA410] =	vst v0  }
0x49: {  	[tilespmem:$0xA420] =	vst v0  }
0x4a: {  	[tilespmem:$0xA430] =	vst v0  }
0x4b: {  	[tilespmem:$0xA440] =	vst v0  }
0x4c: {  	[tilespmem:$0xA450] =	vst v0  }
0x4d: {  	[tilespmem:$0xA460] =	vst v0  }
0x4e: {  	[tilespmem:$0xA470] =	vst v0  }
0x4f: {  	[tilespmem:s10], [sflag:$0x1] =	stream.linear.gather [hbm4b:s2+s3], $0x80, $0x38;
	[tilespmem:$0xA500] =	vst v63  }
0x50: {  	_ =	swait.ge [sflag:s11], $0x80  }
0x51: {  	[sflag:s11] =	ssyncset.done $0x0  }
0x52: {  	s19 =	simm.s32 $0x0;
	[sflag:s11] =	ssyncadd.s32 $0xFFFFFF80  }
.LBB2_2:
0x53: {  	s20 =	sshll.u32 s19, $0x7  }
0x54: {  	s20 =	sadd.s32 s20, s7  }
0x55: {  	[tilespmem:s3], [sflag:$0x1] =	stream.strided.gather [hbm4b:s20+s12], $0x2000, s13, s12, $0x38;
	[tilespmem:$0xA500] =	vst v63  }
0x56: {  	_ =	swait.ge [sflag:s11], $0x2000  }
0x57: {  	[sflag:s11] =	ssyncset.done $0x0  }
0x58: {  	v18 =	vlaneseq.u32;
	s20 =	simm.s32 $0xFFFFFE00;
	[sflag:s11] =	ssyncadd.s32 $0xFFFFE000  }
.LBB2_3:
0x59: {  	s21 =	sshra.s32 s20, $0x2  }
0x5a: {  	v0 =	vld [tilespmem:s21+$0x80]  }
0x5b: {  	v1 =	vld [tilespmem:s21+$0x100]  }
0x5c: {  	v2 =	vld [tilespmem:s21+$0x180]  }
0x5d: {  	v3 =	vld [tilespmem:s21+$0x200]  }
0x5e: {  	v4 =	vld [tilespmem:s21+$0x280]  }
0x5f: {  	v8 =	vld [tilespmem:s21+$0x480]  }
0x60: {  	v9 =	vld [tilespmem:s21+$0x500]  }
0x61: {  	v34 =	vld [tilespmem:s21+$0x880]  }
0x62: {  	v15 =	vld [tilespmem:s21+$0x900]  }
0x63: {  	v49 =	vld [tilespmem:s21+$0xC80]  }
0x64: {  	v51 =	vld [tilespmem:s21+$0xD00]  }
0x65: {  	v10 =	vld [tilespmem:s21+$0x580]  }
0x66: {  	v38 =	vld [tilespmem:s21+$0x980]  }
0x67: {  	v11 =	vld [tilespmem:s21+$0x600];
	v13 =	vmax.f32 v0, v1;
	v0 =	vmin.f32 v0, v1  }
0x68: {  	v54 =	vld [tilespmem:s21+$0xD80];
	v40 =	vmax.f32 v8, v9;
	v41 =	vmin.f32 v8, v9;
	v56 =	vmax.f32 v34, v15  }
0x69: {  	v12 =	vld [tilespmem:s21+$0x680];
	v26 =	vmax.f32 v49, v51;
	v28 =	vmin.f32 v49, v51;
	v29 =	vmin.f32 v13, v2  }
0x6a: {  	v5 =	vld [tilespmem:s21+$0x300];
	v2 =	vmax.f32 v13, v2;
	v42 =	vmin.f32 v40, v10;
	v1 =	vmax.f32 v40, v10  }
0x6b: {  	v14 =	vld [tilespmem:s21+$0x700];
	v58 =	vmin.f32 v56, v38;
	v0 =	vmax.f32 v0, v29;
	v31 =	vmin.f32 v2, v3  }
0x6c: {  	v6 =	vld [tilespmem:s21+$0x380];
	v2 =	vmax.f32 v2, v3;
	v44 =	vmin.f32 v1, v11;
	v1 =	vmax.f32 v1, v11  }
0x6d: {  	v7 =	vld [tilespmem:s21+$0x400];
	v29 =	vmin.f32 v26, v54;
	v0 =	vmax.f32 v0, v31;
	v33 =	vmin.f32 v2, v4  }
0x6e: {  	v30 =	vld [tilespmem:s21+$0x780];
	v2 =	vmax.f32 v2, v4;
	v46 =	vmin.f32 v1, v12;
	v1 =	vmax.f32 v1, v12  }
0x6f: {  	v32 =	vld [tilespmem:s21+$0x800];
	v4 =	vmin.f32 v34, v15;
	v0 =	vmax.f32 v0, v33;
	v35 =	vmin.f32 v2, v5  }
0x70: {  	v16 =	vld [tilespmem:s21+$0xA00];
	v2 =	vmax.f32 v2, v5;
	v5 =	vmax.f32 v41, v42;
	v48 =	vmin.f32 v1, v14  }
0x71: {  	v17 =	vld [tilespmem:s21+$0xA80];
	v1 =	vmax.f32 v1, v14;
	v4 =	vmax.f32 v4, v58;
	v0 =	vmax.f32 v0, v35  }
0x72: {  	v43 =	vld [tilespmem:s21+$0xB00];
	v36 =	vmin.f32 v2, v6;
	v2 =	vmax.f32 v2, v6;
	v5 =	vmax.f32 v5, v44  }
0x73: {  	v45 =	vld [tilespmem:s21+$0xB80];
	v50 =	vmin.f32 v1, v30;
	v1 =	vmax.f32 v1, v30;
	v0 =	vmax.f32 v0, v36  }
0x74: {  	v47 =	vld [tilespmem:s21+$0xC00];
	v39 =	vmin.f32 v2, v7;
	v5 =	vmax.f32 v5, v46;
	v2 =	vmax.f32 v2, v7  }
0x75: {  	v57 =	vld [tilespmem:s21+$0xE00];
	v53 =	vmin.f32 v1, v32;
	v0 =	vmax.f32 v0, v39;
	v5 =	vmax.f32 v5, v48  }
0x76: {  	v59 =	vld [tilespmem:s21+$0xE80];
	v52 =	vmax.f32 v5, v50;
	v5 =	vadd.f32 v0, v2;
	v2 =	vmax.f32 v56, v38  }
0x77: {  	v60 =	vld [tilespmem:s21+$0xF00];
	v1 =	vmax.f32 v1, v32;
	v6 =	vmin.f32 v2, v16;
	v2 =	vmax.f32 v2, v16  }
0x78: {  	v63 =	vld [tilespmem:s21+$0x1000];
	v55 =	vmax.f32 v52, v53;
	v4 =	vmax.f32 v4, v6;
	v61 =	vmin.f32 v2, v17  }
0x79: {  	v22 =	vld [tilespmem:s21+$0x1080];
	v2 =	vmax.f32 v2, v17;
	v6 =	vadd.f32 v55, v1;
	v1 =	vmax.f32 v26, v54  }
0x7a: {  	v27 =	vld [tilespmem:s21+$0x1180];
	v4 =	vmax.f32 v4, v61;
	v62 =	vmin.f32 v2, v43;
	v2 =	vmax.f32 v2, v43  }
0x7b: {  	v16 =	vld [tilespmem:s21+$0xF80];
	v31 =	vmin.f32 v1, v57;
	v1 =	vmax.f32 v1, v57;
	v4 =	vmax.f32 v4, v62  }
0x7c: {  	v33 =	vld [tilespmem:s21+$0x1300];
	v21 =	vmin.f32 v2, v45;
	v2 =	vmax.f32 v2, v45;
	v7 =	vmin.f32 v1, v59  }
0x7d: {  	v17 =	vld [tilespmem:s21+$0x1100];
	v1 =	vmax.f32 v1, v59;
	vm0 =	vgt.f32 v6, v5;
	vm6 =	vge.f32 v5, v6  }
0x7e: {  	v30 =	vld [tilespmem:s21+$0x1200];
	v23 =	vmax.f32 v4, v21;
	v24 =	vmin.f32 v2, v47;
	v4 =	vmax.f32 v28, v29  }
0x7f: {  	v57 =	vld [tilespmem:s21+$0x1880];
	v34 =	vmin.f32 v1, v60;
	v1 =	vmax.f32 v1, v60;
	v2 =	vmax.f32 v2, v47  }
0x80: {  	v59 =	vld [tilespmem:s21+$0x1900];
	v4 =	vmax.f32 v4, v31;
	v36 =	vmin.f32 v1, v16;
	v1 =	vmax.f32 v1, v16  }
0x81: {  	v42 =	vld [tilespmem:s21+$0x1500];
	v25 =	vmax.f32 v23, v24;
	v4 =	vmax.f32 v4, v7;
	v39 =	vmin.f32 v1, v63  }
0x82: {  	v32 =	vld [tilespmem:s21+$0x1280];
	v7 =	vadd.f32 v25, v2;
	v41 =	vmax.f32 v22, v17;
	v10 =	vmin.f32 v22, v17  }
0x83: {  	v61 =	vld [tilespmem:s21+$0x1980];
	v1 =	vmax.f32 v1, v63;
	v4 =	vmax.f32 v4, v34;
	v43 =	vmin.f32 v41, v27  }
0x84: {  	v29 =	vld [tilespmem:s21+$0x1C80];
	v2 =	vmax.f32 v41, v27;
	v4 =	vmax.f32 v4, v36;
	v10 =	vmax.f32 v10, v43  }
0x85: {  	v16 =	vld [tilespmem:s21+$0x1480];
	v45 =	vmin.f32 v2, v30;
	v2 =	vmax.f32 v2, v30;
	v26 =	vmax.f32 v57, v59  }
0x86: {  	v31 =	vld [tilespmem:s21+$0x1D00];
	v3 =	vmin.f32 v57, v59;
	vm1 =	vgt.f32 v7, v5;
	vm7 =	vgt.f32 v7, v6  }
0x87: {  	v35 =	vld [tilespmem:s21+$0x1380];
	v59 =	vsel vm6, $0x1, v37;
	vm3 =	vge.f32 v5, v7;
	v40 =	vmax.f32 v4, v39  }
0x88: {  	v44 =	vld [tilespmem:s21+$0x1580];
	v10 =	vmax.f32 v10, v45;
	v47 =	vmin.f32 v2, v32;
	v2 =	vmax.f32 v2, v32  }
0x89: {  	v38 =	vld [tilespmem:s21+$0x1400];
	v28 =	vmin.f32 v26, v61;
	v10 =	vmax.f32 v10, v47;
	v49 =	vmin.f32 v2, v33  }
0x8a: {  	v46 =	vld [tilespmem:s21+$0x1600];
	v2 =	vmax.f32 v2, v33;
	v8 =	vadd.f32 v40, v1;
	v56 =	vmax.f32 v16, v42  }
0x8b: {  	v4 =	vmin.f32 v16, v42;
	v3 =	vmax.f32 v3, v28;
	v40 =	vmax.f32 v29, v31  }
0x8c: {  	v42 =	vmin.f32 v29, v31;
	v10 =	vmax.f32 v10, v49;
	v51 =	vmin.f32 v2, v35  }
0x8d: {  	v48 =	vld [tilespmem:s21+$0x1680];
	v2 =	vmax.f32 v2, v35;
	v58 =	vmin.f32 v56, v44;
	v1 =	vmax.f32 v56, v44  }
0x8e: {  	v52 =	vmax.f32 v10, v51;
	v53 =	vmin.f32 v2, v38;
	v4 =	vmax.f32 v4, v58  }
0x8f: {  	v50 =	vld [tilespmem:s21+$0x1700];
	v60 =	vmin.f32 v1, v46;
	v1 =	vmax.f32 v1, v46;
	v2 =	vmax.f32 v2, v38  }
0x90: {  	vm13 =	vgt.f32 v8, v5;
	vm8 =	vgt.f32 v8, v6;
	vm12 =	vgt.f32 v8, v7  }
0x91: {  	v17 =	vld [tilespmem:s21+$0x1780];
	vm6 =	vge.f32 v5, v8;
	v55 =	vmax.f32 v52, v53;
	v4 =	vmax.f32 v4, v60  }
0x92: {  	v63 =	vld [tilespmem:s21+$0x1A00];
	v62 =	vmin.f32 v1, v48;
	v1 =	vmax.f32 v1, v48;
	v52 =	vsel vm0, $0x1, v37  }
0x93: {  	v33 =	vld [tilespmem:s21+$0x1D80];
	v53 =	vsel vm1, $0x1, v37;
	v60 =	vsel vm7, $0x1, v37;
	vm7 =	vge.f32 v6, v8  }
0x94: {  	v54 =	vld [tilespmem:s21+$0x1800];
	v4 =	vmax.f32 v4, v62;
	v21 =	vmin.f32 v1, v50;
	v1 =	vmax.f32 v1, v50  }
0x95: {  	v22 =	vld [tilespmem:s21+$0x1A80];
	v9 =	vadd.f32 v55, v2;
	v2 =	vmax.f32 v26, v61;
	v0 =	vadd.s32 v52, v53  }
0x96: {  	v61 =	vsel vm8, $0x1, v37;
	v31 =	vsel vm7, $0x1, v37;
	vm8 =	vge.f32 v7, v8  }
0x97: {  	v4 =	vmax.f32 v4, v21;
	v23 =	vmin.f32 v1, v17;
	v1 =	vmax.f32 v1, v17  }
0x98: {  	v30 =	vmin.f32 v2, v63;
	v2 =	vmax.f32 v2, v63;
	v43 =	vmin.f32 v40, v33  }
0x99: {  	v16 =	vld [tilespmem:s21+$0x1B00];
	v21 =	vsel vm3, $0x1, v37;
	v4 =	vmax.f32 v4, v23;
	v24 =	vmin.f32 v1, v54  }
0x9a: {  	v3 =	vmax.f32 v3, v30;
	v32 =	vmin.f32 v2, v22;
	v2 =	vmax.f32 v2, v22  }
0x9b: {  	v1 =	vmax.f32 v1, v54;
	v11 =	vmax.f32 v42, v43;
	v54 =	vsel vm13, $0x1, v37  }
0x9c: {  	vm14 =	vgt.f32 v9, v5;
	vm9 =	vgt.f32 v9, v6;
	v23 =	vsel vm12, $0x1, v37  }
0x9d: {  	vm13 =	vgt.f32 v9, v7;
	v30 =	vsel vm6, $0x1, v37;
	vm6 =	vge.f32 v6, v9  }
0x9e: {  	v35 =	vld [tilespmem:s21+$0x1E00];
	v25 =	vmax.f32 v4, v24;
	v3 =	vmax.f32 v3, v32;
	v34 =	vmin.f32 v2, v16  }
0x9f: {  	v17 =	vld [tilespmem:s21+$0x1B80];
	v2 =	vmax.f32 v2, v16;
	v0 =	vadd.s32 v54, v0;
	v55 =	vsel vm14, $0x1, v37  }
0xa0: {  	v62 =	vsel vm9, $0x1, v37;
	v24 =	vsel vm13, $0x1, v37;
	v32 =	vsel vm8, $0x1, v37  }
0xa1: {  	v27 =	vld [tilespmem:s21+$0x1C00];
	vm9 =	vgt.f32 v9, v8;
	vm13 =	vge.f32 v5, v9;
	v3 =	vmax.f32 v3, v34  }
0xa2: {  	v10 =	vadd.f32 v25, v1;
	v1 =	vmax.f32 v40, v33;
	v0 =	vadd.s32 v55, v0  }
0xa3: {  	v33 =	vsel vm9, $0x1, v37;
	v45 =	vmin.f32 v1, v35;
	v1 =	vmax.f32 v1, v35  }
0xa4: {  	v16 =	vld [tilespmem:s21+$0x1E80];
	v36 =	vmin.f32 v2, v17;
	v2 =	vmax.f32 v2, v17;
	v11 =	vmax.f32 v11, v45  }
0xa5: {  	vm15 =	vgt.f32 v10, v5;
	vm10 =	vgt.f32 v10, v6;
	vm14 =	vgt.f32 v10, v7  }
0xa6: {  	vm9 =	vge.f32 v5, v10;
	v3 =	vmax.f32 v3, v36;
	v38 =	vmin.f32 v2, v27  }
0xa7: {  	v2 =	vmax.f32 v2, v27;
	v56 =	vsel vm15, $0x1, v37;
	v63 =	vsel vm10, $0x1, v37  }
0xa8: {  	v17 =	vld [tilespmem:s21+$0x1F00];
	v25 =	vsel vm14, $0x1, v37;
	vm10 =	vgt.f32 v10, v8;
	vm14 =	vge.f32 v7, v9  }
0xa9: {  	v39 =	vmax.f32 v3, v38;
	v46 =	vmin.f32 v1, v16;
	v1 =	vmax.f32 v1, v16  }
0xaa: {  	v41 =	vld [tilespmem:s21+$0x1F80];
	v0 =	vadd.s32 v56, v0;
	v3 =	vadd.s32 v31, v30;
	v34 =	vsel vm10, $0x1, v37  }
0xab: {  	v44 =	vld [tilespmem:s21+$0x2000];
	v38 =	vsel vm13, $0x1, v37;
	v40 =	vsel vm14, $0x1, v37;
	vm10 =	vge.f32 v6, v10  }
0xac: {  	vm13 =	vge.f32 v9, v10;
	v11 =	vmax.f32 v11, v46;
	v3 =	vadd.s32 v32, v3  }
0xad: {  	v46 =	vsel vm9, $0x1, v37;
	v3 =	vadd.s32 v33, v3;
	v47 =	vmin.f32 v1, v17  }
0xae: {  	v1 =	vmax.f32 v1, v17;
	v35 =	vadd.s32 v34, v3;
	v11 =	vmax.f32 v11, v47  }
0xaf: {  	v48 =	vmin.f32 v1, v41;
	v1 =	vmax.f32 v1, v41;
	v47 =	vsel vm10, $0x1, v37  }
0xb0: {  	v49 =	vmax.f32 v11, v48;
	v50 =	vmin.f32 v1, v44;
	v11 =	vadd.f32 v39, v2  }
0xb1: {  	v1 =	vmax.f32 v1, v44;
	v2 =	vadd.s32 v59, v60;
	v39 =	vsel vm6, $0x1, v37  }
0xb2: {  	vm6 =	vgt.f32 v10, v9;
	v51 =	vmax.f32 v49, v50;
	v2 =	vadd.s32 v61, v2  }
0xb3: {  	v3 =	vadd.s32 v39, v38;
	v42 =	vsel vm6, $0x1, v37;
	v50 =	vsel vm13, $0x1, v37  }
0xb4: {  	v13 =	vadd.f32 v51, v1;
	vm4 =	vgt.f32 v11, v5;
	v2 =	vadd.s32 v62, v2  }
0xb5: {  	vm11 =	vgt.f32 v11, v6;
	vm15 =	vgt.f32 v11, v7;
	v3 =	vadd.s32 v40, v3  }
0xb6: {  	vm7 =	vgt.f32 v11, v9;
	vm14 =	vgt.f32 v11, v10;
	vm13 =	vge.f32 v9, v11  }
0xb7: {  	v57 =	vsel vm4, $0x1, v37;
	v14 =	vadd.s32 v63, v2;
	v15 =	vsel vm11, $0x1, v37  }
0xb8: {  	vm4 =	vge.f32 v6, v7;
	v27 =	vsel vm15, $0x1, v37;
	vm11 =	vgt.f32 v11, v8  }
0xb9: {  	vm15 =	vge.f32 v8, v9;
	v44 =	vsel vm7, $0x1, v37;
	v52 =	vsel vm14, $0x1, v37  }
0xba: {  	vm7 =	vge.f32 v5, v11;
	vm14 =	vge.f32 v10, v11;
	v0 =	vadd.s32 v57, v0  }
0xbb: {  	vm5 =	vgt.f32 v13, v5;
	vm2 =	vgt.f32 v13, v6;
	v22 =	vsel vm4, $0x1, v37  }
0xbc: {  	v36 =	vsel vm11, $0x1, v37;
	vm12 =	vgt.f32 v13, v8;
	v41 =	vsel vm15, $0x1, v37  }
0xbd: {  	vm8 =	vgt.f32 v13, v9;
	vm11 =	vge.f32 v7, v10;
	vm15 =	vgt.f32 v13, v10  }
0xbe: {  	v54 =	vsel vm7, $0x1, v37;
	v60 =	vsel vm14, $0x1, v37;
	vm9 =	vge.f32 v5, v13  }
0xbf: {  	vm10 =	vge.f32 v6, v13;
	vm14 =	vge.f32 v10, v13;
	v58 =	vsel vm5, $0x1, v37  }
0xc0: {  	v1 =	vadd.s32 v22, v21;
	v26 =	vsel vm2, $0x1, v37;
	vm5 =	vgt.f32 v13, v7  }
0xc1: {  	v3 =	vadd.s32 v41, v3;
	v43 =	vsel vm12, $0x1, v37;
	v45 =	vsel vm8, $0x1, v37  }
0xc2: {  	v48 =	vsel vm11, $0x1, v37;
	vm12 =	vge.f32 v8, v10;
	vm8 =	vge.f32 v6, v11  }
0xc3: {  	vm11 =	vge.f32 v7, v11;
	v59 =	vsel vm15, $0x1, v37;
	vm15 =	vgt.f32 v13, v11  }
0xc4: {  	v5 =	vsel vm9, $0x1, v37;
	v6 =	vsel vm10, $0x1, v37;
	v12 =	vadd.s32 v58, v0  }
0xc5: {  	v0 =	vadd.s32 v15, v14;
	v1 =	vadd.s32 v23, v1;
	v29 =	vsel vm5, $0x1, v37  }
0xc6: {  	v3 =	vadd.s32 v42, v3;
	v14 =	vadd.s32 v47, v46;
	v49 =	vsel vm12, $0x1, v37  }
0xc7: {  	v55 =	vsel vm8, $0x1, v37;
	v56 =	vsel vm11, $0x1, v37;
	vm12 =	vge.f32 v8, v11  }
0xc8: {  	v58 =	vsel vm13, $0x1, v37;
	v61 =	vsel vm15, $0x1, v37;
	vm11 =	vge.f32 v7, v13  }
0xc9: {  	v5 =	vadd.s32 v6, v5;
	vm13 =	vge.f32 v9, v13;
	vm15 =	vge.f32 v11, v13  }
0xca: {  	vm1 =	vge.u32 v12, $0x4;
	vm0 =	vlt.u32 v12, $0x4;
	v1 =	vadd.s32 v24, v1  }
0xcb: {  	v3 =	vadd.s32 v44, v3;
	v14 =	vadd.s32 v48, v14;
	v57 =	vsel vm12, $0x1, v37  }
0xcc: {  	v62 =	vsel vm11, $0x1, v37;
	vm12 =	vge.f32 v8, v13;
	v15 =	vsel vm13, $0x1, v37  }
0xcd: {  	v24 =	vsel vm14, $0x1, v37;
	v2 =	vadd.s32 v25, v1;
	v1 =	vadd.s32 v26, v0  }
0xce: {  	v14 =	vadd.s32 v49, v14;
	v3 =	vadd.s32 v45, v3;
	v5 =	vadd.s32 v62, v5  }
0xcf: {  	v63 =	vsel vm12, $0x1, v37;
	v22 =	vsel vm0, $0x1, v37;
	v28 =	vadd.s32 v27, v2  }
0xd0: {  	vm5 =	vlt.u32 v1, $0x4;
	v2 =	vadd.s32 v36, v35;
	v51 =	vadd.s32 v50, v14  }
0xd1: {  	vm2 =	vlt.u32 v3, $0x4;
	v3 =	vadd.s32 v55, v54;
	v14 =	vadd.s32 v63, v5  }
0xd2: {  	v1 =	vor.u32 v12, v1;
	v0 =	vadd.s32 v29, v28;
	v2 =	vadd.s32 v43, v2  }
0xd3: {  	v53 =	vadd.s32 v52, v51;
	v3 =	vadd.s32 v56, v3;
	v21 =	vadd.s32 v15, v14  }
0xd4: {  	v23 =	vsel vm5, $0x1, v37;
	v28 =	vsel vm2, $0x1, v37;
	v29 =	vsel vm15, $0x1, v37  }
0xd5: {  	vm1 =	vmand vm5, vm1;
	vm0 =	vmxor vm0, vm5;
	vm4 =	vlt.u32 v0, $0x4  }
0xd6: {  	vm3 =	vlt.u32 v2, $0x4;
	v3 =	vadd.s32 v57, v3;
	v2 =	vadd.s32 v59, v53  }
0xd7: {  	v35 =	vsel vm1, $0x8, v37;
	v0 =	vor.u32 v0, v1;
	v3 =	vadd.s32 v58, v3  }
0xd8: {  	vm7 =	vlt.u32 v2, $0x4;
	v25 =	vsel vm4, $0x1, v37;
	v2 =	vadd.s32 v24, v21  }
0xd9: {  	v26 =	vsel vm3, $0x1, v37;
	vm0 =	vmand vm4, vm0;
	v3 =	vadd.s32 v60, v3  }
0xda: {  	v30 =	vsel vm7, $0x1, v37;
	v2 =	vadd.s32 v29, v2;
	v3 =	vadd.s32 v61, v3  }
0xdb: {  	v44 =	vsel vm0, $0x10, v37;
	vm6 =	vlt.u32 v3, $0x4;
	v3 =	vadd.s32 v23, v22  }
0xdc: {  	vm8 =	vlt.u32 v2, $0x4;
	v27 =	vadd.s32 v25, v3;
	vm9 =	veq.s32 v3, $0x0  }
0xdd: {  	v32 =	vsel vm6, $0x1, v37;
	v4 =	vadd.s32 v26, v27;
	vm9 =	vmand vm4, vm9  }
0xde: {  	vm10 =	veq.s32 v27, $0x0;
	v31 =	vadd.s32 v28, v4;
	v36 =	vsel vm9, $0x10, v37  }
0xdf: {  	vm11 =	vmand vm3, vm10;
	vm12 =	veq.s32 v4, $0x0;
	v33 =	vadd.s32 v30, v31  }
0xe0: {  	v3 =	vor.u32 v35, v36;
	v38 =	vsel vm11, $0x18, v37;
	vm1 =	vmand vm2, vm12  }
0xe1: {  	vm13 =	veq.s32 v31, $0x0;
	vm12 =	vlt.u32 v1, $0x4;
	vm4 =	veq.s32 v31, $0x1  }
0xe2: {  	v1 =	vand.u32 $0x7F, v18;
	v34 =	vadd.s32 v32, v33;
	v3 =	vadd.s32 v38, v3  }
0xe3: {  	v39 =	vsel vm1, $0x20, v37;
	vm14 =	vmand vm7, vm13;
	vm15 =	veq.s32 v33, $0x0  }
0xe4: {  	vm13 =	veq.s32 v27, $0x1;
	v43 =	vsel vm12, $0x8, v37;
	vm5 =	vmand vm7, vm4  }
0xe5: {  	vm9 =	veq.s32 v33, $0x1;
	vm12 =	veq.s32 v27, $0x2;
	v3 =	vadd.s32 v39, v3  }
0xe6: {  	v40 =	vsel vm14, $0x28, v37;
	vm10 =	vmand vm6, vm15;
	vm11 =	veq.s32 v34, $0x0  }
0xe7: {  	vm14 =	vmand vm3, vm13;
	v8 =	vor.u32 v43, v44;
	vm15 =	veq.s32 v4, $0x1  }
0xe8: {  	v47 =	vsel vm5, $0x28, v37;
	vm13 =	vlt.u32 v0, $0x4;
	vm5 =	veq.s32 v33, $0x2  }
0xe9: {  	v3 =	vadd.s32 v40, v3;
	v41 =	vsel vm10, $0x30, v37;
	vm1 =	vmand vm8, vm11  }
0xea: {  	v45 =	vsel vm14, $0x18, v37;
	vm0 =	vmand vm2, vm15;
	vm10 =	vmand vm6, vm9  }
0xeb: {  	vm11 =	veq.s32 v34, $0x1;
	v0 =	vsel vm13, $0x10, v37;
	vm14 =	veq.s32 v4, $0x2  }
0xec: {  	vm15 =	veq.s32 v31, $0x2;
	vm9 =	vmand vm6, vm5;
	vm13 =	veq.s32 v4, $0x3  }
0xed: {  	vm5 =	veq.s32 v33, $0x3;
	v4 =	vand.u32 $0xFFFFFF80, v18;
	v3 =	vadd.s32 v41, v3  }
0xee: {  	v42 =	vsel vm1, $0x38, v37;
	v8 =	vadd.s32 v45, v8;
	v46 =	vsel vm0, $0x20, v37  }
0xef: {  	v48 =	vsel vm10, $0x30, v37;
	vm0 =	vmand vm8, vm11;
	vm4 =	vmand vm7, vm15  }
0xf0: {  	v54 =	vsel vm9, $0x30, v37;
	vm10 =	veq.s32 v34, $0x2;
	vm11 =	veq.s32 v27, $0x3  }
0xf1: {  	vm15 =	veq.s32 v31, $0x3;
	vm9 =	veq.s32 v34, $0x3;
	v8 =	vadd.s32 v46, v8  }
0xf2: {  	v43 =	vadd.s32 v42, v3;
	v50 =	vsel vm0, $0x38, v37;
	vm0 =	vmand vm3, vm12  }
0xf3: {  	v53 =	vsel vm4, $0x28, v37;
	vm12 =	vmand vm3, vm11;
	vm4 =	vmand vm7, vm15  }
0xf4: {  	vm7 =	vmand vm6, vm5;
	v10 =	vadd.s32 v47, v8;
	v51 =	vsel vm0, $0x18, v37  }
0xf5: {  	vm0 =	vmand vm2, vm14;
	v56 =	vsel vm12, $0x18, v37;
	vm14 =	vmand vm2, vm13  }
0xf6: {  	v58 =	vsel vm4, $0x28, v37;
	v59 =	vsel vm7, $0x30, v37;
	v62 =	vshll.u32 v43, $0x7  }
0xf7: {  	v42 =	vadd.s32 $0x1, v43;
	v21 =	vadd.s32 $0x4, v43;
	v23 =	vadd.s32 $0x5, v43  }
0xf8: {  	v24 =	vadd.s32 $0x6, v43;
	v44 =	vadd.s32 $0x7, v43;
	v49 =	vadd.s32 v48, v10  }
0xf9: {  	v0 =	vadd.s32 v0, v51;
	v52 =	vsel vm0, $0x20, v37;
	vm0 =	vmand vm8, vm10  }
0xfa: {  	v57 =	vsel vm14, $0x20, v37;
	v12 =	vshll.u32 v42, $0x7;
	v51 =	vadd.s32 $0x3, v43  }
0xfb: {  	v22 =	vshll.u32 v21, $0x7;
	v25 =	vshll.u32 v23, $0x7;
	v26 =	vshll.u32 v24, $0x7  }
0xfc: {  	v27 =	vshll.u32 v44, $0x7;
	v8 =	vadd.s32 v50, v49;
	v0 =	vadd.s32 v52, v0  }
0xfd: {  	v55 =	vsel vm0, $0x38, v37;
	v3 =	vor.u32 v56, v57;
	vm0 =	vmand vm8, vm9  }
0xfe: {  	v2 =	vadd.s32 v4, v12;
	v15 =	vshll.u32 v51, $0x7;
	v10 =	vadd.s32 v4, v22  }
0xff: {  	v11 =	vadd.s32 v4, v26;
	v0 =	vadd.s32 v53, v0;
	v3 =	vadd.s32 v58, v3  }
0x100: {  	v61 =	vsel vm0, $0x38, v37;
	v53 =	vadd.s32 $0x2, v43;
	v2 =	vor.u32 v1, v2  }
0x101: {  	v5 =	vadd.s32 v4, v15;
	v16 =	vor.u32 v1, v11;
	v28 =	vshll.u32 v8, $0x7  }
0x102: {  	v29 =	vadd.s32 $0x1, v8;
	v33 =	vadd.s32 $0x2, v8;
	v46 =	vadd.s32 $0x3, v8  }
0x103: {  	v52 =	vadd.s32 $0x4, v8;
	v38 =	vadd.s32 $0x5, v8;
	v40 =	vadd.s32 $0x6, v8  }
0x104: {  	v41 =	vadd.s32 $0x7, v8;
	v0 =	vadd.s32 v54, v0;
	v60 =	vadd.s32 v59, v3  }
0x105: {  	v3 =	vadd.s32 v4, v62;
	v14 =	vshll.u32 v53, $0x7;
	v5 =	vor.u32 v1, v5  }
0x106: {  	v30 =	vadd.s32 v4, v28;
	v31 =	vshll.u32 v29, $0x7;
	v34 =	vshll.u32 v33, $0x7  }
0x107: {  	v35 =	vshll.u32 v46, $0x7;
	v37 =	vshll.u32 v52, $0x7;
	v39 =	vshll.u32 v38, $0x7  }
0x108: {  	[tilespmem:$0x1FE10] =	vst v23;
	v23 =	vshll.u32 v40, $0x7;
	v45 =	vshll.u32 v41, $0x7;
	v13 =	vadd.s32 v55, v0  }
0x109: {  	v6 =	vadd.s32 v61, v60;
	v63 =	vor.u32 v1, v3;
	v3 =	vadd.s32 v4, v14  }
0x10a: {  	[tilespmem:$0x1FF80] =	vst v18;
	v14 =	vor.u32 v1, v10;
	v10 =	vadd.s32 v4, v25;
	v18 =	vor.u32 v1, v30  }
0x10b: {  	v32 =	vadd.s32 v4, v31;
	v36 =	vadd.s32 v4, v35;
	v11 =	vadd.s32 v4, v37  }
0x10c: {  	v23 =	vadd.s32 v4, v23;
	v25 =	vadd.s32 v4, v45;
	v3 =	vor.u32 v1, v3  }
0x10d: {  	v15 =	vor.u32 v1, v10;
	v10 =	vadd.s32 v4, v27;
	v19 =	vor.u32 v1, v32  }
0x10e: {  	[tilespmem:$0x1FE00] =	vst v21;
	v21 =	vor.u32 v1, v36;
	v22 =	vor.u32 v1, v11;
	v11 =	vadd.s32 v4, v39  }
0x10f: {  	v47 =	vshll.u32 v13, $0x7;
	v48 =	vor.u32 $0x1, v13;
	v59 =	vor.u32 $0x2, v13  }
0x110: {  	v55 =	vor.u32 $0x3, v13;
	v58 =	vor.u32 $0x4, v13;
	v61 =	vor.u32 $0x6, v13  }
0x111: {  	v60 =	vor.u32 $0x5, v13;
	[tilespmem:$0x1FCE0] =	vst v48;
	v49 =	vshll.u32 v48, $0x7;
	v62 =	vshll.u32 v61, $0x7;
	v48 =	vld.idx.msk [tilespmem:v2+s3+$0x0], $0xffff  }
0x112: {  	[tilespmem:$0x1FE20] =	vst v24;
	v12 =	vshll.u32 v6, $0x7;
	v27 =	vadd.s32 v4, v49;
	v2 =	vadd.s32 v4, v62;
	v45 =	vld.idx.msk [tilespmem:v5+s3+$0x0], $0xffff  }
0x113: {  	[tilespmem:$0x1FEC0] =	vst v41;
	v41 =	vor.u32 v1, v23;
	v23 =	vor.u32 v1, v27;
	v27 =	vor.u32 v1, v2;
	v2 =	vld [tilespmem:$0x1FE10]  }
0x114: {  	[tilespmem:$0x1FEB0] =	vst v40;
	v40 =	vor.u32 $0x2, v6;
	v37 =	vor.u32 $0x3, v6;
	v26 =	vadd.s32 v4, v47;
	v47 =	vld.idx.msk [tilespmem:v63+s3+$0x0], $0xffff  }
0x115: {  	v39 =	vor.u32 $0x4, v6;
	v7 =	vor.u32 $0x6, v6;
	v17 =	vor.u32 v1, v10;
	[tilespmem:$0x1FF10] =	vst v61;
	v61 =	vld.idx.msk [tilespmem:v14+s3+$0x0], $0xffff  }
0x116: {  	[tilespmem:$0x1FE70] =	vst v29;
	v10 =	vadd.s32 v4, v34;
	v24 =	vor.u32 v1, v11;
	v50 =	vshll.u32 v59, $0x7;
	v14 =	vld.idx.msk [tilespmem:v16+s3+$0x0], $0xffff  }
0x117: {  	[tilespmem:$0x1FEA0] =	vst v38;
	v57 =	vshll.u32 v55, $0x7;
	v30 =	vshll.u32 v58, $0x7;
	v31 =	vshll.u32 v60, $0x7;
	v0 =	vld.idx.msk [tilespmem:v18+s3+$0x0], $0xffff  }
0x118: {  	[tilespmem:$0x1FF00] =	vst v60;
	v11 =	vor.u32 $0x1, v6;
	v35 =	vshll.u32 v40, $0x7;
	v36 =	vshll.u32 v37, $0x7;
	v60 =	vld.idx.msk [tilespmem:v3+s3+$0x0], $0xffff  }
0x119: {  	v20 =	vor.u32 v1, v10;
	v28 =	vadd.s32 v4, v50;
	v29 =	vadd.s32 v4, v57;
	v38 =	vld.idx.msk [tilespmem:v15+s3+$0x0], $0xffff  }
0x11a: {  	[tilespmem:$0x1FE80] =	vst v33;
	v30 =	vadd.s32 v4, v30;
	v31 =	vadd.s32 v4, v31;
	v33 =	vshll.u32 v11, $0x7;
	v54 =	vld.idx.msk [tilespmem:v19+s3+$0x0], $0xffff  }
0x11b: {  	v34 =	vadd.s32 v4, v35;
	v35 =	vshll.u32 v39, $0x7;
	v5 =	vadd.s32 v4, v12;
	v56 =	vld.idx.msk [tilespmem:v21+s3+$0x0], $0xffff  }
0x11c: {  	v33 =	vadd.s32 v4, v33;
	v35 =	vadd.s32 v4, v35;
	v50 =	vor.u32 v1, v28;
	v62 =	vld.idx.msk [tilespmem:v22+s3+$0x0], $0xffff  }
0x11d: {  	[tilespmem:$0x1FE60] =	vst v8;
	v12 =	vor.u32 $0x5, v6;
	v57 =	vor.u32 v1, v29;
	v5 =	vor.u32 v1, v5;
	v41 =	vld.idx.msk [tilespmem:v41+s3+$0x0], $0xffff  }
0x11e: {  	[tilespmem:$0x1FEF0] =	vst v58;
	v58 =	vor.u32 v1, v30;
	v63 =	vor.u32 $0x7, v13;
	v19 =	vor.u32 v1, v25;
	v15 =	vld.idx.msk [tilespmem:v17+s3+$0x0], $0xffff  }
0x11f: {  	v10 =	vmovc v8;
	v8 =	vor.u32 $0x7, v6;
	[tilespmem:$0x1FF20] =	vst v63;
	v9 =	vshll.u32 v63, $0x7;
	v22 =	vor.u32 v1, v31;
	v63 =	vld.idx.msk [tilespmem:v24+s3+$0x0], $0xffff  }
0x120: {  	[tilespmem:$0x1FD80] =	vst v43;
	v16 =	vadd.s32 v4, v36;
	v18 =	vshll.u32 v7, $0x7;
	v36 =	vshll.u32 v8, $0x7;
	v49 =	vld.idx.msk [tilespmem:v20+s3+$0x0], $0xffff  }
0x121: {  	[tilespmem:$0x1FF40] =	vst v11;
	v18 =	vadd.s32 v4, v18;
	v17 =	vshll.u32 v12, $0x7;
	v20 =	vor.u32 v1, v26;
	v50 =	vld.idx.msk [tilespmem:v50+s3+$0x0], $0xffff  }
0x122: {  	v32 =	vadd.s32 v4, v9;
	v36 =	vadd.s32 v4, v36;
	v17 =	vadd.s32 v4, v17;
	v4 =	vld.idx.msk [tilespmem:v5+s3+$0x0], $0xffff  }
0x123: {  	v30 =	vor.u32 v1, v16;
	vm10 =	vge.f32 v47, v48;
	vm11 =	vge.f32 v60, v45;
	v16 =	vld.idx.msk [tilespmem:v19+s3+$0x0], $0xffff  }
0x124: {  	v19 =	vor.u32 v1, v35;
	v21 =	vsel vm10, v43, v42;
	vm15 =	vge.f32 v0, v54;
	v43 =	vld.idx.msk [tilespmem:v22+s3+$0x0], $0xffff  }
0x125: {  	[tilespmem:$0x1FC30] =	vst v0;
	v9 =	vsel vm10, v47, v48;
	v11 =	vsel vm11, v60, v45;
	v35 =	vsel vm15, v0, v54;
	v0 =	vld [tilespmem:$0x1FE00]  }
0x126: {  	v3 =	vld.idx.msk [tilespmem:v20+s3+$0x0], $0xffff;
	vm12 =	vge.f32 v9, v11  }
0x127: {  	v31 =	vsel vm12, v9, v11;
	v9 =	vld.idx.msk [tilespmem:v23+s3+$0x0], $0xffff  }
0x128: {  	[tilespmem:$0x1FDE0] =	vst v53;
	v23 =	vsel vm11, v53, v51;
	v53 =	vld.idx.msk [tilespmem:v57+s3+$0x0], $0xffff  }
0x129: {  	v24 =	vor.u32 v1, v33;
	vm8 =	vge.f32 v49, v56;
	v11 =	vld [tilespmem:$0x1FE20]  }
0x12a: {  	v28 =	vor.u32 v1, v32;
	v20 =	vor.u32 v1, v36;
	v57 =	vld.idx.msk [tilespmem:v58+s3+$0x0], $0xffff;
	v36 =	vsel vm8, v49, v56  }
0x12b: {  	v29 =	vor.u32 v1, v34;
	v58 =	vld.idx.msk [tilespmem:v27+s3+$0x0], $0xffff;
	vm10 =	vge.f32 v35, v36  }
0x12c: {  	[tilespmem:$0x1FE30] =	vst v44;
	vm13 =	vge.f32 v61, v38;
	vm14 =	vge.f32 v14, v15;
	v22 =	vsel vm10, v35, v36;
	v36 =	vld [tilespmem:$0x1FE70]  }
0x12d: {  	[tilespmem:$0x1FDF0] =	vst v51;
	v34 =	vmov v42;
	v32 =	vsel vm13, v61, v38;
	v33 =	vsel vm14, v14, v15;
	v35 =	vld [tilespmem:$0x1FE80]  }
0x12e: {  	vm9 =	vge.f32 v32, v33;
	v42 =	vsel vm13, v0, v2;
	v51 =	vsel vm14, v11, v44;
	v44 =	vld.idx.msk [tilespmem:v24+s3+$0x0], $0xffff  }
0x12f: {  	v25 =	vsel vm9, v42, v51;
	v42 =	vld.idx.msk [tilespmem:v28+s3+$0x0], $0xffff  }
0x130: {  	v18 =	vor.u32 v1, v18;
	v17 =	vor.u32 v1, v17;
	vm13 =	vge.f32 v3, v9;
	v51 =	vld.idx.msk [tilespmem:v29+s3+$0x0], $0xffff  }
0x131: {  	v21 =	vsel vm12, v21, v23;
	vm12 =	vge.f32 v41, v16;
	[tilespmem:$0x1FC40] =	vst v3;
	v26 =	vsel vm13, v3, v9;
	v3 =	vld [tilespmem:$0x1FEB0]  }
0x132: {  	vm11 =	vge.f32 v62, v63;
	v23 =	vsel vm9, v32, v33;
	v32 =	vsel vm12, v41, v16;
	[tilespmem:$0x1FC50] =	vst v9;
	v9 =	vld [tilespmem:$0x1FEC0]  }
0x133: {  	v28 =	vsel vm11, v62, v63;
	v29 =	vld [tilespmem:$0x1FF00];
	v1 =	vsel vm15, v10, v36;
	v10 =	vsel vm8, v35, v46  }
0x134: {  	vm15 =	vge.f32 v28, v32;
	v5 =	vsel vm10, v1, v10;
	v10 =	vld [tilespmem:$0x1FEA0]  }
0x135: {  	v24 =	vsel vm15, v28, v32;
	v28 =	vld [tilespmem:$0x1FCE0]  }
0x136: {  	[tilespmem:$0x1FE90] =	vst v46;
	v46 =	vld.idx.msk [tilespmem:v30+s3+$0x0], $0xffff  }
0x137: {  	[tilespmem:$0x1FCC0] =	vst v52;
	vm14 =	vge.f32 v50, v53;
	v30 =	vld.idx.msk [tilespmem:v19+s3+$0x0], $0xffff  }
0x138: {  	[tilespmem:$0x1FCF0] =	vst v59;
	v33 =	vsel vm14, v50, v53;
	vm9 =	vge.f32 v57, v43;
	v32 =	vld.idx.msk [tilespmem:v18+s3+$0x0], $0xffff  }
0x139: {  	vm8 =	vge.f32 v26, v33;
	v18 =	vsel vm14, v59, v55;
	v59 =	vld.idx.msk [tilespmem:v20+s3+$0x0], $0xffff;
	v1 =	vsel vm12, v3, v9  }
0x13a: {  	vm10 =	vge.f32 v58, v42;
	v19 =	vsel vm11, v52, v10;
	v52 =	vld.idx.msk [tilespmem:v17+s3+$0x0], $0xffff;
	v17 =	vsel vm13, v13, v28  }
0x13b: {  	[tilespmem:$0x1FEE0] =	vst v55;
	v55 =	vld [tilespmem:$0x1FF10];
	v20 =	vsel vm10, v58, v42;
	v17 =	vsel vm8, v17, v18;
	v18 =	vsel vm9, v57, v43  }
0x13c: {  	vm11 =	vge.f32 v4, v44;
	v19 =	vsel vm15, v19, v1;
	v1 =	vld [tilespmem:$0x1FF20];
	vm13 =	vge.f32 v18, v20  }
0x13d: {  	[tilespmem:$0x1FC60] =	vst v4;
	v18 =	vsel vm13, v18, v20;
	v20 =	vsel vm11, v4, v44;
	v4 =	vld [tilespmem:$0x1FEF0];
	_ =	sdelay $0x4  }
0x13e: {  	[tilespmem:$0x1FED0] =	vst v13;
	v26 =	vsel vm8, v26, v33;
	v13 =	vsel vm10, v55, v1;
	v33 =	vsel vm9, v4, v29  }
0x13f: {  	v28 =	vsel vm13, v33, v13;
	v33 =	vld [tilespmem:$0x1FF40]  }
0x140: {  	vm12 =	vge.f32 v51, v46  }
0x141: {  	v27 =	vsel vm12, v51, v46  }
0x142: {  	vm6 =	vge.f32 v32, v59;
	vm8 =	vge.f32 v31, v23;
	vm14 =	vge.f32 v20, v27  }
0x143: {  	v23 =	vsel vm8, v31, v23;
	v21 =	vsel vm8, v21, v25;
	v20 =	vsel vm14, v20, v27  }
0x144: {  	[tilespmem:$0x1FF50] =	vst v40;
	vm15 =	vge.f32 v30, v52;
	vm10 =	vge.f32 v26, v18;
	v13 =	vsel vm11, v6, v33  }
0x145: {  	[tilespmem:$0x1FF60] =	vst v37;
	v33 =	vsel vm12, v40, v37;
	v37 =	vsel vm15, v30, v52;
	v40 =	vsel vm6, v32, v59  }
0x146: {  	[tilespmem:$0x1FF30] =	vst v6;
	v18 =	vsel vm10, v26, v18;
	vm9 =	vge.f32 v22, v24;
	vm7 =	vge.f32 v37, v40  }
0x147: {  	[tilespmem:$0x1FF70] =	vst v39;
	v22 =	vsel vm9, v22, v24;
	v5 =	vsel vm9, v5, v19;
	v29 =	vsel vm7, v37, v40  }
0x148: {  	[tilespmem:$0x1FD00] =	vst v12;
	v6 =	vsel vm15, v39, v12;
	v12 =	vsel vm6, v7, v8;
	v39 =	vld [tilespmem:$0x1FDE0];
	vm11 =	vge.f32 v20, v29  }
0x149: {  	v27 =	vsel vm14, v13, v33;
	v13 =	vsel vm7, v6, v12;
	v12 =	vld [tilespmem:$0x1FD80];
	v19 =	vsel vm11, v20, v29  }
0x14a: {  	v17 =	vsel vm10, v17, v28;
	vm12 =	vge.f32 v23, v22;
	v33 =	vld [tilespmem:$0x1FDF0];
	vm13 =	vge.f32 v18, v19  }
0x14b: {  	[tilespmem:$0x1FC80] =	vst v32;
	v31 =	vsel vm12, v23, v22;
	v20 =	vsel vm11, v27, v13;
	v32 =	vsel vm13, v18, v19  }
0x14c: {  	v5 =	vsel vm12, v21, v5;
	v17 =	vsel vm13, v17, v20;
	vm0 =	vge.f32 v31, v32  }
0x14d: {  	v37 =	vsel vm0, v5, v17  }
0x14e: {  	vm14 =	veq.s32 v12, v37;
	vm15 =	veq.s32 v34, v37  }
0x14f: {  	vm6 =	veq.s32 v39, v37;
	vm7 =	veq.s32 v33, v37;
	vm8 =	veq.s32 v0, v37  }
0x150: {  	vm9 =	veq.s32 v2, v37;
	vm10 =	veq.s32 v11, v37;
	v17 =	vsel vm14, $0xFF800000, v47  }
0x151: {  	v18 =	vsel vm15, $0xFF800000, v48;
	v19 =	vsel vm6, $0xFF800000, v60;
	v60 =	vsel vm7, $0xFF800000, v45  }
0x152: {  	[tilespmem:$0x1FD10] =	vst v7;
	v7 =	vmovc v0;
	v20 =	vsel vm8, $0xFF800000, v61;
	v0 =	vsel vm9, $0xFF800000, v38;
	v14 =	vsel vm10, $0xFF800000, v14  }
0x153: {  	vm6 =	veq.s32 v10, v37;
	vm7 =	veq.s32 v3, v37;
	vm8 =	veq.s32 v9, v37  }
0x154: {  	[tilespmem:$0x1FD90] =	vst v34;
	v45 =	vld [tilespmem:$0x1FE30];
	vm12 =	vge.f32 v17, v18;
	vm13 =	vge.f32 v19, v60;
	vm14 =	vge.f32 v20, v0  }
0x155: {  	[tilespmem:$0x1FD60] =	vst v31;
	v26 =	vsel vm6, $0xFF800000, v63;
	v16 =	vsel vm8, $0xFF800000, v16;
	v47 =	vsel vm12, v17, v18  }
0x156: {  	v40 =	vmovc v2;
	v48 =	vsel vm13, v19, v60;
	v61 =	vsel vm14, v20, v0;
	v31 =	vsel vm12, v12, v34;
	v34 =	vld [tilespmem:$0x1FE60]  }
0x157: {  	[tilespmem:$0x1FD70] =	vst v32;
	v32 =	vsel vm13, v39, v33;
	v33 =	vsel vm14, v7, v40;
	v40 =	vld [tilespmem:$0x1FC30];
	vm9 =	vge.f32 v47, v48  }
0x158: {  	vm12 =	veq.s32 v36, v37;
	vm13 =	veq.s32 v35, v37;
	v5 =	vsel vm9, v47, v48;
	v47 =	vld [tilespmem:$0x1FE90]  }
0x159: {  	v22 =	vsel vm12, $0xFF800000, v54;
	v54 =	vsel vm7, $0xFF800000, v41;
	v48 =	vld [tilespmem:$0x1FCC0];
	vm11 =	veq.s32 v45, v37  }
0x15a: {  	v23 =	vsel vm13, $0xFF800000, v49;
	vm12 =	vge.f32 v54, v16;
	v15 =	vsel vm11, $0xFF800000, v15  }
0x15b: {  	v28 =	vsel vm9, v31, v32;
	v63 =	vsel vm12, v54, v16;
	vm15 =	vge.f32 v14, v15  }
0x15c: {  	vm11 =	veq.s32 v34, v37;
	v13 =	vsel vm15, v14, v15;
	v38 =	vsel vm15, v11, v45  }
0x15d: {  	v21 =	vsel vm11, $0xFF800000, v40;
	v11 =	vsel vm12, v3, v9;
	vm10 =	vge.f32 v61, v13  }
0x15e: {  	vm14 =	veq.s32 v47, v37;
	vm15 =	veq.s32 v48, v37;
	vm9 =	vge.f32 v21, v22  }
0x15f: {  	[tilespmem:$0x1FC70] =	vst v30;
	v29 =	vsel vm10, v61, v13;
	v30 =	vsel vm10, v33, v38;
	v25 =	vsel vm15, $0xFF800000, v62  }
0x160: {  	v24 =	vsel vm14, $0xFF800000, v56;
	v56 =	vsel vm9, v21, v22;
	vm11 =	vge.f32 v25, v26  }
0x161: {  	v3 =	vld [tilespmem:$0x1FEE0];
	v2 =	vsel vm9, v34, v36;
	vm10 =	vge.f32 v23, v24;
	v62 =	vsel vm11, v25, v26  }
0x162: {  	v45 =	vmovc v35;
	v13 =	vld [tilespmem:$0x1FCE0];
	v61 =	vsel vm10, v23, v24;
	v10 =	vsel vm11, v48, v10;
	vm14 =	vge.f32 v62, v63  }
0x163: {  	v6 =	vsel vm10, v45, v47;
	vm13 =	vge.f32 v56, v61;
	v33 =	vsel vm14, v10, v11;
	v10 =	vld [tilespmem:$0x1FED0]  }
0x164: {  	v34 =	vsel vm13, v2, v6;
	v6 =	vld [tilespmem:$0x1FCF0]  }
0x165: {  	v31 =	vsel vm13, v56, v61;
	v56 =	vld [tilespmem:$0x1FC50]  }
0x166: {  	vm9 =	veq.s32 v4, v37;
	v11 =	vld [tilespmem:$0x1FF00]  }
0x167: {  	[tilespmem:$0x1FC90] =	vst v54;
	v54 =	vld [tilespmem:$0x1FC40];
	v48 =	vsel vm9, $0xFF800000, v57;
	vm11 =	veq.s32 v55, v37;
	vm13 =	veq.s32 v1, v37  }
0x168: {  	v7 =	vmovc v4;
	v4 =	vmovc v1;
	vm8 =	veq.s32 v3, v37;
	v49 =	vsel vm11, $0xFF800000, v58;
	v1 =	vsel vm13, $0xFF800000, v42  }
0x169: {  	v32 =	vsel vm14, v62, v63;
	v47 =	vsel vm8, $0xFF800000, v53;
	vm9 =	vge.f32 v49, v1  }
0x16a: {  	vm6 =	veq.s32 v13, v37;
	v63 =	vsel vm9, v49, v1;
	vm15 =	veq.s32 v10, v37  }
0x16b: {  	vm7 =	veq.s32 v6, v37;
	v40 =	vsel vm6, $0xFF800000, v56;
	vm10 =	veq.s32 v11, v37;
	v56 =	vld [tilespmem:$0x1FF30]  }
0x16c: {  	v9 =	vld [tilespmem:$0x1FD00];
	v27 =	vsel vm15, $0xFF800000, v54;
	v45 =	vsel vm7, $0xFF800000, v50;
	v2 =	vsel vm10, $0xFF800000, v43  }
0x16d: {  	v58 =	vld [tilespmem:$0x1FF60];
	vm2 =	vge.f32 v27, v40;
	vm12 =	vge.f32 v45, v47;
	vm15 =	vge.f32 v48, v2  }
0x16e: {  	v54 =	vld [tilespmem:$0x1FC60];
	v57 =	vsel vm2, v27, v40;
	v61 =	vsel vm12, v45, v47;
	v62 =	vsel vm15, v48, v2  }
0x16f: {  	v13 =	vsel vm2, v10, v13;
	v53 =	vsel vm12, v6, v3;
	vm14 =	vge.f32 v57, v61  }
0x170: {  	vm11 =	vge.f32 v62, v63;
	v35 =	vsel vm14, v57, v61;
	vm10 =	veq.s32 v56, v37;
	v57 =	vld [tilespmem:$0x1FF40]  }
0x171: {  	v36 =	vsel vm11, v62, v63;
	v63 =	vld [tilespmem:$0x1FF50];
	v61 =	vsel vm15, v7, v11;
	v62 =	vsel vm9, v55, v4  }
0x172: {  	v42 =	vsel vm14, v13, v53;
	vm14 =	veq.s32 v58, v37;
	v38 =	vsel vm11, v61, v62;
	v61 =	vld [tilespmem:$0x1FF70]  }
0x173: {  	vm9 =	veq.s32 v9, v37;
	v50 =	vsel vm10, $0xFF800000, v54;
	v53 =	vsel vm14, $0xFF800000, v46;
	v62 =	vld [tilespmem:$0x1FD10]  }
0x174: {  	v11 =	vmovc v7;
	v7 =	vld [tilespmem:$0x1FC70];
	v52 =	vsel vm9, $0xFF800000, v52;
	vm11 =	veq.s32 v8, v37;
	vm14 =	vge.f32 v5, v29  }
0x175: {  	v10 =	vld [tilespmem:$0x1FC80];
	vm6 =	vge.f32 v35, v36;
	v54 =	vsel vm11, $0xFF800000, v59;
	v5 =	vsel vm14, v5, v29  }
0x176: {  	v28 =	vsel vm14, v28, v30;
	v36 =	vsel vm6, v35, v36;
	vm12 =	veq.s32 v57, v37  }
0x177: {  	v59 =	vsel vm6, v42, v38;
	vm13 =	veq.s32 v63, v37;
	v44 =	vsel vm12, $0xFF800000, v44  }
0x178: {  	v51 =	vsel vm13, $0xFF800000, v51;
	vm15 =	veq.s32 v61, v37;
	vm10 =	veq.s32 v62, v37  }
0x179: {  	vm1 =	vge.f32 v50, v44;
	vm2 =	vge.f32 v51, v53;
	v41 =	vsel vm15, $0xFF800000, v7  }
0x17a: {  	v46 =	vsel vm10, $0xFF800000, v10;
	v3 =	vsel vm1, v50, v44;
	v4 =	vsel vm2, v51, v53  }
0x17b: {  	vm12 =	vge.f32 v41, v52;
	vm5 =	vge.f32 v46, v54;
	vm8 =	vge.f32 v3, v4  }
0x17c: {  	v6 =	vsel vm5, v46, v54;
	v43 =	vsel vm8, v3, v4;
	v4 =	vsel vm12, v41, v52  }
0x17d: {  	vm15 =	vge.f32 v31, v32;
	v13 =	vsel vm1, v56, v57;
	vm13 =	vge.f32 v4, v6  }
0x17e: {  	v7 =	vsel vm12, v61, v9;
	v3 =	vsel vm2, v63, v58;
	v56 =	vsel vm13, v4, v6  }
0x17f: {  	v9 =	vsel vm5, v62, v8;
	v55 =	vsel vm8, v13, v3;
	vm7 =	vge.f32 v43, v56  }
0x180: {  	v13 =	vsel vm15, v31, v32;
	v10 =	vsel vm13, v7, v9;
	v58 =	vsel vm7, v43, v56  }
0x181: {  	vm8 =	vge.f32 v5, v13;
	v9 =	vsel vm7, v55, v10;
	v55 =	vld [tilespmem:$0x1FE10];
	vm9 =	vge.f32 v36, v58  }
0x182: {  	v3 =	vsel vm15, v34, v33;
	v10 =	vsel vm8, v5, v13;
	v56 =	vld [tilespmem:$0x1FE20];
	v13 =	vsel vm9, v36, v58  }
0x183: {  	v57 =	vld [tilespmem:$0x1FE30];
	v32 =	vsel vm8, v28, v3;
	v34 =	vsel vm9, v59, v9;
	vm1 =	vge.f32 v10, v13  }
0x184: {  	[tilespmem:$0x1FDA0] =	vst v13;
	v13 =	vld [tilespmem:$0x1FD90];
	v38 =	vsel vm1, v32, v34  }
0x185: {  	v42 =	vmov v39;
	vm12 =	veq.s32 v39, v38;
	v39 =	vld [tilespmem:$0x1FDF0]  }
0x186: {  	v35 =	vmov v12;
	vm10 =	veq.s32 v12, v38;
	v12 =	vld [tilespmem:$0x1FE00]  }
0x187: {  	vm15 =	veq.s32 v55, v38;
	vm8 =	veq.s32 v56, v38  }
0x188: {  	vm9 =	veq.s32 v57, v38;
	v17 =	vsel vm10, $0xFF800000, v17;
	v19 =	vsel vm12, $0xFF800000, v19  }
0x189: {  	v6 =	vld [tilespmem:$0x1FE70];
	v3 =	vsel vm15, $0xFF800000, v0;
	v14 =	vsel vm8, $0xFF800000, v14;
	vm11 =	veq.s32 v13, v38  }
0x18a: {  	v15 =	vsel vm9, $0xFF800000, v15;
	v18 =	vsel vm11, $0xFF800000, v18;
	vm13 =	veq.s32 v39, v38  }
0x18b: {  	[tilespmem:$0x1FD20] =	vst v8;
	v8 =	vld [tilespmem:$0x1FCC0];
	vm14 =	veq.s32 v12, v38;
	vm10 =	vge.f32 v17, v18;
	v43 =	vsel vm13, $0xFF800000, v60  }
0x18c: {  	v9 =	vld [tilespmem:$0x1FE80];
	v20 =	vsel vm14, $0xFF800000, v20;
	v58 =	vsel vm10, v17, v18;
	vm11 =	vge.f32 v19, v43  }
0x18d: {  	v36 =	vld [tilespmem:$0x1FEA0];
	vm13 =	vge.f32 v14, v15;
	v7 =	vsel vm10, v35, v13;
	v59 =	vsel vm11, v19, v43  }
0x18e: {  	[tilespmem:$0x1FDB0] =	vst v10;
	v35 =	vld [tilespmem:$0x1FE60];
	vm10 =	veq.s32 v6, v38;
	v10 =	vsel vm11, v42, v39;
	vm14 =	vge.f32 v58, v59  }
0x18f: {  	vm12 =	vge.f32 v20, v3;
	v4 =	vsel vm13, v14, v15;
	v30 =	vsel vm14, v7, v10;
	v7 =	vld [tilespmem:$0x1FE90]  }
0x190: {  	v34 =	vsel vm13, v56, v57;
	v22 =	vsel vm10, $0xFF800000, v22;
	vm13 =	veq.s32 v8, v38  }
0x191: {  	v60 =	vsel vm12, v20, v3;
	v33 =	vsel vm12, v12, v55;
	vm11 =	veq.s32 v9, v38;
	v55 =	vld [tilespmem:$0x1FEB0]  }
0x192: {  	v57 =	vld [tilespmem:$0x1FC90];
	v25 =	vsel vm13, $0xFF800000, v25;
	vm15 =	vge.f32 v60, v4;
	v23 =	vsel vm11, $0xFF800000, v23  }
0x193: {  	v5 =	vsel vm14, v58, v59;
	v28 =	vsel vm15, v60, v4;
	v29 =	vsel vm15, v33, v34  }
0x194: {  	v56 =	vld [tilespmem:$0x1FEC0];
	vm14 =	veq.s32 v36, v38;
	vm9 =	veq.s32 v35, v38;
	vm12 =	veq.s32 v7, v38  }
0x195: {  	v26 =	vsel vm14, $0xFF800000, v26;
	v21 =	vsel vm9, $0xFF800000, v21;
	v24 =	vsel vm12, $0xFF800000, v24  }
0x196: {  	vm15 =	veq.s32 v55, v38;
	vm9 =	vge.f32 v21, v22;
	vm10 =	vge.f32 v23, v24  }
0x197: {  	v42 =	vld [tilespmem:$0x1FED0];
	v4 =	vsel vm15, $0xFF800000, v57;
	v58 =	vsel vm9, v21, v22;
	v59 =	vsel vm10, v23, v24  }
0x198: {  	v6 =	vsel vm9, v35, v6;
	v57 =	vsel vm10, v9, v7;
	v7 =	vld [tilespmem:$0x1FEE0];
	vm13 =	vge.f32 v58, v59  }
0x199: {  	vm8 =	veq.s32 v56, v38;
	vm11 =	vge.f32 v25, v26;
	v32 =	vsel vm13, v6, v57;
	v6 =	vld [tilespmem:$0x1FCE0]  }
0x19a: {  	v16 =	vsel vm8, $0xFF800000, v16;
	v31 =	vsel vm13, v58, v59;
	v58 =	vsel vm11, v8, v36;
	v8 =	vld [tilespmem:$0x1FCF0]  }
0x19b: {  	vm12 =	vge.f32 v4, v16  }
0x19c: {  	v60 =	vsel vm11, v25, v26;
	v0 =	vsel vm12, v4, v16  }
0x19d: {  	vm15 =	veq.s32 v42, v38;
	vm14 =	vge.f32 v60, v0  }
0x19e: {  	v27 =	vsel vm15, $0xFF800000, v27;
	v33 =	vsel vm14, v60, v0;
	v59 =	vsel vm12, v55, v56  }
0x19f: {  	vm10 =	veq.s32 v7, v38;
	vm8 =	veq.s32 v6, v38;
	vm9 =	veq.s32 v8, v38  }
0x1a0: {  	v0 =	vld [tilespmem:$0x1FF20];
	v55 =	vsel vm10, $0xFF800000, v47;
	v40 =	vsel vm8, $0xFF800000, v40;
	v45 =	vsel vm9, $0xFF800000, v45  }
0x1a1: {  	v34 =	vsel vm14, v58, v59;
	v58 =	vld [tilespmem:$0x1FF00];
	vm3 =	vge.f32 v27, v40;
	vm4 =	vge.f32 v45, v55  }
0x1a2: {  	v10 =	vmovc v11;
	vm11 =	veq.s32 v11, v38;
	v59 =	vld [tilespmem:$0x1FF10];
	v60 =	vsel vm3, v27, v40;
	v11 =	vsel vm4, v45, v55  }
0x1a3: {  	vm15 =	vge.f32 v60, v11  }
0x1a4: {  	v35 =	vsel vm15, v60, v11;
	v11 =	vld [tilespmem:$0x1FF30]  }
0x1a5: {  	[tilespmem:$0x1FCA0] =	vst v43;
	v43 =	vsel vm3, v42, v6;
	v60 =	vsel vm4, v8, v7;
	v8 =	vld [tilespmem:$0x1FF40]  }
0x1a6: {  	v56 =	vsel vm11, $0xFF800000, v48;
	vm12 =	veq.s32 v58, v38;
	v48 =	vsel vm15, v43, v60;
	v43 =	vld [tilespmem:$0x1FF60]  }
0x1a7: {  	vm14 =	veq.s32 v0, v38;
	vm13 =	veq.s32 v59, v38;
	v2 =	vsel vm12, $0xFF800000, v2  }
0x1a8: {  	v1 =	vsel vm14, $0xFF800000, v1;
	v49 =	vsel vm13, $0xFF800000, v49;
	vm5 =	vge.f32 v56, v2  }
0x1a9: {  	vm6 =	vge.f32 v49, v1;
	v36 =	vsel vm5, v56, v2;
	vm15 =	veq.s32 v63, v38  }
0x1aa: {  	v47 =	vsel vm6, v49, v1;
	v0 =	vsel vm6, v59, v0;
	v51 =	vsel vm15, $0xFF800000, v51  }
0x1ab: {  	vm12 =	veq.s32 v11, v38;
	vm14 =	veq.s32 v8, v38;
	vm9 =	veq.s32 v43, v38  }
0x1ac: {  	v50 =	vsel vm12, $0xFF800000, v50;
	v44 =	vsel vm14, $0xFF800000, v44;
	v53 =	vsel vm9, $0xFF800000, v53  }
0x1ad: {  	vm13 =	vge.f32 v36, v47;
	vm2 =	vge.f32 v50, v44;
	vm3 =	vge.f32 v51, v53  }
0x1ae: {  	v42 =	vmovc v63;
	v63 =	vsel vm5, v10, v58;
	v6 =	vsel vm2, v50, v44;
	v7 =	vsel vm3, v51, v53  }
0x1af: {  	v36 =	vsel vm13, v36, v47;
	v47 =	vsel vm13, v63, v0;
	v0 =	vld [tilespmem:$0x1FD20];
	vm11 =	vge.f32 v6, v7  }
0x1b0: {  	v58 =	vsel vm11, v6, v7;
	v6 =	vld [tilespmem:$0x1FD00]  }
0x1b1: {  	vm7 =	vge.f32 v5, v28  }
0x1b2: {  	v5 =	vsel vm7, v5, v28;
	v28 =	vsel vm7, v30, v29;
	vm10 =	veq.s32 v61, v38  }
0x1b3: {  	v57 =	vsel vm10, $0xFF800000, v41;
	vm8 =	vge.f32 v31, v33;
	vm13 =	veq.s32 v62, v38  }
0x1b4: {  	v46 =	vsel vm13, $0xFF800000, v46;
	vm14 =	veq.s32 v0, v38;
	vm9 =	vge.f32 v35, v36  }
0x1b5: {  	v54 =	vsel vm14, $0xFF800000, v54;
	v60 =	vsel vm2, v11, v8;
	vm12 =	veq.s32 v6, v38  }
0x1b6: {  	vm6 =	vge.f32 v46, v54;
	v42 =	vsel vm3, v42, v43;
	v52 =	vsel vm12, $0xFF800000, v52  }
0x1b7: {  	v62 =	vsel vm6, v62, v0;
	v0 =	vsel vm9, v48, v47;
	vm15 =	vge.f32 v57, v52  }
0x1b8: {  	v41 =	vsel vm11, v60, v42;
	v7 =	vsel vm6, v46, v54;
	v43 =	vsel vm15, v57, v52  }
0x1b9: {  	v63 =	vmovc v61;
	v42 =	vsel vm8, v31, v33;
	v61 =	vsel vm15, v61, v6;
	vm5 =	vge.f32 v43, v7  }
0x1ba: {  	v8 =	vmovc v11;
	vm11 =	vge.f32 v5, v42;
	v59 =	vsel vm5, v43, v7;
	v11 =	vsel vm5, v61, v62  }
0x1bb: {  	v47 =	vld [tilespmem:$0x1FDE0];
	v43 =	vsel vm8, v32, v34;
	v61 =	vsel vm9, v35, v36;
	vm10 =	vge.f32 v58, v59  }
0x1bc: {  	v62 =	vsel vm10, v58, v59;
	v11 =	vsel vm10, v41, v11;
	v41 =	vsel vm11, v28, v43;
	v43 =	vld [tilespmem:$0x1FD80]  }
0x1bd: {  	v59 =	vld [tilespmem:$0x1FE10];
	vm12 =	vge.f32 v61, v62  }
0x1be: {  	v60 =	vld [tilespmem:$0x1FE20];
	v35 =	vsel vm11, v5, v42;
	v36 =	vsel vm12, v61, v62  }
0x1bf: {  	v58 =	vld [tilespmem:$0x1FCA0];
	v42 =	vsel vm12, v0, v11;
	vm3 =	vge.f32 v35, v36  }
0x1c0: {  	v61 =	vld [tilespmem:$0x1FE30];
	v41 =	vsel vm3, v41, v42  }
0x1c1: {  	vm13 =	veq.s32 v43, v41;
	vm14 =	veq.s32 v13, v41;
	vm15 =	veq.s32 v47, v41  }
0x1c2: {  	vm8 =	veq.s32 v39, v41;
	vm9 =	veq.s32 v12, v41;
	vm10 =	veq.s32 v59, v41  }
0x1c3: {  	vm11 =	veq.s32 v60, v41;
	v17 =	vsel vm13, $0xFF800000, v17;
	v18 =	vsel vm14, $0xFF800000, v18  }
0x1c4: {  	v19 =	vsel vm15, $0xFF800000, v19;
	v6 =	vsel vm8, $0xFF800000, v58;
	v20 =	vsel vm9, $0xFF800000, v20  }
0x1c5: {  	v3 =	vsel vm10, $0xFF800000, v3;
	v14 =	vsel vm11, $0xFF800000, v14;
	vm12 =	veq.s32 v61, v41  }
0x1c6: {  	v11 =	vld [tilespmem:$0x1FE70];
	vm13 =	vge.f32 v17, v18;
	vm14 =	vge.f32 v19, v6;
	vm2 =	vge.f32 v20, v3  }
0x1c7: {  	v48 =	vmovc v39;
	v58 =	vld [tilespmem:$0x1FEC0];
	v15 =	vsel vm12, $0xFF800000, v15;
	v62 =	vsel vm13, v17, v18;
	v0 =	vsel vm14, v19, v6  }
0x1c8: {  	[tilespmem:$0x1FDC0] =	vst v36;
	v5 =	vsel vm2, v20, v3;
	v36 =	vsel vm14, v47, v48;
	v47 =	vld [tilespmem:$0x1FE90];
	vm6 =	vge.f32 v14, v15  }
0x1c9: {  	[tilespmem:$0x1FDD0] =	vst v35;
	v30 =	vsel vm13, v43, v13;
	v48 =	vld [tilespmem:$0x1FEB0];
	vm15 =	vge.f32 v62, v0;
	v35 =	vsel vm6, v14, v15  }
0x1ca: {  	v39 =	vmov v12;
	v30 =	vsel vm15, v30, v36;
	v36 =	vld [tilespmem:$0x1FEA0];
	vm12 =	vge.f32 v5, v35  }
0x1cb: {  	vm14 =	veq.s32 v11, v41;
	v42 =	vsel vm2, v39, v59;
	v28 =	vsel vm12, v5, v35;
	v35 =	vld [tilespmem:$0x1FE60]  }
0x1cc: {  	v7 =	vsel vm15, v62, v0;
	v43 =	vsel vm6, v60, v61;
	vm15 =	veq.s32 v9, v41  }
0x1cd: {  	v22 =	vsel vm14, $0xFF800000, v22;
	v23 =	vsel vm15, $0xFF800000, v23;
	v29 =	vsel vm12, v42, v43;
	v5 =	vld [tilespmem:$0x1FCC0]  }
0x1ce: {  	vm12 =	veq.s32 v58, v41;
	vm8 =	veq.s32 v47, v41;
	vm11 =	veq.s32 v48, v41  }
0x1cf: {  	v16 =	vsel vm12, $0xFF800000, v16;
	v24 =	vsel vm8, $0xFF800000, v24;
	v4 =	vsel vm11, $0xFF800000, v4  }
0x1d0: {  	vm10 =	veq.s32 v36, v41;
	vm4 =	vge.f32 v23, v24;
	vm13 =	veq.s32 v35, v41  }
0x1d1: {  	v12 =	vmovc v9;
	vm14 =	vge.f32 v4, v16;
	v26 =	vsel vm10, $0xFF800000, v26;
	v21 =	vsel vm13, $0xFF800000, v21  }
0x1d2: {  	v9 =	vld [tilespmem:$0x1FCE0];
	v60 =	vsel vm4, v23, v24;
	vm9 =	veq.s32 v5, v41;
	vm2 =	vge.f32 v21, v22  }
0x1d3: {  	v42 =	vld [tilespmem:$0x1FCF0];
	v47 =	vsel vm4, v12, v47;
	v25 =	vsel vm9, $0xFF800000, v25;
	v59 =	vsel vm2, v21, v22  }
0x1d4: {  	v12 =	vmovc v10;
	vm9 =	veq.s32 v10, v41;
	v10 =	vld [tilespmem:$0x1FF20];
	v43 =	vsel vm2, v35, v11;
	vm15 =	vge.f32 v59, v60  }
0x1d5: {  	v62 =	vsel vm14, v4, v16;
	vm13 =	vge.f32 v25, v26;
	v32 =	vsel vm15, v43, v47;
	v47 =	vld [tilespmem:$0x1FED0]  }
0x1d6: {  	v48 =	vsel vm14, v48, v58;
	v61 =	vsel vm13, v25, v26;
	v31 =	vsel vm15, v59, v60;
	v60 =	vld [tilespmem:$0x1FEE0]  }
0x1d7: {  	vm14 =	veq.s32 v9, v41;
	v36 =	vsel vm13, v5, v36;
	vm12 =	vge.f32 v61, v62;
	v43 =	vld [tilespmem:$0x1FF00]  }
0x1d8: {  	v40 =	vsel vm14, $0xFF800000, v40;
	vm14 =	veq.s32 v8, v41;
	v11 =	vsel vm12, v36, v48;
	v48 =	vld [tilespmem:$0x1FF10]  }
0x1d9: {  	v0 =	vld [tilespmem:$0x1FF40];
	v50 =	vsel vm14, $0xFF800000, v50;
	vm14 =	veq.s32 v63, v41  }
0x1da: {  	v33 =	vsel vm12, v61, v62;
	vm15 =	veq.s32 v42, v41;
	vm12 =	veq.s32 v10, v41  }
0x1db: {  	v56 =	vsel vm9, $0xFF800000, v56;
	v45 =	vsel vm15, $0xFF800000, v45;
	v5 =	vsel vm12, $0xFF800000, v1  }
0x1dc: {  	vm13 =	veq.s32 v47, v41;
	vm8 =	veq.s32 v60, v41;
	vm10 =	veq.s32 v43, v41  }
0x1dd: {  	vm11 =	veq.s32 v48, v41;
	v27 =	vsel vm13, $0xFF800000, v27;
	v55 =	vsel vm8, $0xFF800000, v55  }
0x1de: {  	v34 =	vsel vm10, $0xFF800000, v2;
	v49 =	vsel vm11, $0xFF800000, v49;
	vm11 =	veq.s32 v0, v41  }
0x1df: {  	vm4 =	vge.f32 v27, v40;
	vm5 =	vge.f32 v45, v55;
	vm6 =	vge.f32 v56, v34  }
0x1e0: {  	vm7 =	vge.f32 v49, v5;
	v61 =	vsel vm4, v27, v40;
	v62 =	vsel vm5, v45, v55  }
0x1e1: {  	v36 =	vsel vm6, v56, v34;
	v58 =	vsel vm7, v49, v5;
	v1 =	vsel vm4, v47, v9;
	v47 =	vld [tilespmem:$0x1FF60]  }
0x1e2: {  	v2 =	vmovc v8;
	v8 =	vsel vm5, v42, v60;
	v42 =	vsel vm7, v48, v10;
	v10 =	vld [tilespmem:$0x1FD20];
	vm13 =	vge.f32 v61, v62  }
0x1e3: {  	v9 =	vsel vm6, v12, v43;
	vm15 =	vge.f32 v36, v58;
	v60 =	vsel vm13, v1, v8;
	v1 =	vld [tilespmem:$0x1FF50]  }
0x1e4: {  	v36 =	vsel vm15, v36, v58;
	v58 =	vsel vm11, $0xFF800000, v44;
	v44 =	vsel vm15, v9, v42;
	v9 =	vld [tilespmem:$0x1FD00]  }
0x1e5: {  	v57 =	vsel vm14, $0xFF800000, v57;
	v42 =	vld [tilespmem:$0x1FD10]  }
0x1e6: {  	vm14 =	vge.f32 v7, v28;
	v35 =	vsel vm13, v61, v62;
	vm2 =	vge.f32 v50, v58  }
0x1e7: {  	vm8 =	vge.f32 v35, v36;
	v61 =	vsel vm2, v50, v58;
	v0 =	vsel vm2, v2, v0  }
0x1e8: {  	v8 =	vmovc v63;
	v63 =	vsel vm8, v35, v36;
	vm13 =	veq.s32 v47, v41;
	vm11 =	veq.s32 v10, v41  }
0x1e9: {  	v53 =	vsel vm13, $0xFF800000, v53;
	v54 =	vsel vm11, $0xFF800000, v54;
	vm12 =	veq.s32 v1, v41  }
0x1ea: {  	vm9 =	veq.s32 v9, v41;
	vm10 =	veq.s32 v42, v41;
	v51 =	vsel vm12, $0xFF800000, v51  }
0x1eb: {  	v52 =	vsel vm9, $0xFF800000, v52;
	v59 =	vsel vm10, $0xFF800000, v46;
	vm4 =	vge.f32 v51, v53  }
0x1ec: {  	vm12 =	vge.f32 v57, v52;
	vm7 =	vge.f32 v59, v54;
	v48 =	vsel vm4, v51, v53  }
0x1ed: {  	v2 =	vsel vm4, v1, v47;
	v47 =	vsel vm12, v57, v52;
	v8 =	vsel vm12, v8, v9  }
0x1ee: {  	v9 =	vsel vm7, v42, v10;
	v10 =	vsel vm14, v7, v28;
	vm15 =	vge.f32 v61, v48  }
0x1ef: {  	v7 =	vsel vm14, v30, v29;
	v61 =	vsel vm15, v61, v48;
	v48 =	vsel vm7, v59, v54  }
0x1f0: {  	v46 =	vsel vm15, v0, v2;
	vm15 =	vge.f32 v31, v33;
	vm13 =	vge.f32 v47, v48  }
0x1f1: {  	v35 =	vld [tilespmem:$0x1FE10];
	v42 =	vsel vm8, v60, v44;
	v62 =	vsel vm13, v47, v48;
	v47 =	vsel vm15, v31, v33  }
0x1f2: {  	v48 =	vsel vm15, v32, v11;
	v32 =	vld [tilespmem:$0x1FDE0];
	vm9 =	vge.f32 v61, v62;
	vm10 =	vge.f32 v10, v47  }
0x1f3: {  	v36 =	vsel vm9, v61, v62;
	v44 =	vsel vm10, v10, v47;
	v47 =	vsel vm10, v7, v48;
	v48 =	vld [tilespmem:$0x1FD80]  }
0x1f4: {  	v0 =	vsel vm13, v8, v9;
	v33 =	vld [tilespmem:$0x1FDF0];
	vm11 =	vge.f32 v63, v36  }
0x1f5: {  	v0 =	vsel vm9, v46, v0;
	v46 =	vsel vm11, v63, v36  }
0x1f6: {  	v0 =	vsel vm11, v42, v0;
	v36 =	vld [tilespmem:$0x1FE20];
	vm2 =	vge.f32 v44, v46  }
0x1f7: {  	[tilespmem:$0x1FFA0] =	vst v44;
	v42 =	vld [tilespmem:$0x1FE30];
	v44 =	vsel vm2, v47, v0  }
0x1f8: {  	vm12 =	veq.s32 v48, v44;
	vm13 =	veq.s32 v13, v44;
	vm14 =	veq.s32 v32, v44  }
0x1f9: {  	vm15 =	veq.s32 v33, v44;
	vm9 =	veq.s32 v39, v44;
	vm10 =	veq.s32 v35, v44  }
0x1fa: {  	v17 =	vsel vm12, $0xFF800000, v17;
	v18 =	vsel vm13, $0xFF800000, v18;
	v19 =	vsel vm14, $0xFF800000, v19  }
0x1fb: {  	v47 =	vld [tilespmem:$0x1FE70];
	v8 =	vsel vm15, $0xFF800000, v6;
	v20 =	vsel vm9, $0xFF800000, v20;
	v3 =	vsel vm10, $0xFF800000, v3  }
0x1fc: {  	v0 =	vld [tilespmem:$0x1FCC0];
	vm11 =	veq.s32 v36, v44;
	vm12 =	veq.s32 v42, v44;
	vm13 =	vge.f32 v17, v18  }
0x1fd: {  	v11 =	vld [tilespmem:$0x1FE80];
	vm14 =	vge.f32 v19, v8;
	vm4 =	vge.f32 v20, v3;
	v14 =	vsel vm11, $0xFF800000, v14  }
0x1fe: {  	v60 =	vsel vm12, $0xFF800000, v15;
	v61 =	vsel vm13, v17, v18;
	v1 =	vsel vm13, v48, v13;
	v13 =	vld [tilespmem:$0x1FE60]  }
0x1ff: {  	v6 =	vsel vm14, v19, v8;
	v62 =	vsel vm4, v20, v3;
	v28 =	vsel vm14, v32, v33;
	v32 =	vld [tilespmem:$0x1FE90]  }
0x200: {  	v10 =	vsel vm4, v39, v35;
	v33 =	vld [tilespmem:$0x1FEA0];
	vm7 =	vge.f32 v14, v60;
	vm15 =	vge.f32 v61, v6  }
0x201: {  	v35 =	vld [tilespmem:$0x1FEB0];
	vm14 =	veq.s32 v47, v44;
	vm10 =	veq.s32 v0, v44;
	v9 =	vsel vm15, v61, v6  }
0x202: {  	v63 =	vsel vm7, v14, v60;
	v48 =	vsel vm15, v1, v28;
	v15 =	vsel vm7, v36, v42  }
0x203: {  	v22 =	vsel vm14, $0xFF800000, v22;
	vm15 =	veq.s32 v11, v44;
	v36 =	vld [tilespmem:$0x1FEC0];
	vm12 =	vge.f32 v62, v63  }
0x204: {  	v25 =	vsel vm10, $0xFF800000, v25;
	v23 =	vsel vm15, $0xFF800000, v23;
	v6 =	vsel vm12, v62, v63  }
0x205: {  	v15 =	vsel vm12, v10, v15;
	vm13 =	veq.s32 v13, v44;
	vm9 =	veq.s32 v32, v44  }
0x206: {  	vm11 =	veq.s32 v33, v44;
	vm12 =	veq.s32 v35, v44;
	v21 =	vsel vm13, $0xFF800000, v21  }
0x207: {  	v61 =	vsel vm9, $0xFF800000, v24;
	v26 =	vsel vm11, $0xFF800000, v26;
	v62 =	vsel vm12, $0xFF800000, v4  }
0x208: {  	vm13 =	veq.s32 v36, v44;
	vm4 =	vge.f32 v21, v22;
	vm5 =	vge.f32 v23, v61  }
0x209: {  	vm14 =	vge.f32 v25, v26;
	v16 =	vsel vm13, $0xFF800000, v16;
	v39 =	vsel vm4, v21, v22  }
0x20a: {  	v24 =	vsel vm5, v23, v61;
	v42 =	vsel vm14, v25, v26;
	v63 =	vsel vm4, v13, v47  }
0x20b: {  	v10 =	vsel vm5, v11, v32;
	vm15 =	vge.f32 v62, v16;
	vm12 =	vge.f32 v39, v24  }
0x20c: {  	[tilespmem:$0x1FF90] =	vst v46;
	v46 =	vsel vm15, v62, v16;
	v4 =	vsel vm12, v39, v24;
	v24 =	vsel vm12, v63, v10;
	v10 =	vld [tilespmem:$0x1FCE0]  }
0x20d: {  	v11 =	vsel vm14, v0, v33;
	v13 =	vsel vm15, v35, v36;
	v36 =	vld [tilespmem:$0x1FEE0];
	vm13 =	vge.f32 v42, v46  }
0x20e: {  	v7 =	vsel vm13, v11, v13;
	v11 =	vld [tilespmem:$0x1FED0]  }
0x20f: {  	v33 =	vsel vm13, v42, v46;
	v42 =	vld [tilespmem:$0x1FCF0];
	_ =	sdelay $0x1  }
0x210: {  	vm11 =	veq.s32 v12, v44;
	vm12 =	veq.s32 v43, v44;
	v13 =	vld [tilespmem:$0x1FF10];
	vm15 =	veq.s32 v10, v44  }
0x211: {  	v56 =	vsel vm11, $0xFF800000, v56;
	v2 =	vsel vm12, $0xFF800000, v34;
	v28 =	vsel vm15, $0xFF800000, v40;
	v40 =	vmovc v12;
	v12 =	vld [tilespmem:$0x1FF20]  }
0x212: {  	vm7 =	vge.f32 v56, v2  }
0x213: {  	vm10 =	veq.s32 v36, v44;
	vm14 =	veq.s32 v11, v44;
	vm9 =	veq.s32 v42, v44  }
0x214: {  	v55 =	vsel vm10, $0xFF800000, v55;
	v27 =	vsel vm14, $0xFF800000, v27;
	v45 =	vsel vm9, $0xFF800000, v45  }
0x215: {  	vm13 =	veq.s32 v13, v44;
	vm5 =	vge.f32 v27, v28;
	vm6 =	vge.f32 v45, v55  }
0x216: {  	v1 =	vld [tilespmem:$0x1FF30];
	v39 =	vsel vm5, v27, v28;
	v46 =	vsel vm6, v45, v55;
	vm14 =	veq.s32 v12, v44  }
0x217: {  	v0 =	vld [tilespmem:$0x1FF60];
	v29 =	vsel vm13, $0xFF800000, v49;
	vm15 =	vge.f32 v39, v46;
	v30 =	vsel vm14, $0xFF800000, v5  }
0x218: {  	v5 =	vsel vm15, v39, v46;
	v46 =	vsel vm5, v11, v10;
	v11 =	vld [tilespmem:$0x1FF50];
	vm8 =	vge.f32 v29, v30  }
0x219: {  	v31 =	vsel vm7, v56, v2;
	v40 =	vsel vm7, v40, v43;
	v43 =	vld [tilespmem:$0x1FD10];
	v63 =	vsel vm8, v29, v30  }
0x21a: {  	v39 =	vsel vm8, v13, v12;
	v12 =	vld [tilespmem:$0x1FF70];
	vm13 =	vge.f32 v31, v63  }
0x21b: {  	v49 =	vsel vm6, v42, v36;
	v36 =	vsel vm13, v31, v63;
	v63 =	vld [tilespmem:$0x1FF40]  }
0x21c: {  	vm12 =	veq.s32 v1, v44;
	vm9 =	veq.s32 v0, v44;
	v40 =	vsel vm13, v40, v39;
	v39 =	vld [tilespmem:$0x1FD00]  }
0x21d: {  	v53 =	vsel vm9, $0xFF800000, v53;
	v35 =	vsel vm15, v46, v49;
	v46 =	vld [tilespmem:$0x1FD20];
	vm15 =	veq.s32 v11, v44  }
0x21e: {  	v31 =	vsel vm12, $0xFF800000, v50;
	vm13 =	veq.s32 v43, v44;
	v32 =	vsel vm15, $0xFF800000, v51  }
0x21f: {  	v59 =	vsel vm13, $0xFF800000, v59;
	vm13 =	vge.f32 v9, v6;
	vm5 =	vge.f32 v32, v53  }
0x220: {  	vm11 =	veq.s32 v12, v44;
	v51 =	vsel vm5, v32, v53;
	vm14 =	veq.s32 v63, v44  }
0x221: {  	v57 =	vsel vm11, $0xFF800000, v57;
	vm12 =	veq.s32 v39, v44;
	v58 =	vsel vm14, $0xFF800000, v58  }
0x222: {  	v52 =	vsel vm12, $0xFF800000, v52;
	vm14 =	veq.s32 v46, v44;
	vm4 =	vge.f32 v31, v58  }
0x223: {  	v54 =	vsel vm14, $0xFF800000, v54;
	vm15 =	vge.f32 v57, v52;
	vm14 =	vge.f32 v4, v33  }
0x224: {  	v50 =	vsel vm4, v31, v58;
	vm8 =	vge.f32 v59, v54;
	v63 =	vsel vm4, v1, v63  }
0x225: {  	v1 =	vsel vm5, v11, v0;
	v10 =	vsel vm15, v57, v52;
	v39 =	vsel vm15, v12, v39  }
0x226: {  	v4 =	vsel vm14, v4, v33;
	vm15 =	vge.f32 v5, v36;
	v7 =	vsel vm14, v24, v7  }
0x227: {  	vm7 =	vge.f32 v50, v51;
	v11 =	vsel vm8, v59, v54;
	v43 =	vsel vm8, v43, v46  }
0x228: {  	v46 =	vsel vm13, v9, v6;
	v5 =	vsel vm15, v5, v36;
	v6 =	vld [tilespmem:$0x1FD90];
	vm12 =	vge.f32 v10, v11  }
0x229: {  	v36 =	vld [tilespmem:$0x1FDF0];
	v49 =	vsel vm7, v50, v51;
	v50 =	vsel vm7, v63, v1;
	v51 =	vsel vm12, v10, v11  }
0x22a: {  	v63 =	vsel vm13, v48, v15;
	vm10 =	vge.f32 v46, v4;
	v48 =	vld [tilespmem:$0x1FE10];
	vm9 =	vge.f32 v49, v51  }
0x22b: {  	v34 =	vsel vm15, v35, v40;
	v35 =	vsel vm10, v63, v7;
	v7 =	vld [tilespmem:$0x1FD80];
	v33 =	vsel vm9, v49, v51  }
0x22c: {  	v0 =	vsel vm12, v39, v43;
	v51 =	vld [tilespmem:$0x1FE00];
	vm11 =	vge.f32 v5, v33  }
0x22d: {  	v4 =	vsel vm10, v46, v4;
	v0 =	vsel vm9, v50, v0;
	v50 =	vld [tilespmem:$0x1FE20];
	v5 =	vsel vm11, v5, v33  }
0x22e: {  	v63 =	vld [tilespmem:$0x1FE30];
	v0 =	vsel vm11, v34, v0;
	vm4 =	vge.f32 v4, v5  }
0x22f: {  	v11 =	vld [tilespmem:$0x1FCC0];
	v49 =	vsel vm4, v35, v0  }
0x230: {  	v10 =	vld [tilespmem:$0x1FEA0];
	vm12 =	veq.s32 v7, v49  }
0x231: {  	vm13 =	veq.s32 v6, v49;
	vm15 =	veq.s32 v36, v49;
	vm9 =	veq.s32 v51, v49  }
0x232: {  	[tilespmem:$0x1FFC0] =	vst v4;
	v4 =	vld [tilespmem:$0x1FDE0];
	vm10 =	veq.s32 v48, v49;
	vm11 =	veq.s32 v50, v49;
	v39 =	vsel vm12, $0xFF800000, v17  }
0x233: {  	v33 =	vsel vm13, $0xFF800000, v18;
	v46 =	vsel vm15, $0xFF800000, v8;
	v34 =	vsel vm9, $0xFF800000, v20  }
0x234: {  	v17 =	vsel vm10, $0xFF800000, v3;
	v18 =	vsel vm11, $0xFF800000, v14;
	vm12 =	veq.s32 v63, v49  }
0x235: {  	vm10 =	veq.s32 v11, v49;
	vm11 =	veq.s32 v10, v49;
	vm13 =	vge.f32 v39, v33  }
0x236: {  	v35 =	vsel vm12, $0xFF800000, v60;
	vm5 =	vge.f32 v34, v17;
	v60 =	vsel vm11, $0xFF800000, v26  }
0x237: {  	v12 =	vld [tilespmem:$0x1FE80];
	vm14 =	veq.s32 v4, v49;
	v13 =	vsel vm13, v39, v33;
	vm8 =	vge.f32 v18, v35  }
0x238: {  	v3 =	vld [tilespmem:$0x1FE90];
	v15 =	vsel vm5, v34, v17;
	v6 =	vsel vm13, v7, v6;
	v43 =	vsel vm14, $0xFF800000, v19  }
0x239: {  	v40 =	vsel vm5, v51, v48;
	v24 =	vsel vm8, v18, v35;
	vm14 =	vge.f32 v43, v46  }
0x23a: {  	v48 =	vsel vm8, v50, v63;
	v14 =	vsel vm14, v43, v46;
	v36 =	vsel vm14, v4, v36;
	v4 =	vld [tilespmem:$0x1FE60]  }
0x23b: {  	v63 =	vsel vm10, $0xFF800000, v25;
	vm12 =	vge.f32 v15, v24;
	vm15 =	vge.f32 v13, v14  }
0x23c: {  	v7 =	vsel vm12, v15, v24;
	vm14 =	veq.s32 v47, v49;
	v1 =	vsel vm15, v6, v36;
	v6 =	vld [tilespmem:$0x1FEB0]  }
0x23d: {  	v50 =	vld [tilespmem:$0x1FEC0];
	vm9 =	veq.s32 v3, v49;
	v8 =	vsel vm15, v13, v14;
	vm15 =	veq.s32 v12, v49  }
0x23e: {  	v48 =	vsel vm12, v40, v48;
	v40 =	vsel vm9, $0xFF800000, v61;
	v36 =	vsel vm15, $0xFF800000, v23  }
0x23f: {  	v24 =	vsel vm14, $0xFF800000, v22;
	vm6 =	vge.f32 v36, v40;
	vm13 =	veq.s32 v4, v49  }
0x240: {  	vm14 =	vge.f32 v63, v60;
	v13 =	vsel vm6, v36, v40;
	v19 =	vsel vm13, $0xFF800000, v21  }
0x241: {  	v26 =	vsel vm6, v12, v3;
	vm12 =	veq.s32 v6, v49;
	vm5 =	vge.f32 v19, v24  }
0x242: {  	vm13 =	veq.s32 v50, v49;
	v61 =	vsel vm12, $0xFF800000, v62;
	v62 =	vsel vm5, v19, v24  }
0x243: {  	v0 =	vld [tilespmem:$0x1FCE0];
	v14 =	vsel vm13, $0xFF800000, v16;
	v25 =	vsel vm5, v4, v47;
	vm12 =	vge.f32 v62, v13  }
0x244: {  	v47 =	vsel vm14, v11, v10;
	vm15 =	vge.f32 v61, v14;
	v11 =	vsel vm12, v25, v26;
	v26 =	vld [tilespmem:$0x1FEE0]  }
0x245: {  	v16 =	vsel vm14, v63, v60;
	v4 =	vld [tilespmem:$0x1FEF0];
	v20 =	vsel vm15, v61, v14  }
0x246: {  	v9 =	vsel vm12, v62, v13;
	v50 =	vsel vm15, v6, v50;
	v13 =	vld [tilespmem:$0x1FF10];
	vm13 =	vge.f32 v16, v20  }
0x247: {  	v10 =	vsel vm13, v47, v50;
	v47 =	vld [tilespmem:$0x1FED0]  }
0x248: {  	v50 =	vld [tilespmem:$0x1FF00]  }
0x249: {  	vm9 =	veq.s32 v42, v49;
	vm10 =	veq.s32 v26, v49  }
0x24a: {  	[tilespmem:$0x1FCD0] =	vst v61;
	vm15 =	veq.s32 v0, v49;
	v61 =	vsel vm9, $0xFF800000, v45;
	v15 =	vsel vm10, $0xFF800000, v55;
	v55 =	vld [tilespmem:$0x1FF20]  }
0x24b: {  	v6 =	vsel vm13, v16, v20;
	vm11 =	veq.s32 v4, v49;
	vm13 =	veq.s32 v13, v49  }
0x24c: {  	v28 =	vsel vm15, $0xFF800000, v28;
	v16 =	vsel vm11, $0xFF800000, v56;
	v22 =	vsel vm13, $0xFF800000, v29  }
0x24d: {  	vm14 =	veq.s32 v47, v49;
	vm12 =	veq.s32 v50, v49;
	vm7 =	vge.f32 v61, v15  }
0x24e: {  	v62 =	vsel vm14, $0xFF800000, v27;
	v45 =	vsel vm12, $0xFF800000, v2;
	v20 =	vsel vm7, v61, v15  }
0x24f: {  	v26 =	vsel vm7, v42, v26;
	vm6 =	vge.f32 v62, v28;
	vm14 =	veq.s32 v55, v49  }
0x250: {  	vm8 =	vge.f32 v16, v45;
	v56 =	vsel vm6, v62, v28;
	v23 =	vsel vm14, $0xFF800000, v30  }
0x251: {  	[tilespmem:$0x1FFB0] =	vst v5;
	v3 =	vld [tilespmem:$0x1FF30];
	v2 =	vsel vm6, v47, v0;
	vm15 =	vge.f32 v56, v20;
	vm12 =	vge.f32 v22, v23  }
0x252: {  	[tilespmem:$0x1FCB0] =	vst v1;
	v0 =	vld [tilespmem:$0x1FF60];
	v5 =	vsel vm15, v56, v20;
	v20 =	vsel vm8, v16, v45;
	v1 =	vsel vm12, v22, v23  }
0x253: {  	v29 =	vsel vm15, v2, v26;
	v2 =	vld [tilespmem:$0x1FF40];
	vm11 =	vge.f32 v20, v1  }
0x254: {  	v30 =	vsel vm11, v20, v1;
	v1 =	vld [tilespmem:$0x1FF50];
	_ =	sdelay $0x2  }
0x255: {  	vm13 =	veq.s32 v3, v49  }
0x256: {  	v25 =	vsel vm13, $0xFF800000, v31  }
0x257: {  	vm10 =	veq.s32 v0, v49;
	vm14 =	veq.s32 v2, v49;
	vm15 =	veq.s32 v1, v49  }
0x258: {  	v27 =	vsel vm10, $0xFF800000, v53;
	v31 =	vsel vm14, $0xFF800000, v58;
	v26 =	vsel vm15, $0xFF800000, v32  }
0x259: {  	vm5 =	vge.f32 v25, v31;
	vm6 =	vge.f32 v26, v27  }
0x25a: {  	v42 =	vld [tilespmem:$0x1FF70];
	v12 =	vsel vm12, v13, v55;
	v13 =	vsel vm5, v25, v31;
	v53 =	vsel vm6, v26, v27  }
0x25b: {  	v20 =	vsel vm8, v4, v50;
	v50 =	vld [tilespmem:$0x1FD20];
	vm8 =	vge.f32 v13, v53  }
0x25c: {  	v32 =	vsel vm8, v13, v53;
	v13 =	vld [tilespmem:$0x1FD00]  }
0x25d: {  	v58 =	vsel vm11, v20, v12;
	v12 =	vld [tilespmem:$0x1FD10];
	_ =	sdelay $0x2  }
0x25e: {  	vm12 =	veq.s32 v42, v49  }
0x25f: {  	v20 =	vsel vm12, $0xFF800000, v57;
	vm15 =	veq.s32 v50, v49;
	vm13 =	veq.s32 v13, v49  }
0x260: {  	vm14 =	veq.s32 v12, v49;
	v56 =	vsel vm15, $0xFF800000, v54;
	v21 =	vsel vm13, $0xFF800000, v52  }
0x261: {  	vm15 =	vge.f32 v9, v6;
	v55 =	vsel vm14, $0xFF800000, v59;
	vm12 =	vge.f32 v20, v21  }
0x262: {  	v59 =	vsel vm5, v3, v2;
	vm14 =	vge.f32 v8, v7;
	v3 =	vsel vm12, v42, v13;
	v13 =	vld [tilespmem:$0x1FCB0]  }
0x263: {  	v1 =	vsel vm6, v1, v0;
	vm9 =	vge.f32 v55, v56;
	v7 =	vsel vm14, v8, v7  }
0x264: {  	v54 =	vsel vm9, v55, v56;
	v4 =	vsel vm9, v12, v50;
	v2 =	vsel vm12, v20, v21  }
0x265: {  	vm9 =	vge.f32 v5, v30;
	v42 =	vsel vm15, v9, v6;
	vm13 =	vge.f32 v2, v54  }
0x266: {  	v50 =	vsel vm9, v5, v30;
	vm11 =	vge.f32 v7, v42;
	v53 =	vsel vm13, v2, v54  }
0x267: {  	vm10 =	vge.f32 v32, v53;
	v8 =	vsel vm14, v13, v48;
	v48 =	vsel vm15, v11, v10  }
0x268: {  	v52 =	vsel vm8, v59, v1;
	v57 =	vsel vm10, v32, v53;
	v30 =	vsel vm11, v8, v48;
	v8 =	vld [tilespmem:$0x1FD80]  }
0x269: {  	v59 =	vsel vm9, v29, v58;
	v12 =	vsel vm13, v3, v4;
	vm12 =	vge.f32 v50, v57  }
0x26a: {  	v12 =	vsel vm10, v52, v12;
	v13 =	vsel vm11, v7, v42;
	v29 =	vsel vm12, v50, v57  }
0x26b: {  	v32 =	vsel vm12, v59, v12;
	vm5 =	vge.f32 v13, v29  }
0x26c: {  	v52 =	vsel vm5, v30, v32  }
0x26d: {  	vm13 =	veq.s32 v8, v52  }
0x26e: {  	v42 =	vsel vm13, $0xFF800000, v39;
	v39 =	vld [tilespmem:$0x1FDF0]  }
0x26f: {  	v3 =	vld [tilespmem:$0x1FDE0];
	_ =	sdelay $0x2  }
0x270: {  	v5 =	vld [tilespmem:$0x1FD90]  }
0x271: {  	v48 =	vld [tilespmem:$0x1FE30];
	vm12 =	veq.s32 v39, v52  }
0x272: {  	vm15 =	veq.s32 v3, v52;
	v58 =	vsel vm12, $0xFF800000, v46;
	v46 =	vld [tilespmem:$0x1FE20]  }
0x273: {  	v57 =	vsel vm15, $0xFF800000, v43;
	v43 =	vld [tilespmem:$0x1FE10];
	_ =	sdelay $0x1  }
0x274: {  	vm14 =	veq.s32 v5, v52  }
0x275: {  	v50 =	vsel vm14, $0xFF800000, v33  }
0x276: {  	vm13 =	veq.s32 v51, v52;
	vm12 =	veq.s32 v48, v52;
	vm15 =	veq.s32 v46, v52  }
0x277: {  	[tilespmem:$0x1FFD0] =	vst v29;
	vm14 =	veq.s32 v43, v52;
	v30 =	vsel vm12, $0xFF800000, v35;
	v29 =	vsel vm15, $0xFF800000, v18  }
0x278: {  	v1 =	vld [tilespmem:$0x1FEA0];
	v59 =	vsel vm13, $0xFF800000, v34;
	v54 =	vsel vm14, $0xFF800000, v17;
	vm14 =	vge.f32 v29, v30  }
0x279: {  	vm6 =	vge.f32 v42, v50;
	vm13 =	vge.f32 v59, v54;
	v10 =	vsel vm14, v46, v48;
	v48 =	vld [tilespmem:$0x1FE70]  }
0x27a: {  	v6 =	vld [tilespmem:$0x1FCC0];
	v34 =	vsel vm13, v59, v54;
	vm7 =	vge.f32 v57, v58;
	v7 =	vsel vm14, v29, v30  }
0x27b: {  	v11 =	vld [tilespmem:$0x1FE60];
	v32 =	vsel vm6, v42, v50;
	v33 =	vsel vm7, v57, v58;
	vm12 =	vge.f32 v34, v7  }
0x27c: {  	v43 =	vsel vm13, v51, v43;
	vm15 =	vge.f32 v32, v33;
	v12 =	vsel vm12, v34, v7;
	v7 =	vld [tilespmem:$0x1FE80]  }
0x27d: {  	[tilespmem:$0x1FFE0] =	vst v13;
	v13 =	vsel vm15, v32, v33;
	v32 =	vld [tilespmem:$0x1FEB0];
	v46 =	vsel vm12, v43, v10  }
0x27e: {  	[tilespmem:$0x1FD40] =	vst v46;
	v46 =	vld [tilespmem:$0x1FCD0];
	vm14 =	veq.s32 v48, v52  }
0x27f: {  	v35 =	vsel vm6, v8, v5;
	[tilespmem:$0x1FE50] =	vst v30;
	v39 =	vsel vm7, v3, v39;
	v30 =	vsel vm14, $0xFF800000, v24;
	v24 =	vld [tilespmem:$0x1FE90]  }
0x280: {  	vm11 =	veq.s32 v47, v52;
	vm13 =	veq.s32 v11, v52;
	v0 =	vsel vm15, v35, v39;
	v33 =	vld [tilespmem:$0x1FEC0]  }
0x281: {  	[tilespmem:$0x1FE40] =	vst v29;
	v29 =	vsel vm13, $0xFF800000, v19;
	vm13 =	veq.s32 v6, v52;
	vm15 =	veq.s32 v7, v52  }
0x282: {  	vm14 =	veq.s32 v1, v52;
	vm7 =	vge.f32 v29, v30;
	v35 =	vsel vm15, $0xFF800000, v36  }
0x283: {  	v36 =	vsel vm13, $0xFF800000, v63;
	vm15 =	veq.s32 v32, v52;
	v39 =	vsel vm7, v29, v30  }
0x284: {  	v48 =	vsel vm7, v11, v48;
	v53 =	vsel vm15, $0xFF800000, v46;
	vm12 =	veq.s32 v24, v52  }
0x285: {  	v34 =	vsel vm12, $0xFF800000, v40;
	v40 =	vsel vm14, $0xFF800000, v60;
	vm12 =	veq.s32 v33, v52  }
0x286: {  	vm8 =	vge.f32 v35, v34;
	v63 =	vsel vm12, $0xFF800000, v14;
	vm9 =	vge.f32 v36, v40  }
0x287: {  	v8 =	vmovc v47;
	v43 =	vsel vm8, v35, v34;
	vm10 =	vge.f32 v53, v63;
	v47 =	vsel vm9, v36, v40  }
0x288: {  	v51 =	vld [tilespmem:$0x1FEE0];
	v19 =	vsel vm8, v7, v24;
	vm6 =	vge.f32 v39, v43;
	v3 =	vsel vm10, v53, v63  }
0x289: {  	vm12 =	vge.f32 v47, v3;
	v2 =	vsel vm6, v48, v19;
	v48 =	vld [tilespmem:$0x1FCF0]  }
0x28a: {  	v10 =	vsel vm6, v39, v43;
	v39 =	vsel vm12, v47, v3;
	v47 =	vld [tilespmem:$0x1FCE0];
	_ =	sdelay $0x1  }
0x28b: {  	[tilespmem:$0x1FD50] =	vst v2;
	v2 =	vld [tilespmem:$0x1FF00]  }
0x28c: {  	vm15 =	veq.s32 v51, v52  }
0x28d: {  	v14 =	vsel vm15, $0xFF800000, v15;
	v60 =	vsel vm9, v6, v1;
	v1 =	vld [tilespmem:$0x1FEF0]  }
0x28e: {  	v24 =	vsel vm11, $0xFF800000, v62;
	v43 =	vld [tilespmem:$0x1FF10];
	vm14 =	veq.s32 v48, v52;
	vm13 =	veq.s32 v47, v52  }
0x28f: {  	v11 =	vld [tilespmem:$0x1FF20];
	v19 =	vsel vm14, $0xFF800000, v61;
	v61 =	vsel vm10, v32, v33;
	v28 =	vsel vm13, $0xFF800000, v28  }
0x290: {  	vm15 =	veq.s32 v2, v52;
	vm7 =	vge.f32 v19, v14;
	vm6 =	vge.f32 v24, v28  }
0x291: {  	v4 =	vld [tilespmem:$0x1FF60];
	v9 =	vsel vm12, v60, v61;
	v5 =	vsel vm7, v19, v14;
	v62 =	vsel vm6, v24, v28  }
0x292: {  	v15 =	vmovc v6;
	v7 =	vld [tilespmem:$0x1FF30];
	v6 =	vsel vm6, v8, v47;
	v8 =	vsel vm7, v48, v51;
	vm14 =	vge.f32 v62, v5  }
0x293: {  	vm13 =	veq.s32 v1, v52;
	vm12 =	veq.s32 v43, v52;
	v61 =	vsel vm14, v6, v8;
	v6 =	vld [tilespmem:$0x1FF40]  }
0x294: {  	v32 =	vsel vm13, $0xFF800000, v16;
	vm13 =	veq.s32 v11, v52;
	v60 =	vsel vm14, v62, v5;
	v5 =	vld [tilespmem:$0x1FF50]  }
0x295: {  	v33 =	vsel vm15, $0xFF800000, v45;
	v45 =	vsel vm12, $0xFF800000, v22;
	v16 =	vsel vm13, $0xFF800000, v23  }
0x296: {  	v46 =	vld [tilespmem:$0x1FFF0];
	vm8 =	vge.f32 v32, v33;
	vm10 =	vge.f32 v45, v16  }
0x297: {  	v51 =	vld [tilespmem:$0x1FFF0];
	v22 =	vsel vm8, v32, v33;
	v23 =	vsel vm10, v45, v16;
	vm14 =	veq.s32 v7, v52  }
0x298: {  	vm12 =	vge.f32 v22, v23;
	v18 =	vsel vm14, $0xFF800000, v25;
	vm14 =	veq.s32 v4, v52  }
0x299: {  	v62 =	vsel vm12, v22, v23;
	vm15 =	veq.s32 v6, v52;
	vm13 =	veq.s32 v5, v52  }
0x29a: {  	v22 =	vsel vm14, $0xFF800000, v27;
	v23 =	vsel vm15, $0xFF800000, v31;
	v17 =	vsel vm13, $0xFF800000, v26  }
0x29b: {  	v25 =	vadd.s32 v46, v37;
	vm6 =	vge.f32 v18, v23;
	vm7 =	vge.f32 v17, v22  }
0x29c: {  	v26 =	vadd.s32 v51, v38;
	v46 =	vsel vm6, v18, v23;
	v51 =	vsel vm7, v17, v22  }
0x29d: {  	v3 =	vld [tilespmem:$0x1FF70];
	vm9 =	vge.f32 v46, v51  }
0x29e: {  	v8 =	vsel vm8, v1, v2;
	v43 =	vsel vm10, v43, v11;
	v2 =	vsel vm9, v46, v51;
	v51 =	vld [tilespmem:$0x1FD00]  }
0x29f: {  	v31 =	vsel vm12, v8, v43;
	v43 =	vld [tilespmem:$0x1FD10]  }
0x2a0: {  	v46 =	vld [tilespmem:$0x1FD20]  }
0x2a1: {  	v11 =	vld.idx.msk [tilespmem:v37+s10+$0x0], $0xffff;
	v8 =	vimm.f32 $1.000000000e+00  }
0x2a2: {  	[tilespmem:v25+s14+$0x0] =	vst.idx.add.f32.msk $0xffff, v8  }
0x2a3: {  	[tilespmem:$0x1FD30] =	vst v0;
	v25 =	vimm.f32 $1.000000000e+00;
	v8 =	vld.idx.msk [tilespmem:v38+s10+$0x0], $0xffff;
	vm12 =	veq.s32 v51, v52  }
0x2a4: {  	vm15 =	veq.s32 v3, v52;
	[tilespmem:v26+s14+$0x0] =	vst.idx.add.f32.msk $0xffff, v25;
	v21 =	vsel vm12, $0xFF800000, v21;
	vm12 =	vge.f32 v13, v12  }
0x2a5: {  	vm13 =	veq.s32 v43, v52;
	vm14 =	veq.s32 v46, v52;
	v1 =	vsel vm12, v13, v12;
	v12 =	vld [tilespmem:$0x1FD30]  }
0x2a6: {  	v27 =	vsel vm15, $0xFF800000, v20;
	v25 =	vsel vm13, $0xFF800000, v55;
	v26 =	vsel vm14, $0xFF800000, v56;
	v13 =	vld [tilespmem:$0x1FD40]  }
0x2a7: {  	vm15 =	vge.f32 v27, v21;
	vm10 =	vge.f32 v25, v26  }
0x2a8: {  	v4 =	vsel vm7, v5, v4;
	v5 =	vsel vm15, v27, v21;
	v56 =	vsel vm10, v25, v26  }
0x2a9: {  	v20 =	vsel vm6, v7, v6;
	vm11 =	vge.f32 v5, v56  }
0x2aa: {  	v6 =	vsel vm15, v3, v51;
	v7 =	vsel vm10, v43, v46;
	v55 =	vsel vm11, v5, v56;
	v56 =	vld [tilespmem:$0x1FD50]  }
0x2ab: {  	v20 =	vsel vm9, v20, v4;
	v0 =	vsel vm11, v6, v7;
	v7 =	vsel vm12, v12, v13;
	v12 =	vld [tilespmem:$0x1FD60]  }
0x2ac: {  	vm13 =	vge.f32 v10, v39;
	vm14 =	vge.f32 v60, v62;
	vm15 =	vge.f32 v2, v55;
	v13 =	vld [tilespmem:$0x1FD70]  }
0x2ad: {  	v10 =	vsel vm13, v10, v39;
	v60 =	vsel vm14, v60, v62;
	v5 =	vld [tilespmem:$0x1FDA0];
	v2 =	vsel vm15, v2, v55  }
0x2ae: {  	v31 =	vsel vm14, v61, v31;
	v6 =	vld [tilespmem:$0x1FDB0];
	v0 =	vsel vm15, v20, v0;
	vm11 =	vge.f32 v60, v2  }
0x2af: {  	vm10 =	vge.f32 v1, v10;
	v0 =	vsel vm11, v31, v0;
	v31 =	vld [tilespmem:$0x1FD90];
	v9 =	vsel vm13, v56, v9  }
0x2b0: {  	v62 =	vsel vm10, v7, v9;
	v9 =	vld [tilespmem:$0x1FD80]  }
0x2b1: {  	v7 =	vsel vm0, v12, v13;
	v12 =	vld [tilespmem:$0x1FDC0]  }
0x2b2: {  	v55 =	vsel vm10, v1, v10;
	v56 =	vsel vm11, v60, v2;
	v13 =	vld [tilespmem:$0x1FDD0]  }
0x2b3: {  	v2 =	vld.idx.msk [tilespmem:v41+s10+$0x0], $0xffff;
	vm6 =	vge.f32 v55, v56  }
0x2b4: {  	v39 =	vsel vm6, v62, v0  }
0x2b5: {  	v0 =	vsel vm1, v6, v5;
	vm13 =	veq.s32 v31, v39;
	vm12 =	veq.s32 v9, v39  }
0x2b6: {  	v20 =	vsub.f32 v7, v11;
	v11 =	vsel vm13, $0xFF800000, v50;
	v10 =	vsel vm12, $0xFF800000, v42  }
0x2b7: {  	v60 =	vsub.f32 v0, v8;
	v0 =	vsel vm3, v13, v12;
	vm0 =	vge.f32 v10, v11  }
0x2b8: {  	v0 =	vsub.f32 v0, v2;
	v2 =	vsel vm0, v9, v31;
	v31 =	vld [tilespmem:$0x1FDF0];
	_ =	sdelay $0x3  }
0x2b9: {  	v1 =	vsel vm0, v10, v11;
	v10 =	vld [tilespmem:$0x1FDE0]  }
0x2ba: {  	v50 =	vld [tilespmem:$0x1FE00];
	vm15 =	veq.s32 v31, v39  }
0x2bb: {  	v42 =	vsel vm15, $0xFF800000, v58;
	v58 =	vld [tilespmem:$0x1FE10];
	_ =	sdelay $0x2  }
0x2bc: {  	vm14 =	veq.s32 v10, v39  }
0x2bd: {  	v3 =	vsel vm14, $0xFF800000, v57  }
0x2be: {  	vm7 =	veq.s32 v50, v39;
	vm9 =	vge.f32 v3, v42;
	vm8 =	veq.s32 v58, v39  }
0x2bf: {  	v61 =	vsel vm7, $0xFF800000, v59;
	v4 =	vsel vm9, v10, v31;
	v31 =	vld [tilespmem:$0x1FE20];
	v62 =	vsel vm8, $0xFF800000, v54  }
0x2c0: {  	v3 =	vsel vm9, v3, v42;
	v42 =	vld [tilespmem:$0x1FE30];
	vm10 =	vge.f32 v61, v62  }
0x2c1: {  	v7 =	vsel vm10, v61, v62;
	v61 =	vld [tilespmem:$0x1FE50]  }
0x2c2: {  	v9 =	vsel vm10, v50, v58;
	v50 =	vld [tilespmem:$0x1FE40];
	_ =	sdelay $0x1  }
0x2c3: {  	v6 =	vld [tilespmem:$0x1FEB0]  }
0x2c4: {  	vm12 =	veq.s32 v42, v39;
	v58 =	vld [tilespmem:$0x1FE70]  }
0x2c5: {  	vm11 =	veq.s32 v31, v39;
	v62 =	vsel vm12, $0xFF800000, v61;
	v61 =	vld [tilespmem:$0x1FEA0]  }
0x2c6: {  	v54 =	vsel vm11, $0xFF800000, v50;
	v50 =	vld [tilespmem:$0x1FE60];
	_ =	sdelay $0x1  }
0x2c7: {  	vm12 =	veq.s32 v6, v39;
	vm3 =	vge.f32 v54, v62  }
0x2c8: {  	v10 =	vsel vm3, v54, v62;
	v54 =	vsel vm3, v31, v42;
	v42 =	vsel vm12, $0xFF800000, v53;
	v53 =	vld [tilespmem:$0x1FEC0]  }
0x2c9: {  	vm8 =	veq.s32 v15, v39;
	vm14 =	veq.s32 v58, v39;
	vm9 =	veq.s32 v61, v39  }
0x2ca: {  	v31 =	vld [tilespmem:$0x1FE80];
	v62 =	vsel vm8, $0xFF800000, v36;
	vm13 =	veq.s32 v50, v39;
	v5 =	vsel vm9, $0xFF800000, v40  }
0x2cb: {  	v59 =	vmovc v15;
	v11 =	vsel vm14, $0xFF800000, v30;
	v8 =	vsel vm13, $0xFF800000, v29;
	v29 =	vld [tilespmem:$0x1FE90];
	vm11 =	vge.f32 v62, v5  }
0x2cc: {  	vm1 =	vge.f32 v8, v11;
	v15 =	vsel vm11, v59, v61;
	v59 =	vld [tilespmem:$0x1FED0]  }
0x2cd: {  	vm13 =	veq.s32 v53, v39;
	v12 =	vsel vm1, v8, v11;
	v11 =	vsel vm11, v62, v5;
	v62 =	vld [tilespmem:$0x1FEF0]  }
0x2ce: {  	v36 =	vsel vm1, v50, v58;
	v58 =	vsel vm13, $0xFF800000, v63;
	v63 =	vld [tilespmem:$0x1FF00]  }
0x2cf: {  	v57 =	vimm.f32 $1.000000000e+00;
	vm8 =	veq.s32 v48, v39;
	vm15 =	veq.s32 v31, v39;
	v50 =	vld [tilespmem:$0x1FF10]  }
0x2d0: {  	v8 =	vsel vm15, $0xFF800000, v35;
	vm15 =	veq.s32 v47, v39;
	v61 =	vld [tilespmem:$0x1FEE0];
	vm7 =	veq.s32 v29, v39  }
0x2d1: {  	v19 =	vsel vm8, $0xFF800000, v19;
	v28 =	vsel vm15, $0xFF800000, v28;
	v35 =	vsel vm7, $0xFF800000, v34  }
0x2d2: {  	vm7 =	vge.f32 v42, v58;
	vm10 =	vge.f32 v8, v35;
	vm14 =	veq.s32 v59, v39  }
0x2d3: {  	v40 =	vld [tilespmem:$0x1FFF0];
	v30 =	vsel vm7, v6, v53;
	vm11 =	veq.s32 v62, v39;
	vm12 =	veq.s32 v63, v39  }
0x2d4: {  	vm13 =	veq.s32 v50, v39;
	v8 =	vsel vm10, v8, v35;
	v13 =	vsel vm10, v31, v29;
	v35 =	vld [tilespmem:$0x1FF20]  }
0x2d5: {  	v24 =	vsel vm14, $0xFF800000, v24;
	v29 =	vsel vm7, v42, v58;
	vm10 =	veq.s32 v61, v39;
	v58 =	vld [tilespmem:$0x1FF30]  }
0x2d6: {  	v5 =	vsel vm11, $0xFF800000, v32;
	v6 =	vsel vm12, $0xFF800000, v33;
	vm9 =	vge.f32 v24, v28  }
0x2d7: {  	v14 =	vsel vm10, $0xFF800000, v14;
	vm1 =	vge.f32 v5, v6;
	v32 =	vsel vm9, v59, v47;
	v47 =	vld [tilespmem:$0x1FF50]  }
0x2d8: {  	v33 =	vadd.s32 v40, v41;
	vm0 =	vge.f32 v19, v14;
	v31 =	vsel vm1, v62, v63;
	v63 =	vld [tilespmem:$0x1FF60]  }
0x2d9: {  	v53 =	vsel vm13, $0xFF800000, v45;
	v14 =	vsel vm0, v19, v14;
	v19 =	vsel vm0, v48, v61;
	v61 =	vld [tilespmem:$0x1FF40]  }
0x2da: {  	v24 =	vsel vm9, v24, v28;
	vm14 =	veq.s32 v35, v39;
	vm15 =	veq.s32 v58, v39  }
0x2db: {  	v28 =	vsel vm1, v5, v6;
	v16 =	vsel vm14, $0xFF800000, v16;
	v59 =	vsel vm15, $0xFF800000, v18  }
0x2dc: {  	vm14 =	veq.s32 v51, v39;
	vm15 =	veq.s32 v43, v39;
	vm8 =	veq.s32 v47, v39  }
0x2dd: {  	vm9 =	vge.f32 v53, v16;
	vm10 =	veq.s32 v63, v39;
	v21 =	vsel vm14, $0xFF800000, v21  }
0x2de: {  	v25 =	vsel vm15, $0xFF800000, v25;
	vm14 =	vge.f32 v24, v14;
	vm7 =	veq.s32 v61, v39  }
0x2df: {  	v62 =	vsel vm8, $0xFF800000, v17;
	v16 =	vsel vm9, v53, v16;
	v53 =	vadd.s32 v40, v44  }
0x2e0: {  	v22 =	vsel vm10, $0xFF800000, v22;
	v35 =	vsel vm9, v50, v35;
	vm10 =	vge.f32 v1, v3  }
0x2e1: {  	v50 =	vsel vm14, v24, v14;
	v23 =	vsel vm7, $0xFF800000, v23;
	vm12 =	vge.f32 v62, v22  }
0x2e2: {  	vm7 =	veq.s32 v46, v39;
	v1 =	vsel vm10, v1, v3;
	v2 =	vsel vm10, v2, v4  }
0x2e3: {  	vm15 =	vge.f32 v28, v16;
	vm11 =	vge.f32 v59, v23;
	v5 =	vsel vm12, v62, v22  }
0x2e4: {  	[tilespmem:v33+s14+$0x0] =	vst.idx.add.f32.msk $0xffff, v57;
	v62 =	vsel vm12, v47, v63;
	v26 =	vsel vm7, $0xFF800000, v26;
	vm12 =	vge.f32 v12, v8  }
0x2e5: {  	v22 =	vadd.s32 v40, v52;
	v6 =	vsel vm11, v59, v23;
	v58 =	vsel vm11, v58, v61  }
0x2e6: {  	v59 =	vld [tilespmem:$0x1FF70];
	vm9 =	vge.f32 v25, v26;
	vm11 =	vge.f32 v7, v10;
	v45 =	vsel vm12, v12, v8  }
0x2e7: {  	v25 =	vsel vm9, v25, v26;
	v34 =	vsel vm9, v43, v46;
	v42 =	vsel vm11, v7, v10  }
0x2e8: {  	v43 =	vsel vm11, v9, v54;
	v46 =	vsel vm12, v36, v13;
	v54 =	vsel vm15, v31, v35  }
0x2e9: {  	v33 =	vld.idx.msk [tilespmem:v44+s10+$0x0], $0xffff;
	vm7 =	vge.f32 v6, v5;
	v13 =	vadd.s32 v40, v49;
	v26 =	vadd.s32 v40, v39  }
0x2ea: {  	[tilespmem:v53+s14+$0x0] =	vst.idx.add.f32.msk $0xffff, v57;
	v53 =	vsel vm15, v28, v16;
	v5 =	vsel vm7, v6, v5  }
0x2eb: {  	v58 =	vsel vm7, v58, v62;
	vm9 =	vge.f32 v1, v42;
	vm13 =	veq.s32 v59, v39  }
0x2ec: {  	v1 =	vsel vm9, v1, v42;
	v2 =	vsel vm9, v2, v43;
	v61 =	vsel vm13, $0xFF800000, v27  }
0x2ed: {  	vm11 =	vge.f32 v50, v53;
	v24 =	vld.idx.msk [tilespmem:v49+s10+$0x0], $0xffff;
	vm13 =	vge.f32 v11, v29;
	vm8 =	vge.f32 v61, v21  }
0x2ee: {  	[tilespmem:v13+s14+$0x0] =	vst.idx.add.f32.msk $0xffff, v57;
	v47 =	vsel vm13, v11, v29;
	v21 =	vsel vm8, v61, v21  }
0x2ef: {  	v48 =	vsel vm13, v15, v30;
	v63 =	vsel vm8, v59, v51;
	vm8 =	vge.f32 v21, v25  }
0x2f0: {  	v51 =	vsel vm14, v32, v19;
	vm10 =	vge.f32 v45, v47;
	v59 =	vsel vm8, v21, v25  }
0x2f1: {  	v28 =	vld [tilespmem:$0x1FF90];
	v61 =	vsel vm10, v45, v47;
	v62 =	vsel vm10, v46, v48;
	vm12 =	vge.f32 v5, v59  }
0x2f2: {  	v29 =	vld [tilespmem:$0x1FFA0];
	v16 =	vsel vm8, v63, v34;
	v63 =	vsel vm11, v50, v53;
	v5 =	vsel vm12, v5, v59  }
0x2f3: {  	v31 =	vld [tilespmem:$0x1FFB0];
	v21 =	vsel vm11, v51, v54;
	vm13 =	vge.f32 v1, v61;
	vm14 =	vge.f32 v63, v5  }
0x2f4: {  	v32 =	vld [tilespmem:$0x1FFC0];
	v1 =	vsel vm13, v1, v61;
	v6 =	vsel vm12, v58, v16;
	v23 =	vsel vm14, v63, v5  }
0x2f5: {  	v35 =	vld [tilespmem:$0x1FFE0];
	v2 =	vsel vm13, v2, v62;
	v25 =	vsel vm14, v21, v6;
	vm15 =	vge.f32 v1, v23  }
0x2f6: {  	v27 =	vadd.f32 v60, v20;
	v34 =	vld [tilespmem:$0x1FFD0];
	v2 =	vsel vm15, v2, v25  }
0x2f7: {  	v30 =	vld.idx.msk [tilespmem:v52+s10+$0x0], $0xffff;
	v7 =	vsel vm2, v29, v28  }
0x2f8: {  	[tilespmem:v22+s14+$0x0] =	vst.idx.add.f32.msk $0xffff, v57;
	v7 =	vsub.f32 v7, v33;
	v5 =	vadd.f32 v0, v27  }
0x2f9: {  	v9 =	vsel vm4, v32, v31;
	v33 =	vld.idx.msk [tilespmem:v39+s10+$0x0], $0xffff  }
0x2fa: {  	[tilespmem:v26+s14+$0x0] =	vst.idx.add.f32.msk $0xffff, v57;
	v4 =	vsub.f32 v9, v24;
	v5 =	vadd.f32 v7, v5  }
0x2fb: {  	v6 =	vsel vm5, v35, v34;
	v36 =	vld.idx.msk [tilespmem:v2+s10+$0x0], $0xffff  }
0x2fc: {  	v6 =	vsub.f32 v6, v30;
	v5 =	vadd.f32 v4, v5  }
0x2fd: {  	v42 =	vsel vm6, v55, v56  }
0x2fe: {  	v8 =	vsub.f32 v42, v33;
	v5 =	vadd.f32 v6, v5  }
0x2ff: {  	v1 =	vsel vm15, v1, v23  }
0x300: {  	v43 =	vadd.f32 v8, v5;
	v1 =	vsub.f32 v1, v36;
	_ =	sdelay $0x1  }
0x301: {  	v3 =	vadd.f32 v1, v43;
	_ =	sdelay $0x1  }
0x302: {  	v3 =	vadd.f32 $9.999999680e-21, v3;
	_ =	sdelay $0x1  }
0x303: {  	(erf) = vrcp.f32 v3;
	_ =	sdelay $0x3  }
0x304: {  	v18 =	vld [tilespmem:$0x1FF80];
	_ =	sdelay $0x3  }
0x305: {  	v45 =	vadd.s32 v40, v2  }
0x306: {  	v47 =	vshll.u32 v18, $0x7;
	v46 =	vpop (erf)  }
0x307: {  	v5 =	vmul.f32 $2.500000000e+00, v46  }
0x308: {  	v48 =	vor.u32 $0x1, v47  }
0x309: {  	v50 =	vmul.f32 v5, v20  }
0x30a: {  	v51 =	vor.u32 $0x2, v47;
	[tilespmem:v45+s14+$0x0] =	vst.idx.add.f32.msk $0xffff, v57  }
0x30b: {  	v53 =	vmul.f32 v5, v60;
	[tilespmem:v47+s15+$0x0] =	vst.idx.msk $0xffff, v50  }
0x30c: {  	v54 =	vor.u32 $0x3, v47;
	[tilespmem:v47+s16+$0x0] =	vst.idx.msk $0xffff, v37  }
0x30d: {  	v0 =	vmul.f32 v5, v0;
	[tilespmem:v48+s15+$0x0] =	vst.idx.msk $0xffff, v53  }
0x30e: {  	v55 =	vor.u32 $0x4, v47;
	[tilespmem:v48+s16+$0x0] =	vst.idx.msk $0xffff, v38  }
0x30f: {  	v56 =	vmul.f32 v5, v7;
	[tilespmem:v51+s15+$0x0] =	vst.idx.msk $0xffff, v0  }
0x310: {  	v57 =	vor.u32 $0x5, v47;
	[tilespmem:v51+s16+$0x0] =	vst.idx.msk $0xffff, v41  }
0x311: {  	v58 =	vmul.f32 v5, v4;
	[tilespmem:v54+s15+$0x0] =	vst.idx.msk $0xffff, v56  }
0x312: {  	v59 =	vor.u32 $0x6, v47;
	[tilespmem:v54+s16+$0x0] =	vst.idx.msk $0xffff, v44  }
0x313: {  	v60 =	vmul.f32 v5, v6;
	[tilespmem:v55+s15+$0x0] =	vst.idx.msk $0xffff, v58  }
0x314: {  	v61 =	vor.u32 $0x7, v47;
	[tilespmem:v55+s16+$0x0] =	vst.idx.msk $0xffff, v49  }
0x315: {  	p0 =	sne.s32 s20, $0xFFFFFFC0;
	v62 =	vmul.f32 v5, v8;
	[tilespmem:v57+s15+$0x0] =	vst.idx.msk $0xffff, v60  }
.Ltmp0:
0x316: {  	[tilespmem:v57+s16+$0x0] =	vst.idx.msk $0xffff, v52;
	(pc) =	sbr.rel @p0 .LBB2_3-.Ltmp0, $4  }
0x317: {  	v63 =	vmul.f32 v5, v1;
	[tilespmem:v59+s15+$0x0] =	vst.idx.msk $0xffff, v62  }
0x318: {  	[tilespmem:v59+s16+$0x0] =	vst.idx.msk $0xffff, v39  }
0x319: {  	[tilespmem:v61+s15+$0x0] =	vst.idx.msk $0xffff, v63  }
0x31a: {  	s20 =	sadd.s32 $0x40, s20;
	v18 =	vadd.s32 $0x10, v18;
	v37 =	vimm.s32 $0x0;
	[tilespmem:v61+s16+$0x0] =	vst.idx.msk $0xffff, v2  }
0x31b: {  	s20 =	sshll.u32 s19, $0xB  }
0x31c: {  	s20 =	sadd.s32 s6, s20  }
0x31d: {  	s21 =	sadd.s32 s4, s20  }
0x31e: {  	[hbm4b:s21+s3] =	stream.linear.scatter [tilespmem:s15], [sflag:$0x1], $0x4000, $0x38;
	[tilespmem:$0xA500] =	vst v63  }
0x31f: {  	s19 =	sadd.s32 $0x1, s19;
	_ =	swait.ge [sflag:s11], $0x4000  }
0x320: {  	p0 =	sne.s32 s19, $0x4;
	[sflag:s11] =	ssyncset.done $0x0  }
.Ltmp1:
0x321: {  	s20 =	sadd.s32 s5, s20;
	[sflag:s11] =	ssyncadd.s32 $0xFFFFC000;
	(pc) =	sbr.rel @p0 .LBB2_2-.Ltmp1, $4  }
0x322: {  	[hbm4b:s20+s3] =	stream.linear.scatter [tilespmem:s16], [sflag:$0x1], $0x4000, $0x38;
	[tilespmem:$0xA500] =	vst v63  }
0x323: {  	_ =	swait.ge [sflag:s11], $0x4000  }
0x324: {  	[sflag:s11] =	ssyncset.done $0x0  }
0x325: {  	[sflag:s11] =	ssyncadd.s32 $0xFFFFC000  }
0x326: {  	v0 =	vld [tilespmem:$0xA080]  }
0x327: {  	v1 =	vld [tilespmem:$0xA0C0]  }
0x328: {  	v2 =	vld [tilespmem:$0xA100]  }
0x329: {  	v3 =	vld [tilespmem:$0xA140]  }
0x32a: {  	v4 =	vld [tilespmem:$0xA180]  }
0x32b: {  	v5 =	vld [tilespmem:$0xA1C0]  }
0x32c: {  	v6 =	vld [tilespmem:$0xA200]  }
0x32d: {  	v7 =	vld [tilespmem:$0xA240]  }
0x32e: {  	v8 =	vld [tilespmem:$0xA280]  }
0x32f: {  	v9 =	vld [tilespmem:$0xA2C0]  }
0x330: {  	v10 =	vld [tilespmem:$0xA300]  }
0x331: {  	v11 =	vld [tilespmem:$0xA340]  }
0x332: {  	v12 =	vld [tilespmem:$0xA380]  }
0x333: {  	v13 =	vld [tilespmem:$0xA3C0]  }
0x334: {  	v14 =	vld [tilespmem:$0xA400]  }
0x335: {  	v15 =	vld [tilespmem:$0xA440]  }
0x336: {  	v16 =	vld [tilespmem:$0xA090]  }
0x337: {  	v17 =	vld [tilespmem:$0xA0D0]  }
0x338: {  	v18 =	vld [tilespmem:$0xA110]  }
0x339: {  	v19 =	vld [tilespmem:$0xA150]  }
0x33a: {  	v20 =	vld [tilespmem:$0xA190]  }
0x33b: {  	v21 =	vld [tilespmem:$0xA1D0]  }
0x33c: {  	v22 =	vld [tilespmem:$0xA210]  }
0x33d: {  	v23 =	vld [tilespmem:$0xA250]  }
0x33e: {  	v24 =	vld [tilespmem:$0xA290]  }
0x33f: {  	v25 =	vld [tilespmem:$0xA2D0]  }
0x340: {  	v26 =	vld [tilespmem:$0xA310]  }
0x341: {  	v27 =	vld [tilespmem:$0xA350]  }
0x342: {  	v28 =	vld [tilespmem:$0xA390]  }
0x343: {  	v29 =	vld [tilespmem:$0xA3D0]  }
0x344: {  	v30 =	vld [tilespmem:$0xA410]  }
0x345: {  	v31 =	vld [tilespmem:$0xA450]  }
0x346: {  	v32 =	vld [tilespmem:$0xA0A0]  }
0x347: {  	v33 =	vld [tilespmem:$0xA0E0]  }
0x348: {  	v34 =	vld [tilespmem:$0xA0B0]  }
0x349: {  	v35 =	vld [tilespmem:$0xA0F0]  }
0x34a: {  	v36 =	vld [tilespmem:$0xA120]  }
0x34b: {  	v58 =	vld [tilespmem:$0xA130];
	v0 =	vadd.f32 v1, v0  }
0x34c: {  	v59 =	vld [tilespmem:$0xA160];
	v16 =	vadd.f32 v17, v16  }
0x34d: {  	v61 =	vld [tilespmem:$0xA170];
	v60 =	vadd.f32 v33, v32;
	v0 =	vadd.f32 v2, v0  }
0x34e: {  	v63 =	vld [tilespmem:$0xA1A0];
	v62 =	vadd.f32 v35, v34;
	v16 =	vadd.f32 v18, v16  }
0x34f: {  	v38 =	vld [tilespmem:$0xA1B0];
	v2 =	vadd.f32 v36, v60;
	v0 =	vadd.f32 v3, v0  }
0x350: {  	v39 =	vld [tilespmem:$0xA1E0];
	v1 =	vadd.f32 v58, v62;
	v16 =	vadd.f32 v19, v16  }
0x351: {  	v40 =	vld [tilespmem:$0xA1F0];
	v2 =	vadd.f32 v59, v2;
	v0 =	vadd.f32 v4, v0  }
0x352: {  	v41 =	vld [tilespmem:$0xA220];
	v1 =	vadd.f32 v61, v1;
	v16 =	vadd.f32 v20, v16  }
0x353: {  	v42 =	vld [tilespmem:$0xA230];
	v2 =	vadd.f32 v63, v2;
	v0 =	vadd.f32 v5, v0  }
0x354: {  	v43 =	vld [tilespmem:$0xA260];
	v1 =	vadd.f32 v38, v1;
	v16 =	vadd.f32 v21, v16  }
0x355: {  	v44 =	vld [tilespmem:$0xA270];
	v2 =	vadd.f32 v39, v2;
	v0 =	vadd.f32 v6, v0  }
0x356: {  	v45 =	vld [tilespmem:$0xA2A0];
	v1 =	vadd.f32 v40, v1;
	v16 =	vadd.f32 v22, v16  }
0x357: {  	v46 =	vld [tilespmem:$0xA2B0];
	v2 =	vadd.f32 v41, v2;
	v0 =	vadd.f32 v7, v0  }
0x358: {  	v47 =	vld [tilespmem:$0xA2E0];
	v1 =	vadd.f32 v42, v1;
	v16 =	vadd.f32 v23, v16  }
0x359: {  	v48 =	vld [tilespmem:$0xA2F0];
	v2 =	vadd.f32 v43, v2;
	v0 =	vadd.f32 v8, v0  }
0x35a: {  	v50 =	vld [tilespmem:$0xA320];
	v1 =	vadd.f32 v44, v1;
	v49 =	vadd.f32 v24, v16  }
0x35b: {  	v51 =	vld [tilespmem:$0xA330];
	v2 =	vadd.f32 v45, v2;
	v0 =	vadd.f32 v9, v0  }
0x35c: {  	v52 =	vld [tilespmem:$0xA360];
	v1 =	vadd.f32 v46, v1;
	v8 =	vadd.f32 v25, v49  }
0x35d: {  	v53 =	vld [tilespmem:$0xA370];
	v2 =	vadd.f32 v47, v2;
	v0 =	vadd.f32 v10, v0  }
0x35e: {  	v54 =	vld [tilespmem:$0xA3A0];
	v1 =	vadd.f32 v48, v1;
	v8 =	vadd.f32 v26, v8  }
0x35f: {  	v55 =	vld [tilespmem:$0xA3B0];
	v2 =	vadd.f32 v50, v2;
	v0 =	vadd.f32 v11, v0  }
0x360: {  	v56 =	vld [tilespmem:$0xA3E0];
	v1 =	vadd.f32 v51, v1;
	v8 =	vadd.f32 v27, v8  }
0x361: {  	v57 =	vld [tilespmem:$0xA3F0];
	v2 =	vadd.f32 v52, v2;
	v0 =	vadd.f32 v12, v0  }
0x362: {  	v58 =	vld [tilespmem:$0xA420];
	v1 =	vadd.f32 v53, v1;
	v8 =	vadd.f32 v28, v8  }
0x363: {  	v59 =	vld [tilespmem:$0xA430];
	v2 =	vadd.f32 v54, v2;
	v0 =	vadd.f32 v13, v0  }
0x364: {  	v60 =	vld [tilespmem:$0xA460];
	v1 =	vadd.f32 v55, v1;
	v8 =	vadd.f32 v29, v8  }
0x365: {  	v61 =	vld [tilespmem:$0xA470];
	v2 =	vadd.f32 v56, v2;
	v0 =	vadd.f32 v14, v0  }
0x366: {  	v1 =	vadd.f32 v57, v1;
	v8 =	vadd.f32 v30, v8  }
0x367: {  	v2 =	vadd.f32 v58, v2;
	v0 =	vadd.f32 v15, v0  }
0x368: {  	v1 =	vadd.f32 v59, v1;
	v62 =	vadd.f32 v31, v8  }
0x369: {  	v63 =	vadd.f32 v60, v2;
	[tilespmem:$0xA480] =	vst v0  }
0x36a: {  	s18 =	sadd.s32 $0x1, s18;
	v1 =	vadd.f32 v61, v1;
	[tilespmem:$0xA490] =	vst v62  }
0x36b: {  	p0 =	sne.s32 s18, s9;
	[tilespmem:$0xA4A0] =	vst v63  }
.Ltmp2:
0x36c: {  	[tilespmem:$0xA4B0] =	vst v1;
	(pc) =	sbr.rel @p0 .LBB2_1-.Ltmp2, $4  }
0x36d: {  	[hbm4b:s8+s3] =	stream.linear.scatter [tilespmem:s17], [sflag:$0x1], $0x80, $0x38;
	[tilespmem:$0xA500] =	vst v63  }
0x36e: {  	_ =	swait.ge [sflag:s11], $0x80  }
0x36f: {  	[sflag:s11] =	ssyncset.done $0x0  }
0x370: {  	[sflag:s11] =	ssyncadd.s32 $0xFFFFFF80  }
0x371: {  	_ =	sfence.sel $0x180000  }
0x372: {  	[bflag:$0x0] =	sbarrier.arrive $0xFFFF  }
0x373: {  	p0 =	sne.s32 s1, $0x0;
	_ =	strace $0x90000047  }
0x374: {  	s0 =	sadd.s32 @!p0 $0x100000, s0;
	[bflag:$0x2] =	sbarrier.arrive $0xFFFF  }
0x375: {  	[sflag:s0] =	ssyncadd.tile.s32 @!p0 $0x1;
	_ =	shalt  }
.Lfunc_end2:
_tile_overlayer_lowered:
.L_overlay_start_2:
0x376: {  	(tag) =	ssettag $0x2  }
0x377: {  	s0 =	rddreg [dreg:$0x0];
	s2 =	stileid.u32  }
0x378: {  	s1 =	rddreg [dreg:$0x1];
	p0 =	sne.s32 s2, $0x0  }
0x379: {  	s3 =	rddreg [dreg:$0x2];
	[bflag:$0x3] =	sbarrier.arrive $0xFFFF;
	s2 =	simm.s32 @!p0 $0x1C01  }
0x37a: {  	[timem:s3], [sflag:s2] =	dma.local @!p0 [hbm:s0], s1  }
0x37b: {  	s0 =	simm.s32 @!p0 $0x1  }
0x37c: {  	_ =	swait.ge @!p0 [sflag:s0], s1  }
0x37d: {  	s1 =	ssub.s32 @!p0 $0x0, s1;
	[sflag:s0] =	ssyncset.done @!p0 $0x0  }
0x37e: {  	[sflag:s0] =	ssyncadd.s32 @!p0 s1  }
0x37f: {  	[bflag:$0x3] =	sbarrier.arrive $0xFFFF  }
0x380: {  	_ =	shalt  }

</sc_bundles>
